<compile_context>
chip_gen: v7x
topology: tpu7x:2x2x1
jax: 0.10.2.dev20260603
libtpu: 0.0.44.dev20260713+nightly
codegen_flags: <defaults>
</compile_context>

<pallas_src>
import functools

import jax
import jax.numpy as jnp
from jax import lax
from jax.experimental import pallas as pl
from jax.experimental.pallas import tpu as pltpu
from jax.experimental.pallas import tpu_sc as plsc

CUTOFF = 3.5
R2 = CUTOFF * CUTOFF
K_NEIGH = 16
TA_DEG = 0.6081734479693927 * 180.0
DELTA_THETA = 12.0
N_ATOMS = 20000
M_QUERY = 4096
LANES = 16
N_CHUNKS = N_ATOMS // LANES
N_WORKERS = 32
Q_PER_W = M_QUERY // N_WORKERS
GROUP = 10
CAP = 256
BIG = 1.0e30
SENTINEL = 1000.0



def _sc_neighbors(xs, ys, zs, qidx):
    mesh = plsc.VectorSubcoreMesh(core_axis_name="c", subcore_axis_name="s")
    out_sd = jax.ShapeDtypeStruct((M_QUERY * K_NEIGH,), jnp.float32)

    @functools.partial(
        pl.kernel,
        mesh=mesh,
        out_type=(out_sd, out_sd, out_sd),
        compiler_params=pltpu.CompilerParams(needs_layout_passes=False),
        scratch_types=[
            pltpu.VMEM((N_ATOMS,), jnp.float32),
            pltpu.VMEM((N_ATOMS,), jnp.float32),
            pltpu.VMEM((N_ATOMS,), jnp.float32),
            pltpu.VMEM((N_ATOMS,), jnp.float32),
            pltpu.VMEM((Q_PER_W,), jnp.int32),
            pltpu.VMEM((CAP,), jnp.float32),
            pltpu.VMEM((CAP,), jnp.int32),
            pltpu.VMEM((Q_PER_W * K_NEIGH,), jnp.int32),
            pltpu.VMEM((Q_PER_W * K_NEIGH,), jnp.float32),
            pltpu.VMEM((Q_PER_W * K_NEIGH,), jnp.float32),
            pltpu.VMEM((Q_PER_W * K_NEIGH,), jnp.float32),
        ],
    )
    def k(xs_hbm, ys_hbm, zs_hbm, qidx_hbm, ox_hbm, oy_hbm, oz_hbm,
          xb, yb, zb, kn_v, qidx_v, cand_ns, cand_ix, bidx_v,
          outx_v, outy_v, outz_v):
        wid = lax.axis_index("s") * 2 + lax.axis_index("c")
        qbase = wid * Q_PER_W

        pltpu.sync_copy(xs_hbm, xb)
        pltpu.sync_copy(ys_hbm, yb)
        pltpu.sync_copy(zs_hbm, zb)
        pltpu.sync_copy(qidx_hbm.at[pl.ds(qbase, Q_PER_W)], qidx_v)

        iota16 = lax.iota(jnp.int32, LANES)

        def bf16r(v):
            u = plsc.bitcast(v, jnp.uint32)
            lsb = (u >> jnp.uint32(16)) & jnp.uint32(1)
            r = (u + jnp.uint32(0x7FFF) + lsb) & jnp.uint32(0xFFFF0000)
            return plsc.bitcast(r, jnp.float32)

        def prep(c, _):
            sl = pl.ds(c * LANES, LANES)
            x = xb[sl]
            y = yb[sl]
            z = zb[sl]
            kn_v[sl] = x * x + y * y + z * z
            xb[sl] = bf16r(x)
            yb[sl] = bf16r(y)
            zb[sl] = bf16r(z)
            return 0

        lax.fori_loop(0, N_CHUNKS, prep, 0)

        def merge16(cnt):
            bd = jnp.full((LANES,), BIG, jnp.float32)
            bi = jnp.zeros((LANES,), jnp.int32)
            for jj in range(CAP // LANES):
                base = jj * LANES
                dv = cand_ns[pl.ds(base, LANES)]
                iv = cand_ix[pl.ds(base, LANES)]
                dv = jnp.where((base + iota16) < cnt, dv, BIG)
                dv, iv = plsc.sort_key_val(dv, iv)
                rd = lax.rev(bd, (0,))
                ri = lax.rev(bi, (0,))
                take = dv <= rd
                bd = jnp.where(take, dv, rd)
                bi = jnp.where(take, iv, ri)
                bd, bi = plsc.sort_key_val(bd, bi)
            return bd, bi

        def per_query(q, _):
            qsplat = jnp.full((LANES,), 0, jnp.int32) + q
            qi = plsc.load_gather(qidx_v, [qsplat])
            qx = plsc.load_gather(xb, [qi])
            qy = plsc.load_gather(yb, [qi])
            qz = plsc.load_gather(zb, [qi])
            qn = plsc.load_gather(kn_v, [qi])

            def group_body(g, carry):
                cntv, thr = carry
                base = g * (LANES * GROUP)
                ms = []
                nss = []
                idxs = []
                for u in range(GROUP):
                    off = base + u * LANES
                    sl = pl.ds(off, LANES)
                    idxv = off + iota16
                    prod = qx * xb[sl] + qy * yb[sl] + qz * zb[sl]
                    ns = (qn + kn_v[sl]) - 2.0 * prod
                    ms.append((ns <= thr) & (idxv != qi))
                    nss.append(ns)
                    idxs.append(idxv)
                mor = ms[0]
                for u in range(1, GROUP):
                    mor = mor | ms[u]

                def do_append(cv, th):
                    for u in range(GROUP):
                        ones = jnp.where(ms[u], 1, 0).astype(jnp.int32)
                        pos = cv + plsc.cumsum(ones) - 1
                        pos = jnp.minimum(pos, CAP - 1)
                        plsc.store_scatter(cand_ns, [pos], nss[u], mask=ms[u])
                        plsc.store_scatter(cand_ix, [pos], idxs[u], mask=ms[u])
                        cv = cv + plsc.all_reduce_population_count(ms[u])

                    def consolidate(_cv, _th):
                        bd, bi = merge16(jnp.max(_cv))
                        cand_ns[pl.ds(0, LANES)] = bd
                        cand_ix[pl.ds(0, LANES)] = bi
                        return (jnp.full((LANES,), LANES, jnp.int32),
                                jnp.max(bd))

                    return lax.cond(jnp.max(cv) > CAP - LANES * GROUP,
                                    consolidate, lambda a, b: (a, b), cv, th)

                cntv, thr = lax.cond(jnp.any(mor), do_append,
                                     lambda a, b: (a, b), cntv, thr)
                return (cntv, thr)

            cnt0 = jnp.zeros((LANES,), jnp.int32)
            cntv, _ = lax.fori_loop(
                0, N_CHUNKS // GROUP, group_body, (cnt0, jnp.float32(BIG)))
            _, bi = merge16(jnp.max(cntv))
            bidx_v[pl.ds(q * LANES, LANES)] = bi
            return 0

        lax.fori_loop(0, Q_PER_W, per_query, 0)

        pltpu.sync_copy(xs_hbm, xb)
        pltpu.sync_copy(ys_hbm, yb)
        pltpu.sync_copy(zs_hbm, zb)

        def emit(q, _):
            qsplat = jnp.full((LANES,), 0, jnp.int32) + q
            qi = plsc.load_gather(qidx_v, [qsplat])
            qx = plsc.load_gather(xb, [qi])
            qy = plsc.load_gather(yb, [qi])
            qz = plsc.load_gather(zb, [qi])
            osl = pl.ds(q * LANES, LANES)
            bi = bidx_v[osl]
            outx_v[osl] = plsc.load_gather(xb, [bi]) - qx
            outy_v[osl] = plsc.load_gather(yb, [bi]) - qy
            outz_v[osl] = plsc.load_gather(zb, [bi]) - qz
            return 0

        lax.fori_loop(0, Q_PER_W, emit, 0)

        obase = qbase * K_NEIGH
        osl = pl.ds(obase, Q_PER_W * K_NEIGH)
        pltpu.sync_copy(outx_v, ox_hbm.at[osl])
        pltpu.sync_copy(outy_v, oy_hbm.at[osl])
        pltpu.sync_copy(outz_v, oz_hbm.at[osl])

    return k(xs, ys, zs, qidx)



_ACOS_C = (1.5707963050, -0.2145988016, 0.0889789874, -0.0501743046,
           0.0308918810, -0.0170881256, 0.0066700901, -0.0012624911)
_PI = 3.14159265358979


def _geom_body(vx_ref, vy_ref, vz_ref, o_ref):
    vx = vx_ref[...]
    vy = vy_ref[...]
    vz = vz_ref[...]
    mb = vx.shape[1]
    d2 = vx * vx + vy * vy + vz * vz
    dist = jnp.sqrt(jnp.maximum(d2, 1e-12))
    vm = (dist <= CUTOFF).astype(jnp.float32)
    inv = vm / dist
    ux = vx * inv
    uy = vy * inv
    uz = vz * inv

    rows = lax.broadcasted_iota(jnp.int32, (K_NEIGH, mb), 0)
    acc_n = jnp.zeros((K_NEIGH, mb), jnp.float32)
    acc_g = jnp.zeros((K_NEIGH, mb), jnp.float32)
    acc_4 = jnp.zeros((K_NEIGH, mb), jnp.float32)
    acc_6 = jnp.zeros((K_NEIGH, mb), jnp.float32)
    for j in range(K_NEIGH):
        cosg = (ux[j:j + 1, :] * ux + uy[j:j + 1, :] * uy
                + uz[j:j + 1, :] * uz)
        cosg = jnp.clip(cosg, -1.0, 1.0)
        pv = vm[j:j + 1, :] * vm
        pjk = jnp.where(rows > j, pv, 0.0)
        acc_n = acc_n + pjk

        sc = jnp.where(pjk > 0, jnp.clip(cosg, -0.999999, 0.999999), 0.0)
        ax = jnp.abs(sc)
        s = jnp.sqrt(jnp.maximum(1.0 - ax, 0.0))
        p = _ACOS_C[7]
        for c in reversed(_ACOS_C[:7]):
            p = p * ax + c
        acos = jnp.where(sc < 0.0, _PI - s * p, s * p)
        theta = acos * (180.0 / _PI)
        z = (theta - TA_DEG) * (1.0 / DELTA_THETA)
        acc_g = acc_g + jnp.exp(-0.5 * z * z) * pjk

        x2 = cosg * cosg
        x4 = x2 * x2
        x6 = x4 * x2
        acc_4 = acc_4 + ((35.0 * x4 - 30.0 * x2 + 3.0) * 0.125) * pv
        acc_6 = acc_6 + ((231.0 * x6 - 315.0 * x4 + 105.0 * x2 - 5.0)
                         * 0.0625) * pv

    b = jnp.concatenate([vm, acc_n, acc_g, acc_4, acc_6], axis=0)
    wr = lax.broadcasted_iota(jnp.int32, (8, 5 * K_NEIGH), 0)
    wc = lax.broadcasted_iota(jnp.int32, (8, 5 * K_NEIGH), 1)
    w = jnp.where(wc // K_NEIGH == wr, 1.0, 0.0).astype(jnp.float32)
    sums = jax.lax.dot_general(w, b, (((1,), (0,)), ((), ())),
                               preferred_element_type=jnp.float32)
    cn = sums[0:1, :]
    npairs = sums[1:2, :]
    gs = sums[2:3, :]
    s4 = sums[3:4, :]
    s6 = sums[4:5, :]
    tet = gs / jnp.maximum(npairs, 1.0)
    dm = jnp.maximum(cn, 1.0)
    q4 = jnp.sqrt(jnp.maximum(s4, 1e-12)) / dm
    q6 = jnp.sqrt(jnp.maximum(s6, 1e-12)) / dm
    o_ref[0:1, :] = cn
    o_ref[1:2, :] = tet
    o_ref[2:3, :] = q4
    o_ref[3:4, :] = q6
    o_ref[4:8, :] = jnp.zeros((4, mb), jnp.float32)


def _tc_geometry(vx, vy, vz):
    mb = 256
    grid = (M_QUERY // mb,)
    spec = pl.BlockSpec((LANES, mb), lambda i: (0, i))
    out = pl.pallas_call(
        _geom_body,
        grid=grid,
        in_specs=[spec, spec, spec],
        out_specs=pl.BlockSpec((8, mb), lambda i: (0, i)),
        out_shape=jax.ShapeDtypeStruct((8, M_QUERY), jnp.float32),
    )(vx, vy, vz)
    return out[:4]



@jax.jit
def kernel(positions, atom_indices):
    pos = positions.astype(jnp.float32)
    xs = pos[:, 0]
    ys = pos[:, 1]
    zs = pos[:, 2]
    qidx = atom_indices.astype(jnp.int32)
    ox, oy, oz = _sc_neighbors(xs, ys, zs, qidx)
    vx = ox.reshape(M_QUERY, K_NEIGH).T
    vy = oy.reshape(M_QUERY, K_NEIGH).T
    vz = oz.reshape(M_QUERY, K_NEIGH).T
    return _tc_geometry(vx, vy, vz)

# --- scband reference (transcript-rebuilt; emitter-appended) ---
"""Pipeline reference for scband-torch-sim-order-parameters-82068235092606 (READ-ONLY COPY).

The authoritative reference and input builder live on the scoring server;
editing this copy changes nothing except your own understanding.
"""

import jax, jax.numpy as jnp
import numpy as np

CUTOFF = 3.5
K_NEIGH = 16
TA = 0.6081734479693927  # fraction of 180 deg -> 109.47 deg tetrahedral angle
DELTA_THETA = 12.0
N_ATOMS = 20000
M_QUERY = 4096
BOX = 67.0


def setup_inputs(seed: int = 0) -> dict:
    key = jax.random.key(seed)
    k1, k2 = jax.random.split(key)
    positions = jax.random.uniform(k1, (N_ATOMS, 3), dtype=jnp.float32) * BOX
    atom_indices = jax.random.randint(k2, (M_QUERY,), 0, N_ATOMS)
    return {"positions": positions, "atom_indices": atom_indices}


def _compute(positions, atom_indices):
    # --- neighbor retrieval (kNN within cutoff, brute force over all atoms) ---
    q = positions[atom_indices]                      # (M, 3) gather
    qn = jnp.sum(q * q, axis=1)                      # (M,)
    kn = jnp.sum(positions * positions, axis=1)      # (N,)
    d2 = qn[:, None] + kn[None, :] - 2.0 * (q @ positions.T)  # (M, N)
    N = positions.shape[0]
    self_mask = jnp.arange(N)[None, :] == atom_indices[:, None]
    d2 = jnp.where(self_mask, jnp.inf, d2)
    neg_d2, nbr_idx = jax.lax.top_k(-d2, K_NEIGH)    # (M, K) nearest candidates
    nbr_pos = positions[nbr_idx]                     # (M, K, 3) gather
    vec = nbr_pos - q[:, None, :]                    # (M, K, 3)
    dist = jnp.sqrt(jnp.maximum(jnp.sum(vec * vec, axis=-1), 1e-12))
    valid = dist <= CUTOFF                           # cutoff-based neighbor mask
    vm = valid.astype(positions.dtype)               # (M, K)
    cn = jnp.sum(vm, axis=1)                         # coordination number
    # --- geometry: unit bond vectors ---
    u = vec / dist[..., None]
    u = u * vm[..., None]                            # zero invalid bonds
    cosg = jnp.einsum('mkd,mld->mkl', u, u)          # (M, K, K) pair cosines
    cosg = jnp.clip(cosg, -1.0, 1.0)
    pair_valid = vm[:, :, None] * vm[:, None, :]     # (M, K, K)
    Kk = K_NEIGH
    iu = jnp.triu(jnp.ones((Kk, Kk), dtype=positions.dtype), k=1)
    pair_jk = pair_valid * iu[None, :, :]            # distinct pairs j<k
    # --- tetrahedral OP: gaussian around 109.47 deg ---
    safe_cos = jnp.where(pair_jk > 0, jnp.clip(cosg, -0.999999, 0.999999), 0.0)
    theta = jnp.degrees(jnp.arccos(safe_cos))
    ta_deg = TA * 180.0
    gauss = jnp.exp(-0.5 * ((theta - ta_deg) / DELTA_THETA) ** 2)
    npairs = jnp.sum(pair_jk, axis=(1, 2))
    tet = jnp.sum(gauss * pair_jk, axis=(1, 2)) / jnp.maximum(npairs, 1.0)
    # --- Steinhardt q4 / q6 via Legendre addition theorem ---
    # q_l^2 = (1/Nb^2) sum_{j,k} P_l(u_j . u_k)  (equivalent to |sum_m Y_lm|^2 form)
    x = cosg
    P4 = (35.0 * x ** 4 - 30.0 * x ** 2 + 3.0) / 8.0
    P6 = (231.0 * x ** 6 - 315.0 * x ** 4 + 105.0 * x ** 2 - 5.0) / 16.0
    denom = jnp.maximum(cn, 1.0) ** 2
    q4 = jnp.sqrt(jnp.maximum(jnp.sum(P4 * pair_valid, axis=(1, 2)), 1e-12) / denom)
    q6 = jnp.sqrt(jnp.maximum(jnp.sum(P6 * pair_valid, axis=(1, 2)), 1e-12) / denom)
    return jnp.stack([cn, tet, q4, q6], axis=0)     # (4, M): cn, tet, q4, q6


def reference(positions, atom_indices):
    return _compute(positions, atom_indices)

if __name__ == "__main__":
    import jax
    _d = setup_inputs()
    print(jax.jit(kernel)(*tuple(_d.values())))

</pallas_src>

<mosaic_0001>
#map = affine_map<(d0, d1) -> (0)>
module attributes {stable_mosaic.version = 14 : i64} {
  func.func @k(%arg0: i32, %arg1: i32, %arg2: memref<20000xf32, #tpu.memory_space<hbm>>, %arg3: memref<20000xf32, #tpu.memory_space<hbm>>, %arg4: memref<20000xf32, #tpu.memory_space<hbm>>, %arg5: memref<4096xi32, #tpu.memory_space<hbm>>, %arg6: memref<65536xf32, #tpu.memory_space<hbm>>, %arg7: memref<65536xf32, #tpu.memory_space<hbm>>, %arg8: memref<65536xf32, #tpu.memory_space<hbm>>, %arg9: memref<20000xf32, #tpu.memory_space<vmem>>, %arg10: memref<20000xf32, #tpu.memory_space<vmem>>, %arg11: memref<20000xf32, #tpu.memory_space<vmem>>, %arg12: memref<20000xf32, #tpu.memory_space<vmem>>, %arg13: memref<128xi32, #tpu.memory_space<vmem>>, %arg14: memref<256xf32, #tpu.memory_space<vmem>>, %arg15: memref<256xi32, #tpu.memory_space<vmem>>, %arg16: memref<2048xi32, #tpu.memory_space<vmem>>, %arg17: memref<2048xf32, #tpu.memory_space<vmem>>, %arg18: memref<2048xf32, #tpu.memory_space<vmem>>, %arg19: memref<2048xf32, #tpu.memory_space<vmem>>) attributes {dimension_semantics = [#tpu.dimension_semantics<core_parallel>, #tpu.dimension_semantics<subcore_parallel>], iteration_bounds = array<i64: 2, 16>, scalar_prefetch = 0 : i64, scratch_operands = 11 : i64, tpu.core_type = #tpu.core_type<sc_vector_subcore>, window_params = [{transform_indices = #map}, {transform_indices = #map}, {transform_indices = #map}, {transform_indices = #map}, {transform_indices = #map}, {transform_indices = #map}, {transform_indices = #map}]} {
    %mul3A = arith.constant 2 : i32
    %mul3A_0 = arith.muli %arg1, %mul3A : i32
    %add3A = arith.addi %mul3A_0, %arg0 : i32
    %mul3A_1 = arith.constant 128 : i32
    %mul3A_2 = arith.muli %add3A, %mul3A_1 : i32
    "tpu.region"() ({
      %run_scoped3A = tpu.sem_alloc : memref<!tpu.dma_semaphore, #tpu.memory_space<semaphore_mem>>
      tpu.enqueue_dma source(%arg2 : memref<20000xf32, #tpu.memory_space<hbm>>) target(%arg9 : memref<20000xf32, #tpu.memory_space<vmem>>) target_semaphore(%run_scoped3A : memref<!tpu.dma_semaphore, #tpu.memory_space<semaphore_mem>>)
      tpu.wait_dma2 semaphore(%run_scoped3A : memref<!tpu.dma_semaphore, #tpu.memory_space<semaphore_mem>>) src(%arg2 : memref<20000xf32, #tpu.memory_space<hbm>>) dst(%arg9 : memref<20000xf32, #tpu.memory_space<vmem>>)
      tpu.yield
    }) : () -> ()
    "tpu.region"() ({
      %run_scoped3A = tpu.sem_alloc : memref<!tpu.dma_semaphore, #tpu.memory_space<semaphore_mem>>
      tpu.enqueue_dma source(%arg3 : memref<20000xf32, #tpu.memory_space<hbm>>) target(%arg10 : memref<20000xf32, #tpu.memory_space<vmem>>) target_semaphore(%run_scoped3A : memref<!tpu.dma_semaphore, #tpu.memory_space<semaphore_mem>>)
      tpu.wait_dma2 semaphore(%run_scoped3A : memref<!tpu.dma_semaphore, #tpu.memory_space<semaphore_mem>>) src(%arg3 : memref<20000xf32, #tpu.memory_space<hbm>>) dst(%arg10 : memref<20000xf32, #tpu.memory_space<vmem>>)
      tpu.yield
    }) : () -> ()
    "tpu.region"() ({
      %run_scoped3A = tpu.sem_alloc : memref<!tpu.dma_semaphore, #tpu.memory_space<semaphore_mem>>
      tpu.enqueue_dma source(%arg4 : memref<20000xf32, #tpu.memory_space<hbm>>) target(%arg11 : memref<20000xf32, #tpu.memory_space<vmem>>) target_semaphore(%run_scoped3A : memref<!tpu.dma_semaphore, #tpu.memory_space<semaphore_mem>>)
      tpu.wait_dma2 semaphore(%run_scoped3A : memref<!tpu.dma_semaphore, #tpu.memory_space<semaphore_mem>>) src(%arg4 : memref<20000xf32, #tpu.memory_space<hbm>>) dst(%arg11 : memref<20000xf32, #tpu.memory_space<vmem>>)
      tpu.yield
    }) : () -> ()
    "tpu.region"() ({
      %run_scoped3A = tpu.sem_alloc : memref<!tpu.dma_semaphore, #tpu.memory_space<semaphore_mem>>
      %dma_start3A = tpu.memref_slice %arg5[%mul3A_2] : memref<4096xi32, #tpu.memory_space<hbm>> -> memref<128xi32, #tpu.memory_space<hbm>>
      %dma_start3A_25 = tpu.memref_slice %arg5[%mul3A_2] : memref<4096xi32, #tpu.memory_space<hbm>> -> memref<128xi32, #tpu.memory_space<hbm>>
      tpu.enqueue_dma source(%dma_start3A_25 : memref<128xi32, #tpu.memory_space<hbm>>) target(%arg13 : memref<128xi32, #tpu.memory_space<vmem>>) target_semaphore(%run_scoped3A : memref<!tpu.dma_semaphore, #tpu.memory_space<semaphore_mem>>)
      %dma_wait3A = tpu.memref_slice %arg5[%mul3A_2] : memref<4096xi32, #tpu.memory_space<hbm>> -> memref<128xi32, #tpu.memory_space<hbm>>
      %dma_wait3A_26 = tpu.memref_slice %arg5[%mul3A_2] : memref<4096xi32, #tpu.memory_space<hbm>> -> memref<128xi32, #tpu.memory_space<hbm>>
      tpu.wait_dma2 semaphore(%run_scoped3A : memref<!tpu.dma_semaphore, #tpu.memory_space<semaphore_mem>>) src(%dma_wait3A_26 : memref<128xi32, #tpu.memory_space<hbm>>) dst(%arg13 : memref<128xi32, #tpu.memory_space<vmem>>)
      tpu.yield
    }) : () -> ()
    %iota3A = tpu.iota {dimensions = array<i32: 0>} : vector<16xi32>
    %scan3A = arith.constant 0 : i32
    %scan3A_3 = arith.constant 0 : i32
    %scan3A_4 = arith.constant 1250 : i32
    %scan3A_5 = arith.addi %scan3A_3, %scan3A_4 : i32
    %scan3A_6 = arith.constant 1 : i32
    %scan3A_7 = scf.for %scan3A_25 = %scan3A_3 to %scan3A_5 step %scan3A_6 iter_args(%scan3A_26 = %scan3A) -> (i32)  : i32 {
      %mul3A_27 = arith.constant 16 : i32
      %mul3A_28 = arith.muli %scan3A_25, %mul3A_27 : i32
      %get3A = arith.index_cast %mul3A_28 : i32 to index
      %get3A_29 = tpu.vector_load %arg9[%get3A] {strides = array<i32>} : memref<20000xf32, #tpu.memory_space<vmem>>, vector<16xf32>,
      %get3A_30 = arith.index_cast %mul3A_28 : i32 to index
      %get3A_31 = tpu.vector_load %arg10[%get3A_30] {strides = array<i32>} : memref<20000xf32, #tpu.memory_space<vmem>>, vector<16xf32>,
      %get3A_32 = arith.index_cast %mul3A_28 : i32 to index
      %get3A_33 = tpu.vector_load %arg11[%get3A_32] {strides = array<i32>} : memref<20000xf32, #tpu.memory_space<vmem>>, vector<16xf32>,
      %mul3A_34 = arith.mulf %get3A_29, %get3A_29 : vector<16xf32>
      %mul3A_35 = arith.mulf %get3A_31, %get3A_31 : vector<16xf32>
      %add3A_36 = arith.addf %mul3A_34, %mul3A_35 : vector<16xf32>
      %mul3A_37 = arith.mulf %get3A_33, %get3A_33 : vector<16xf32>
      %add3A_38 = arith.addf %add3A_36, %mul3A_37 : vector<16xf32>
      %swap3A = arith.index_cast %mul3A_28 : i32 to index
      %swap3A_39 = tpu.vector_load %arg12[%swap3A] {strides = array<i32>} : memref<20000xf32, #tpu.memory_space<vmem>>, vector<16xf32>,
      tpu.vector_store %arg12[%swap3A], %add3A_38 {strides = array<i32>} : memref<20000xf32, #tpu.memory_space<vmem>>, vector<16xf32>,
      %bitcast3A = vector.bitcast %get3A_29 : vector<16xf32> to vector<16xi32>
      %shift_right_logical3A = arith.constant 16 : i32
      %shift_right_logical3A_40 = vector.broadcast %shift_right_logical3A : i32 to vector<16xi32>
      %shift_right_logical3A_41 = arith.shrui %bitcast3A, %shift_right_logical3A_40 : vector<16xi32>
      %and3A = arith.constant 1 : i32
      %and3A_42 = vector.broadcast %and3A : i32 to vector<16xi32>
      %and3A_43 = arith.andi %shift_right_logical3A_41, %and3A_42 : vector<16xi32>
      %add3A_44 = arith.constant 32767 : i32
      %add3A_45 = vector.broadcast %add3A_44 : i32 to vector<16xi32>
      %add3A_46 = arith.addi %bitcast3A, %add3A_45 : vector<16xi32>
      %add3A_47 = arith.addi %add3A_46, %and3A_43 : vector<16xi32>
      %and3A_48 = arith.constant -65536 : i32
      %and3A_49 = vector.broadcast %and3A_48 : i32 to vector<16xi32>
      %and3A_50 = arith.andi %add3A_47, %and3A_49 : vector<16xi32>
      %bitcast3A_51 = vector.bitcast %and3A_50 : vector<16xi32> to vector<16xf32>
      %swap3A_52 = arith.index_cast %mul3A_28 : i32 to index
      %swap3A_53 = tpu.vector_load %arg9[%swap3A_52] {strides = array<i32>} : memref<20000xf32, #tpu.memory_space<vmem>>, vector<16xf32>,
      tpu.vector_store %arg9[%swap3A_52], %bitcast3A_51 {strides = array<i32>} : memref<20000xf32, #tpu.memory_space<vmem>>, vector<16xf32>,
      %bitcast3A_54 = vector.bitcast %get3A_31 : vector<16xf32> to vector<16xi32>
      %shift_right_logical3A_55 = arith.constant 16 : i32
      %shift_right_logical3A_56 = vector.broadcast %shift_right_logical3A_55 : i32 to vector<16xi32>
      %shift_right_logical3A_57 = arith.shrui %bitcast3A_54, %shift_right_logical3A_56 : vector<16xi32>
      %and3A_58 = arith.constant 1 : i32
      %and3A_59 = vector.broadcast %and3A_58 : i32 to vector<16xi32>
      %and3A_60 = arith.andi %shift_right_logical3A_57, %and3A_59 : vector<16xi32>
      %add3A_61 = arith.constant 32767 : i32
      %add3A_62 = vector.broadcast %add3A_61 : i32 to vector<16xi32>
      %add3A_63 = arith.addi %bitcast3A_54, %add3A_62 : vector<16xi32>
      %add3A_64 = arith.addi %add3A_63, %and3A_60 : vector<16xi32>
      %and3A_65 = arith.constant -65536 : i32
      %and3A_66 = vector.broadcast %and3A_65 : i32 to vector<16xi32>
      %and3A_67 = arith.andi %add3A_64, %and3A_66 : vector<16xi32>
      %bitcast3A_68 = vector.bitcast %and3A_67 : vector<16xi32> to vector<16xf32>
      %swap3A_69 = arith.index_cast %mul3A_28 : i32 to index
      %swap3A_70 = tpu.vector_load %arg10[%swap3A_69] {strides = array<i32>} : memref<20000xf32, #tpu.memory_space<vmem>>, vector<16xf32>,
      tpu.vector_store %arg10[%swap3A_69], %bitcast3A_68 {strides = array<i32>} : memref<20000xf32, #tpu.memory_space<vmem>>, vector<16xf32>,
      %bitcast3A_71 = vector.bitcast %get3A_33 : vector<16xf32> to vector<16xi32>
      %shift_right_logical3A_72 = arith.constant 16 : i32
      %shift_right_logical3A_73 = vector.broadcast %shift_right_logical3A_72 : i32 to vector<16xi32>
      %shift_right_logical3A_74 = arith.shrui %bitcast3A_71, %shift_right_logical3A_73 : vector<16xi32>
      %and3A_75 = arith.constant 1 : i32
      %and3A_76 = vector.broadcast %and3A_75 : i32 to vector<16xi32>
      %and3A_77 = arith.andi %shift_right_logical3A_74, %and3A_76 : vector<16xi32>
      %add3A_78 = arith.constant 32767 : i32
      %add3A_79 = vector.broadcast %add3A_78 : i32 to vector<16xi32>
      %add3A_80 = arith.addi %bitcast3A_71, %add3A_79 : vector<16xi32>
      %add3A_81 = arith.addi %add3A_80, %and3A_77 : vector<16xi32>
      %and3A_82 = arith.constant -65536 : i32
      %and3A_83 = vector.broadcast %and3A_82 : i32 to vector<16xi32>
      %and3A_84 = arith.andi %add3A_81, %and3A_83 : vector<16xi32>
      %bitcast3A_85 = vector.bitcast %and3A_84 : vector<16xi32> to vector<16xf32>
      %swap3A_86 = arith.index_cast %mul3A_28 : i32 to index
      %swap3A_87 = tpu.vector_load %arg11[%swap3A_86] {strides = array<i32>} : memref<20000xf32, #tpu.memory_space<vmem>>, vector<16xf32>,
      tpu.vector_store %arg11[%swap3A_86], %bitcast3A_85 {strides = array<i32>} : memref<20000xf32, #tpu.memory_space<vmem>>, vector<16xf32>,
      %scan3A_88 = arith.constant 0 : i32
      scf.yield %scan3A_88 : i32
    }
    %scan3A_8 = arith.constant 1250 : i32
    %scan3A_9 = arith.constant 0 : i32
    %scan3A_10 = arith.constant 0 : i32
    %scan3A_11 = arith.constant 128 : i32
    %scan3A_12 = arith.addi %scan3A_10, %scan3A_11 : i32
    %scan3A_13 = arith.constant 1 : i32
    %scan3A_14 = scf.for %scan3A_25 = %scan3A_10 to %scan3A_12 step %scan3A_13 iter_args(%scan3A_26 = %scan3A_9) -> (i32)  : i32 {
      %broadcast_in_dim3A = arith.constant 0 : i32
      %broadcast_in_dim3A_27 = vector.broadcast %broadcast_in_dim3A : i32 to vector<16xi32>
      %add3A_28 = vector.broadcast %scan3A_25 : i32 to vector<16xi32>
      %add3A_29 = arith.addi %broadcast_in_dim3A_27, %add3A_28 : vector<16xi32>
      %gather3A = tpu.vector_load_idx %arg13[%add3A_29] : memref<128xi32, #tpu.memory_space<vmem>>[vector<16xi32>], vector<16xi32>,
      %gather3A_30 = tpu.vector_load_idx %arg9[%gather3A] : memref<20000xf32, #tpu.memory_space<vmem>>[vector<16xi32>], vector<16xf32>,
      %gather3A_31 = tpu.vector_load_idx %arg10[%gather3A] : memref<20000xf32, #tpu.memory_space<vmem>>[vector<16xi32>], vector<16xf32>,
      %gather3A_32 = tpu.vector_load_idx %arg11[%gather3A] : memref<20000xf32, #tpu.memory_space<vmem>>[vector<16xi32>], vector<16xf32>,
      %gather3A_33 = tpu.vector_load_idx %arg12[%gather3A] : memref<20000xf32, #tpu.memory_space<vmem>>[vector<16xi32>], vector<16xf32>,
      %broadcast_in_dim3A_34 = arith.constant 0 : i32
      %broadcast_in_dim3A_35 = vector.broadcast %broadcast_in_dim3A_34 : i32 to vector<16xi32>
      %scan3A_36 = arith.constant 1.000000e+30 : f32
      %scan3A_37 = arith.constant 0 : i32
      %scan3A_38 = arith.constant 125 : i32
      %scan3A_39 = arith.addi %scan3A_37, %scan3A_38 : i32
      %scan3A_40 = arith.constant 1 : i32
      %scan3A_41:2 = scf.for %scan3A_579 = %scan3A_37 to %scan3A_39 step %scan3A_40 iter_args(%scan3A_580 = %broadcast_in_dim3A_35, %scan3A_581 = %scan3A_36) -> (vector<16xi32>, f32)  : i32 {
        %mul3A_582 = arith.constant 160 : i32
        %mul3A_583 = arith.muli %scan3A_579, %mul3A_582 : i32
        %add3A_584 = arith.constant 0 : i32
        %add3A_585 = arith.addi %mul3A_583, %add3A_584 : i32
        %add3A_586 = vector.broadcast %add3A_585 : i32 to vector<16xi32>
        %add3A_587 = arith.addi %add3A_586, %iota3A : vector<16xi32>
        %get3A_588 = arith.index_cast %add3A_585 : i32 to index
        %get3A_589 = tpu.vector_load %arg9[%get3A_588] {strides = array<i32>} : memref<20000xf32, #tpu.memory_space<vmem>>, vector<16xf32>,
        %mul3A_590 = arith.mulf %gather3A_30, %get3A_589 : vector<16xf32>
        %get3A_591 = arith.index_cast %add3A_585 : i32 to index
        %get3A_592 = tpu.vector_load %arg10[%get3A_591] {strides = array<i32>} : memref<20000xf32, #tpu.memory_space<vmem>>, vector<16xf32>,
        %mul3A_593 = arith.mulf %gather3A_31, %get3A_592 : vector<16xf32>
        %add3A_594 = arith.addf %mul3A_590, %mul3A_593 : vector<16xf32>
        %get3A_595 = arith.index_cast %add3A_585 : i32 to index
        %get3A_596 = tpu.vector_load %arg11[%get3A_595] {strides = array<i32>} : memref<20000xf32, #tpu.memory_space<vmem>>, vector<16xf32>,
        %mul3A_597 = arith.mulf %gather3A_32, %get3A_596 : vector<16xf32>
        %add3A_598 = arith.addf %add3A_594, %mul3A_597 : vector<16xf32>
        %get3A_599 = arith.index_cast %add3A_585 : i32 to index
        %get3A_600 = tpu.vector_load %arg12[%get3A_599] {strides = array<i32>} : memref<20000xf32, #tpu.memory_space<vmem>>, vector<16xf32>,
        %add3A_601 = arith.addf %gather3A_33, %get3A_600 : vector<16xf32>
        %mul3A_602 = arith.constant 2.000000e+00 : f32
        %mul3A_603 = vector.broadcast %mul3A_602 : f32 to vector<16xf32>
        %mul3A_604 = arith.mulf %mul3A_603, %add3A_598 : vector<16xf32>
        %sub3A = arith.subf %add3A_601, %mul3A_604 : vector<16xf32>
        %le3A_605 = vector.broadcast %scan3A_581 : f32 to vector<16xf32>
        %le3A_606 = arith.cmpf ole, %sub3A, %le3A_605 : vector<16xf32>
        %ne3A = arith.cmpi ne, %add3A_587, %gather3A : vector<16xi32>
        %and3A = arith.andi %le3A_606, %ne3A : vector<16xi1>
        %add3A_607 = arith.constant 16 : i32
        %add3A_608 = arith.addi %mul3A_583, %add3A_607 : i32
        %add3A_609 = vector.broadcast %add3A_608 : i32 to vector<16xi32>
        %add3A_610 = arith.addi %add3A_609, %iota3A : vector<16xi32>
        %get3A_611 = arith.index_cast %add3A_608 : i32 to index
        %get3A_612 = tpu.vector_load %arg9[%get3A_611] {strides = array<i32>} : memref<20000xf32, #tpu.memory_space<vmem>>, vector<16xf32>,
        %mul3A_613 = arith.mulf %gather3A_30, %get3A_612 : vector<16xf32>
        %get3A_614 = arith.index_cast %add3A_608 : i32 to index
        %get3A_615 = tpu.vector_load %arg10[%get3A_614] {strides = array<i32>} : memref<20000xf32, #tpu.memory_space<vmem>>, vector<16xf32>,
        %mul3A_616 = arith.mulf %gather3A_31, %get3A_615 : vector<16xf32>
        %add3A_617 = arith.addf %mul3A_613, %mul3A_616 : vector<16xf32>
        %get3A_618 = arith.index_cast %add3A_608 : i32 to index
        %get3A_619 = tpu.vector_load %arg11[%get3A_618] {strides = array<i32>} : memref<20000xf32, #tpu.memory_space<vmem>>, vector<16xf32>,
        %mul3A_620 = arith.mulf %gather3A_32, %get3A_619 : vector<16xf32>
        %add3A_621 = arith.addf %add3A_617, %mul3A_620 : vector<16xf32>
        %get3A_622 = arith.index_cast %add3A_608 : i32 to index
        %get3A_623 = tpu.vector_load %arg12[%get3A_622] {strides = array<i32>} : memref<20000xf32, #tpu.memory_space<vmem>>, vector<16xf32>,
        %add3A_624 = arith.addf %gather3A_33, %get3A_623 : vector<16xf32>
        %mul3A_625 = arith.constant 2.000000e+00 : f32
        %mul3A_626 = vector.broadcast %mul3A_625 : f32 to vector<16xf32>
        %mul3A_627 = arith.mulf %mul3A_626, %add3A_621 : vector<16xf32>
        %sub3A_628 = arith.subf %add3A_624, %mul3A_627 : vector<16xf32>
        %le3A_629 = vector.broadcast %scan3A_581 : f32 to vector<16xf32>
        %le3A_630 = arith.cmpf ole, %sub3A_628, %le3A_629 : vector<16xf32>
        %ne3A_631 = arith.cmpi ne, %add3A_610, %gather3A : vector<16xi32>
        %and3A_632 = arith.andi %le3A_630, %ne3A_631 : vector<16xi1>
        %add3A_633 = arith.constant 32 : i32
        %add3A_634 = arith.addi %mul3A_583, %add3A_633 : i32
        %add3A_635 = vector.broadcast %add3A_634 : i32 to vector<16xi32>
        %add3A_636 = arith.addi %add3A_635, %iota3A : vector<16xi32>
        %get3A_637 = arith.index_cast %add3A_634 : i32 to index
        %get3A_638 = tpu.vector_load %arg9[%get3A_637] {strides = array<i32>} : memref<20000xf32, #tpu.memory_space<vmem>>, vector<16xf32>,
        %mul3A_639 = arith.mulf %gather3A_30, %get3A_638 : vector<16xf32>
        %get3A_640 = arith.index_cast %add3A_634 : i32 to index
        %get3A_641 = tpu.vector_load %arg10[%get3A_640] {strides = array<i32>} : memref<20000xf32, #tpu.memory_space<vmem>>, vector<16xf32>,
        %mul3A_642 = arith.mulf %gather3A_31, %get3A_641 : vector<16xf32>
        %add3A_643 = arith.addf %mul3A_639, %mul3A_642 : vector<16xf32>
        %get3A_644 = arith.index_cast %add3A_634 : i32 to index
        %get3A_645 = tpu.vector_load %arg11[%get3A_644] {strides = array<i32>} : memref<20000xf32, #tpu.memory_space<vmem>>, vector<16xf32>,
        %mul3A_646 = arith.mulf %gather3A_32, %get3A_645 : vector<16xf32>
        %add3A_647 = arith.addf %add3A_643, %mul3A_646 : vector<16xf32>
        %get3A_648 = arith.index_cast %add3A_634 : i32 to index
        %get3A_649 = tpu.vector_load %arg12[%get3A_648] {strides = array<i32>} : memref<20000xf32, #tpu.memory_space<vmem>>, vector<16xf32>,
        %add3A_650 = arith.addf %gather3A_33, %get3A_649 : vector<16xf32>
        %mul3A_651 = arith.constant 2.000000e+00 : f32
        %mul3A_652 = vector.broadcast %mul3A_651 : f32 to vector<16xf32>
        %mul3A_653 = arith.mulf %mul3A_652, %add3A_647 : vector<16xf32>
        %sub3A_654 = arith.subf %add3A_650, %mul3A_653 : vector<16xf32>
        %le3A_655 = vector.broadcast %scan3A_581 : f32 to vector<16xf32>
        %le3A_656 = arith.cmpf ole, %sub3A_654, %le3A_655 : vector<16xf32>
        %ne3A_657 = arith.cmpi ne, %add3A_636, %gather3A : vector<16xi32>
        %and3A_658 = arith.andi %le3A_656, %ne3A_657 : vector<16xi1>
        %add3A_659 = arith.constant 48 : i32
        %add3A_660 = arith.addi %mul3A_583, %add3A_659 : i32
        %add3A_661 = vector.broadcast %add3A_660 : i32 to vector<16xi32>
        %add3A_662 = arith.addi %add3A_661, %iota3A : vector<16xi32>
        %get3A_663 = arith.index_cast %add3A_660 : i32 to index
        %get3A_664 = tpu.vector_load %arg9[%get3A_663] {strides = array<i32>} : memref<20000xf32, #tpu.memory_space<vmem>>, vector<16xf32>,
        %mul3A_665 = arith.mulf %gather3A_30, %get3A_664 : vector<16xf32>
        %get3A_666 = arith.index_cast %add3A_660 : i32 to index
        %get3A_667 = tpu.vector_load %arg10[%get3A_666] {strides = array<i32>} : memref<20000xf32, #tpu.memory_space<vmem>>, vector<16xf32>,
        %mul3A_668 = arith.mulf %gather3A_31, %get3A_667 : vector<16xf32>
        %add3A_669 = arith.addf %mul3A_665, %mul3A_668 : vector<16xf32>
        %get3A_670 = arith.index_cast %add3A_660 : i32 to index
        %get3A_671 = tpu.vector_load %arg11[%get3A_670] {strides = array<i32>} : memref<20000xf32, #tpu.memory_space<vmem>>, vector<16xf32>,
        %mul3A_672 = arith.mulf %gather3A_32, %get3A_671 : vector<16xf32>
        %add3A_673 = arith.addf %add3A_669, %mul3A_672 : vector<16xf32>
        %get3A_674 = arith.index_cast %add3A_660 : i32 to index
        %get3A_675 = tpu.vector_load %arg12[%get3A_674] {strides = array<i32>} : memref<20000xf32, #tpu.memory_space<vmem>>, vector<16xf32>,
        %add3A_676 = arith.addf %gather3A_33, %get3A_675 : vector<16xf32>
        %mul3A_677 = arith.constant 2.000000e+00 : f32
        %mul3A_678 = vector.broadcast %mul3A_677 : f32 to vector<16xf32>
        %mul3A_679 = arith.mulf %mul3A_678, %add3A_673 : vector<16xf32>
        %sub3A_680 = arith.subf %add3A_676, %mul3A_679 : vector<16xf32>
        %le3A_681 = vector.broadcast %scan3A_581 : f32 to vector<16xf32>
        %le3A_682 = arith.cmpf ole, %sub3A_680, %le3A_681 : vector<16xf32>
        %ne3A_683 = arith.cmpi ne, %add3A_662, %gather3A : vector<16xi32>
        %and3A_684 = arith.andi %le3A_682, %ne3A_683 : vector<16xi1>
        %add3A_685 = arith.constant 64 : i32
        %add3A_686 = arith.addi %mul3A_583, %add3A_685 : i32
        %add3A_687 = vector.broadcast %add3A_686 : i32 to vector<16xi32>
        %add3A_688 = arith.addi %add3A_687, %iota3A : vector<16xi32>
        %get3A_689 = arith.index_cast %add3A_686 : i32 to index
        %get3A_690 = tpu.vector_load %arg9[%get3A_689] {strides = array<i32>} : memref<20000xf32, #tpu.memory_space<vmem>>, vector<16xf32>,
        %mul3A_691 = arith.mulf %gather3A_30, %get3A_690 : vector<16xf32>
        %get3A_692 = arith.index_cast %add3A_686 : i32 to index
        %get3A_693 = tpu.vector_load %arg10[%get3A_692] {strides = array<i32>} : memref<20000xf32, #tpu.memory_space<vmem>>, vector<16xf32>,
        %mul3A_694 = arith.mulf %gather3A_31, %get3A_693 : vector<16xf32>
        %add3A_695 = arith.addf %mul3A_691, %mul3A_694 : vector<16xf32>
        %get3A_696 = arith.index_cast %add3A_686 : i32 to index
        %get3A_697 = tpu.vector_load %arg11[%get3A_696] {strides = array<i32>} : memref<20000xf32, #tpu.memory_space<vmem>>, vector<16xf32>,
        %mul3A_698 = arith.mulf %gather3A_32, %get3A_697 : vector<16xf32>
        %add3A_699 = arith.addf %add3A_695, %mul3A_698 : vector<16xf32>
        %get3A_700 = arith.index_cast %add3A_686 : i32 to index
        %get3A_701 = tpu.vector_load %arg12[%get3A_700] {strides = array<i32>} : memref<20000xf32, #tpu.memory_space<vmem>>, vector<16xf32>,
        %add3A_702 = arith.addf %gather3A_33, %get3A_701 : vector<16xf32>
        %mul3A_703 = arith.constant 2.000000e+00 : f32
        %mul3A_704 = vector.broadcast %mul3A_703 : f32 to vector<16xf32>
        %mul3A_705 = arith.mulf %mul3A_704, %add3A_699 : vector<16xf32>
        %sub3A_706 = arith.subf %add3A_702, %mul3A_705 : vector<16xf32>
        %le3A_707 = vector.broadcast %scan3A_581 : f32 to vector<16xf32>
        %le3A_708 = arith.cmpf ole, %sub3A_706, %le3A_707 : vector<16xf32>
        %ne3A_709 = arith.cmpi ne, %add3A_688, %gather3A : vector<16xi32>
        %and3A_710 = arith.andi %le3A_708, %ne3A_709 : vector<16xi1>
        %add3A_711 = arith.constant 80 : i32
        %add3A_712 = arith.addi %mul3A_583, %add3A_711 : i32
        %add3A_713 = vector.broadcast %add3A_712 : i32 to vector<16xi32>
        %add3A_714 = arith.addi %add3A_713, %iota3A : vector<16xi32>
        %get3A_715 = arith.index_cast %add3A_712 : i32 to index
        %get3A_716 = tpu.vector_load %arg9[%get3A_715] {strides = array<i32>} : memref<20000xf32, #tpu.memory_space<vmem>>, vector<16xf32>,
        %mul3A_717 = arith.mulf %gather3A_30, %get3A_716 : vector<16xf32>
        %get3A_718 = arith.index_cast %add3A_712 : i32 to index
        %get3A_719 = tpu.vector_load %arg10[%get3A_718] {strides = array<i32>} : memref<20000xf32, #tpu.memory_space<vmem>>, vector<16xf32>,
        %mul3A_720 = arith.mulf %gather3A_31, %get3A_719 : vector<16xf32>
        %add3A_721 = arith.addf %mul3A_717, %mul3A_720 : vector<16xf32>
        %get3A_722 = arith.index_cast %add3A_712 : i32 to index
        %get3A_723 = tpu.vector_load %arg11[%get3A_722] {strides = array<i32>} : memref<20000xf32, #tpu.memory_space<vmem>>, vector<16xf32>,
        %mul3A_724 = arith.mulf %gather3A_32, %get3A_723 : vector<16xf32>
        %add3A_725 = arith.addf %add3A_721, %mul3A_724 : vector<16xf32>
        %get3A_726 = arith.index_cast %add3A_712 : i32 to index
        %get3A_727 = tpu.vector_load %arg12[%get3A_726] {strides = array<i32>} : memref<20000xf32, #tpu.memory_space<vmem>>, vector<16xf32>,
        %add3A_728 = arith.addf %gather3A_33, %get3A_727 : vector<16xf32>
        %mul3A_729 = arith.constant 2.000000e+00 : f32
        %mul3A_730 = vector.broadcast %mul3A_729 : f32 to vector<16xf32>
        %mul3A_731 = arith.mulf %mul3A_730, %add3A_725 : vector<16xf32>
        %sub3A_732 = arith.subf %add3A_728, %mul3A_731 : vector<16xf32>
        %le3A_733 = vector.broadcast %scan3A_581 : f32 to vector<16xf32>
        %le3A_734 = arith.cmpf ole, %sub3A_732, %le3A_733 : vector<16xf32>
        %ne3A_735 = arith.cmpi ne, %add3A_714, %gather3A : vector<16xi32>
        %and3A_736 = arith.andi %le3A_734, %ne3A_735 : vector<16xi1>
        %add3A_737 = arith.constant 96 : i32
        %add3A_738 = arith.addi %mul3A_583, %add3A_737 : i32
        %add3A_739 = vector.broadcast %add3A_738 : i32 to vector<16xi32>
        %add3A_740 = arith.addi %add3A_739, %iota3A : vector<16xi32>
        %get3A_741 = arith.index_cast %add3A_738 : i32 to index
        %get3A_742 = tpu.vector_load %arg9[%get3A_741] {strides = array<i32>} : memref<20000xf32, #tpu.memory_space<vmem>>, vector<16xf32>,
        %mul3A_743 = arith.mulf %gather3A_30, %get3A_742 : vector<16xf32>
        %get3A_744 = arith.index_cast %add3A_738 : i32 to index
        %get3A_745 = tpu.vector_load %arg10[%get3A_744] {strides = array<i32>} : memref<20000xf32, #tpu.memory_space<vmem>>, vector<16xf32>,
        %mul3A_746 = arith.mulf %gather3A_31, %get3A_745 : vector<16xf32>
        %add3A_747 = arith.addf %mul3A_743, %mul3A_746 : vector<16xf32>
        %get3A_748 = arith.index_cast %add3A_738 : i32 to index
        %get3A_749 = tpu.vector_load %arg11[%get3A_748] {strides = array<i32>} : memref<20000xf32, #tpu.memory_space<vmem>>, vector<16xf32>,
        %mul3A_750 = arith.mulf %gather3A_32, %get3A_749 : vector<16xf32>
        %add3A_751 = arith.addf %add3A_747, %mul3A_750 : vector<16xf32>
        %get3A_752 = arith.index_cast %add3A_738 : i32 to index
        %get3A_753 = tpu.vector_load %arg12[%get3A_752] {strides = array<i32>} : memref<20000xf32, #tpu.memory_space<vmem>>, vector<16xf32>,
        %add3A_754 = arith.addf %gather3A_33, %get3A_753 : vector<16xf32>
        %mul3A_755 = arith.constant 2.000000e+00 : f32
        %mul3A_756 = vector.broadcast %mul3A_755 : f32 to vector<16xf32>
        %mul3A_757 = arith.mulf %mul3A_756, %add3A_751 : vector<16xf32>
        %sub3A_758 = arith.subf %add3A_754, %mul3A_757 : vector<16xf32>
        %le3A_759 = vector.broadcast %scan3A_581 : f32 to vector<16xf32>
        %le3A_760 = arith.cmpf ole, %sub3A_758, %le3A_759 : vector<16xf32>
        %ne3A_761 = arith.cmpi ne, %add3A_740, %gather3A : vector<16xi32>
        %and3A_762 = arith.andi %le3A_760, %ne3A_761 : vector<16xi1>
        %add3A_763 = arith.constant 112 : i32
        %add3A_764 = arith.addi %mul3A_583, %add3A_763 : i32
        %add3A_765 = vector.broadcast %add3A_764 : i32 to vector<16xi32>
        %add3A_766 = arith.addi %add3A_765, %iota3A : vector<16xi32>
        %get3A_767 = arith.index_cast %add3A_764 : i32 to index
        %get3A_768 = tpu.vector_load %arg9[%get3A_767] {strides = array<i32>} : memref<20000xf32, #tpu.memory_space<vmem>>, vector<16xf32>,
        %mul3A_769 = arith.mulf %gather3A_30, %get3A_768 : vector<16xf32>
        %get3A_770 = arith.index_cast %add3A_764 : i32 to index
        %get3A_771 = tpu.vector_load %arg10[%get3A_770] {strides = array<i32>} : memref<20000xf32, #tpu.memory_space<vmem>>, vector<16xf32>,
        %mul3A_772 = arith.mulf %gather3A_31, %get3A_771 : vector<16xf32>
        %add3A_773 = arith.addf %mul3A_769, %mul3A_772 : vector<16xf32>
        %get3A_774 = arith.index_cast %add3A_764 : i32 to index
        %get3A_775 = tpu.vector_load %arg11[%get3A_774] {strides = array<i32>} : memref<20000xf32, #tpu.memory_space<vmem>>, vector<16xf32>,
        %mul3A_776 = arith.mulf %gather3A_32, %get3A_775 : vector<16xf32>
        %add3A_777 = arith.addf %add3A_773, %mul3A_776 : vector<16xf32>
        %get3A_778 = arith.index_cast %add3A_764 : i32 to index
        %get3A_779 = tpu.vector_load %arg12[%get3A_778] {strides = array<i32>} : memref<20000xf32, #tpu.memory_space<vmem>>, vector<16xf32>,
        %add3A_780 = arith.addf %gather3A_33, %get3A_779 : vector<16xf32>
        %mul3A_781 = arith.constant 2.000000e+00 : f32
        %mul3A_782 = vector.broadcast %mul3A_781 : f32 to vector<16xf32>
        %mul3A_783 = arith.mulf %mul3A_782, %add3A_777 : vector<16xf32>
        %sub3A_784 = arith.subf %add3A_780, %mul3A_783 : vector<16xf32>
        %le3A_785 = vector.broadcast %scan3A_581 : f32 to vector<16xf32>
        %le3A_786 = arith.cmpf ole, %sub3A_784, %le3A_785 : vector<16xf32>
        %ne3A_787 = arith.cmpi ne, %add3A_766, %gather3A : vector<16xi32>
        %and3A_788 = arith.andi %le3A_786, %ne3A_787 : vector<16xi1>
        %add3A_789 = arith.constant 128 : i32
        %add3A_790 = arith.addi %mul3A_583, %add3A_789 : i32
        %add3A_791 = vector.broadcast %add3A_790 : i32 to vector<16xi32>
        %add3A_792 = arith.addi %add3A_791, %iota3A : vector<16xi32>
        %get3A_793 = arith.index_cast %add3A_790 : i32 to index
        %get3A_794 = tpu.vector_load %arg9[%get3A_793] {strides = array<i32>} : memref<20000xf32, #tpu.memory_space<vmem>>, vector<16xf32>,
        %mul3A_795 = arith.mulf %gather3A_30, %get3A_794 : vector<16xf32>
        %get3A_796 = arith.index_cast %add3A_790 : i32 to index
        %get3A_797 = tpu.vector_load %arg10[%get3A_796] {strides = array<i32>} : memref<20000xf32, #tpu.memory_space<vmem>>, vector<16xf32>,
        %mul3A_798 = arith.mulf %gather3A_31, %get3A_797 : vector<16xf32>
        %add3A_799 = arith.addf %mul3A_795, %mul3A_798 : vector<16xf32>
        %get3A_800 = arith.index_cast %add3A_790 : i32 to index
        %get3A_801 = tpu.vector_load %arg11[%get3A_800] {strides = array<i32>} : memref<20000xf32, #tpu.memory_space<vmem>>, vector<16xf32>,
        %mul3A_802 = arith.mulf %gather3A_32, %get3A_801 : vector<16xf32>
        %add3A_803 = arith.addf %add3A_799, %mul3A_802 : vector<16xf32>
        %get3A_804 = arith.index_cast %add3A_790 : i32 to index
        %get3A_805 = tpu.vector_load %arg12[%get3A_804] {strides = array<i32>} : memref<20000xf32, #tpu.memory_space<vmem>>, vector<16xf32>,
        %add3A_806 = arith.addf %gather3A_33, %get3A_805 : vector<16xf32>
        %mul3A_807 = arith.constant 2.000000e+00 : f32
        %mul3A_808 = vector.broadcast %mul3A_807 : f32 to vector<16xf32>
        %mul3A_809 = arith.mulf %mul3A_808, %add3A_803 : vector<16xf32>
        %sub3A_810 = arith.subf %add3A_806, %mul3A_809 : vector<16xf32>
        %le3A_811 = vector.broadcast %scan3A_581 : f32 to vector<16xf32>
        %le3A_812 = arith.cmpf ole, %sub3A_810, %le3A_811 : vector<16xf32>
        %ne3A_813 = arith.cmpi ne, %add3A_792, %gather3A : vector<16xi32>
        %and3A_814 = arith.andi %le3A_812, %ne3A_813 : vector<16xi1>
        %add3A_815 = arith.constant 144 : i32
        %add3A_816 = arith.addi %mul3A_583, %add3A_815 : i32
        %add3A_817 = vector.broadcast %add3A_816 : i32 to vector<16xi32>
        %add3A_818 = arith.addi %add3A_817, %iota3A : vector<16xi32>
        %get3A_819 = arith.index_cast %add3A_816 : i32 to index
        %get3A_820 = tpu.vector_load %arg9[%get3A_819] {strides = array<i32>} : memref<20000xf32, #tpu.memory_space<vmem>>, vector<16xf32>,
        %mul3A_821 = arith.mulf %gather3A_30, %get3A_820 : vector<16xf32>
        %get3A_822 = arith.index_cast %add3A_816 : i32 to index
        %get3A_823 = tpu.vector_load %arg10[%get3A_822] {strides = array<i32>} : memref<20000xf32, #tpu.memory_space<vmem>>, vector<16xf32>,
        %mul3A_824 = arith.mulf %gather3A_31, %get3A_823 : vector<16xf32>
        %add3A_825 = arith.addf %mul3A_821, %mul3A_824 : vector<16xf32>
        %get3A_826 = arith.index_cast %add3A_816 : i32 to index
        %get3A_827 = tpu.vector_load %arg11[%get3A_826] {strides = array<i32>} : memref<20000xf32, #tpu.memory_space<vmem>>, vector<16xf32>,
        %mul3A_828 = arith.mulf %gather3A_32, %get3A_827 : vector<16xf32>
        %add3A_829 = arith.addf %add3A_825, %mul3A_828 : vector<16xf32>
        %get3A_830 = arith.index_cast %add3A_816 : i32 to index
        %get3A_831 = tpu.vector_load %arg12[%get3A_830] {strides = array<i32>} : memref<20000xf32, #tpu.memory_space<vmem>>, vector<16xf32>,
        %add3A_832 = arith.addf %gather3A_33, %get3A_831 : vector<16xf32>
        %mul3A_833 = arith.constant 2.000000e+00 : f32
        %mul3A_834 = vector.broadcast %mul3A_833 : f32 to vector<16xf32>
        %mul3A_835 = arith.mulf %mul3A_834, %add3A_829 : vector<16xf32>
        %sub3A_836 = arith.subf %add3A_832, %mul3A_835 : vector<16xf32>
        %le3A_837 = vector.broadcast %scan3A_581 : f32 to vector<16xf32>
        %le3A_838 = arith.cmpf ole, %sub3A_836, %le3A_837 : vector<16xf32>
        %ne3A_839 = arith.cmpi ne, %add3A_818, %gather3A : vector<16xi32>
        %and3A_840 = arith.andi %le3A_838, %ne3A_839 : vector<16xi1>
        %or3A = arith.ori %and3A, %and3A_632 : vector<16xi1>
        %or3A_841 = arith.ori %or3A, %and3A_658 : vector<16xi1>
        %or3A_842 = arith.ori %or3A_841, %and3A_684 : vector<16xi1>
        %or3A_843 = arith.ori %or3A_842, %and3A_710 : vector<16xi1>
        %or3A_844 = arith.ori %or3A_843, %and3A_736 : vector<16xi1>
        %or3A_845 = arith.ori %or3A_844, %and3A_762 : vector<16xi1>
        %or3A_846 = arith.ori %or3A_845, %and3A_788 : vector<16xi1>
        %or3A_847 = arith.ori %or3A_846, %and3A_814 : vector<16xi1>
        %or3A_848 = arith.ori %or3A_847, %and3A_840 : vector<16xi1>
        %reduce_or3A = arith.constant 1.000000e+00 : f32
        %reduce_or3A_849 = arith.constant 0.000000e+00 : f32
        %reduce_or3A_850 = vector.broadcast %reduce_or3A : f32 to vector<16xf32>
        %reduce_or3A_851 = vector.broadcast %reduce_or3A_849 : f32 to vector<16xf32>
        %reduce_or3A_852 = arith.select %or3A_848, %reduce_or3A_850, %reduce_or3A_851 : vector<16xi1>, vector<16xf32>
        %reduce_or3A_853 = arith.constant true
        %reduce_or3A_854 = vector.broadcast %reduce_or3A_853 : i1 to vector<16xi1>
        %reduce_or3A_855 = tpu.scan <max>, %reduce_or3A_852 masked %reduce_or3A_854 : vector<16xf32>, vector<16xi1> -> vector<16xf32>
        %reduce_or3A_856 = vector.extract %reduce_or3A_855[15] : f32 from vector<16xf32>
        %reduce_or3A_857 = arith.constant 0.000000e+00 : f32
        %reduce_or3A_858 = arith.cmpf ogt, %reduce_or3A_856, %reduce_or3A_857 : f32
        %convert_element_type3A = arith.extui %reduce_or3A_858 : i1 to i32
        %cond3A = arith.constant 0 : i32
        %cond3A_859 = arith.cmpi ne, %convert_element_type3A, %cond3A : i32
        %cond3A_860:2 = scf.if %cond3A_859 -> (vector<16xi32>, f32) {
          %jit3A_861 = arith.constant 1 : i32
          %jit3A_862 = arith.constant 0 : i32
          %broadcast_in_dim3A_863 = vector.broadcast %jit3A_861 : i32 to vector<16xi32>
          %broadcast_in_dim3A_864 = vector.broadcast %jit3A_862 : i32 to vector<16xi32>
          %select_n3A_865 = arith.select %and3A, %broadcast_in_dim3A_863, %broadcast_in_dim3A_864 : vector<16xi1>, vector<16xi32>
          %broadcast_in_dim3A_866 = arith.constant true
          %broadcast_in_dim3A_867 = vector.broadcast %broadcast_in_dim3A_866 : i1 to vector<16xi1>
          %masked_cumsum3A = tpu.scan <sum>, %select_n3A_865 masked %broadcast_in_dim3A_867 : vector<16xi32>, vector<16xi1> -> vector<16xi32>
          %add3A_868 = arith.addi %scan3A_580, %masked_cumsum3A : vector<16xi32>
          %sub3A_869 = arith.constant 1 : i32
          %sub3A_870 = vector.broadcast %sub3A_869 : i32 to vector<16xi32>
          %sub3A_871 = arith.subi %add3A_868, %sub3A_870 : vector<16xi32>
          %min3A = arith.constant 255 : i32
          %min3A_872 = vector.broadcast %min3A : i32 to vector<16xi32>
          %min3A_873 = arith.minsi %sub3A_871, %min3A_872 : vector<16xi32>
          tpu.vector_store_idx %arg14[%min3A_873], %sub3A masked %and3A : memref<256xf32, #tpu.memory_space<vmem>>[vector<16xi32>], vector<16xf32>, vector<16xi1>
          tpu.vector_store_idx %arg15[%min3A_873], %add3A_587 masked %and3A : memref<256xi32, #tpu.memory_space<vmem>>[vector<16xi32>], vector<16xi32>, vector<16xi1>
          %all_reduce_population_count3A = tpu.all_reduce %and3A {dim = 0 : i64, kind = #tpu.reduction_kind<sum>} : vector<16xi1> -> vector<16xi32>
          %add3A_874 = arith.addi %scan3A_580, %all_reduce_population_count3A : vector<16xi32>
          %jit3A_875 = arith.constant 1 : i32
          %jit3A_876 = arith.constant 0 : i32
          %broadcast_in_dim3A_877 = vector.broadcast %jit3A_875 : i32 to vector<16xi32>
          %broadcast_in_dim3A_878 = vector.broadcast %jit3A_876 : i32 to vector<16xi32>
          %select_n3A_879 = arith.select %and3A_632, %broadcast_in_dim3A_877, %broadcast_in_dim3A_878 : vector<16xi1>, vector<16xi32>
          %broadcast_in_dim3A_880 = arith.constant true
          %broadcast_in_dim3A_881 = vector.broadcast %broadcast_in_dim3A_880 : i1 to vector<16xi1>
          %masked_cumsum3A_882 = tpu.scan <sum>, %select_n3A_879 masked %broadcast_in_dim3A_881 : vector<16xi32>, vector<16xi1> -> vector<16xi32>
          %add3A_883 = arith.addi %add3A_874, %masked_cumsum3A_882 : vector<16xi32>
          %sub3A_884 = arith.constant 1 : i32
          %sub3A_885 = vector.broadcast %sub3A_884 : i32 to vector<16xi32>
          %sub3A_886 = arith.subi %add3A_883, %sub3A_885 : vector<16xi32>
          %min3A_887 = arith.constant 255 : i32
          %min3A_888 = vector.broadcast %min3A_887 : i32 to vector<16xi32>
          %min3A_889 = arith.minsi %sub3A_886, %min3A_888 : vector<16xi32>
          tpu.vector_store_idx %arg14[%min3A_889], %sub3A_628 masked %and3A_632 : memref<256xf32, #tpu.memory_space<vmem>>[vector<16xi32>], vector<16xf32>, vector<16xi1>
          tpu.vector_store_idx %arg15[%min3A_889], %add3A_610 masked %and3A_632 : memref<256xi32, #tpu.memory_space<vmem>>[vector<16xi32>], vector<16xi32>, vector<16xi1>
          %all_reduce_population_count3A_890 = tpu.all_reduce %and3A_632 {dim = 0 : i64, kind = #tpu.reduction_kind<sum>} : vector<16xi1> -> vector<16xi32>
          %add3A_891 = arith.addi %add3A_874, %all_reduce_population_count3A_890 : vector<16xi32>
          %jit3A_892 = arith.constant 1 : i32
          %jit3A_893 = arith.constant 0 : i32
          %broadcast_in_dim3A_894 = vector.broadcast %jit3A_892 : i32 to vector<16xi32>
          %broadcast_in_dim3A_895 = vector.broadcast %jit3A_893 : i32 to vector<16xi32>
          %select_n3A_896 = arith.select %and3A_658, %broadcast_in_dim3A_894, %broadcast_in_dim3A_895 : vector<16xi1>, vector<16xi32>
          %broadcast_in_dim3A_897 = arith.constant true
          %broadcast_in_dim3A_898 = vector.broadcast %broadcast_in_dim3A_897 : i1 to vector<16xi1>
          %masked_cumsum3A_899 = tpu.scan <sum>, %select_n3A_896 masked %broadcast_in_dim3A_898 : vector<16xi32>, vector<16xi1> -> vector<16xi32>
          %add3A_900 = arith.addi %add3A_891, %masked_cumsum3A_899 : vector<16xi32>
          %sub3A_901 = arith.constant 1 : i32
          %sub3A_902 = vector.broadcast %sub3A_901 : i32 to vector<16xi32>
          %sub3A_903 = arith.subi %add3A_900, %sub3A_902 : vector<16xi32>
          %min3A_904 = arith.constant 255 : i32
          %min3A_905 = vector.broadcast %min3A_904 : i32 to vector<16xi32>
          %min3A_906 = arith.minsi %sub3A_903, %min3A_905 : vector<16xi32>
          tpu.vector_store_idx %arg14[%min3A_906], %sub3A_654 masked %and3A_658 : memref<256xf32, #tpu.memory_space<vmem>>[vector<16xi32>], vector<16xf32>, vector<16xi1>
          tpu.vector_store_idx %arg15[%min3A_906], %add3A_636 masked %and3A_658 : memref<256xi32, #tpu.memory_space<vmem>>[vector<16xi32>], vector<16xi32>, vector<16xi1>
          %all_reduce_population_count3A_907 = tpu.all_reduce %and3A_658 {dim = 0 : i64, kind = #tpu.reduction_kind<sum>} : vector<16xi1> -> vector<16xi32>
          %add3A_908 = arith.addi %add3A_891, %all_reduce_population_count3A_907 : vector<16xi32>
          %jit3A_909 = arith.constant 1 : i32
          %jit3A_910 = arith.constant 0 : i32
          %broadcast_in_dim3A_911 = vector.broadcast %jit3A_909 : i32 to vector<16xi32>
          %broadcast_in_dim3A_912 = vector.broadcast %jit3A_910 : i32 to vector<16xi32>
          %select_n3A_913 = arith.select %and3A_684, %broadcast_in_dim3A_911, %broadcast_in_dim3A_912 : vector<16xi1>, vector<16xi32>
          %broadcast_in_dim3A_914 = arith.constant true
          %broadcast_in_dim3A_915 = vector.broadcast %broadcast_in_dim3A_914 : i1 to vector<16xi1>
          %masked_cumsum3A_916 = tpu.scan <sum>, %select_n3A_913 masked %broadcast_in_dim3A_915 : vector<16xi32>, vector<16xi1> -> vector<16xi32>
          %add3A_917 = arith.addi %add3A_908, %masked_cumsum3A_916 : vector<16xi32>
          %sub3A_918 = arith.constant 1 : i32
          %sub3A_919 = vector.broadcast %sub3A_918 : i32 to vector<16xi32>
          %sub3A_920 = arith.subi %add3A_917, %sub3A_919 : vector<16xi32>
          %min3A_921 = arith.constant 255 : i32
          %min3A_922 = vector.broadcast %min3A_921 : i32 to vector<16xi32>
          %min3A_923 = arith.minsi %sub3A_920, %min3A_922 : vector<16xi32>
          tpu.vector_store_idx %arg14[%min3A_923], %sub3A_680 masked %and3A_684 : memref<256xf32, #tpu.memory_space<vmem>>[vector<16xi32>], vector<16xf32>, vector<16xi1>
          tpu.vector_store_idx %arg15[%min3A_923], %add3A_662 masked %and3A_684 : memref<256xi32, #tpu.memory_space<vmem>>[vector<16xi32>], vector<16xi32>, vector<16xi1>
          %all_reduce_population_count3A_924 = tpu.all_reduce %and3A_684 {dim = 0 : i64, kind = #tpu.reduction_kind<sum>} : vector<16xi1> -> vector<16xi32>
          %add3A_925 = arith.addi %add3A_908, %all_reduce_population_count3A_924 : vector<16xi32>
          %jit3A_926 = arith.constant 1 : i32
          %jit3A_927 = arith.constant 0 : i32
          %broadcast_in_dim3A_928 = vector.broadcast %jit3A_926 : i32 to vector<16xi32>
          %broadcast_in_dim3A_929 = vector.broadcast %jit3A_927 : i32 to vector<16xi32>
          %select_n3A_930 = arith.select %and3A_710, %broadcast_in_dim3A_928, %broadcast_in_dim3A_929 : vector<16xi1>, vector<16xi32>
          %broadcast_in_dim3A_931 = arith.constant true
          %broadcast_in_dim3A_932 = vector.broadcast %broadcast_in_dim3A_931 : i1 to vector<16xi1>
          %masked_cumsum3A_933 = tpu.scan <sum>, %select_n3A_930 masked %broadcast_in_dim3A_932 : vector<16xi32>, vector<16xi1> -> vector<16xi32>
          %add3A_934 = arith.addi %add3A_925, %masked_cumsum3A_933 : vector<16xi32>
          %sub3A_935 = arith.constant 1 : i32
          %sub3A_936 = vector.broadcast %sub3A_935 : i32 to vector<16xi32>
          %sub3A_937 = arith.subi %add3A_934, %sub3A_936 : vector<16xi32>
          %min3A_938 = arith.constant 255 : i32
          %min3A_939 = vector.broadcast %min3A_938 : i32 to vector<16xi32>
          %min3A_940 = arith.minsi %sub3A_937, %min3A_939 : vector<16xi32>
          tpu.vector_store_idx %arg14[%min3A_940], %sub3A_706 masked %and3A_710 : memref<256xf32, #tpu.memory_space<vmem>>[vector<16xi32>], vector<16xf32>, vector<16xi1>
          tpu.vector_store_idx %arg15[%min3A_940], %add3A_688 masked %and3A_710 : memref<256xi32, #tpu.memory_space<vmem>>[vector<16xi32>], vector<16xi32>, vector<16xi1>
          %all_reduce_population_count3A_941 = tpu.all_reduce %and3A_710 {dim = 0 : i64, kind = #tpu.reduction_kind<sum>} : vector<16xi1> -> vector<16xi32>
          %add3A_942 = arith.addi %add3A_925, %all_reduce_population_count3A_941 : vector<16xi32>
          %jit3A_943 = arith.constant 1 : i32
          %jit3A_944 = arith.constant 0 : i32
          %broadcast_in_dim3A_945 = vector.broadcast %jit3A_943 : i32 to vector<16xi32>
          %broadcast_in_dim3A_946 = vector.broadcast %jit3A_944 : i32 to vector<16xi32>
          %select_n3A_947 = arith.select %and3A_736, %broadcast_in_dim3A_945, %broadcast_in_dim3A_946 : vector<16xi1>, vector<16xi32>
          %broadcast_in_dim3A_948 = arith.constant true
          %broadcast_in_dim3A_949 = vector.broadcast %broadcast_in_dim3A_948 : i1 to vector<16xi1>
          %masked_cumsum3A_950 = tpu.scan <sum>, %select_n3A_947 masked %broadcast_in_dim3A_949 : vector<16xi32>, vector<16xi1> -> vector<16xi32>
          %add3A_951 = arith.addi %add3A_942, %masked_cumsum3A_950 : vector<16xi32>
          %sub3A_952 = arith.constant 1 : i32
          %sub3A_953 = vector.broadcast %sub3A_952 : i32 to vector<16xi32>
          %sub3A_954 = arith.subi %add3A_951, %sub3A_953 : vector<16xi32>
          %min3A_955 = arith.constant 255 : i32
          %min3A_956 = vector.broadcast %min3A_955 : i32 to vector<16xi32>
          %min3A_957 = arith.minsi %sub3A_954, %min3A_956 : vector<16xi32>
          tpu.vector_store_idx %arg14[%min3A_957], %sub3A_732 masked %and3A_736 : memref<256xf32, #tpu.memory_space<vmem>>[vector<16xi32>], vector<16xf32>, vector<16xi1>
          tpu.vector_store_idx %arg15[%min3A_957], %add3A_714 masked %and3A_736 : memref<256xi32, #tpu.memory_space<vmem>>[vector<16xi32>], vector<16xi32>, vector<16xi1>
          %all_reduce_population_count3A_958 = tpu.all_reduce %and3A_736 {dim = 0 : i64, kind = #tpu.reduction_kind<sum>} : vector<16xi1> -> vector<16xi32>
          %add3A_959 = arith.addi %add3A_942, %all_reduce_population_count3A_958 : vector<16xi32>
          %jit3A_960 = arith.constant 1 : i32
          %jit3A_961 = arith.constant 0 : i32
          %broadcast_in_dim3A_962 = vector.broadcast %jit3A_960 : i32 to vector<16xi32>
          %broadcast_in_dim3A_963 = vector.broadcast %jit3A_961 : i32 to vector<16xi32>
          %select_n3A_964 = arith.select %and3A_762, %broadcast_in_dim3A_962, %broadcast_in_dim3A_963 : vector<16xi1>, vector<16xi32>
          %broadcast_in_dim3A_965 = arith.constant true
          %broadcast_in_dim3A_966 = vector.broadcast %broadcast_in_dim3A_965 : i1 to vector<16xi1>
          %masked_cumsum3A_967 = tpu.scan <sum>, %select_n3A_964 masked %broadcast_in_dim3A_966 : vector<16xi32>, vector<16xi1> -> vector<16xi32>
          %add3A_968 = arith.addi %add3A_959, %masked_cumsum3A_967 : vector<16xi32>
          %sub3A_969 = arith.constant 1 : i32
          %sub3A_970 = vector.broadcast %sub3A_969 : i32 to vector<16xi32>
          %sub3A_971 = arith.subi %add3A_968, %sub3A_970 : vector<16xi32>
          %min3A_972 = arith.constant 255 : i32
          %min3A_973 = vector.broadcast %min3A_972 : i32 to vector<16xi32>
          %min3A_974 = arith.minsi %sub3A_971, %min3A_973 : vector<16xi32>
          tpu.vector_store_idx %arg14[%min3A_974], %sub3A_758 masked %and3A_762 : memref<256xf32, #tpu.memory_space<vmem>>[vector<16xi32>], vector<16xf32>, vector<16xi1>
          tpu.vector_store_idx %arg15[%min3A_974], %add3A_740 masked %and3A_762 : memref<256xi32, #tpu.memory_space<vmem>>[vector<16xi32>], vector<16xi32>, vector<16xi1>
          %all_reduce_population_count3A_975 = tpu.all_reduce %and3A_762 {dim = 0 : i64, kind = #tpu.reduction_kind<sum>} : vector<16xi1> -> vector<16xi32>
          %add3A_976 = arith.addi %add3A_959, %all_reduce_population_count3A_975 : vector<16xi32>
          %jit3A_977 = arith.constant 1 : i32
          %jit3A_978 = arith.constant 0 : i32
          %broadcast_in_dim3A_979 = vector.broadcast %jit3A_977 : i32 to vector<16xi32>
          %broadcast_in_dim3A_980 = vector.broadcast %jit3A_978 : i32 to vector<16xi32>
          %select_n3A_981 = arith.select %and3A_788, %broadcast_in_dim3A_979, %broadcast_in_dim3A_980 : vector<16xi1>, vector<16xi32>
          %broadcast_in_dim3A_982 = arith.constant true
          %broadcast_in_dim3A_983 = vector.broadcast %broadcast_in_dim3A_982 : i1 to vector<16xi1>
          %masked_cumsum3A_984 = tpu.scan <sum>, %select_n3A_981 masked %broadcast_in_dim3A_983 : vector<16xi32>, vector<16xi1> -> vector<16xi32>
          %add3A_985 = arith.addi %add3A_976, %masked_cumsum3A_984 : vector<16xi32>
          %sub3A_986 = arith.constant 1 : i32
          %sub3A_987 = vector.broadcast %sub3A_986 : i32 to vector<16xi32>
          %sub3A_988 = arith.subi %add3A_985, %sub3A_987 : vector<16xi32>
          %min3A_989 = arith.constant 255 : i32
          %min3A_990 = vector.broadcast %min3A_989 : i32 to vector<16xi32>
          %min3A_991 = arith.minsi %sub3A_988, %min3A_990 : vector<16xi32>
          tpu.vector_store_idx %arg14[%min3A_991], %sub3A_784 masked %and3A_788 : memref<256xf32, #tpu.memory_space<vmem>>[vector<16xi32>], vector<16xf32>, vector<16xi1>
          tpu.vector_store_idx %arg15[%min3A_991], %add3A_766 masked %and3A_788 : memref<256xi32, #tpu.memory_space<vmem>>[vector<16xi32>], vector<16xi32>, vector<16xi1>
          %all_reduce_population_count3A_992 = tpu.all_reduce %and3A_788 {dim = 0 : i64, kind = #tpu.reduction_kind<sum>} : vector<16xi1> -> vector<16xi32>
          %add3A_993 = arith.addi %add3A_976, %all_reduce_population_count3A_992 : vector<16xi32>
          %jit3A_994 = arith.constant 1 : i32
          %jit3A_995 = arith.constant 0 : i32
          %broadcast_in_dim3A_996 = vector.broadcast %jit3A_994 : i32 to vector<16xi32>
          %broadcast_in_dim3A_997 = vector.broadcast %jit3A_995 : i32 to vector<16xi32>
          %select_n3A_998 = arith.select %and3A_814, %broadcast_in_dim3A_996, %broadcast_in_dim3A_997 : vector<16xi1>, vector<16xi32>
          %broadcast_in_dim3A_999 = arith.constant true
          %broadcast_in_dim3A_1000 = vector.broadcast %broadcast_in_dim3A_999 : i1 to vector<16xi1>
          %masked_cumsum3A_1001 = tpu.scan <sum>, %select_n3A_998 masked %broadcast_in_dim3A_1000 : vector<16xi32>, vector<16xi1> -> vector<16xi32>
          %add3A_1002 = arith.addi %add3A_993, %masked_cumsum3A_1001 : vector<16xi32>
          %sub3A_1003 = arith.constant 1 : i32
          %sub3A_1004 = vector.broadcast %sub3A_1003 : i32 to vector<16xi32>
          %sub3A_1005 = arith.subi %add3A_1002, %sub3A_1004 : vector<16xi32>
          %min3A_1006 = arith.constant 255 : i32
          %min3A_1007 = vector.broadcast %min3A_1006 : i32 to vector<16xi32>
          %min3A_1008 = arith.minsi %sub3A_1005, %min3A_1007 : vector<16xi32>
          tpu.vector_store_idx %arg14[%min3A_1008], %sub3A_810 masked %and3A_814 : memref<256xf32, #tpu.memory_space<vmem>>[vector<16xi32>], vector<16xf32>, vector<16xi1>
          tpu.vector_store_idx %arg15[%min3A_1008], %add3A_792 masked %and3A_814 : memref<256xi32, #tpu.memory_space<vmem>>[vector<16xi32>], vector<16xi32>, vector<16xi1>
          %all_reduce_population_count3A_1009 = tpu.all_reduce %and3A_814 {dim = 0 : i64, kind = #tpu.reduction_kind<sum>} : vector<16xi1> -> vector<16xi32>
          %add3A_1010 = arith.addi %add3A_993, %all_reduce_population_count3A_1009 : vector<16xi32>
          %jit3A_1011 = arith.constant 1 : i32
          %jit3A_1012 = arith.constant 0 : i32
          %broadcast_in_dim3A_1013 = vector.broadcast %jit3A_1011 : i32 to vector<16xi32>
          %broadcast_in_dim3A_1014 = vector.broadcast %jit3A_1012 : i32 to vector<16xi32>
          %select_n3A_1015 = arith.select %and3A_840, %broadcast_in_dim3A_1013, %broadcast_in_dim3A_1014 : vector<16xi1>, vector<16xi32>
          %broadcast_in_dim3A_1016 = arith.constant true
          %broadcast_in_dim3A_1017 = vector.broadcast %broadcast_in_dim3A_1016 : i1 to vector<16xi1>
          %masked_cumsum3A_1018 = tpu.scan <sum>, %select_n3A_1015 masked %broadcast_in_dim3A_1017 : vector<16xi32>, vector<16xi1> -> vector<16xi32>
          %add3A_1019 = arith.addi %add3A_1010, %masked_cumsum3A_1018 : vector<16xi32>
          %sub3A_1020 = arith.constant 1 : i32
          %sub3A_1021 = vector.broadcast %sub3A_1020 : i32 to vector<16xi32>
          %sub3A_1022 = arith.subi %add3A_1019, %sub3A_1021 : vector<16xi32>
          %min3A_1023 = arith.constant 255 : i32
          %min3A_1024 = vector.broadcast %min3A_1023 : i32 to vector<16xi32>
          %min3A_1025 = arith.minsi %sub3A_1022, %min3A_1024 : vector<16xi32>
          tpu.vector_store_idx %arg14[%min3A_1025], %sub3A_836 masked %and3A_840 : memref<256xf32, #tpu.memory_space<vmem>>[vector<16xi32>], vector<16xf32>, vector<16xi1>
          tpu.vector_store_idx %arg15[%min3A_1025], %add3A_818 masked %and3A_840 : memref<256xi32, #tpu.memory_space<vmem>>[vector<16xi32>], vector<16xi32>, vector<16xi1>
          %all_reduce_population_count3A_1026 = tpu.all_reduce %and3A_840 {dim = 0 : i64, kind = #tpu.reduction_kind<sum>} : vector<16xi1> -> vector<16xi32>
          %add3A_1027 = arith.addi %add3A_1010, %all_reduce_population_count3A_1026 : vector<16xi32>
          %reduce_max3A_1028 = arith.constant true
          %reduce_max3A_1029 = vector.broadcast %reduce_max3A_1028 : i1 to vector<16xi1>
          %reduce_max3A_1030 = arith.constant -2147483648 : i32
          %reduce_max3A_1031 = vector.broadcast %reduce_max3A_1030 : i32 to vector<16xi32>
          %reduce_max3A_1032 = arith.xori %add3A_1027, %reduce_max3A_1031 : vector<16xi32>
          %reduce_max3A_1033 = tpu.scan <max>, %reduce_max3A_1032 masked %reduce_max3A_1029 : vector<16xi32>, vector<16xi1> -> vector<16xi32>
          %reduce_max3A_1034 = arith.xori %reduce_max3A_1033, %reduce_max3A_1031 : vector<16xi32>
          %reduce_max3A_1035 = vector.extract %reduce_max3A_1034[15] : i32 from vector<16xi32>
          %gt3A = arith.constant 96 : i32
          %gt3A_1036 = arith.cmpi sgt, %reduce_max3A_1035, %gt3A : i32
          %convert_element_type3A_1037 = arith.extui %gt3A_1036 : i1 to i32
          %cond3A_1038 = arith.constant 0 : i32
          %cond3A_1039 = arith.cmpi ne, %convert_element_type3A_1037, %cond3A_1038 : i32
          %cond3A_1040:2 = scf.if %cond3A_1039 -> (vector<16xi32>, f32) {
            %reduce_max3A_1041 = arith.constant true
            %reduce_max3A_1042 = vector.broadcast %reduce_max3A_1041 : i1 to vector<16xi1>
            %reduce_max3A_1043 = arith.constant -2147483648 : i32
            %reduce_max3A_1044 = vector.broadcast %reduce_max3A_1043 : i32 to vector<16xi32>
            %reduce_max3A_1045 = arith.xori %add3A_1027, %reduce_max3A_1044 : vector<16xi32>
            %reduce_max3A_1046 = tpu.scan <max>, %reduce_max3A_1045 masked %reduce_max3A_1042 : vector<16xi32>, vector<16xi1> -> vector<16xi32>
            %reduce_max3A_1047 = arith.xori %reduce_max3A_1046, %reduce_max3A_1044 : vector<16xi32>
            %reduce_max3A_1048 = vector.extract %reduce_max3A_1047[15] : i32 from vector<16xi32>
            %broadcast_in_dim3A_1049 = arith.constant 1.000000e+30 : f32
            %broadcast_in_dim3A_1050 = vector.broadcast %broadcast_in_dim3A_1049 : f32 to vector<16xf32>
            %broadcast_in_dim3A_1051 = arith.constant 0 : i32
            %broadcast_in_dim3A_1052 = vector.broadcast %broadcast_in_dim3A_1051 : i32 to vector<16xi32>
            %get3A_1053 = arith.constant 0 : index
            %get3A_1054 = tpu.vector_load %arg14[%get3A_1053] {strides = array<i32>} : memref<256xf32, #tpu.memory_space<vmem>>, vector<16xf32>,
            %get3A_1055 = arith.constant 0 : index
            %get3A_1056 = tpu.vector_load %arg15[%get3A_1055] {strides = array<i32>} : memref<256xi32, #tpu.memory_space<vmem>>, vector<16xi32>,
            %add3A_1057 = arith.constant 0 : i32
            %add3A_1058 = vector.broadcast %add3A_1057 : i32 to vector<16xi32>
            %add3A_1059 = arith.addi %add3A_1058, %iota3A : vector<16xi32>
            %lt3A_1060 = vector.broadcast %reduce_max3A_1048 : i32 to vector<16xi32>
            %lt3A_1061 = arith.cmpi slt, %add3A_1059, %lt3A_1060 : vector<16xi32>
            %jit3A_1062 = arith.constant 1.000000e+30 : f32
            %broadcast_in_dim3A_1063 = vector.broadcast %jit3A_1062 : f32 to vector<16xf32>
            %select_n3A_1064 = arith.select %lt3A_1061, %get3A_1054, %broadcast_in_dim3A_1063 : vector<16xi1>, vector<16xf32>
            %masked_sort3A_1065 = arith.constant dense<true> : vector<16xi1>
            %masked_sort3A_1066, %masked_sort3A_1067, %masked_sort3A_1068 = tpu.sort %select_n3A_1064, %get3A_1056 masked %masked_sort3A_1065 : (vector<16xf32>, vector<16xi32>, vector<16xi1>) -> (vector<16xi1>, vector<16xf32>, vector<16xi32>)
            %rev3A_1069 = arith.constant 15 : i32
            %rev3A_1070 = vector.broadcast %rev3A_1069 : i32 to vector<16xi32>
            %rev3A_1071 = tpu.iota {dimensions = array<i32: 0>} : vector<16xi32>
            %rev3A_1072 = arith.subi %rev3A_1070, %rev3A_1071 : vector<16xi32>
            %rev3A_1073 = tpu.dynamic_gather %broadcast_in_dim3A_1050[%rev3A_1072] in [0] : vector<16xf32>, vector<16xi32> -> vector<16xf32>
            %rev3A_1074 = arith.constant 15 : i32
            %rev3A_1075 = vector.broadcast %rev3A_1074 : i32 to vector<16xi32>
            %rev3A_1076 = tpu.iota {dimensions = array<i32: 0>} : vector<16xi32>
            %rev3A_1077 = arith.subi %rev3A_1075, %rev3A_1076 : vector<16xi32>
            %rev3A_1078 = tpu.dynamic_gather %broadcast_in_dim3A_1052[%rev3A_1077] in [0] : vector<16xi32>, vector<16xi32> -> vector<16xi32>
            %le3A_1079 = arith.cmpf ole, %masked_sort3A_1067, %rev3A_1073 : vector<16xf32>
            %select_n3A_1080 = arith.select %le3A_1079, %masked_sort3A_1067, %rev3A_1073 : vector<16xi1>, vector<16xf32>
            %select_n3A_1081 = arith.select %le3A_1079, %masked_sort3A_1068, %rev3A_1078 : vector<16xi1>, vector<16xi32>
            %masked_sort3A_1082 = arith.constant dense<true> : vector<16xi1>
            %masked_sort3A_1083, %masked_sort3A_1084, %masked_sort3A_1085 = tpu.sort %select_n3A_1080, %select_n3A_1081 masked %masked_sort3A_1082 : (vector<16xf32>, vector<16xi32>, vector<16xi1>) -> (vector<16xi1>, vector<16xf32>, vector<16xi32>)
            %get3A_1086 = arith.constant 16 : index
            %get3A_1087 = tpu.vector_load %arg14[%get3A_1086] {strides = array<i32>} : memref<256xf32, #tpu.memory_space<vmem>>, vector<16xf32>,
            %get3A_1088 = arith.constant 16 : index
            %get3A_1089 = tpu.vector_load %arg15[%get3A_1088] {strides = array<i32>} : memref<256xi32, #tpu.memory_space<vmem>>, vector<16xi32>,
            %add3A_1090 = arith.constant 16 : i32
            %add3A_1091 = vector.broadcast %add3A_1090 : i32 to vector<16xi32>
            %add3A_1092 = arith.addi %add3A_1091, %iota3A : vector<16xi32>
            %lt3A_1093 = vector.broadcast %reduce_max3A_1048 : i32 to vector<16xi32>
            %lt3A_1094 = arith.cmpi slt, %add3A_1092, %lt3A_1093 : vector<16xi32>
            %jit3A_1095 = arith.constant 1.000000e+30 : f32
            %broadcast_in_dim3A_1096 = vector.broadcast %jit3A_1095 : f32 to vector<16xf32>
            %select_n3A_1097 = arith.select %lt3A_1094, %get3A_1087, %broadcast_in_dim3A_1096 : vector<16xi1>, vector<16xf32>
            %masked_sort3A_1098 = arith.constant dense<true> : vector<16xi1>
            %masked_sort3A_1099, %masked_sort3A_1100, %masked_sort3A_1101 = tpu.sort %select_n3A_1097, %get3A_1089 masked %masked_sort3A_1098 : (vector<16xf32>, vector<16xi32>, vector<16xi1>) -> (vector<16xi1>, vector<16xf32>, vector<16xi32>)
            %rev3A_1102 = arith.constant 15 : i32
            %rev3A_1103 = vector.broadcast %rev3A_1102 : i32 to vector<16xi32>
            %rev3A_1104 = tpu.iota {dimensions = array<i32: 0>} : vector<16xi32>
            %rev3A_1105 = arith.subi %rev3A_1103, %rev3A_1104 : vector<16xi32>
            %rev3A_1106 = tpu.dynamic_gather %masked_sort3A_1084[%rev3A_1105] in [0] : vector<16xf32>, vector<16xi32> -> vector<16xf32>
            %rev3A_1107 = arith.constant 15 : i32
            %rev3A_1108 = vector.broadcast %rev3A_1107 : i32 to vector<16xi32>
            %rev3A_1109 = tpu.iota {dimensions = array<i32: 0>} : vector<16xi32>
            %rev3A_1110 = arith.subi %rev3A_1108, %rev3A_1109 : vector<16xi32>
            %rev3A_1111 = tpu.dynamic_gather %masked_sort3A_1085[%rev3A_1110] in [0] : vector<16xi32>, vector<16xi32> -> vector<16xi32>
            %le3A_1112 = arith.cmpf ole, %masked_sort3A_1100, %rev3A_1106 : vector<16xf32>
            %select_n3A_1113 = arith.select %le3A_1112, %masked_sort3A_1100, %rev3A_1106 : vector<16xi1>, vector<16xf32>
            %select_n3A_1114 = arith.select %le3A_1112, %masked_sort3A_1101, %rev3A_1111 : vector<16xi1>, vector<16xi32>
            %masked_sort3A_1115 = arith.constant dense<true> : vector<16xi1>
            %masked_sort3A_1116, %masked_sort3A_1117, %masked_sort3A_1118 = tpu.sort %select_n3A_1113, %select_n3A_1114 masked %masked_sort3A_1115 : (vector<16xf32>, vector<16xi32>, vector<16xi1>) -> (vector<16xi1>, vector<16xf32>, vector<16xi32>)
            %get3A_1119 = arith.constant 32 : index
            %get3A_1120 = tpu.vector_load %arg14[%get3A_1119] {strides = array<i32>} : memref<256xf32, #tpu.memory_space<vmem>>, vector<16xf32>,
            %get3A_1121 = arith.constant 32 : index
            %get3A_1122 = tpu.vector_load %arg15[%get3A_1121] {strides = array<i32>} : memref<256xi32, #tpu.memory_space<vmem>>, vector<16xi32>,
            %add3A_1123 = arith.constant 32 : i32
            %add3A_1124 = vector.broadcast %add3A_1123 : i32 to vector<16xi32>
            %add3A_1125 = arith.addi %add3A_1124, %iota3A : vector<16xi32>
            %lt3A_1126 = vector.broadcast %reduce_max3A_1048 : i32 to vector<16xi32>
            %lt3A_1127 = arith.cmpi slt, %add3A_1125, %lt3A_1126 : vector<16xi32>
            %jit3A_1128 = arith.constant 1.000000e+30 : f32
            %broadcast_in_dim3A_1129 = vector.broadcast %jit3A_1128 : f32 to vector<16xf32>
            %select_n3A_1130 = arith.select %lt3A_1127, %get3A_1120, %broadcast_in_dim3A_1129 : vector<16xi1>, vector<16xf32>
            %masked_sort3A_1131 = arith.constant dense<true> : vector<16xi1>
            %masked_sort3A_1132, %masked_sort3A_1133, %masked_sort3A_1134 = tpu.sort %select_n3A_1130, %get3A_1122 masked %masked_sort3A_1131 : (vector<16xf32>, vector<16xi32>, vector<16xi1>) -> (vector<16xi1>, vector<16xf32>, vector<16xi32>)
            %rev3A_1135 = arith.constant 15 : i32
            %rev3A_1136 = vector.broadcast %rev3A_1135 : i32 to vector<16xi32>
            %rev3A_1137 = tpu.iota {dimensions = array<i32: 0>} : vector<16xi32>
            %rev3A_1138 = arith.subi %rev3A_1136, %rev3A_1137 : vector<16xi32>
            %rev3A_1139 = tpu.dynamic_gather %masked_sort3A_1117[%rev3A_1138] in [0] : vector<16xf32>, vector<16xi32> -> vector<16xf32>
            %rev3A_1140 = arith.constant 15 : i32
            %rev3A_1141 = vector.broadcast %rev3A_1140 : i32 to vector<16xi32>
            %rev3A_1142 = tpu.iota {dimensions = array<i32: 0>} : vector<16xi32>
            %rev3A_1143 = arith.subi %rev3A_1141, %rev3A_1142 : vector<16xi32>
            %rev3A_1144 = tpu.dynamic_gather %masked_sort3A_1118[%rev3A_1143] in [0] : vector<16xi32>, vector<16xi32> -> vector<16xi32>
            %le3A_1145 = arith.cmpf ole, %masked_sort3A_1133, %rev3A_1139 : vector<16xf32>
            %select_n3A_1146 = arith.select %le3A_1145, %masked_sort3A_1133, %rev3A_1139 : vector<16xi1>, vector<16xf32>
            %select_n3A_1147 = arith.select %le3A_1145, %masked_sort3A_1134, %rev3A_1144 : vector<16xi1>, vector<16xi32>
            %masked_sort3A_1148 = arith.constant dense<true> : vector<16xi1>
            %masked_sort3A_1149, %masked_sort3A_1150, %masked_sort3A_1151 = tpu.sort %select_n3A_1146, %select_n3A_1147 masked %masked_sort3A_1148 : (vector<16xf32>, vector<16xi32>, vector<16xi1>) -> (vector<16xi1>, vector<16xf32>, vector<16xi32>)
            %get3A_1152 = arith.constant 48 : index
            %get3A_1153 = tpu.vector_load %arg14[%get3A_1152] {strides = array<i32>} : memref<256xf32, #tpu.memory_space<vmem>>, vector<16xf32>,
            %get3A_1154 = arith.constant 48 : index
            %get3A_1155 = tpu.vector_load %arg15[%get3A_1154] {strides = array<i32>} : memref<256xi32, #tpu.memory_space<vmem>>, vector<16xi32>,
            %add3A_1156 = arith.constant 48 : i32
            %add3A_1157 = vector.broadcast %add3A_1156 : i32 to vector<16xi32>
            %add3A_1158 = arith.addi %add3A_1157, %iota3A : vector<16xi32>
            %lt3A_1159 = vector.broadcast %reduce_max3A_1048 : i32 to vector<16xi32>
            %lt3A_1160 = arith.cmpi slt, %add3A_1158, %lt3A_1159 : vector<16xi32>
            %jit3A_1161 = arith.constant 1.000000e+30 : f32
            %broadcast_in_dim3A_1162 = vector.broadcast %jit3A_1161 : f32 to vector<16xf32>
            %select_n3A_1163 = arith.select %lt3A_1160, %get3A_1153, %broadcast_in_dim3A_1162 : vector<16xi1>, vector<16xf32>
            %masked_sort3A_1164 = arith.constant dense<true> : vector<16xi1>
            %masked_sort3A_1165, %masked_sort3A_1166, %masked_sort3A_1167 = tpu.sort %select_n3A_1163, %get3A_1155 masked %masked_sort3A_1164 : (vector<16xf32>, vector<16xi32>, vector<16xi1>) -> (vector<16xi1>, vector<16xf32>, vector<16xi32>)
            %rev3A_1168 = arith.constant 15 : i32
            %rev3A_1169 = vector.broadcast %rev3A_1168 : i32 to vector<16xi32>
            %rev3A_1170 = tpu.iota {dimensions = array<i32: 0>} : vector<16xi32>
            %rev3A_1171 = arith.subi %rev3A_1169, %rev3A_1170 : vector<16xi32>
            %rev3A_1172 = tpu.dynamic_gather %masked_sort3A_1150[%rev3A_1171] in [0] : vector<16xf32>, vector<16xi32> -> vector<16xf32>
            %rev3A_1173 = arith.constant 15 : i32
            %rev3A_1174 = vector.broadcast %rev3A_1173 : i32 to vector<16xi32>
            %rev3A_1175 = tpu.iota {dimensions = array<i32: 0>} : vector<16xi32>
            %rev3A_1176 = arith.subi %rev3A_1174, %rev3A_1175 : vector<16xi32>
            %rev3A_1177 = tpu.dynamic_gather %masked_sort3A_1151[%rev3A_1176] in [0] : vector<16xi32>, vector<16xi32> -> vector<16xi32>
            %le3A_1178 = arith.cmpf ole, %masked_sort3A_1166, %rev3A_1172 : vector<16xf32>
            %select_n3A_1179 = arith.select %le3A_1178, %masked_sort3A_1166, %rev3A_1172 : vector<16xi1>, vector<16xf32>
            %select_n3A_1180 = arith.select %le3A_1178, %masked_sort3A_1167, %rev3A_1177 : vector<16xi1>, vector<16xi32>
            %masked_sort3A_1181 = arith.constant dense<true> : vector<16xi1>
            %masked_sort3A_1182, %masked_sort3A_1183, %masked_sort3A_1184 = tpu.sort %select_n3A_1179, %select_n3A_1180 masked %masked_sort3A_1181 : (vector<16xf32>, vector<16xi32>, vector<16xi1>) -> (vector<16xi1>, vector<16xf32>, vector<16xi32>)
            %get3A_1185 = arith.constant 64 : index
            %get3A_1186 = tpu.vector_load %arg14[%get3A_1185] {strides = array<i32>} : memref<256xf32, #tpu.memory_space<vmem>>, vector<16xf32>,
            %get3A_1187 = arith.constant 64 : index
            %get3A_1188 = tpu.vector_load %arg15[%get3A_1187] {strides = array<i32>} : memref<256xi32, #tpu.memory_space<vmem>>, vector<16xi32>,
            %add3A_1189 = arith.constant 64 : i32
            %add3A_1190 = vector.broadcast %add3A_1189 : i32 to vector<16xi32>
            %add3A_1191 = arith.addi %add3A_1190, %iota3A : vector<16xi32>
            %lt3A_1192 = vector.broadcast %reduce_max3A_1048 : i32 to vector<16xi32>
            %lt3A_1193 = arith.cmpi slt, %add3A_1191, %lt3A_1192 : vector<16xi32>
            %jit3A_1194 = arith.constant 1.000000e+30 : f32
            %broadcast_in_dim3A_1195 = vector.broadcast %jit3A_1194 : f32 to vector<16xf32>
            %select_n3A_1196 = arith.select %lt3A_1193, %get3A_1186, %broadcast_in_dim3A_1195 : vector<16xi1>, vector<16xf32>
            %masked_sort3A_1197 = arith.constant dense<true> : vector<16xi1>
            %masked_sort3A_1198, %masked_sort3A_1199, %masked_sort3A_1200 = tpu.sort %select_n3A_1196, %get3A_1188 masked %masked_sort3A_1197 : (vector<16xf32>, vector<16xi32>, vector<16xi1>) -> (vector<16xi1>, vector<16xf32>, vector<16xi32>)
            %rev3A_1201 = arith.constant 15 : i32
            %rev3A_1202 = vector.broadcast %rev3A_1201 : i32 to vector<16xi32>
            %rev3A_1203 = tpu.iota {dimensions = array<i32: 0>} : vector<16xi32>
            %rev3A_1204 = arith.subi %rev3A_1202, %rev3A_1203 : vector<16xi32>
            %rev3A_1205 = tpu.dynamic_gather %masked_sort3A_1183[%rev3A_1204] in [0] : vector<16xf32>, vector<16xi32> -> vector<16xf32>
            %rev3A_1206 = arith.constant 15 : i32
            %rev3A_1207 = vector.broadcast %rev3A_1206 : i32 to vector<16xi32>
            %rev3A_1208 = tpu.iota {dimensions = array<i32: 0>} : vector<16xi32>
            %rev3A_1209 = arith.subi %rev3A_1207, %rev3A_1208 : vector<16xi32>
            %rev3A_1210 = tpu.dynamic_gather %masked_sort3A_1184[%rev3A_1209] in [0] : vector<16xi32>, vector<16xi32> -> vector<16xi32>
            %le3A_1211 = arith.cmpf ole, %masked_sort3A_1199, %rev3A_1205 : vector<16xf32>
            %select_n3A_1212 = arith.select %le3A_1211, %masked_sort3A_1199, %rev3A_1205 : vector<16xi1>, vector<16xf32>
            %select_n3A_1213 = arith.select %le3A_1211, %masked_sort3A_1200, %rev3A_1210 : vector<16xi1>, vector<16xi32>
            %masked_sort3A_1214 = arith.constant dense<true> : vector<16xi1>
            %masked_sort3A_1215, %masked_sort3A_1216, %masked_sort3A_1217 = tpu.sort %select_n3A_1212, %select_n3A_1213 masked %masked_sort3A_1214 : (vector<16xf32>, vector<16xi32>, vector<16xi1>) -> (vector<16xi1>, vector<16xf32>, vector<16xi32>)
            %get3A_1218 = arith.constant 80 : index
            %get3A_1219 = tpu.vector_load %arg14[%get3A_1218] {strides = array<i32>} : memref<256xf32, #tpu.memory_space<vmem>>, vector<16xf32>,
            %get3A_1220 = arith.constant 80 : index
            %get3A_1221 = tpu.vector_load %arg15[%get3A_1220] {strides = array<i32>} : memref<256xi32, #tpu.memory_space<vmem>>, vector<16xi32>,
            %add3A_1222 = arith.constant 80 : i32
            %add3A_1223 = vector.broadcast %add3A_1222 : i32 to vector<16xi32>
            %add3A_1224 = arith.addi %add3A_1223, %iota3A : vector<16xi32>
            %lt3A_1225 = vector.broadcast %reduce_max3A_1048 : i32 to vector<16xi32>
            %lt3A_1226 = arith.cmpi slt, %add3A_1224, %lt3A_1225 : vector<16xi32>
            %jit3A_1227 = arith.constant 1.000000e+30 : f32
            %broadcast_in_dim3A_1228 = vector.broadcast %jit3A_1227 : f32 to vector<16xf32>
            %select_n3A_1229 = arith.select %lt3A_1226, %get3A_1219, %broadcast_in_dim3A_1228 : vector<16xi1>, vector<16xf32>
            %masked_sort3A_1230 = arith.constant dense<true> : vector<16xi1>
            %masked_sort3A_1231, %masked_sort3A_1232, %masked_sort3A_1233 = tpu.sort %select_n3A_1229, %get3A_1221 masked %masked_sort3A_1230 : (vector<16xf32>, vector<16xi32>, vector<16xi1>) -> (vector<16xi1>, vector<16xf32>, vector<16xi32>)
            %rev3A_1234 = arith.constant 15 : i32
            %rev3A_1235 = vector.broadcast %rev3A_1234 : i32 to vector<16xi32>
            %rev3A_1236 = tpu.iota {dimensions = array<i32: 0>} : vector<16xi32>
            %rev3A_1237 = arith.subi %rev3A_1235, %rev3A_1236 : vector<16xi32>
            %rev3A_1238 = tpu.dynamic_gather %masked_sort3A_1216[%rev3A_1237] in [0] : vector<16xf32>, vector<16xi32> -> vector<16xf32>
            %rev3A_1239 = arith.constant 15 : i32
            %rev3A_1240 = vector.broadcast %rev3A_1239 : i32 to vector<16xi32>
            %rev3A_1241 = tpu.iota {dimensions = array<i32: 0>} : vector<16xi32>
            %rev3A_1242 = arith.subi %rev3A_1240, %rev3A_1241 : vector<16xi32>
            %rev3A_1243 = tpu.dynamic_gather %masked_sort3A_1217[%rev3A_1242] in [0] : vector<16xi32>, vector<16xi32> -> vector<16xi32>
            %le3A_1244 = arith.cmpf ole, %masked_sort3A_1232, %rev3A_1238 : vector<16xf32>
            %select_n3A_1245 = arith.select %le3A_1244, %masked_sort3A_1232, %rev3A_1238 : vector<16xi1>, vector<16xf32>
            %select_n3A_1246 = arith.select %le3A_1244, %masked_sort3A_1233, %rev3A_1243 : vector<16xi1>, vector<16xi32>
            %masked_sort3A_1247 = arith.constant dense<true> : vector<16xi1>
            %masked_sort3A_1248, %masked_sort3A_1249, %masked_sort3A_1250 = tpu.sort %select_n3A_1245, %select_n3A_1246 masked %masked_sort3A_1247 : (vector<16xf32>, vector<16xi32>, vector<16xi1>) -> (vector<16xi1>, vector<16xf32>, vector<16xi32>)
            %get3A_1251 = arith.constant 96 : index
            %get3A_1252 = tpu.vector_load %arg14[%get3A_1251] {strides = array<i32>} : memref<256xf32, #tpu.memory_space<vmem>>, vector<16xf32>,
            %get3A_1253 = arith.constant 96 : index
            %get3A_1254 = tpu.vector_load %arg15[%get3A_1253] {strides = array<i32>} : memref<256xi32, #tpu.memory_space<vmem>>, vector<16xi32>,
            %add3A_1255 = arith.constant 96 : i32
            %add3A_1256 = vector.broadcast %add3A_1255 : i32 to vector<16xi32>
            %add3A_1257 = arith.addi %add3A_1256, %iota3A : vector<16xi32>
            %lt3A_1258 = vector.broadcast %reduce_max3A_1048 : i32 to vector<16xi32>
            %lt3A_1259 = arith.cmpi slt, %add3A_1257, %lt3A_1258 : vector<16xi32>
            %jit3A_1260 = arith.constant 1.000000e+30 : f32
            %broadcast_in_dim3A_1261 = vector.broadcast %jit3A_1260 : f32 to vector<16xf32>
            %select_n3A_1262 = arith.select %lt3A_1259, %get3A_1252, %broadcast_in_dim3A_1261 : vector<16xi1>, vector<16xf32>
            %masked_sort3A_1263 = arith.constant dense<true> : vector<16xi1>
            %masked_sort3A_1264, %masked_sort3A_1265, %masked_sort3A_1266 = tpu.sort %select_n3A_1262, %get3A_1254 masked %masked_sort3A_1263 : (vector<16xf32>, vector<16xi32>, vector<16xi1>) -> (vector<16xi1>, vector<16xf32>, vector<16xi32>)
            %rev3A_1267 = arith.constant 15 : i32
            %rev3A_1268 = vector.broadcast %rev3A_1267 : i32 to vector<16xi32>
            %rev3A_1269 = tpu.iota {dimensions = array<i32: 0>} : vector<16xi32>
            %rev3A_1270 = arith.subi %rev3A_1268, %rev3A_1269 : vector<16xi32>
            %rev3A_1271 = tpu.dynamic_gather %masked_sort3A_1249[%rev3A_1270] in [0] : vector<16xf32>, vector<16xi32> -> vector<16xf32>
            %rev3A_1272 = arith.constant 15 : i32
            %rev3A_1273 = vector.broadcast %rev3A_1272 : i32 to vector<16xi32>
            %rev3A_1274 = tpu.iota {dimensions = array<i32: 0>} : vector<16xi32>
            %rev3A_1275 = arith.subi %rev3A_1273, %rev3A_1274 : vector<16xi32>
            %rev3A_1276 = tpu.dynamic_gather %masked_sort3A_1250[%rev3A_1275] in [0] : vector<16xi32>, vector<16xi32> -> vector<16xi32>
            %le3A_1277 = arith.cmpf ole, %masked_sort3A_1265, %rev3A_1271 : vector<16xf32>
            %select_n3A_1278 = arith.select %le3A_1277, %masked_sort3A_1265, %rev3A_1271 : vector<16xi1>, vector<16xf32>
            %select_n3A_1279 = arith.select %le3A_1277, %masked_sort3A_1266, %rev3A_1276 : vector<16xi1>, vector<16xi32>
            %masked_sort3A_1280 = arith.constant dense<true> : vector<16xi1>
            %masked_sort3A_1281, %masked_sort3A_1282, %masked_sort3A_1283 = tpu.sort %select_n3A_1278, %select_n3A_1279 masked %masked_sort3A_1280 : (vector<16xf32>, vector<16xi32>, vector<16xi1>) -> (vector<16xi1>, vector<16xf32>, vector<16xi32>)
            %get3A_1284 = arith.constant 112 : index
            %get3A_1285 = tpu.vector_load %arg14[%get3A_1284] {strides = array<i32>} : memref<256xf32, #tpu.memory_space<vmem>>, vector<16xf32>,
            %get3A_1286 = arith.constant 112 : index
            %get3A_1287 = tpu.vector_load %arg15[%get3A_1286] {strides = array<i32>} : memref<256xi32, #tpu.memory_space<vmem>>, vector<16xi32>,
            %add3A_1288 = arith.constant 112 : i32
            %add3A_1289 = vector.broadcast %add3A_1288 : i32 to vector<16xi32>
            %add3A_1290 = arith.addi %add3A_1289, %iota3A : vector<16xi32>
            %lt3A_1291 = vector.broadcast %reduce_max3A_1048 : i32 to vector<16xi32>
            %lt3A_1292 = arith.cmpi slt, %add3A_1290, %lt3A_1291 : vector<16xi32>
            %jit3A_1293 = arith.constant 1.000000e+30 : f32
            %broadcast_in_dim3A_1294 = vector.broadcast %jit3A_1293 : f32 to vector<16xf32>
            %select_n3A_1295 = arith.select %lt3A_1292, %get3A_1285, %broadcast_in_dim3A_1294 : vector<16xi1>, vector<16xf32>
            %masked_sort3A_1296 = arith.constant dense<true> : vector<16xi1>
            %masked_sort3A_1297, %masked_sort3A_1298, %masked_sort3A_1299 = tpu.sort %select_n3A_1295, %get3A_1287 masked %masked_sort3A_1296 : (vector<16xf32>, vector<16xi32>, vector<16xi1>) -> (vector<16xi1>, vector<16xf32>, vector<16xi32>)
            %rev3A_1300 = arith.constant 15 : i32
            %rev3A_1301 = vector.broadcast %rev3A_1300 : i32 to vector<16xi32>
            %rev3A_1302 = tpu.iota {dimensions = array<i32: 0>} : vector<16xi32>
            %rev3A_1303 = arith.subi %rev3A_1301, %rev3A_1302 : vector<16xi32>
            %rev3A_1304 = tpu.dynamic_gather %masked_sort3A_1282[%rev3A_1303] in [0] : vector<16xf32>, vector<16xi32> -> vector<16xf32>
            %rev3A_1305 = arith.constant 15 : i32
            %rev3A_1306 = vector.broadcast %rev3A_1305 : i32 to vector<16xi32>
            %rev3A_1307 = tpu.iota {dimensions = array<i32: 0>} : vector<16xi32>
            %rev3A_1308 = arith.subi %rev3A_1306, %rev3A_1307 : vector<16xi32>
            %rev3A_1309 = tpu.dynamic_gather %masked_sort3A_1283[%rev3A_1308] in [0] : vector<16xi32>, vector<16xi32> -> vector<16xi32>
            %le3A_1310 = arith.cmpf ole, %masked_sort3A_1298, %rev3A_1304 : vector<16xf32>
            %select_n3A_1311 = arith.select %le3A_1310, %masked_sort3A_1298, %rev3A_1304 : vector<16xi1>, vector<16xf32>
            %select_n3A_1312 = arith.select %le3A_1310, %masked_sort3A_1299, %rev3A_1309 : vector<16xi1>, vector<16xi32>
            %masked_sort3A_1313 = arith.constant dense<true> : vector<16xi1>
            %masked_sort3A_1314, %masked_sort3A_1315, %masked_sort3A_1316 = tpu.sort %select_n3A_1311, %select_n3A_1312 masked %masked_sort3A_1313 : (vector<16xf32>, vector<16xi32>, vector<16xi1>) -> (vector<16xi1>, vector<16xf32>, vector<16xi32>)
            %get3A_1317 = arith.constant 128 : index
            %get3A_1318 = tpu.vector_load %arg14[%get3A_1317] {strides = array<i32>} : memref<256xf32, #tpu.memory_space<vmem>>, vector<16xf32>,
            %get3A_1319 = arith.constant 128 : index
            %get3A_1320 = tpu.vector_load %arg15[%get3A_1319] {strides = array<i32>} : memref<256xi32, #tpu.memory_space<vmem>>, vector<16xi32>,
            %add3A_1321 = arith.constant 128 : i32
            %add3A_1322 = vector.broadcast %add3A_1321 : i32 to vector<16xi32>
            %add3A_1323 = arith.addi %add3A_1322, %iota3A : vector<16xi32>
            %lt3A_1324 = vector.broadcast %reduce_max3A_1048 : i32 to vector<16xi32>
            %lt3A_1325 = arith.cmpi slt, %add3A_1323, %lt3A_1324 : vector<16xi32>
            %jit3A_1326 = arith.constant 1.000000e+30 : f32
            %broadcast_in_dim3A_1327 = vector.broadcast %jit3A_1326 : f32 to vector<16xf32>
            %select_n3A_1328 = arith.select %lt3A_1325, %get3A_1318, %broadcast_in_dim3A_1327 : vector<16xi1>, vector<16xf32>
            %masked_sort3A_1329 = arith.constant dense<true> : vector<16xi1>
            %masked_sort3A_1330, %masked_sort3A_1331, %masked_sort3A_1332 = tpu.sort %select_n3A_1328, %get3A_1320 masked %masked_sort3A_1329 : (vector<16xf32>, vector<16xi32>, vector<16xi1>) -> (vector<16xi1>, vector<16xf32>, vector<16xi32>)
            %rev3A_1333 = arith.constant 15 : i32
            %rev3A_1334 = vector.broadcast %rev3A_1333 : i32 to vector<16xi32>
            %rev3A_1335 = tpu.iota {dimensions = array<i32: 0>} : vector<16xi32>
            %rev3A_1336 = arith.subi %rev3A_1334, %rev3A_1335 : vector<16xi32>
            %rev3A_1337 = tpu.dynamic_gather %masked_sort3A_1315[%rev3A_1336] in [0] : vector<16xf32>, vector<16xi32> -> vector<16xf32>
            %rev3A_1338 = arith.constant 15 : i32
            %rev3A_1339 = vector.broadcast %rev3A_1338 : i32 to vector<16xi32>
            %rev3A_1340 = tpu.iota {dimensions = array<i32: 0>} : vector<16xi32>
            %rev3A_1341 = arith.subi %rev3A_1339, %rev3A_1340 : vector<16xi32>
            %rev3A_1342 = tpu.dynamic_gather %masked_sort3A_1316[%rev3A_1341] in [0] : vector<16xi32>, vector<16xi32> -> vector<16xi32>
            %le3A_1343 = arith.cmpf ole, %masked_sort3A_1331, %rev3A_1337 : vector<16xf32>
            %select_n3A_1344 = arith.select %le3A_1343, %masked_sort3A_1331, %rev3A_1337 : vector<16xi1>, vector<16xf32>
            %select_n3A_1345 = arith.select %le3A_1343, %masked_sort3A_1332, %rev3A_1342 : vector<16xi1>, vector<16xi32>
            %masked_sort3A_1346 = arith.constant dense<true> : vector<16xi1>
            %masked_sort3A_1347, %masked_sort3A_1348, %masked_sort3A_1349 = tpu.sort %select_n3A_1344, %select_n3A_1345 masked %masked_sort3A_1346 : (vector<16xf32>, vector<16xi32>, vector<16xi1>) -> (vector<16xi1>, vector<16xf32>, vector<16xi32>)
            %get3A_1350 = arith.constant 144 : index
            %get3A_1351 = tpu.vector_load %arg14[%get3A_1350] {strides = array<i32>} : memref<256xf32, #tpu.memory_space<vmem>>, vector<16xf32>,
            %get3A_1352 = arith.constant 144 : index
            %get3A_1353 = tpu.vector_load %arg15[%get3A_1352] {strides = array<i32>} : memref<256xi32, #tpu.memory_space<vmem>>, vector<16xi32>,
            %add3A_1354 = arith.constant 144 : i32
            %add3A_1355 = vector.broadcast %add3A_1354 : i32 to vector<16xi32>
            %add3A_1356 = arith.addi %add3A_1355, %iota3A : vector<16xi32>
            %lt3A_1357 = vector.broadcast %reduce_max3A_1048 : i32 to vector<16xi32>
            %lt3A_1358 = arith.cmpi slt, %add3A_1356, %lt3A_1357 : vector<16xi32>
            %jit3A_1359 = arith.constant 1.000000e+30 : f32
            %broadcast_in_dim3A_1360 = vector.broadcast %jit3A_1359 : f32 to vector<16xf32>
            %select_n3A_1361 = arith.select %lt3A_1358, %get3A_1351, %broadcast_in_dim3A_1360 : vector<16xi1>, vector<16xf32>
            %masked_sort3A_1362 = arith.constant dense<true> : vector<16xi1>
            %masked_sort3A_1363, %masked_sort3A_1364, %masked_sort3A_1365 = tpu.sort %select_n3A_1361, %get3A_1353 masked %masked_sort3A_1362 : (vector<16xf32>, vector<16xi32>, vector<16xi1>) -> (vector<16xi1>, vector<16xf32>, vector<16xi32>)
            %rev3A_1366 = arith.constant 15 : i32
            %rev3A_1367 = vector.broadcast %rev3A_1366 : i32 to vector<16xi32>
            %rev3A_1368 = tpu.iota {dimensions = array<i32: 0>} : vector<16xi32>
            %rev3A_1369 = arith.subi %rev3A_1367, %rev3A_1368 : vector<16xi32>
            %rev3A_1370 = tpu.dynamic_gather %masked_sort3A_1348[%rev3A_1369] in [0] : vector<16xf32>, vector<16xi32> -> vector<16xf32>
            %rev3A_1371 = arith.constant 15 : i32
            %rev3A_1372 = vector.broadcast %rev3A_1371 : i32 to vector<16xi32>
            %rev3A_1373 = tpu.iota {dimensions = array<i32: 0>} : vector<16xi32>
            %rev3A_1374 = arith.subi %rev3A_1372, %rev3A_1373 : vector<16xi32>
            %rev3A_1375 = tpu.dynamic_gather %masked_sort3A_1349[%rev3A_1374] in [0] : vector<16xi32>, vector<16xi32> -> vector<16xi32>
            %le3A_1376 = arith.cmpf ole, %masked_sort3A_1364, %rev3A_1370 : vector<16xf32>
            %select_n3A_1377 = arith.select %le3A_1376, %masked_sort3A_1364, %rev3A_1370 : vector<16xi1>, vector<16xf32>
            %select_n3A_1378 = arith.select %le3A_1376, %masked_sort3A_1365, %rev3A_1375 : vector<16xi1>, vector<16xi32>
            %masked_sort3A_1379 = arith.constant dense<true> : vector<16xi1>
            %masked_sort3A_1380, %masked_sort3A_1381, %masked_sort3A_1382 = tpu.sort %select_n3A_1377, %select_n3A_1378 masked %masked_sort3A_1379 : (vector<16xf32>, vector<16xi32>, vector<16xi1>) -> (vector<16xi1>, vector<16xf32>, vector<16xi32>)
            %get3A_1383 = arith.constant 160 : index
            %get3A_1384 = tpu.vector_load %arg14[%get3A_1383] {strides = array<i32>} : memref<256xf32, #tpu.memory_space<vmem>>, vector<16xf32>,
            %get3A_1385 = arith.constant 160 : index
            %get3A_1386 = tpu.vector_load %arg15[%get3A_1385] {strides = array<i32>} : memref<256xi32, #tpu.memory_space<vmem>>, vector<16xi32>,
            %add3A_1387 = arith.constant 160 : i32
            %add3A_1388 = vector.broadcast %add3A_1387 : i32 to vector<16xi32>
            %add3A_1389 = arith.addi %add3A_1388, %iota3A : vector<16xi32>
            %lt3A_1390 = vector.broadcast %reduce_max3A_1048 : i32 to vector<16xi32>
            %lt3A_1391 = arith.cmpi slt, %add3A_1389, %lt3A_1390 : vector<16xi32>
            %jit3A_1392 = arith.constant 1.000000e+30 : f32
            %broadcast_in_dim3A_1393 = vector.broadcast %jit3A_1392 : f32 to vector<16xf32>
            %select_n3A_1394 = arith.select %lt3A_1391, %get3A_1384, %broadcast_in_dim3A_1393 : vector<16xi1>, vector<16xf32>
            %masked_sort3A_1395 = arith.constant dense<true> : vector<16xi1>
            %masked_sort3A_1396, %masked_sort3A_1397, %masked_sort3A_1398 = tpu.sort %select_n3A_1394, %get3A_1386 masked %masked_sort3A_1395 : (vector<16xf32>, vector<16xi32>, vector<16xi1>) -> (vector<16xi1>, vector<16xf32>, vector<16xi32>)
            %rev3A_1399 = arith.constant 15 : i32
            %rev3A_1400 = vector.broadcast %rev3A_1399 : i32 to vector<16xi32>
            %rev3A_1401 = tpu.iota {dimensions = array<i32: 0>} : vector<16xi32>
            %rev3A_1402 = arith.subi %rev3A_1400, %rev3A_1401 : vector<16xi32>
            %rev3A_1403 = tpu.dynamic_gather %masked_sort3A_1381[%rev3A_1402] in [0] : vector<16xf32>, vector<16xi32> -> vector<16xf32>
            %rev3A_1404 = arith.constant 15 : i32
            %rev3A_1405 = vector.broadcast %rev3A_1404 : i32 to vector<16xi32>
            %rev3A_1406 = tpu.iota {dimensions = array<i32: 0>} : vector<16xi32>
            %rev3A_1407 = arith.subi %rev3A_1405, %rev3A_1406 : vector<16xi32>
            %rev3A_1408 = tpu.dynamic_gather %masked_sort3A_1382[%rev3A_1407] in [0] : vector<16xi32>, vector<16xi32> -> vector<16xi32>
            %le3A_1409 = arith.cmpf ole, %masked_sort3A_1397, %rev3A_1403 : vector<16xf32>
            %select_n3A_1410 = arith.select %le3A_1409, %masked_sort3A_1397, %rev3A_1403 : vector<16xi1>, vector<16xf32>
            %select_n3A_1411 = arith.select %le3A_1409, %masked_sort3A_1398, %rev3A_1408 : vector<16xi1>, vector<16xi32>
            %masked_sort3A_1412 = arith.constant dense<true> : vector<16xi1>
            %masked_sort3A_1413, %masked_sort3A_1414, %masked_sort3A_1415 = tpu.sort %select_n3A_1410, %select_n3A_1411 masked %masked_sort3A_1412 : (vector<16xf32>, vector<16xi32>, vector<16xi1>) -> (vector<16xi1>, vector<16xf32>, vector<16xi32>)
            %get3A_1416 = arith.constant 176 : index
            %get3A_1417 = tpu.vector_load %arg14[%get3A_1416] {strides = array<i32>} : memref<256xf32, #tpu.memory_space<vmem>>, vector<16xf32>,
            %get3A_1418 = arith.constant 176 : index
            %get3A_1419 = tpu.vector_load %arg15[%get3A_1418] {strides = array<i32>} : memref<256xi32, #tpu.memory_space<vmem>>, vector<16xi32>,
            %add3A_1420 = arith.constant 176 : i32
            %add3A_1421 = vector.broadcast %add3A_1420 : i32 to vector<16xi32>
            %add3A_1422 = arith.addi %add3A_1421, %iota3A : vector<16xi32>
            %lt3A_1423 = vector.broadcast %reduce_max3A_1048 : i32 to vector<16xi32>
            %lt3A_1424 = arith.cmpi slt, %add3A_1422, %lt3A_1423 : vector<16xi32>
            %jit3A_1425 = arith.constant 1.000000e+30 : f32
            %broadcast_in_dim3A_1426 = vector.broadcast %jit3A_1425 : f32 to vector<16xf32>
            %select_n3A_1427 = arith.select %lt3A_1424, %get3A_1417, %broadcast_in_dim3A_1426 : vector<16xi1>, vector<16xf32>
            %masked_sort3A_1428 = arith.constant dense<true> : vector<16xi1>
            %masked_sort3A_1429, %masked_sort3A_1430, %masked_sort3A_1431 = tpu.sort %select_n3A_1427, %get3A_1419 masked %masked_sort3A_1428 : (vector<16xf32>, vector<16xi32>, vector<16xi1>) -> (vector<16xi1>, vector<16xf32>, vector<16xi32>)
            %rev3A_1432 = arith.constant 15 : i32
            %rev3A_1433 = vector.broadcast %rev3A_1432 : i32 to vector<16xi32>
            %rev3A_1434 = tpu.iota {dimensions = array<i32: 0>} : vector<16xi32>
            %rev3A_1435 = arith.subi %rev3A_1433, %rev3A_1434 : vector<16xi32>
            %rev3A_1436 = tpu.dynamic_gather %masked_sort3A_1414[%rev3A_1435] in [0] : vector<16xf32>, vector<16xi32> -> vector<16xf32>
            %rev3A_1437 = arith.constant 15 : i32
            %rev3A_1438 = vector.broadcast %rev3A_1437 : i32 to vector<16xi32>
            %rev3A_1439 = tpu.iota {dimensions = array<i32: 0>} : vector<16xi32>
            %rev3A_1440 = arith.subi %rev3A_1438, %rev3A_1439 : vector<16xi32>
            %rev3A_1441 = tpu.dynamic_gather %masked_sort3A_1415[%rev3A_1440] in [0] : vector<16xi32>, vector<16xi32> -> vector<16xi32>
            %le3A_1442 = arith.cmpf ole, %masked_sort3A_1430, %rev3A_1436 : vector<16xf32>
            %select_n3A_1443 = arith.select %le3A_1442, %masked_sort3A_1430, %rev3A_1436 : vector<16xi1>, vector<16xf32>
            %select_n3A_1444 = arith.select %le3A_1442, %masked_sort3A_1431, %rev3A_1441 : vector<16xi1>, vector<16xi32>
            %masked_sort3A_1445 = arith.constant dense<true> : vector<16xi1>
            %masked_sort3A_1446, %masked_sort3A_1447, %masked_sort3A_1448 = tpu.sort %select_n3A_1443, %select_n3A_1444 masked %masked_sort3A_1445 : (vector<16xf32>, vector<16xi32>, vector<16xi1>) -> (vector<16xi1>, vector<16xf32>, vector<16xi32>)
            %get3A_1449 = arith.constant 192 : index
            %get3A_1450 = tpu.vector_load %arg14[%get3A_1449] {strides = array<i32>} : memref<256xf32, #tpu.memory_space<vmem>>, vector<16xf32>,
            %get3A_1451 = arith.constant 192 : index
            %get3A_1452 = tpu.vector_load %arg15[%get3A_1451] {strides = array<i32>} : memref<256xi32, #tpu.memory_space<vmem>>, vector<16xi32>,
            %add3A_1453 = arith.constant 192 : i32
            %add3A_1454 = vector.broadcast %add3A_1453 : i32 to vector<16xi32>
            %add3A_1455 = arith.addi %add3A_1454, %iota3A : vector<16xi32>
            %lt3A_1456 = vector.broadcast %reduce_max3A_1048 : i32 to vector<16xi32>
            %lt3A_1457 = arith.cmpi slt, %add3A_1455, %lt3A_1456 : vector<16xi32>
            %jit3A_1458 = arith.constant 1.000000e+30 : f32
            %broadcast_in_dim3A_1459 = vector.broadcast %jit3A_1458 : f32 to vector<16xf32>
            %select_n3A_1460 = arith.select %lt3A_1457, %get3A_1450, %broadcast_in_dim3A_1459 : vector<16xi1>, vector<16xf32>
            %masked_sort3A_1461 = arith.constant dense<true> : vector<16xi1>
            %masked_sort3A_1462, %masked_sort3A_1463, %masked_sort3A_1464 = tpu.sort %select_n3A_1460, %get3A_1452 masked %masked_sort3A_1461 : (vector<16xf32>, vector<16xi32>, vector<16xi1>) -> (vector<16xi1>, vector<16xf32>, vector<16xi32>)
            %rev3A_1465 = arith.constant 15 : i32
            %rev3A_1466 = vector.broadcast %rev3A_1465 : i32 to vector<16xi32>
            %rev3A_1467 = tpu.iota {dimensions = array<i32: 0>} : vector<16xi32>
            %rev3A_1468 = arith.subi %rev3A_1466, %rev3A_1467 : vector<16xi32>
            %rev3A_1469 = tpu.dynamic_gather %masked_sort3A_1447[%rev3A_1468] in [0] : vector<16xf32>, vector<16xi32> -> vector<16xf32>
            %rev3A_1470 = arith.constant 15 : i32
            %rev3A_1471 = vector.broadcast %rev3A_1470 : i32 to vector<16xi32>
            %rev3A_1472 = tpu.iota {dimensions = array<i32: 0>} : vector<16xi32>
            %rev3A_1473 = arith.subi %rev3A_1471, %rev3A_1472 : vector<16xi32>
            %rev3A_1474 = tpu.dynamic_gather %masked_sort3A_1448[%rev3A_1473] in [0] : vector<16xi32>, vector<16xi32> -> vector<16xi32>
            %le3A_1475 = arith.cmpf ole, %masked_sort3A_1463, %rev3A_1469 : vector<16xf32>
            %select_n3A_1476 = arith.select %le3A_1475, %masked_sort3A_1463, %rev3A_1469 : vector<16xi1>, vector<16xf32>
            %select_n3A_1477 = arith.select %le3A_1475, %masked_sort3A_1464, %rev3A_1474 : vector<16xi1>, vector<16xi32>
            %masked_sort3A_1478 = arith.constant dense<true> : vector<16xi1>
            %masked_sort3A_1479, %masked_sort3A_1480, %masked_sort3A_1481 = tpu.sort %select_n3A_1476, %select_n3A_1477 masked %masked_sort3A_1478 : (vector<16xf32>, vector<16xi32>, vector<16xi1>) -> (vector<16xi1>, vector<16xf32>, vector<16xi32>)
            %get3A_1482 = arith.constant 208 : index
            %get3A_1483 = tpu.vector_load %arg14[%get3A_1482] {strides = array<i32>} : memref<256xf32, #tpu.memory_space<vmem>>, vector<16xf32>,
            %get3A_1484 = arith.constant 208 : index
            %get3A_1485 = tpu.vector_load %arg15[%get3A_1484] {strides = array<i32>} : memref<256xi32, #tpu.memory_space<vmem>>, vector<16xi32>,
            %add3A_1486 = arith.constant 208 : i32
            %add3A_1487 = vector.broadcast %add3A_1486 : i32 to vector<16xi32>
            %add3A_1488 = arith.addi %add3A_1487, %iota3A : vector<16xi32>
            %lt3A_1489 = vector.broadcast %reduce_max3A_1048 : i32 to vector<16xi32>
            %lt3A_1490 = arith.cmpi slt, %add3A_1488, %lt3A_1489 : vector<16xi32>
            %jit3A_1491 = arith.constant 1.000000e+30 : f32
            %broadcast_in_dim3A_1492 = vector.broadcast %jit3A_1491 : f32 to vector<16xf32>
            %select_n3A_1493 = arith.select %lt3A_1490, %get3A_1483, %broadcast_in_dim3A_1492 : vector<16xi1>, vector<16xf32>
            %masked_sort3A_1494 = arith.constant dense<true> : vector<16xi1>
            %masked_sort3A_1495, %masked_sort3A_1496, %masked_sort3A_1497 = tpu.sort %select_n3A_1493, %get3A_1485 masked %masked_sort3A_1494 : (vector<16xf32>, vector<16xi32>, vector<16xi1>) -> (vector<16xi1>, vector<16xf32>, vector<16xi32>)
            %rev3A_1498 = arith.constant 15 : i32
            %rev3A_1499 = vector.broadcast %rev3A_1498 : i32 to vector<16xi32>
            %rev3A_1500 = tpu.iota {dimensions = array<i32: 0>} : vector<16xi32>
            %rev3A_1501 = arith.subi %rev3A_1499, %rev3A_1500 : vector<16xi32>
            %rev3A_1502 = tpu.dynamic_gather %masked_sort3A_1480[%rev3A_1501] in [0] : vector<16xf32>, vector<16xi32> -> vector<16xf32>
            %rev3A_1503 = arith.constant 15 : i32
            %rev3A_1504 = vector.broadcast %rev3A_1503 : i32 to vector<16xi32>
            %rev3A_1505 = tpu.iota {dimensions = array<i32: 0>} : vector<16xi32>
            %rev3A_1506 = arith.subi %rev3A_1504, %rev3A_1505 : vector<16xi32>
            %rev3A_1507 = tpu.dynamic_gather %masked_sort3A_1481[%rev3A_1506] in [0] : vector<16xi32>, vector<16xi32> -> vector<16xi32>
            %le3A_1508 = arith.cmpf ole, %masked_sort3A_1496, %rev3A_1502 : vector<16xf32>
            %select_n3A_1509 = arith.select %le3A_1508, %masked_sort3A_1496, %rev3A_1502 : vector<16xi1>, vector<16xf32>
            %select_n3A_1510 = arith.select %le3A_1508, %masked_sort3A_1497, %rev3A_1507 : vector<16xi1>, vector<16xi32>
            %masked_sort3A_1511 = arith.constant dense<true> : vector<16xi1>
            %masked_sort3A_1512, %masked_sort3A_1513, %masked_sort3A_1514 = tpu.sort %select_n3A_1509, %select_n3A_1510 masked %masked_sort3A_1511 : (vector<16xf32>, vector<16xi32>, vector<16xi1>) -> (vector<16xi1>, vector<16xf32>, vector<16xi32>)
            %get3A_1515 = arith.constant 224 : index
            %get3A_1516 = tpu.vector_load %arg14[%get3A_1515] {strides = array<i32>} : memref<256xf32, #tpu.memory_space<vmem>>, vector<16xf32>,
            %get3A_1517 = arith.constant 224 : index
            %get3A_1518 = tpu.vector_load %arg15[%get3A_1517] {strides = array<i32>} : memref<256xi32, #tpu.memory_space<vmem>>, vector<16xi32>,
            %add3A_1519 = arith.constant 224 : i32
            %add3A_1520 = vector.broadcast %add3A_1519 : i32 to vector<16xi32>
            %add3A_1521 = arith.addi %add3A_1520, %iota3A : vector<16xi32>
            %lt3A_1522 = vector.broadcast %reduce_max3A_1048 : i32 to vector<16xi32>
            %lt3A_1523 = arith.cmpi slt, %add3A_1521, %lt3A_1522 : vector<16xi32>
            %jit3A_1524 = arith.constant 1.000000e+30 : f32
            %broadcast_in_dim3A_1525 = vector.broadcast %jit3A_1524 : f32 to vector<16xf32>
            %select_n3A_1526 = arith.select %lt3A_1523, %get3A_1516, %broadcast_in_dim3A_1525 : vector<16xi1>, vector<16xf32>
            %masked_sort3A_1527 = arith.constant dense<true> : vector<16xi1>
            %masked_sort3A_1528, %masked_sort3A_1529, %masked_sort3A_1530 = tpu.sort %select_n3A_1526, %get3A_1518 masked %masked_sort3A_1527 : (vector<16xf32>, vector<16xi32>, vector<16xi1>) -> (vector<16xi1>, vector<16xf32>, vector<16xi32>)
            %rev3A_1531 = arith.constant 15 : i32
            %rev3A_1532 = vector.broadcast %rev3A_1531 : i32 to vector<16xi32>
            %rev3A_1533 = tpu.iota {dimensions = array<i32: 0>} : vector<16xi32>
            %rev3A_1534 = arith.subi %rev3A_1532, %rev3A_1533 : vector<16xi32>
            %rev3A_1535 = tpu.dynamic_gather %masked_sort3A_1513[%rev3A_1534] in [0] : vector<16xf32>, vector<16xi32> -> vector<16xf32>
            %rev3A_1536 = arith.constant 15 : i32
            %rev3A_1537 = vector.broadcast %rev3A_1536 : i32 to vector<16xi32>
            %rev3A_1538 = tpu.iota {dimensions = array<i32: 0>} : vector<16xi32>
            %rev3A_1539 = arith.subi %rev3A_1537, %rev3A_1538 : vector<16xi32>
            %rev3A_1540 = tpu.dynamic_gather %masked_sort3A_1514[%rev3A_1539] in [0] : vector<16xi32>, vector<16xi32> -> vector<16xi32>
            %le3A_1541 = arith.cmpf ole, %masked_sort3A_1529, %rev3A_1535 : vector<16xf32>
            %select_n3A_1542 = arith.select %le3A_1541, %masked_sort3A_1529, %rev3A_1535 : vector<16xi1>, vector<16xf32>
            %select_n3A_1543 = arith.select %le3A_1541, %masked_sort3A_1530, %rev3A_1540 : vector<16xi1>, vector<16xi32>
            %masked_sort3A_1544 = arith.constant dense<true> : vector<16xi1>
            %masked_sort3A_1545, %masked_sort3A_1546, %masked_sort3A_1547 = tpu.sort %select_n3A_1542, %select_n3A_1543 masked %masked_sort3A_1544 : (vector<16xf32>, vector<16xi32>, vector<16xi1>) -> (vector<16xi1>, vector<16xf32>, vector<16xi32>)
            %get3A_1548 = arith.constant 240 : index
            %get3A_1549 = tpu.vector_load %arg14[%get3A_1548] {strides = array<i32>} : memref<256xf32, #tpu.memory_space<vmem>>, vector<16xf32>,
            %get3A_1550 = arith.constant 240 : index
            %get3A_1551 = tpu.vector_load %arg15[%get3A_1550] {strides = array<i32>} : memref<256xi32, #tpu.memory_space<vmem>>, vector<16xi32>,
            %add3A_1552 = arith.constant 240 : i32
            %add3A_1553 = vector.broadcast %add3A_1552 : i32 to vector<16xi32>
            %add3A_1554 = arith.addi %add3A_1553, %iota3A : vector<16xi32>
            %lt3A_1555 = vector.broadcast %reduce_max3A_1048 : i32 to vector<16xi32>
            %lt3A_1556 = arith.cmpi slt, %add3A_1554, %lt3A_1555 : vector<16xi32>
            %jit3A_1557 = arith.constant 1.000000e+30 : f32
            %broadcast_in_dim3A_1558 = vector.broadcast %jit3A_1557 : f32 to vector<16xf32>
            %select_n3A_1559 = arith.select %lt3A_1556, %get3A_1549, %broadcast_in_dim3A_1558 : vector<16xi1>, vector<16xf32>
            %masked_sort3A_1560 = arith.constant dense<true> : vector<16xi1>
            %masked_sort3A_1561, %masked_sort3A_1562, %masked_sort3A_1563 = tpu.sort %select_n3A_1559, %get3A_1551 masked %masked_sort3A_1560 : (vector<16xf32>, vector<16xi32>, vector<16xi1>) -> (vector<16xi1>, vector<16xf32>, vector<16xi32>)
            %rev3A_1564 = arith.constant 15 : i32
            %rev3A_1565 = vector.broadcast %rev3A_1564 : i32 to vector<16xi32>
            %rev3A_1566 = tpu.iota {dimensions = array<i32: 0>} : vector<16xi32>
            %rev3A_1567 = arith.subi %rev3A_1565, %rev3A_1566 : vector<16xi32>
            %rev3A_1568 = tpu.dynamic_gather %masked_sort3A_1546[%rev3A_1567] in [0] : vector<16xf32>, vector<16xi32> -> vector<16xf32>
            %rev3A_1569 = arith.constant 15 : i32
            %rev3A_1570 = vector.broadcast %rev3A_1569 : i32 to vector<16xi32>
            %rev3A_1571 = tpu.iota {dimensions = array<i32: 0>} : vector<16xi32>
            %rev3A_1572 = arith.subi %rev3A_1570, %rev3A_1571 : vector<16xi32>
            %rev3A_1573 = tpu.dynamic_gather %masked_sort3A_1547[%rev3A_1572] in [0] : vector<16xi32>, vector<16xi32> -> vector<16xi32>
            %le3A_1574 = arith.cmpf ole, %masked_sort3A_1562, %rev3A_1568 : vector<16xf32>
            %select_n3A_1575 = arith.select %le3A_1574, %masked_sort3A_1562, %rev3A_1568 : vector<16xi1>, vector<16xf32>
            %select_n3A_1576 = arith.select %le3A_1574, %masked_sort3A_1563, %rev3A_1573 : vector<16xi1>, vector<16xi32>
            %masked_sort3A_1577 = arith.constant dense<true> : vector<16xi1>
            %masked_sort3A_1578, %masked_sort3A_1579, %masked_sort3A_1580 = tpu.sort %select_n3A_1575, %select_n3A_1576 masked %masked_sort3A_1577 : (vector<16xf32>, vector<16xi32>, vector<16xi1>) -> (vector<16xi1>, vector<16xf32>, vector<16xi32>)
            %swap3A_1581 = arith.constant 0 : index
            %swap3A_1582 = tpu.vector_load %arg14[%swap3A_1581] {strides = array<i32>} : memref<256xf32, #tpu.memory_space<vmem>>, vector<16xf32>,
            tpu.vector_store %arg14[%swap3A_1581], %masked_sort3A_1579 {strides = array<i32>} : memref<256xf32, #tpu.memory_space<vmem>>, vector<16xf32>,
            %swap3A_1583 = arith.constant 0 : index
            %swap3A_1584 = tpu.vector_load %arg15[%swap3A_1583] {strides = array<i32>} : memref<256xi32, #tpu.memory_space<vmem>>, vector<16xi32>,
            tpu.vector_store %arg15[%swap3A_1583], %masked_sort3A_1580 {strides = array<i32>} : memref<256xi32, #tpu.memory_space<vmem>>, vector<16xi32>,
            %broadcast_in_dim3A_1585 = arith.constant 16 : i32
            %broadcast_in_dim3A_1586 = vector.broadcast %broadcast_in_dim3A_1585 : i32 to vector<16xi32>
            %reduce_max3A_1587 = arith.constant true
            %reduce_max3A_1588 = vector.broadcast %reduce_max3A_1587 : i1 to vector<16xi1>
            %reduce_max3A_1589 = tpu.scan <max>, %masked_sort3A_1579 masked %reduce_max3A_1588 : vector<16xf32>, vector<16xi1> -> vector<16xf32>
            %reduce_max3A_1590 = vector.extract %reduce_max3A_1589[15] : f32 from vector<16xf32>
            scf.yield %broadcast_in_dim3A_1586, %reduce_max3A_1590 : vector<16xi32>, f32
          } else {
            scf.yield %add3A_1027, %scan3A_581 : vector<16xi32>, f32
          }
          scf.yield %cond3A_1040#0, %cond3A_1040#1 : vector<16xi32>, f32
        } else {
          scf.yield %scan3A_580, %scan3A_581 : vector<16xi32>, f32
        }
        scf.yield %cond3A_860#0, %cond3A_860#1 : vector<16xi32>, f32
      }
      %scan3A_42 = arith.constant 125 : i32
      %reduce_max3A = arith.constant true
      %reduce_max3A_43 = vector.broadcast %reduce_max3A : i1 to vector<16xi1>
      %reduce_max3A_44 = arith.constant -2147483648 : i32
      %reduce_max3A_45 = vector.broadcast %reduce_max3A_44 : i32 to vector<16xi32>
      %reduce_max3A_46 = arith.xori %scan3A_41#0, %reduce_max3A_45 : vector<16xi32>
      %reduce_max3A_47 = tpu.scan <max>, %reduce_max3A_46 masked %reduce_max3A_43 : vector<16xi32>, vector<16xi1> -> vector<16xi32>
      %reduce_max3A_48 = arith.xori %reduce_max3A_47, %reduce_max3A_45 : vector<16xi32>
      %reduce_max3A_49 = vector.extract %reduce_max3A_48[15] : i32 from vector<16xi32>
      %broadcast_in_dim3A_50 = arith.constant 1.000000e+30 : f32
      %broadcast_in_dim3A_51 = vector.broadcast %broadcast_in_dim3A_50 : f32 to vector<16xf32>
      %broadcast_in_dim3A_52 = arith.constant 0 : i32
      %broadcast_in_dim3A_53 = vector.broadcast %broadcast_in_dim3A_52 : i32 to vector<16xi32>
      %get3A = arith.constant 0 : index
      %get3A_54 = tpu.vector_load %arg14[%get3A] {strides = array<i32>} : memref<256xf32, #tpu.memory_space<vmem>>, vector<16xf32>,
      %get3A_55 = arith.constant 0 : index
      %get3A_56 = tpu.vector_load %arg15[%get3A_55] {strides = array<i32>} : memref<256xi32, #tpu.memory_space<vmem>>, vector<16xi32>,
      %add3A_57 = arith.constant 0 : i32
      %add3A_58 = vector.broadcast %add3A_57 : i32 to vector<16xi32>
      %add3A_59 = arith.addi %add3A_58, %iota3A : vector<16xi32>
      %lt3A = vector.broadcast %reduce_max3A_49 : i32 to vector<16xi32>
      %lt3A_60 = arith.cmpi slt, %add3A_59, %lt3A : vector<16xi32>
      %jit3A = arith.constant 1.000000e+30 : f32
      %broadcast_in_dim3A_61 = vector.broadcast %jit3A : f32 to vector<16xf32>
      %select_n3A = arith.select %lt3A_60, %get3A_54, %broadcast_in_dim3A_61 : vector<16xi1>, vector<16xf32>
      %masked_sort3A = arith.constant dense<true> : vector<16xi1>
      %masked_sort3A_62, %masked_sort3A_63, %masked_sort3A_64 = tpu.sort %select_n3A, %get3A_56 masked %masked_sort3A : (vector<16xf32>, vector<16xi32>, vector<16xi1>) -> (vector<16xi1>, vector<16xf32>, vector<16xi32>)
      %rev3A = arith.constant 15 : i32
      %rev3A_65 = vector.broadcast %rev3A : i32 to vector<16xi32>
      %rev3A_66 = tpu.iota {dimensions = array<i32: 0>} : vector<16xi32>
      %rev3A_67 = arith.subi %rev3A_65, %rev3A_66 : vector<16xi32>
      %rev3A_68 = tpu.dynamic_gather %broadcast_in_dim3A_51[%rev3A_67] in [0] : vector<16xf32>, vector<16xi32> -> vector<16xf32>
      %rev3A_69 = arith.constant 15 : i32
      %rev3A_70 = vector.broadcast %rev3A_69 : i32 to vector<16xi32>
      %rev3A_71 = tpu.iota {dimensions = array<i32: 0>} : vector<16xi32>
      %rev3A_72 = arith.subi %rev3A_70, %rev3A_71 : vector<16xi32>
      %rev3A_73 = tpu.dynamic_gather %broadcast_in_dim3A_53[%rev3A_72] in [0] : vector<16xi32>, vector<16xi32> -> vector<16xi32>
      %le3A = arith.cmpf ole, %masked_sort3A_63, %rev3A_68 : vector<16xf32>
      %select_n3A_74 = arith.select %le3A, %masked_sort3A_63, %rev3A_68 : vector<16xi1>, vector<16xf32>
      %select_n3A_75 = arith.select %le3A, %masked_sort3A_64, %rev3A_73 : vector<16xi1>, vector<16xi32>
      %masked_sort3A_76 = arith.constant dense<true> : vector<16xi1>
      %masked_sort3A_77, %masked_sort3A_78, %masked_sort3A_79 = tpu.sort %select_n3A_74, %select_n3A_75 masked %masked_sort3A_76 : (vector<16xf32>, vector<16xi32>, vector<16xi1>) -> (vector<16xi1>, vector<16xf32>, vector<16xi32>)
      %get3A_80 = arith.constant 16 : index
      %get3A_81 = tpu.vector_load %arg14[%get3A_80] {strides = array<i32>} : memref<256xf32, #tpu.memory_space<vmem>>, vector<16xf32>,
      %get3A_82 = arith.constant 16 : index
      %get3A_83 = tpu.vector_load %arg15[%get3A_82] {strides = array<i32>} : memref<256xi32, #tpu.memory_space<vmem>>, vector<16xi32>,
      %add3A_84 = arith.constant 16 : i32
      %add3A_85 = vector.broadcast %add3A_84 : i32 to vector<16xi32>
      %add3A_86 = arith.addi %add3A_85, %iota3A : vector<16xi32>
      %lt3A_87 = vector.broadcast %reduce_max3A_49 : i32 to vector<16xi32>
      %lt3A_88 = arith.cmpi slt, %add3A_86, %lt3A_87 : vector<16xi32>
      %jit3A_89 = arith.constant 1.000000e+30 : f32
      %broadcast_in_dim3A_90 = vector.broadcast %jit3A_89 : f32 to vector<16xf32>
      %select_n3A_91 = arith.select %lt3A_88, %get3A_81, %broadcast_in_dim3A_90 : vector<16xi1>, vector<16xf32>
      %masked_sort3A_92 = arith.constant dense<true> : vector<16xi1>
      %masked_sort3A_93, %masked_sort3A_94, %masked_sort3A_95 = tpu.sort %select_n3A_91, %get3A_83 masked %masked_sort3A_92 : (vector<16xf32>, vector<16xi32>, vector<16xi1>) -> (vector<16xi1>, vector<16xf32>, vector<16xi32>)
      %rev3A_96 = arith.constant 15 : i32
      %rev3A_97 = vector.broadcast %rev3A_96 : i32 to vector<16xi32>
      %rev3A_98 = tpu.iota {dimensions = array<i32: 0>} : vector<16xi32>
      %rev3A_99 = arith.subi %rev3A_97, %rev3A_98 : vector<16xi32>
      %rev3A_100 = tpu.dynamic_gather %masked_sort3A_78[%rev3A_99] in [0] : vector<16xf32>, vector<16xi32> -> vector<16xf32>
      %rev3A_101 = arith.constant 15 : i32
      %rev3A_102 = vector.broadcast %rev3A_101 : i32 to vector<16xi32>
      %rev3A_103 = tpu.iota {dimensions = array<i32: 0>} : vector<16xi32>
      %rev3A_104 = arith.subi %rev3A_102, %rev3A_103 : vector<16xi32>
      %rev3A_105 = tpu.dynamic_gather %masked_sort3A_79[%rev3A_104] in [0] : vector<16xi32>, vector<16xi32> -> vector<16xi32>
      %le3A_106 = arith.cmpf ole, %masked_sort3A_94, %rev3A_100 : vector<16xf32>
      %select_n3A_107 = arith.select %le3A_106, %masked_sort3A_94, %rev3A_100 : vector<16xi1>, vector<16xf32>
      %select_n3A_108 = arith.select %le3A_106, %masked_sort3A_95, %rev3A_105 : vector<16xi1>, vector<16xi32>
      %masked_sort3A_109 = arith.constant dense<true> : vector<16xi1>
      %masked_sort3A_110, %masked_sort3A_111, %masked_sort3A_112 = tpu.sort %select_n3A_107, %select_n3A_108 masked %masked_sort3A_109 : (vector<16xf32>, vector<16xi32>, vector<16xi1>) -> (vector<16xi1>, vector<16xf32>, vector<16xi32>)
      %get3A_113 = arith.constant 32 : index
      %get3A_114 = tpu.vector_load %arg14[%get3A_113] {strides = array<i32>} : memref<256xf32, #tpu.memory_space<vmem>>, vector<16xf32>,
      %get3A_115 = arith.constant 32 : index
      %get3A_116 = tpu.vector_load %arg15[%get3A_115] {strides = array<i32>} : memref<256xi32, #tpu.memory_space<vmem>>, vector<16xi32>,
      %add3A_117 = arith.constant 32 : i32
      %add3A_118 = vector.broadcast %add3A_117 : i32 to vector<16xi32>
      %add3A_119 = arith.addi %add3A_118, %iota3A : vector<16xi32>
      %lt3A_120 = vector.broadcast %reduce_max3A_49 : i32 to vector<16xi32>
      %lt3A_121 = arith.cmpi slt, %add3A_119, %lt3A_120 : vector<16xi32>
      %jit3A_122 = arith.constant 1.000000e+30 : f32
      %broadcast_in_dim3A_123 = vector.broadcast %jit3A_122 : f32 to vector<16xf32>
      %select_n3A_124 = arith.select %lt3A_121, %get3A_114, %broadcast_in_dim3A_123 : vector<16xi1>, vector<16xf32>
      %masked_sort3A_125 = arith.constant dense<true> : vector<16xi1>
      %masked_sort3A_126, %masked_sort3A_127, %masked_sort3A_128 = tpu.sort %select_n3A_124, %get3A_116 masked %masked_sort3A_125 : (vector<16xf32>, vector<16xi32>, vector<16xi1>) -> (vector<16xi1>, vector<16xf32>, vector<16xi32>)
      %rev3A_129 = arith.constant 15 : i32
      %rev3A_130 = vector.broadcast %rev3A_129 : i32 to vector<16xi32>
      %rev3A_131 = tpu.iota {dimensions = array<i32: 0>} : vector<16xi32>
      %rev3A_132 = arith.subi %rev3A_130, %rev3A_131 : vector<16xi32>
      %rev3A_133 = tpu.dynamic_gather %masked_sort3A_111[%rev3A_132] in [0] : vector<16xf32>, vector<16xi32> -> vector<16xf32>
      %rev3A_134 = arith.constant 15 : i32
      %rev3A_135 = vector.broadcast %rev3A_134 : i32 to vector<16xi32>
      %rev3A_136 = tpu.iota {dimensions = array<i32: 0>} : vector<16xi32>
      %rev3A_137 = arith.subi %rev3A_135, %rev3A_136 : vector<16xi32>
      %rev3A_138 = tpu.dynamic_gather %masked_sort3A_112[%rev3A_137] in [0] : vector<16xi32>, vector<16xi32> -> vector<16xi32>
      %le3A_139 = arith.cmpf ole, %masked_sort3A_127, %rev3A_133 : vector<16xf32>
      %select_n3A_140 = arith.select %le3A_139, %masked_sort3A_127, %rev3A_133 : vector<16xi1>, vector<16xf32>
      %select_n3A_141 = arith.select %le3A_139, %masked_sort3A_128, %rev3A_138 : vector<16xi1>, vector<16xi32>
      %masked_sort3A_142 = arith.constant dense<true> : vector<16xi1>
      %masked_sort3A_143, %masked_sort3A_144, %masked_sort3A_145 = tpu.sort %select_n3A_140, %select_n3A_141 masked %masked_sort3A_142 : (vector<16xf32>, vector<16xi32>, vector<16xi1>) -> (vector<16xi1>, vector<16xf32>, vector<16xi32>)
      %get3A_146 = arith.constant 48 : index
      %get3A_147 = tpu.vector_load %arg14[%get3A_146] {strides = array<i32>} : memref<256xf32, #tpu.memory_space<vmem>>, vector<16xf32>,
      %get3A_148 = arith.constant 48 : index
      %get3A_149 = tpu.vector_load %arg15[%get3A_148] {strides = array<i32>} : memref<256xi32, #tpu.memory_space<vmem>>, vector<16xi32>,
      %add3A_150 = arith.constant 48 : i32
      %add3A_151 = vector.broadcast %add3A_150 : i32 to vector<16xi32>
      %add3A_152 = arith.addi %add3A_151, %iota3A : vector<16xi32>
      %lt3A_153 = vector.broadcast %reduce_max3A_49 : i32 to vector<16xi32>
      %lt3A_154 = arith.cmpi slt, %add3A_152, %lt3A_153 : vector<16xi32>
      %jit3A_155 = arith.constant 1.000000e+30 : f32
      %broadcast_in_dim3A_156 = vector.broadcast %jit3A_155 : f32 to vector<16xf32>
      %select_n3A_157 = arith.select %lt3A_154, %get3A_147, %broadcast_in_dim3A_156 : vector<16xi1>, vector<16xf32>
      %masked_sort3A_158 = arith.constant dense<true> : vector<16xi1>
      %masked_sort3A_159, %masked_sort3A_160, %masked_sort3A_161 = tpu.sort %select_n3A_157, %get3A_149 masked %masked_sort3A_158 : (vector<16xf32>, vector<16xi32>, vector<16xi1>) -> (vector<16xi1>, vector<16xf32>, vector<16xi32>)
      %rev3A_162 = arith.constant 15 : i32
      %rev3A_163 = vector.broadcast %rev3A_162 : i32 to vector<16xi32>
      %rev3A_164 = tpu.iota {dimensions = array<i32: 0>} : vector<16xi32>
      %rev3A_165 = arith.subi %rev3A_163, %rev3A_164 : vector<16xi32>
      %rev3A_166 = tpu.dynamic_gather %masked_sort3A_144[%rev3A_165] in [0] : vector<16xf32>, vector<16xi32> -> vector<16xf32>
      %rev3A_167 = arith.constant 15 : i32
      %rev3A_168 = vector.broadcast %rev3A_167 : i32 to vector<16xi32>
      %rev3A_169 = tpu.iota {dimensions = array<i32: 0>} : vector<16xi32>
      %rev3A_170 = arith.subi %rev3A_168, %rev3A_169 : vector<16xi32>
      %rev3A_171 = tpu.dynamic_gather %masked_sort3A_145[%rev3A_170] in [0] : vector<16xi32>, vector<16xi32> -> vector<16xi32>
      %le3A_172 = arith.cmpf ole, %masked_sort3A_160, %rev3A_166 : vector<16xf32>
      %select_n3A_173 = arith.select %le3A_172, %masked_sort3A_160, %rev3A_166 : vector<16xi1>, vector<16xf32>
      %select_n3A_174 = arith.select %le3A_172, %masked_sort3A_161, %rev3A_171 : vector<16xi1>, vector<16xi32>
      %masked_sort3A_175 = arith.constant dense<true> : vector<16xi1>
      %masked_sort3A_176, %masked_sort3A_177, %masked_sort3A_178 = tpu.sort %select_n3A_173, %select_n3A_174 masked %masked_sort3A_175 : (vector<16xf32>, vector<16xi32>, vector<16xi1>) -> (vector<16xi1>, vector<16xf32>, vector<16xi32>)
      %get3A_179 = arith.constant 64 : index
      %get3A_180 = tpu.vector_load %arg14[%get3A_179] {strides = array<i32>} : memref<256xf32, #tpu.memory_space<vmem>>, vector<16xf32>,
      %get3A_181 = arith.constant 64 : index
      %get3A_182 = tpu.vector_load %arg15[%get3A_181] {strides = array<i32>} : memref<256xi32, #tpu.memory_space<vmem>>, vector<16xi32>,
      %add3A_183 = arith.constant 64 : i32
      %add3A_184 = vector.broadcast %add3A_183 : i32 to vector<16xi32>
      %add3A_185 = arith.addi %add3A_184, %iota3A : vector<16xi32>
      %lt3A_186 = vector.broadcast %reduce_max3A_49 : i32 to vector<16xi32>
      %lt3A_187 = arith.cmpi slt, %add3A_185, %lt3A_186 : vector<16xi32>
      %jit3A_188 = arith.constant 1.000000e+30 : f32
      %broadcast_in_dim3A_189 = vector.broadcast %jit3A_188 : f32 to vector<16xf32>
      %select_n3A_190 = arith.select %lt3A_187, %get3A_180, %broadcast_in_dim3A_189 : vector<16xi1>, vector<16xf32>
      %masked_sort3A_191 = arith.constant dense<true> : vector<16xi1>
      %masked_sort3A_192, %masked_sort3A_193, %masked_sort3A_194 = tpu.sort %select_n3A_190, %get3A_182 masked %masked_sort3A_191 : (vector<16xf32>, vector<16xi32>, vector<16xi1>) -> (vector<16xi1>, vector<16xf32>, vector<16xi32>)
      %rev3A_195 = arith.constant 15 : i32
      %rev3A_196 = vector.broadcast %rev3A_195 : i32 to vector<16xi32>
      %rev3A_197 = tpu.iota {dimensions = array<i32: 0>} : vector<16xi32>
      %rev3A_198 = arith.subi %rev3A_196, %rev3A_197 : vector<16xi32>
      %rev3A_199 = tpu.dynamic_gather %masked_sort3A_177[%rev3A_198] in [0] : vector<16xf32>, vector<16xi32> -> vector<16xf32>
      %rev3A_200 = arith.constant 15 : i32
      %rev3A_201 = vector.broadcast %rev3A_200 : i32 to vector<16xi32>
      %rev3A_202 = tpu.iota {dimensions = array<i32: 0>} : vector<16xi32>
      %rev3A_203 = arith.subi %rev3A_201, %rev3A_202 : vector<16xi32>
      %rev3A_204 = tpu.dynamic_gather %masked_sort3A_178[%rev3A_203] in [0] : vector<16xi32>, vector<16xi32> -> vector<16xi32>
      %le3A_205 = arith.cmpf ole, %masked_sort3A_193, %rev3A_199 : vector<16xf32>
      %select_n3A_206 = arith.select %le3A_205, %masked_sort3A_193, %rev3A_199 : vector<16xi1>, vector<16xf32>
      %select_n3A_207 = arith.select %le3A_205, %masked_sort3A_194, %rev3A_204 : vector<16xi1>, vector<16xi32>
      %masked_sort3A_208 = arith.constant dense<true> : vector<16xi1>
      %masked_sort3A_209, %masked_sort3A_210, %masked_sort3A_211 = tpu.sort %select_n3A_206, %select_n3A_207 masked %masked_sort3A_208 : (vector<16xf32>, vector<16xi32>, vector<16xi1>) -> (vector<16xi1>, vector<16xf32>, vector<16xi32>)
      %get3A_212 = arith.constant 80 : index
      %get3A_213 = tpu.vector_load %arg14[%get3A_212] {strides = array<i32>} : memref<256xf32, #tpu.memory_space<vmem>>, vector<16xf32>,
      %get3A_214 = arith.constant 80 : index
      %get3A_215 = tpu.vector_load %arg15[%get3A_214] {strides = array<i32>} : memref<256xi32, #tpu.memory_space<vmem>>, vector<16xi32>,
      %add3A_216 = arith.constant 80 : i32
      %add3A_217 = vector.broadcast %add3A_216 : i32 to vector<16xi32>
      %add3A_218 = arith.addi %add3A_217, %iota3A : vector<16xi32>
      %lt3A_219 = vector.broadcast %reduce_max3A_49 : i32 to vector<16xi32>
      %lt3A_220 = arith.cmpi slt, %add3A_218, %lt3A_219 : vector<16xi32>
      %jit3A_221 = arith.constant 1.000000e+30 : f32
      %broadcast_in_dim3A_222 = vector.broadcast %jit3A_221 : f32 to vector<16xf32>
      %select_n3A_223 = arith.select %lt3A_220, %get3A_213, %broadcast_in_dim3A_222 : vector<16xi1>, vector<16xf32>
      %masked_sort3A_224 = arith.constant dense<true> : vector<16xi1>
      %masked_sort3A_225, %masked_sort3A_226, %masked_sort3A_227 = tpu.sort %select_n3A_223, %get3A_215 masked %masked_sort3A_224 : (vector<16xf32>, vector<16xi32>, vector<16xi1>) -> (vector<16xi1>, vector<16xf32>, vector<16xi32>)
      %rev3A_228 = arith.constant 15 : i32
      %rev3A_229 = vector.broadcast %rev3A_228 : i32 to vector<16xi32>
      %rev3A_230 = tpu.iota {dimensions = array<i32: 0>} : vector<16xi32>
      %rev3A_231 = arith.subi %rev3A_229, %rev3A_230 : vector<16xi32>
      %rev3A_232 = tpu.dynamic_gather %masked_sort3A_210[%rev3A_231] in [0] : vector<16xf32>, vector<16xi32> -> vector<16xf32>
      %rev3A_233 = arith.constant 15 : i32
      %rev3A_234 = vector.broadcast %rev3A_233 : i32 to vector<16xi32>
      %rev3A_235 = tpu.iota {dimensions = array<i32: 0>} : vector<16xi32>
      %rev3A_236 = arith.subi %rev3A_234, %rev3A_235 : vector<16xi32>
      %rev3A_237 = tpu.dynamic_gather %masked_sort3A_211[%rev3A_236] in [0] : vector<16xi32>, vector<16xi32> -> vector<16xi32>
      %le3A_238 = arith.cmpf ole, %masked_sort3A_226, %rev3A_232 : vector<16xf32>
      %select_n3A_239 = arith.select %le3A_238, %masked_sort3A_226, %rev3A_232 : vector<16xi1>, vector<16xf32>
      %select_n3A_240 = arith.select %le3A_238, %masked_sort3A_227, %rev3A_237 : vector<16xi1>, vector<16xi32>
      %masked_sort3A_241 = arith.constant dense<true> : vector<16xi1>
      %masked_sort3A_242, %masked_sort3A_243, %masked_sort3A_244 = tpu.sort %select_n3A_239, %select_n3A_240 masked %masked_sort3A_241 : (vector<16xf32>, vector<16xi32>, vector<16xi1>) -> (vector<16xi1>, vector<16xf32>, vector<16xi32>)
      %get3A_245 = arith.constant 96 : index
      %get3A_246 = tpu.vector_load %arg14[%get3A_245] {strides = array<i32>} : memref<256xf32, #tpu.memory_space<vmem>>, vector<16xf32>,
      %get3A_247 = arith.constant 96 : index
      %get3A_248 = tpu.vector_load %arg15[%get3A_247] {strides = array<i32>} : memref<256xi32, #tpu.memory_space<vmem>>, vector<16xi32>,
      %add3A_249 = arith.constant 96 : i32
      %add3A_250 = vector.broadcast %add3A_249 : i32 to vector<16xi32>
      %add3A_251 = arith.addi %add3A_250, %iota3A : vector<16xi32>
      %lt3A_252 = vector.broadcast %reduce_max3A_49 : i32 to vector<16xi32>
      %lt3A_253 = arith.cmpi slt, %add3A_251, %lt3A_252 : vector<16xi32>
      %jit3A_254 = arith.constant 1.000000e+30 : f32
      %broadcast_in_dim3A_255 = vector.broadcast %jit3A_254 : f32 to vector<16xf32>
      %select_n3A_256 = arith.select %lt3A_253, %get3A_246, %broadcast_in_dim3A_255 : vector<16xi1>, vector<16xf32>
      %masked_sort3A_257 = arith.constant dense<true> : vector<16xi1>
      %masked_sort3A_258, %masked_sort3A_259, %masked_sort3A_260 = tpu.sort %select_n3A_256, %get3A_248 masked %masked_sort3A_257 : (vector<16xf32>, vector<16xi32>, vector<16xi1>) -> (vector<16xi1>, vector<16xf32>, vector<16xi32>)
      %rev3A_261 = arith.constant 15 : i32
      %rev3A_262 = vector.broadcast %rev3A_261 : i32 to vector<16xi32>
      %rev3A_263 = tpu.iota {dimensions = array<i32: 0>} : vector<16xi32>
      %rev3A_264 = arith.subi %rev3A_262, %rev3A_263 : vector<16xi32>
      %rev3A_265 = tpu.dynamic_gather %masked_sort3A_243[%rev3A_264] in [0] : vector<16xf32>, vector<16xi32> -> vector<16xf32>
      %rev3A_266 = arith.constant 15 : i32
      %rev3A_267 = vector.broadcast %rev3A_266 : i32 to vector<16xi32>
      %rev3A_268 = tpu.iota {dimensions = array<i32: 0>} : vector<16xi32>
      %rev3A_269 = arith.subi %rev3A_267, %rev3A_268 : vector<16xi32>
      %rev3A_270 = tpu.dynamic_gather %masked_sort3A_244[%rev3A_269] in [0] : vector<16xi32>, vector<16xi32> -> vector<16xi32>
      %le3A_271 = arith.cmpf ole, %masked_sort3A_259, %rev3A_265 : vector<16xf32>
      %select_n3A_272 = arith.select %le3A_271, %masked_sort3A_259, %rev3A_265 : vector<16xi1>, vector<16xf32>
      %select_n3A_273 = arith.select %le3A_271, %masked_sort3A_260, %rev3A_270 : vector<16xi1>, vector<16xi32>
      %masked_sort3A_274 = arith.constant dense<true> : vector<16xi1>
      %masked_sort3A_275, %masked_sort3A_276, %masked_sort3A_277 = tpu.sort %select_n3A_272, %select_n3A_273 masked %masked_sort3A_274 : (vector<16xf32>, vector<16xi32>, vector<16xi1>) -> (vector<16xi1>, vector<16xf32>, vector<16xi32>)
      %get3A_278 = arith.constant 112 : index
      %get3A_279 = tpu.vector_load %arg14[%get3A_278] {strides = array<i32>} : memref<256xf32, #tpu.memory_space<vmem>>, vector<16xf32>,
      %get3A_280 = arith.constant 112 : index
      %get3A_281 = tpu.vector_load %arg15[%get3A_280] {strides = array<i32>} : memref<256xi32, #tpu.memory_space<vmem>>, vector<16xi32>,
      %add3A_282 = arith.constant 112 : i32
      %add3A_283 = vector.broadcast %add3A_282 : i32 to vector<16xi32>
      %add3A_284 = arith.addi %add3A_283, %iota3A : vector<16xi32>
      %lt3A_285 = vector.broadcast %reduce_max3A_49 : i32 to vector<16xi32>
      %lt3A_286 = arith.cmpi slt, %add3A_284, %lt3A_285 : vector<16xi32>
      %jit3A_287 = arith.constant 1.000000e+30 : f32
      %broadcast_in_dim3A_288 = vector.broadcast %jit3A_287 : f32 to vector<16xf32>
      %select_n3A_289 = arith.select %lt3A_286, %get3A_279, %broadcast_in_dim3A_288 : vector<16xi1>, vector<16xf32>
      %masked_sort3A_290 = arith.constant dense<true> : vector<16xi1>
      %masked_sort3A_291, %masked_sort3A_292, %masked_sort3A_293 = tpu.sort %select_n3A_289, %get3A_281 masked %masked_sort3A_290 : (vector<16xf32>, vector<16xi32>, vector<16xi1>) -> (vector<16xi1>, vector<16xf32>, vector<16xi32>)
      %rev3A_294 = arith.constant 15 : i32
      %rev3A_295 = vector.broadcast %rev3A_294 : i32 to vector<16xi32>
      %rev3A_296 = tpu.iota {dimensions = array<i32: 0>} : vector<16xi32>
      %rev3A_297 = arith.subi %rev3A_295, %rev3A_296 : vector<16xi32>
      %rev3A_298 = tpu.dynamic_gather %masked_sort3A_276[%rev3A_297] in [0] : vector<16xf32>, vector<16xi32> -> vector<16xf32>
      %rev3A_299 = arith.constant 15 : i32
      %rev3A_300 = vector.broadcast %rev3A_299 : i32 to vector<16xi32>
      %rev3A_301 = tpu.iota {dimensions = array<i32: 0>} : vector<16xi32>
      %rev3A_302 = arith.subi %rev3A_300, %rev3A_301 : vector<16xi32>
      %rev3A_303 = tpu.dynamic_gather %masked_sort3A_277[%rev3A_302] in [0] : vector<16xi32>, vector<16xi32> -> vector<16xi32>
      %le3A_304 = arith.cmpf ole, %masked_sort3A_292, %rev3A_298 : vector<16xf32>
      %select_n3A_305 = arith.select %le3A_304, %masked_sort3A_292, %rev3A_298 : vector<16xi1>, vector<16xf32>
      %select_n3A_306 = arith.select %le3A_304, %masked_sort3A_293, %rev3A_303 : vector<16xi1>, vector<16xi32>
      %masked_sort3A_307 = arith.constant dense<true> : vector<16xi1>
      %masked_sort3A_308, %masked_sort3A_309, %masked_sort3A_310 = tpu.sort %select_n3A_305, %select_n3A_306 masked %masked_sort3A_307 : (vector<16xf32>, vector<16xi32>, vector<16xi1>) -> (vector<16xi1>, vector<16xf32>, vector<16xi32>)
      %get3A_311 = arith.constant 128 : index
      %get3A_312 = tpu.vector_load %arg14[%get3A_311] {strides = array<i32>} : memref<256xf32, #tpu.memory_space<vmem>>, vector<16xf32>,
      %get3A_313 = arith.constant 128 : index
      %get3A_314 = tpu.vector_load %arg15[%get3A_313] {strides = array<i32>} : memref<256xi32, #tpu.memory_space<vmem>>, vector<16xi32>,
      %add3A_315 = arith.constant 128 : i32
      %add3A_316 = vector.broadcast %add3A_315 : i32 to vector<16xi32>
      %add3A_317 = arith.addi %add3A_316, %iota3A : vector<16xi32>
      %lt3A_318 = vector.broadcast %reduce_max3A_49 : i32 to vector<16xi32>
      %lt3A_319 = arith.cmpi slt, %add3A_317, %lt3A_318 : vector<16xi32>
      %jit3A_320 = arith.constant 1.000000e+30 : f32
      %broadcast_in_dim3A_321 = vector.broadcast %jit3A_320 : f32 to vector<16xf32>
      %select_n3A_322 = arith.select %lt3A_319, %get3A_312, %broadcast_in_dim3A_321 : vector<16xi1>, vector<16xf32>
      %masked_sort3A_323 = arith.constant dense<true> : vector<16xi1>
      %masked_sort3A_324, %masked_sort3A_325, %masked_sort3A_326 = tpu.sort %select_n3A_322, %get3A_314 masked %masked_sort3A_323 : (vector<16xf32>, vector<16xi32>, vector<16xi1>) -> (vector<16xi1>, vector<16xf32>, vector<16xi32>)
      %rev3A_327 = arith.constant 15 : i32
      %rev3A_328 = vector.broadcast %rev3A_327 : i32 to vector<16xi32>
      %rev3A_329 = tpu.iota {dimensions = array<i32: 0>} : vector<16xi32>
      %rev3A_330 = arith.subi %rev3A_328, %rev3A_329 : vector<16xi32>
      %rev3A_331 = tpu.dynamic_gather %masked_sort3A_309[%rev3A_330] in [0] : vector<16xf32>, vector<16xi32> -> vector<16xf32>
      %rev3A_332 = arith.constant 15 : i32
      %rev3A_333 = vector.broadcast %rev3A_332 : i32 to vector<16xi32>
      %rev3A_334 = tpu.iota {dimensions = array<i32: 0>} : vector<16xi32>
      %rev3A_335 = arith.subi %rev3A_333, %rev3A_334 : vector<16xi32>
      %rev3A_336 = tpu.dynamic_gather %masked_sort3A_310[%rev3A_335] in [0] : vector<16xi32>, vector<16xi32> -> vector<16xi32>
      %le3A_337 = arith.cmpf ole, %masked_sort3A_325, %rev3A_331 : vector<16xf32>
      %select_n3A_338 = arith.select %le3A_337, %masked_sort3A_325, %rev3A_331 : vector<16xi1>, vector<16xf32>
      %select_n3A_339 = arith.select %le3A_337, %masked_sort3A_326, %rev3A_336 : vector<16xi1>, vector<16xi32>
      %masked_sort3A_340 = arith.constant dense<true> : vector<16xi1>
      %masked_sort3A_341, %masked_sort3A_342, %masked_sort3A_343 = tpu.sort %select_n3A_338, %select_n3A_339 masked %masked_sort3A_340 : (vector<16xf32>, vector<16xi32>, vector<16xi1>) -> (vector<16xi1>, vector<16xf32>, vector<16xi32>)
      %get3A_344 = arith.constant 144 : index
      %get3A_345 = tpu.vector_load %arg14[%get3A_344] {strides = array<i32>} : memref<256xf32, #tpu.memory_space<vmem>>, vector<16xf32>,
      %get3A_346 = arith.constant 144 : index
      %get3A_347 = tpu.vector_load %arg15[%get3A_346] {strides = array<i32>} : memref<256xi32, #tpu.memory_space<vmem>>, vector<16xi32>,
      %add3A_348 = arith.constant 144 : i32
      %add3A_349 = vector.broadcast %add3A_348 : i32 to vector<16xi32>
      %add3A_350 = arith.addi %add3A_349, %iota3A : vector<16xi32>
      %lt3A_351 = vector.broadcast %reduce_max3A_49 : i32 to vector<16xi32>
      %lt3A_352 = arith.cmpi slt, %add3A_350, %lt3A_351 : vector<16xi32>
      %jit3A_353 = arith.constant 1.000000e+30 : f32
      %broadcast_in_dim3A_354 = vector.broadcast %jit3A_353 : f32 to vector<16xf32>
      %select_n3A_355 = arith.select %lt3A_352, %get3A_345, %broadcast_in_dim3A_354 : vector<16xi1>, vector<16xf32>
      %masked_sort3A_356 = arith.constant dense<true> : vector<16xi1>
      %masked_sort3A_357, %masked_sort3A_358, %masked_sort3A_359 = tpu.sort %select_n3A_355, %get3A_347 masked %masked_sort3A_356 : (vector<16xf32>, vector<16xi32>, vector<16xi1>) -> (vector<16xi1>, vector<16xf32>, vector<16xi32>)
      %rev3A_360 = arith.constant 15 : i32
      %rev3A_361 = vector.broadcast %rev3A_360 : i32 to vector<16xi32>
      %rev3A_362 = tpu.iota {dimensions = array<i32: 0>} : vector<16xi32>
      %rev3A_363 = arith.subi %rev3A_361, %rev3A_362 : vector<16xi32>
      %rev3A_364 = tpu.dynamic_gather %masked_sort3A_342[%rev3A_363] in [0] : vector<16xf32>, vector<16xi32> -> vector<16xf32>
      %rev3A_365 = arith.constant 15 : i32
      %rev3A_366 = vector.broadcast %rev3A_365 : i32 to vector<16xi32>
      %rev3A_367 = tpu.iota {dimensions = array<i32: 0>} : vector<16xi32>
      %rev3A_368 = arith.subi %rev3A_366, %rev3A_367 : vector<16xi32>
      %rev3A_369 = tpu.dynamic_gather %masked_sort3A_343[%rev3A_368] in [0] : vector<16xi32>, vector<16xi32> -> vector<16xi32>
      %le3A_370 = arith.cmpf ole, %masked_sort3A_358, %rev3A_364 : vector<16xf32>
      %select_n3A_371 = arith.select %le3A_370, %masked_sort3A_358, %rev3A_364 : vector<16xi1>, vector<16xf32>
      %select_n3A_372 = arith.select %le3A_370, %masked_sort3A_359, %rev3A_369 : vector<16xi1>, vector<16xi32>
      %masked_sort3A_373 = arith.constant dense<true> : vector<16xi1>
      %masked_sort3A_374, %masked_sort3A_375, %masked_sort3A_376 = tpu.sort %select_n3A_371, %select_n3A_372 masked %masked_sort3A_373 : (vector<16xf32>, vector<16xi32>, vector<16xi1>) -> (vector<16xi1>, vector<16xf32>, vector<16xi32>)
      %get3A_377 = arith.constant 160 : index
      %get3A_378 = tpu.vector_load %arg14[%get3A_377] {strides = array<i32>} : memref<256xf32, #tpu.memory_space<vmem>>, vector<16xf32>,
      %get3A_379 = arith.constant 160 : index
      %get3A_380 = tpu.vector_load %arg15[%get3A_379] {strides = array<i32>} : memref<256xi32, #tpu.memory_space<vmem>>, vector<16xi32>,
      %add3A_381 = arith.constant 160 : i32
      %add3A_382 = vector.broadcast %add3A_381 : i32 to vector<16xi32>
      %add3A_383 = arith.addi %add3A_382, %iota3A : vector<16xi32>
      %lt3A_384 = vector.broadcast %reduce_max3A_49 : i32 to vector<16xi32>
      %lt3A_385 = arith.cmpi slt, %add3A_383, %lt3A_384 : vector<16xi32>
      %jit3A_386 = arith.constant 1.000000e+30 : f32
      %broadcast_in_dim3A_387 = vector.broadcast %jit3A_386 : f32 to vector<16xf32>
      %select_n3A_388 = arith.select %lt3A_385, %get3A_378, %broadcast_in_dim3A_387 : vector<16xi1>, vector<16xf32>
      %masked_sort3A_389 = arith.constant dense<true> : vector<16xi1>
      %masked_sort3A_390, %masked_sort3A_391, %masked_sort3A_392 = tpu.sort %select_n3A_388, %get3A_380 masked %masked_sort3A_389 : (vector<16xf32>, vector<16xi32>, vector<16xi1>) -> (vector<16xi1>, vector<16xf32>, vector<16xi32>)
      %rev3A_393 = arith.constant 15 : i32
      %rev3A_394 = vector.broadcast %rev3A_393 : i32 to vector<16xi32>
      %rev3A_395 = tpu.iota {dimensions = array<i32: 0>} : vector<16xi32>
      %rev3A_396 = arith.subi %rev3A_394, %rev3A_395 : vector<16xi32>
      %rev3A_397 = tpu.dynamic_gather %masked_sort3A_375[%rev3A_396] in [0] : vector<16xf32>, vector<16xi32> -> vector<16xf32>
      %rev3A_398 = arith.constant 15 : i32
      %rev3A_399 = vector.broadcast %rev3A_398 : i32 to vector<16xi32>
      %rev3A_400 = tpu.iota {dimensions = array<i32: 0>} : vector<16xi32>
      %rev3A_401 = arith.subi %rev3A_399, %rev3A_400 : vector<16xi32>
      %rev3A_402 = tpu.dynamic_gather %masked_sort3A_376[%rev3A_401] in [0] : vector<16xi32>, vector<16xi32> -> vector<16xi32>
      %le3A_403 = arith.cmpf ole, %masked_sort3A_391, %rev3A_397 : vector<16xf32>
      %select_n3A_404 = arith.select %le3A_403, %masked_sort3A_391, %rev3A_397 : vector<16xi1>, vector<16xf32>
      %select_n3A_405 = arith.select %le3A_403, %masked_sort3A_392, %rev3A_402 : vector<16xi1>, vector<16xi32>
      %masked_sort3A_406 = arith.constant dense<true> : vector<16xi1>
      %masked_sort3A_407, %masked_sort3A_408, %masked_sort3A_409 = tpu.sort %select_n3A_404, %select_n3A_405 masked %masked_sort3A_406 : (vector<16xf32>, vector<16xi32>, vector<16xi1>) -> (vector<16xi1>, vector<16xf32>, vector<16xi32>)
      %get3A_410 = arith.constant 176 : index
      %get3A_411 = tpu.vector_load %arg14[%get3A_410] {strides = array<i32>} : memref<256xf32, #tpu.memory_space<vmem>>, vector<16xf32>,
      %get3A_412 = arith.constant 176 : index
      %get3A_413 = tpu.vector_load %arg15[%get3A_412] {strides = array<i32>} : memref<256xi32, #tpu.memory_space<vmem>>, vector<16xi32>,
      %add3A_414 = arith.constant 176 : i32
      %add3A_415 = vector.broadcast %add3A_414 : i32 to vector<16xi32>
      %add3A_416 = arith.addi %add3A_415, %iota3A : vector<16xi32>
      %lt3A_417 = vector.broadcast %reduce_max3A_49 : i32 to vector<16xi32>
      %lt3A_418 = arith.cmpi slt, %add3A_416, %lt3A_417 : vector<16xi32>
      %jit3A_419 = arith.constant 1.000000e+30 : f32
      %broadcast_in_dim3A_420 = vector.broadcast %jit3A_419 : f32 to vector<16xf32>
      %select_n3A_421 = arith.select %lt3A_418, %get3A_411, %broadcast_in_dim3A_420 : vector<16xi1>, vector<16xf32>
      %masked_sort3A_422 = arith.constant dense<true> : vector<16xi1>
      %masked_sort3A_423, %masked_sort3A_424, %masked_sort3A_425 = tpu.sort %select_n3A_421, %get3A_413 masked %masked_sort3A_422 : (vector<16xf32>, vector<16xi32>, vector<16xi1>) -> (vector<16xi1>, vector<16xf32>, vector<16xi32>)
      %rev3A_426 = arith.constant 15 : i32
      %rev3A_427 = vector.broadcast %rev3A_426 : i32 to vector<16xi32>
      %rev3A_428 = tpu.iota {dimensions = array<i32: 0>} : vector<16xi32>
      %rev3A_429 = arith.subi %rev3A_427, %rev3A_428 : vector<16xi32>
      %rev3A_430 = tpu.dynamic_gather %masked_sort3A_408[%rev3A_429] in [0] : vector<16xf32>, vector<16xi32> -> vector<16xf32>
      %rev3A_431 = arith.constant 15 : i32
      %rev3A_432 = vector.broadcast %rev3A_431 : i32 to vector<16xi32>
      %rev3A_433 = tpu.iota {dimensions = array<i32: 0>} : vector<16xi32>
      %rev3A_434 = arith.subi %rev3A_432, %rev3A_433 : vector<16xi32>
      %rev3A_435 = tpu.dynamic_gather %masked_sort3A_409[%rev3A_434] in [0] : vector<16xi32>, vector<16xi32> -> vector<16xi32>
      %le3A_436 = arith.cmpf ole, %masked_sort3A_424, %rev3A_430 : vector<16xf32>
      %select_n3A_437 = arith.select %le3A_436, %masked_sort3A_424, %rev3A_430 : vector<16xi1>, vector<16xf32>
      %select_n3A_438 = arith.select %le3A_436, %masked_sort3A_425, %rev3A_435 : vector<16xi1>, vector<16xi32>
      %masked_sort3A_439 = arith.constant dense<true> : vector<16xi1>
      %masked_sort3A_440, %masked_sort3A_441, %masked_sort3A_442 = tpu.sort %select_n3A_437, %select_n3A_438 masked %masked_sort3A_439 : (vector<16xf32>, vector<16xi32>, vector<16xi1>) -> (vector<16xi1>, vector<16xf32>, vector<16xi32>)
      %get3A_443 = arith.constant 192 : index
      %get3A_444 = tpu.vector_load %arg14[%get3A_443] {strides = array<i32>} : memref<256xf32, #tpu.memory_space<vmem>>, vector<16xf32>,
      %get3A_445 = arith.constant 192 : index
      %get3A_446 = tpu.vector_load %arg15[%get3A_445] {strides = array<i32>} : memref<256xi32, #tpu.memory_space<vmem>>, vector<16xi32>,
      %add3A_447 = arith.constant 192 : i32
      %add3A_448 = vector.broadcast %add3A_447 : i32 to vector<16xi32>
      %add3A_449 = arith.addi %add3A_448, %iota3A : vector<16xi32>
      %lt3A_450 = vector.broadcast %reduce_max3A_49 : i32 to vector<16xi32>
      %lt3A_451 = arith.cmpi slt, %add3A_449, %lt3A_450 : vector<16xi32>
      %jit3A_452 = arith.constant 1.000000e+30 : f32
      %broadcast_in_dim3A_453 = vector.broadcast %jit3A_452 : f32 to vector<16xf32>
      %select_n3A_454 = arith.select %lt3A_451, %get3A_444, %broadcast_in_dim3A_453 : vector<16xi1>, vector<16xf32>
      %masked_sort3A_455 = arith.constant dense<true> : vector<16xi1>
      %masked_sort3A_456, %masked_sort3A_457, %masked_sort3A_458 = tpu.sort %select_n3A_454, %get3A_446 masked %masked_sort3A_455 : (vector<16xf32>, vector<16xi32>, vector<16xi1>) -> (vector<16xi1>, vector<16xf32>, vector<16xi32>)
      %rev3A_459 = arith.constant 15 : i32
      %rev3A_460 = vector.broadcast %rev3A_459 : i32 to vector<16xi32>
      %rev3A_461 = tpu.iota {dimensions = array<i32: 0>} : vector<16xi32>
      %rev3A_462 = arith.subi %rev3A_460, %rev3A_461 : vector<16xi32>
      %rev3A_463 = tpu.dynamic_gather %masked_sort3A_441[%rev3A_462] in [0] : vector<16xf32>, vector<16xi32> -> vector<16xf32>
      %rev3A_464 = arith.constant 15 : i32
      %rev3A_465 = vector.broadcast %rev3A_464 : i32 to vector<16xi32>
      %rev3A_466 = tpu.iota {dimensions = array<i32: 0>} : vector<16xi32>
      %rev3A_467 = arith.subi %rev3A_465, %rev3A_466 : vector<16xi32>
      %rev3A_468 = tpu.dynamic_gather %masked_sort3A_442[%rev3A_467] in [0] : vector<16xi32>, vector<16xi32> -> vector<16xi32>
      %le3A_469 = arith.cmpf ole, %masked_sort3A_457, %rev3A_463 : vector<16xf32>
      %select_n3A_470 = arith.select %le3A_469, %masked_sort3A_457, %rev3A_463 : vector<16xi1>, vector<16xf32>
      %select_n3A_471 = arith.select %le3A_469, %masked_sort3A_458, %rev3A_468 : vector<16xi1>, vector<16xi32>
      %masked_sort3A_472 = arith.constant dense<true> : vector<16xi1>
      %masked_sort3A_473, %masked_sort3A_474, %masked_sort3A_475 = tpu.sort %select_n3A_470, %select_n3A_471 masked %masked_sort3A_472 : (vector<16xf32>, vector<16xi32>, vector<16xi1>) -> (vector<16xi1>, vector<16xf32>, vector<16xi32>)
      %get3A_476 = arith.constant 208 : index
      %get3A_477 = tpu.vector_load %arg14[%get3A_476] {strides = array<i32>} : memref<256xf32, #tpu.memory_space<vmem>>, vector<16xf32>,
      %get3A_478 = arith.constant 208 : index
      %get3A_479 = tpu.vector_load %arg15[%get3A_478] {strides = array<i32>} : memref<256xi32, #tpu.memory_space<vmem>>, vector<16xi32>,
      %add3A_480 = arith.constant 208 : i32
      %add3A_481 = vector.broadcast %add3A_480 : i32 to vector<16xi32>
      %add3A_482 = arith.addi %add3A_481, %iota3A : vector<16xi32>
      %lt3A_483 = vector.broadcast %reduce_max3A_49 : i32 to vector<16xi32>
      %lt3A_484 = arith.cmpi slt, %add3A_482, %lt3A_483 : vector<16xi32>
      %jit3A_485 = arith.constant 1.000000e+30 : f32
      %broadcast_in_dim3A_486 = vector.broadcast %jit3A_485 : f32 to vector<16xf32>
      %select_n3A_487 = arith.select %lt3A_484, %get3A_477, %broadcast_in_dim3A_486 : vector<16xi1>, vector<16xf32>
      %masked_sort3A_488 = arith.constant dense<true> : vector<16xi1>
      %masked_sort3A_489, %masked_sort3A_490, %masked_sort3A_491 = tpu.sort %select_n3A_487, %get3A_479 masked %masked_sort3A_488 : (vector<16xf32>, vector<16xi32>, vector<16xi1>) -> (vector<16xi1>, vector<16xf32>, vector<16xi32>)
      %rev3A_492 = arith.constant 15 : i32
      %rev3A_493 = vector.broadcast %rev3A_492 : i32 to vector<16xi32>
      %rev3A_494 = tpu.iota {dimensions = array<i32: 0>} : vector<16xi32>
      %rev3A_495 = arith.subi %rev3A_493, %rev3A_494 : vector<16xi32>
      %rev3A_496 = tpu.dynamic_gather %masked_sort3A_474[%rev3A_495] in [0] : vector<16xf32>, vector<16xi32> -> vector<16xf32>
      %rev3A_497 = arith.constant 15 : i32
      %rev3A_498 = vector.broadcast %rev3A_497 : i32 to vector<16xi32>
      %rev3A_499 = tpu.iota {dimensions = array<i32: 0>} : vector<16xi32>
      %rev3A_500 = arith.subi %rev3A_498, %rev3A_499 : vector<16xi32>
      %rev3A_501 = tpu.dynamic_gather %masked_sort3A_475[%rev3A_500] in [0] : vector<16xi32>, vector<16xi32> -> vector<16xi32>
      %le3A_502 = arith.cmpf ole, %masked_sort3A_490, %rev3A_496 : vector<16xf32>
      %select_n3A_503 = arith.select %le3A_502, %masked_sort3A_490, %rev3A_496 : vector<16xi1>, vector<16xf32>
      %select_n3A_504 = arith.select %le3A_502, %masked_sort3A_491, %rev3A_501 : vector<16xi1>, vector<16xi32>
      %masked_sort3A_505 = arith.constant dense<true> : vector<16xi1>
      %masked_sort3A_506, %masked_sort3A_507, %masked_sort3A_508 = tpu.sort %select_n3A_503, %select_n3A_504 masked %masked_sort3A_505 : (vector<16xf32>, vector<16xi32>, vector<16xi1>) -> (vector<16xi1>, vector<16xf32>, vector<16xi32>)
      %get3A_509 = arith.constant 224 : index
      %get3A_510 = tpu.vector_load %arg14[%get3A_509] {strides = array<i32>} : memref<256xf32, #tpu.memory_space<vmem>>, vector<16xf32>,
      %get3A_511 = arith.constant 224 : index
      %get3A_512 = tpu.vector_load %arg15[%get3A_511] {strides = array<i32>} : memref<256xi32, #tpu.memory_space<vmem>>, vector<16xi32>,
      %add3A_513 = arith.constant 224 : i32
      %add3A_514 = vector.broadcast %add3A_513 : i32 to vector<16xi32>
      %add3A_515 = arith.addi %add3A_514, %iota3A : vector<16xi32>
      %lt3A_516 = vector.broadcast %reduce_max3A_49 : i32 to vector<16xi32>
      %lt3A_517 = arith.cmpi slt, %add3A_515, %lt3A_516 : vector<16xi32>
      %jit3A_518 = arith.constant 1.000000e+30 : f32
      %broadcast_in_dim3A_519 = vector.broadcast %jit3A_518 : f32 to vector<16xf32>
      %select_n3A_520 = arith.select %lt3A_517, %get3A_510, %broadcast_in_dim3A_519 : vector<16xi1>, vector<16xf32>
      %masked_sort3A_521 = arith.constant dense<true> : vector<16xi1>
      %masked_sort3A_522, %masked_sort3A_523, %masked_sort3A_524 = tpu.sort %select_n3A_520, %get3A_512 masked %masked_sort3A_521 : (vector<16xf32>, vector<16xi32>, vector<16xi1>) -> (vector<16xi1>, vector<16xf32>, vector<16xi32>)
      %rev3A_525 = arith.constant 15 : i32
      %rev3A_526 = vector.broadcast %rev3A_525 : i32 to vector<16xi32>
      %rev3A_527 = tpu.iota {dimensions = array<i32: 0>} : vector<16xi32>
      %rev3A_528 = arith.subi %rev3A_526, %rev3A_527 : vector<16xi32>
      %rev3A_529 = tpu.dynamic_gather %masked_sort3A_507[%rev3A_528] in [0] : vector<16xf32>, vector<16xi32> -> vector<16xf32>
      %rev3A_530 = arith.constant 15 : i32
      %rev3A_531 = vector.broadcast %rev3A_530 : i32 to vector<16xi32>
      %rev3A_532 = tpu.iota {dimensions = array<i32: 0>} : vector<16xi32>
      %rev3A_533 = arith.subi %rev3A_531, %rev3A_532 : vector<16xi32>
      %rev3A_534 = tpu.dynamic_gather %masked_sort3A_508[%rev3A_533] in [0] : vector<16xi32>, vector<16xi32> -> vector<16xi32>
      %le3A_535 = arith.cmpf ole, %masked_sort3A_523, %rev3A_529 : vector<16xf32>
      %select_n3A_536 = arith.select %le3A_535, %masked_sort3A_523, %rev3A_529 : vector<16xi1>, vector<16xf32>
      %select_n3A_537 = arith.select %le3A_535, %masked_sort3A_524, %rev3A_534 : vector<16xi1>, vector<16xi32>
      %masked_sort3A_538 = arith.constant dense<true> : vector<16xi1>
      %masked_sort3A_539, %masked_sort3A_540, %masked_sort3A_541 = tpu.sort %select_n3A_536, %select_n3A_537 masked %masked_sort3A_538 : (vector<16xf32>, vector<16xi32>, vector<16xi1>) -> (vector<16xi1>, vector<16xf32>, vector<16xi32>)
      %get3A_542 = arith.constant 240 : index
      %get3A_543 = tpu.vector_load %arg14[%get3A_542] {strides = array<i32>} : memref<256xf32, #tpu.memory_space<vmem>>, vector<16xf32>,
      %get3A_544 = arith.constant 240 : index
      %get3A_545 = tpu.vector_load %arg15[%get3A_544] {strides = array<i32>} : memref<256xi32, #tpu.memory_space<vmem>>, vector<16xi32>,
      %add3A_546 = arith.constant 240 : i32
      %add3A_547 = vector.broadcast %add3A_546 : i32 to vector<16xi32>
      %add3A_548 = arith.addi %add3A_547, %iota3A : vector<16xi32>
      %lt3A_549 = vector.broadcast %reduce_max3A_49 : i32 to vector<16xi32>
      %lt3A_550 = arith.cmpi slt, %add3A_548, %lt3A_549 : vector<16xi32>
      %jit3A_551 = arith.constant 1.000000e+30 : f32
      %broadcast_in_dim3A_552 = vector.broadcast %jit3A_551 : f32 to vector<16xf32>
      %select_n3A_553 = arith.select %lt3A_550, %get3A_543, %broadcast_in_dim3A_552 : vector<16xi1>, vector<16xf32>
      %masked_sort3A_554 = arith.constant dense<true> : vector<16xi1>
      %masked_sort3A_555, %masked_sort3A_556, %masked_sort3A_557 = tpu.sort %select_n3A_553, %get3A_545 masked %masked_sort3A_554 : (vector<16xf32>, vector<16xi32>, vector<16xi1>) -> (vector<16xi1>, vector<16xf32>, vector<16xi32>)
      %rev3A_558 = arith.constant 15 : i32
      %rev3A_559 = vector.broadcast %rev3A_558 : i32 to vector<16xi32>
      %rev3A_560 = tpu.iota {dimensions = array<i32: 0>} : vector<16xi32>
      %rev3A_561 = arith.subi %rev3A_559, %rev3A_560 : vector<16xi32>
      %rev3A_562 = tpu.dynamic_gather %masked_sort3A_540[%rev3A_561] in [0] : vector<16xf32>, vector<16xi32> -> vector<16xf32>
      %rev3A_563 = arith.constant 15 : i32
      %rev3A_564 = vector.broadcast %rev3A_563 : i32 to vector<16xi32>
      %rev3A_565 = tpu.iota {dimensions = array<i32: 0>} : vector<16xi32>
      %rev3A_566 = arith.subi %rev3A_564, %rev3A_565 : vector<16xi32>
      %rev3A_567 = tpu.dynamic_gather %masked_sort3A_541[%rev3A_566] in [0] : vector<16xi32>, vector<16xi32> -> vector<16xi32>
      %le3A_568 = arith.cmpf ole, %masked_sort3A_556, %rev3A_562 : vector<16xf32>
      %select_n3A_569 = arith.select %le3A_568, %masked_sort3A_556, %rev3A_562 : vector<16xi1>, vector<16xf32>
      %select_n3A_570 = arith.select %le3A_568, %masked_sort3A_557, %rev3A_567 : vector<16xi1>, vector<16xi32>
      %masked_sort3A_571 = arith.constant dense<true> : vector<16xi1>
      %masked_sort3A_572, %masked_sort3A_573, %masked_sort3A_574 = tpu.sort %select_n3A_569, %select_n3A_570 masked %masked_sort3A_571 : (vector<16xf32>, vector<16xi32>, vector<16xi1>) -> (vector<16xi1>, vector<16xf32>, vector<16xi32>)
      %mul3A_575 = arith.constant 16 : i32
      %mul3A_576 = arith.muli %scan3A_25, %mul3A_575 : i32
      %swap3A = arith.index_cast %mul3A_576 : i32 to index
      %swap3A_577 = tpu.vector_load %arg16[%swap3A] {strides = array<i32>} : memref<2048xi32, #tpu.memory_space<vmem>>, vector<16xi32>,
      tpu.vector_store %arg16[%swap3A], %masked_sort3A_574 {strides = array<i32>} : memref<2048xi32, #tpu.memory_space<vmem>>, vector<16xi32>,
      %scan3A_578 = arith.constant 0 : i32
      scf.yield %scan3A_578 : i32
    }
    %scan3A_15 = arith.constant 128 : i32
    "tpu.region"() ({
      %run_scoped3A = tpu.sem_alloc : memref<!tpu.dma_semaphore, #tpu.memory_space<semaphore_mem>>
      tpu.enqueue_dma source(%arg2 : memref<20000xf32, #tpu.memory_space<hbm>>) target(%arg9 : memref<20000xf32, #tpu.memory_space<vmem>>) target_semaphore(%run_scoped3A : memref<!tpu.dma_semaphore, #tpu.memory_space<semaphore_mem>>)
      tpu.wait_dma2 semaphore(%run_scoped3A : memref<!tpu.dma_semaphore, #tpu.memory_space<semaphore_mem>>) src(%arg2 : memref<20000xf32, #tpu.memory_space<hbm>>) dst(%arg9 : memref<20000xf32, #tpu.memory_space<vmem>>)
      tpu.yield
    }) : () -> ()
    "tpu.region"() ({
      %run_scoped3A = tpu.sem_alloc : memref<!tpu.dma_semaphore, #tpu.memory_space<semaphore_mem>>
      tpu.enqueue_dma source(%arg3 : memref<20000xf32, #tpu.memory_space<hbm>>) target(%arg10 : memref<20000xf32, #tpu.memory_space<vmem>>) target_semaphore(%run_scoped3A : memref<!tpu.dma_semaphore, #tpu.memory_space<semaphore_mem>>)
      tpu.wait_dma2 semaphore(%run_scoped3A : memref<!tpu.dma_semaphore, #tpu.memory_space<semaphore_mem>>) src(%arg3 : memref<20000xf32, #tpu.memory_space<hbm>>) dst(%arg10 : memref<20000xf32, #tpu.memory_space<vmem>>)
      tpu.yield
    }) : () -> ()
    "tpu.region"() ({
      %run_scoped3A = tpu.sem_alloc : memref<!tpu.dma_semaphore, #tpu.memory_space<semaphore_mem>>
      tpu.enqueue_dma source(%arg4 : memref<20000xf32, #tpu.memory_space<hbm>>) target(%arg11 : memref<20000xf32, #tpu.memory_space<vmem>>) target_semaphore(%run_scoped3A : memref<!tpu.dma_semaphore, #tpu.memory_space<semaphore_mem>>)
      tpu.wait_dma2 semaphore(%run_scoped3A : memref<!tpu.dma_semaphore, #tpu.memory_space<semaphore_mem>>) src(%arg4 : memref<20000xf32, #tpu.memory_space<hbm>>) dst(%arg11 : memref<20000xf32, #tpu.memory_space<vmem>>)
      tpu.yield
    }) : () -> ()
    %scan3A_16 = arith.constant 0 : i32
    %scan3A_17 = arith.constant 0 : i32
    %scan3A_18 = arith.constant 128 : i32
    %scan3A_19 = arith.addi %scan3A_17, %scan3A_18 : i32
    %scan3A_20 = arith.constant 1 : i32
    %scan3A_21 = scf.for %scan3A_25 = %scan3A_17 to %scan3A_19 step %scan3A_20 iter_args(%scan3A_26 = %scan3A_16) -> (i32)  : i32 {
      %broadcast_in_dim3A = arith.constant 0 : i32
      %broadcast_in_dim3A_27 = vector.broadcast %broadcast_in_dim3A : i32 to vector<16xi32>
      %add3A_28 = vector.broadcast %scan3A_25 : i32 to vector<16xi32>
      %add3A_29 = arith.addi %broadcast_in_dim3A_27, %add3A_28 : vector<16xi32>
      %gather3A = tpu.vector_load_idx %arg13[%add3A_29] : memref<128xi32, #tpu.memory_space<vmem>>[vector<16xi32>], vector<16xi32>,
      %gather3A_30 = tpu.vector_load_idx %arg9[%gather3A] : memref<20000xf32, #tpu.memory_space<vmem>>[vector<16xi32>], vector<16xf32>,
      %gather3A_31 = tpu.vector_load_idx %arg10[%gather3A] : memref<20000xf32, #tpu.memory_space<vmem>>[vector<16xi32>], vector<16xf32>,
      %gather3A_32 = tpu.vector_load_idx %arg11[%gather3A] : memref<20000xf32, #tpu.memory_space<vmem>>[vector<16xi32>], vector<16xf32>,
      %mul3A_33 = arith.constant 16 : i32
      %mul3A_34 = arith.muli %scan3A_25, %mul3A_33 : i32
      %get3A = arith.index_cast %mul3A_34 : i32 to index
      %get3A_35 = tpu.vector_load %arg16[%get3A] {strides = array<i32>} : memref<2048xi32, #tpu.memory_space<vmem>>, vector<16xi32>,
      %gather3A_36 = tpu.vector_load_idx %arg9[%get3A_35] : memref<20000xf32, #tpu.memory_space<vmem>>[vector<16xi32>], vector<16xf32>,
      %sub3A = arith.subf %gather3A_36, %gather3A_30 : vector<16xf32>
      %swap3A = arith.index_cast %mul3A_34 : i32 to index
      %swap3A_37 = tpu.vector_load %arg17[%swap3A] {strides = array<i32>} : memref<2048xf32, #tpu.memory_space<vmem>>, vector<16xf32>,
      tpu.vector_store %arg17[%swap3A], %sub3A {strides = array<i32>} : memref<2048xf32, #tpu.memory_space<vmem>>, vector<16xf32>,
      %gather3A_38 = tpu.vector_load_idx %arg10[%get3A_35] : memref<20000xf32, #tpu.memory_space<vmem>>[vector<16xi32>], vector<16xf32>,
      %sub3A_39 = arith.subf %gather3A_38, %gather3A_31 : vector<16xf32>
      %swap3A_40 = arith.index_cast %mul3A_34 : i32 to index
      %swap3A_41 = tpu.vector_load %arg18[%swap3A_40] {strides = array<i32>} : memref<2048xf32, #tpu.memory_space<vmem>>, vector<16xf32>,
      tpu.vector_store %arg18[%swap3A_40], %sub3A_39 {strides = array<i32>} : memref<2048xf32, #tpu.memory_space<vmem>>, vector<16xf32>,
      %gather3A_42 = tpu.vector_load_idx %arg11[%get3A_35] : memref<20000xf32, #tpu.memory_space<vmem>>[vector<16xi32>], vector<16xf32>,
      %sub3A_43 = arith.subf %gather3A_42, %gather3A_32 : vector<16xf32>
      %swap3A_44 = arith.index_cast %mul3A_34 : i32 to index
      %swap3A_45 = tpu.vector_load %arg19[%swap3A_44] {strides = array<i32>} : memref<2048xf32, #tpu.memory_space<vmem>>, vector<16xf32>,
      tpu.vector_store %arg19[%swap3A_44], %sub3A_43 {strides = array<i32>} : memref<2048xf32, #tpu.memory_space<vmem>>, vector<16xf32>,
      %scan3A_46 = arith.constant 0 : i32
      scf.yield %scan3A_46 : i32
    }
    %scan3A_22 = arith.constant 128 : i32
    %mul3A_23 = arith.constant 16 : i32
    %mul3A_24 = arith.muli %mul3A_2, %mul3A_23 : i32
    "tpu.region"() ({
      %run_scoped3A = tpu.sem_alloc : memref<!tpu.dma_semaphore, #tpu.memory_space<semaphore_mem>>
      %dma_start3A = tpu.memref_slice %arg6[%mul3A_24] : memref<65536xf32, #tpu.memory_space<hbm>> -> memref<2048xf32, #tpu.memory_space<hbm>>
      %dma_start3A_25 = tpu.memref_slice %arg6[%mul3A_24] : memref<65536xf32, #tpu.memory_space<hbm>> -> memref<2048xf32, #tpu.memory_space<hbm>>
      tpu.enqueue_dma source(%arg17 : memref<2048xf32, #tpu.memory_space<vmem>>) target(%dma_start3A_25 : memref<2048xf32, #tpu.memory_space<hbm>>) target_semaphore(%run_scoped3A : memref<!tpu.dma_semaphore, #tpu.memory_space<semaphore_mem>>)
      %dma_wait3A = tpu.memref_slice %arg6[%mul3A_24] : memref<65536xf32, #tpu.memory_space<hbm>> -> memref<2048xf32, #tpu.memory_space<hbm>>
      %dma_wait3A_26 = tpu.memref_slice %arg6[%mul3A_24] : memref<65536xf32, #tpu.memory_space<hbm>> -> memref<2048xf32, #tpu.memory_space<hbm>>
      tpu.wait_dma2 semaphore(%run_scoped3A : memref<!tpu.dma_semaphore, #tpu.memory_space<semaphore_mem>>) src(%arg17 : memref<2048xf32, #tpu.memory_space<vmem>>) dst(%dma_wait3A_26 : memref<2048xf32, #tpu.memory_space<hbm>>)
      tpu.yield
    }) : () -> ()
    "tpu.region"() ({
      %run_scoped3A = tpu.sem_alloc : memref<!tpu.dma_semaphore, #tpu.memory_space<semaphore_mem>>
      %dma_start3A = tpu.memref_slice %arg7[%mul3A_24] : memref<65536xf32, #tpu.memory_space<hbm>> -> memref<2048xf32, #tpu.memory_space<hbm>>
      %dma_start3A_25 = tpu.memref_slice %arg7[%mul3A_24] : memref<65536xf32, #tpu.memory_space<hbm>> -> memref<2048xf32, #tpu.memory_space<hbm>>
      tpu.enqueue_dma source(%arg18 : memref<2048xf32, #tpu.memory_space<vmem>>) target(%dma_start3A_25 : memref<2048xf32, #tpu.memory_space<hbm>>) target_semaphore(%run_scoped3A : memref<!tpu.dma_semaphore, #tpu.memory_space<semaphore_mem>>)
      %dma_wait3A = tpu.memref_slice %arg7[%mul3A_24] : memref<65536xf32, #tpu.memory_space<hbm>> -> memref<2048xf32, #tpu.memory_space<hbm>>
      %dma_wait3A_26 = tpu.memref_slice %arg7[%mul3A_24] : memref<65536xf32, #tpu.memory_space<hbm>> -> memref<2048xf32, #tpu.memory_space<hbm>>
      tpu.wait_dma2 semaphore(%run_scoped3A : memref<!tpu.dma_semaphore, #tpu.memory_space<semaphore_mem>>) src(%arg18 : memref<2048xf32, #tpu.memory_space<vmem>>) dst(%dma_wait3A_26 : memref<2048xf32, #tpu.memory_space<hbm>>)
      tpu.yield
    }) : () -> ()
    "tpu.region"() ({
      %run_scoped3A = tpu.sem_alloc : memref<!tpu.dma_semaphore, #tpu.memory_space<semaphore_mem>>
      %dma_start3A = tpu.memref_slice %arg8[%mul3A_24] : memref<65536xf32, #tpu.memory_space<hbm>> -> memref<2048xf32, #tpu.memory_space<hbm>>
      %dma_start3A_25 = tpu.memref_slice %arg8[%mul3A_24] : memref<65536xf32, #tpu.memory_space<hbm>> -> memref<2048xf32, #tpu.memory_space<hbm>>
      tpu.enqueue_dma source(%arg19 : memref<2048xf32, #tpu.memory_space<vmem>>) target(%dma_start3A_25 : memref<2048xf32, #tpu.memory_space<hbm>>) target_semaphore(%run_scoped3A : memref<!tpu.dma_semaphore, #tpu.memory_space<semaphore_mem>>)
      %dma_wait3A = tpu.memref_slice %arg8[%mul3A_24] : memref<65536xf32, #tpu.memory_space<hbm>> -> memref<2048xf32, #tpu.memory_space<hbm>>
      %dma_wait3A_26 = tpu.memref_slice %arg8[%mul3A_24] : memref<65536xf32, #tpu.memory_space<hbm>> -> memref<2048xf32, #tpu.memory_space<hbm>>
      tpu.wait_dma2 semaphore(%run_scoped3A : memref<!tpu.dma_semaphore, #tpu.memory_space<semaphore_mem>>) src(%arg19 : memref<2048xf32, #tpu.memory_space<vmem>>) dst(%dma_wait3A_26 : memref<2048xf32, #tpu.memory_space<hbm>>)
      tpu.yield
    }) : () -> ()
    return
  }
}

module attributes {stable_mosaic.version = 14 : i64} {
  func.func @_geom_body(%arg0: i32, %arg1: memref<16x256xf32, #tpu.memory_space<vmem>>, %arg2: memref<16x256xf32, #tpu.memory_space<vmem>>, %arg3: memref<16x256xf32, #tpu.memory_space<vmem>>, %arg4: memref<8x256xf32, #tpu.memory_space<vmem>>) attributes {dimension_semantics = [#tpu.dimension_semantics<arbitrary>], iteration_bounds = array<i64: 16>, scalar_prefetch = 0 : i64, scratch_operands = 0 : i64, tpu.core_type = #tpu.core_type<tc>, window_params = [{transform_indices = @transform_0, window_bounds = array<i64: 16, 256>}, {transform_indices = @transform_1, window_bounds = array<i64: 16, 256>}, {transform_indices = @transform_2, window_bounds = array<i64: 16, 256>}, {transform_indices = @transform_3, window_bounds = array<i64: 8, 256>}]} {
    %get3A = arith.constant 0 : index
    %get3A_0 = arith.constant 0 : index
    %get3A_1 = vector.load %arg1[%get3A, %get3A_0] : memref<16x256xf32, #tpu.memory_space<vmem>>, vector<16x256xf32>
    %get3A_2 = arith.constant 0 : index
    %get3A_3 = arith.constant 0 : index
    %get3A_4 = vector.load %arg2[%get3A_2, %get3A_3] : memref<16x256xf32, #tpu.memory_space<vmem>>, vector<16x256xf32>
    %get3A_5 = arith.constant 0 : index
    %get3A_6 = arith.constant 0 : index
    %get3A_7 = vector.load %arg3[%get3A_5, %get3A_6] : memref<16x256xf32, #tpu.memory_space<vmem>>, vector<16x256xf32>
    %mul3A = arith.mulf %get3A_1, %get3A_1 : vector<16x256xf32>
    %mul3A_8 = arith.mulf %get3A_4, %get3A_4 : vector<16x256xf32>
    %add3A = arith.addf %mul3A, %mul3A_8 : vector<16x256xf32>
    %mul3A_9 = arith.mulf %get3A_7, %get3A_7 : vector<16x256xf32>
    %add3A_10 = arith.addf %add3A, %mul3A_9 : vector<16x256xf32>
    %max3A = arith.constant 9.99999996E-13 : f32
    %max3A_11 = vector.broadcast %max3A : f32 to vector<16x256xf32>
    %max3A_12 = arith.maximumf %add3A_10, %max3A_11 : vector<16x256xf32>
    %sqrt3A = math.sqrt %max3A_12 : vector<16x256xf32>
    %le3A = arith.constant 3.500000e+00 : f32
    %le3A_13 = vector.broadcast %le3A : f32 to vector<16x256xf32>
    %le3A_14 = arith.cmpf ole, %sqrt3A, %le3A_13 : vector<16x256xf32>
    %convert_element_type3A = arith.extui %le3A_14 : vector<16x256xi1> to vector<16x256xi32>
    %convert_element_type3A_15 = arith.sitofp %convert_element_type3A : vector<16x256xi32> to vector<16x256xf32>
    %div3A = arith.divf %convert_element_type3A_15, %sqrt3A : vector<16x256xf32>
    %mul3A_16 = arith.mulf %get3A_1, %div3A : vector<16x256xf32>
    %mul3A_17 = arith.mulf %get3A_4, %div3A : vector<16x256xf32>
    %mul3A_18 = arith.mulf %get3A_7, %div3A : vector<16x256xf32>
    %iota3A = tpu.iota {dimensions = array<i32: 0>} : vector<16x256xi32>
    %broadcast_in_dim3A = arith.constant 0.000000e+00 : f32
    %broadcast_in_dim3A_19 = vector.broadcast %broadcast_in_dim3A : f32 to vector<16x256xf32>
    %broadcast_in_dim3A_20 = arith.constant 0.000000e+00 : f32
    %broadcast_in_dim3A_21 = vector.broadcast %broadcast_in_dim3A_20 : f32 to vector<16x256xf32>
    %broadcast_in_dim3A_22 = arith.constant 0.000000e+00 : f32
    %broadcast_in_dim3A_23 = vector.broadcast %broadcast_in_dim3A_22 : f32 to vector<16x256xf32>
    %broadcast_in_dim3A_24 = arith.constant 0.000000e+00 : f32
    %broadcast_in_dim3A_25 = vector.broadcast %broadcast_in_dim3A_24 : f32 to vector<16x256xf32>
    %slice3A = vector.extract_strided_slice %mul3A_16 {offsets = [0, 0], sizes = [1, 256], strides = [1, 1]} : vector<16x256xf32> to vector<1x256xf32>
    %mul3A_26 = vector.broadcast %slice3A : vector<1x256xf32> to vector<16x256xf32>
    %mul3A_27 = arith.mulf %mul3A_26, %mul3A_16 : vector<16x256xf32>
    %slice3A_28 = vector.extract_strided_slice %mul3A_17 {offsets = [0, 0], sizes = [1, 256], strides = [1, 1]} : vector<16x256xf32> to vector<1x256xf32>
    %mul3A_29 = vector.broadcast %slice3A_28 : vector<1x256xf32> to vector<16x256xf32>
    %mul3A_30 = arith.mulf %mul3A_29, %mul3A_17 : vector<16x256xf32>
    %add3A_31 = arith.addf %mul3A_27, %mul3A_30 : vector<16x256xf32>
    %slice3A_32 = vector.extract_strided_slice %mul3A_18 {offsets = [0, 0], sizes = [1, 256], strides = [1, 1]} : vector<16x256xf32> to vector<1x256xf32>
    %mul3A_33 = vector.broadcast %slice3A_32 : vector<1x256xf32> to vector<16x256xf32>
    %mul3A_34 = arith.mulf %mul3A_33, %mul3A_18 : vector<16x256xf32>
    %add3A_35 = arith.addf %add3A_31, %mul3A_34 : vector<16x256xf32>
    %jit3A = arith.constant -1.000000e+00 : f32
    %jit3A_36 = arith.constant 1.000000e+00 : f32
    %max3A_37 = vector.broadcast %jit3A : f32 to vector<16x256xf32>
    %max3A_38 = arith.maximumf %max3A_37, %add3A_35 : vector<16x256xf32>
    %min3A = vector.broadcast %jit3A_36 : f32 to vector<16x256xf32>
    %min3A_39 = arith.minimumf %min3A, %max3A_38 : vector<16x256xf32>
    %slice3A_40 = vector.extract_strided_slice %convert_element_type3A_15 {offsets = [0, 0], sizes = [1, 256], strides = [1, 1]} : vector<16x256xf32> to vector<1x256xf32>
    %mul3A_41 = vector.broadcast %slice3A_40 : vector<1x256xf32> to vector<16x256xf32>
    %mul3A_42 = arith.mulf %mul3A_41, %convert_element_type3A_15 : vector<16x256xf32>
    %gt3A = arith.constant 0 : i32
    %gt3A_43 = vector.broadcast %gt3A : i32 to vector<16x256xi32>
    %gt3A_44 = arith.cmpi sgt, %iota3A, %gt3A_43 : vector<16x256xi32>
    %jit3A_45 = arith.constant 0.000000e+00 : f32
    %broadcast_in_dim3A_46 = vector.broadcast %jit3A_45 : f32 to vector<16x256xf32>
    %select_n3A = arith.select %gt3A_44, %mul3A_42, %broadcast_in_dim3A_46 : vector<16x256xi1>, vector<16x256xf32>
    %add3A_47 = arith.addf %broadcast_in_dim3A_19, %select_n3A : vector<16x256xf32>
    %gt3A_48 = arith.constant 0.000000e+00 : f32
    %gt3A_49 = vector.broadcast %gt3A_48 : f32 to vector<16x256xf32>
    %gt3A_50 = arith.cmpf ogt, %select_n3A, %gt3A_49 : vector<16x256xf32>
    %jit3A_51 = arith.constant -0.999998986 : f32
    %jit3A_52 = arith.constant 0.999998986 : f32
    %max3A_53 = vector.broadcast %jit3A_51 : f32 to vector<16x256xf32>
    %max3A_54 = arith.maximumf %max3A_53, %min3A_39 : vector<16x256xf32>
    %min3A_55 = vector.broadcast %jit3A_52 : f32 to vector<16x256xf32>
    %min3A_56 = arith.minimumf %min3A_55, %max3A_54 : vector<16x256xf32>
    %jit3A_57 = arith.constant 0.000000e+00 : f32
    %broadcast_in_dim3A_58 = vector.broadcast %jit3A_57 : f32 to vector<16x256xf32>
    %select_n3A_59 = arith.select %gt3A_50, %min3A_56, %broadcast_in_dim3A_58 : vector<16x256xi1>, vector<16x256xf32>
    %abs3A = math.absf %select_n3A_59 : vector<16x256xf32>
    %sub3A = arith.constant 1.000000e+00 : f32
    %sub3A_60 = vector.broadcast %sub3A : f32 to vector<16x256xf32>
    %sub3A_61 = arith.subf %sub3A_60, %abs3A : vector<16x256xf32>
    %max3A_62 = arith.constant 0.000000e+00 : f32
    %max3A_63 = vector.broadcast %max3A_62 : f32 to vector<16x256xf32>
    %max3A_64 = arith.maximumf %sub3A_61, %max3A_63 : vector<16x256xf32>
    %sqrt3A_65 = math.sqrt %max3A_64 : vector<16x256xf32>
    %mul3A_66 = arith.constant -0.0012624911 : f32
    %mul3A_67 = vector.broadcast %mul3A_66 : f32 to vector<16x256xf32>
    %mul3A_68 = arith.mulf %mul3A_67, %abs3A : vector<16x256xf32>
    %add3A_69 = arith.constant 6.670090e-03 : f32
    %add3A_70 = vector.broadcast %add3A_69 : f32 to vector<16x256xf32>
    %add3A_71 = arith.addf %mul3A_68, %add3A_70 : vector<16x256xf32>
    %mul3A_72 = arith.mulf %add3A_71, %abs3A : vector<16x256xf32>
    %add3A_73 = arith.constant -0.0170881264 : f32
    %add3A_74 = vector.broadcast %add3A_73 : f32 to vector<16x256xf32>
    %add3A_75 = arith.addf %mul3A_72, %add3A_74 : vector<16x256xf32>
    %mul3A_76 = arith.mulf %add3A_75, %abs3A : vector<16x256xf32>
    %add3A_77 = arith.constant 0.0308918804 : f32
    %add3A_78 = vector.broadcast %add3A_77 : f32 to vector<16x256xf32>
    %add3A_79 = arith.addf %mul3A_76, %add3A_78 : vector<16x256xf32>
    %mul3A_80 = arith.mulf %add3A_79, %abs3A : vector<16x256xf32>
    %add3A_81 = arith.constant -0.0501743034 : f32
    %add3A_82 = vector.broadcast %add3A_81 : f32 to vector<16x256xf32>
    %add3A_83 = arith.addf %mul3A_80, %add3A_82 : vector<16x256xf32>
    %mul3A_84 = arith.mulf %add3A_83, %abs3A : vector<16x256xf32>
    %add3A_85 = arith.constant 0.0889789909 : f32
    %add3A_86 = vector.broadcast %add3A_85 : f32 to vector<16x256xf32>
    %add3A_87 = arith.addf %mul3A_84, %add3A_86 : vector<16x256xf32>
    %mul3A_88 = arith.mulf %add3A_87, %abs3A : vector<16x256xf32>
    %add3A_89 = arith.constant -0.214598805 : f32
    %add3A_90 = vector.broadcast %add3A_89 : f32 to vector<16x256xf32>
    %add3A_91 = arith.addf %mul3A_88, %add3A_90 : vector<16x256xf32>
    %mul3A_92 = arith.mulf %add3A_91, %abs3A : vector<16x256xf32>
    %add3A_93 = arith.constant 1.57079625 : f32
    %add3A_94 = vector.broadcast %add3A_93 : f32 to vector<16x256xf32>
    %add3A_95 = arith.addf %mul3A_92, %add3A_94 : vector<16x256xf32>
    %lt3A = arith.constant 0.000000e+00 : f32
    %lt3A_96 = vector.broadcast %lt3A : f32 to vector<16x256xf32>
    %lt3A_97 = arith.cmpf olt, %select_n3A_59, %lt3A_96 : vector<16x256xf32>
    %mul3A_98 = arith.mulf %sqrt3A_65, %add3A_95 : vector<16x256xf32>
    %sub3A_99 = arith.constant 3.14159274 : f32
    %sub3A_100 = vector.broadcast %sub3A_99 : f32 to vector<16x256xf32>
    %sub3A_101 = arith.subf %sub3A_100, %mul3A_98 : vector<16x256xf32>
    %mul3A_102 = arith.mulf %sqrt3A_65, %add3A_95 : vector<16x256xf32>
    %select_n3A_103 = arith.select %lt3A_97, %sub3A_101, %mul3A_102 : vector<16x256xi1>, vector<16x256xf32>
    %mul3A_104 = arith.constant 57.2957802 : f32
    %mul3A_105 = vector.broadcast %mul3A_104 : f32 to vector<16x256xf32>
    %mul3A_106 = arith.mulf %select_n3A_103, %mul3A_105 : vector<16x256xf32>
    %sub3A_107 = arith.constant 109.471222 : f32
    %sub3A_108 = vector.broadcast %sub3A_107 : f32 to vector<16x256xf32>
    %sub3A_109 = arith.subf %mul3A_106, %sub3A_108 : vector<16x256xf32>
    %mul3A_110 = arith.constant 0.0833333358 : f32
    %mul3A_111 = vector.broadcast %mul3A_110 : f32 to vector<16x256xf32>
    %mul3A_112 = arith.mulf %sub3A_109, %mul3A_111 : vector<16x256xf32>
    %mul3A_113 = arith.constant -5.000000e-01 : f32
    %mul3A_114 = vector.broadcast %mul3A_113 : f32 to vector<16x256xf32>
    %mul3A_115 = arith.mulf %mul3A_114, %mul3A_112 : vector<16x256xf32>
    %mul3A_116 = arith.mulf %mul3A_115, %mul3A_112 : vector<16x256xf32>
    %exp3A = math.exp %mul3A_116 : vector<16x256xf32>
    %mul3A_117 = arith.mulf %exp3A, %select_n3A : vector<16x256xf32>
    %add3A_118 = arith.addf %broadcast_in_dim3A_21, %mul3A_117 : vector<16x256xf32>
    %mul3A_119 = arith.mulf %min3A_39, %min3A_39 : vector<16x256xf32>
    %mul3A_120 = arith.mulf %mul3A_119, %mul3A_119 : vector<16x256xf32>
    %mul3A_121 = arith.mulf %mul3A_120, %mul3A_119 : vector<16x256xf32>
    %mul3A_122 = arith.constant 3.500000e+01 : f32
    %mul3A_123 = vector.broadcast %mul3A_122 : f32 to vector<16x256xf32>
    %mul3A_124 = arith.mulf %mul3A_123, %mul3A_120 : vector<16x256xf32>
    %mul3A_125 = arith.constant 3.000000e+01 : f32
    %mul3A_126 = vector.broadcast %mul3A_125 : f32 to vector<16x256xf32>
    %mul3A_127 = arith.mulf %mul3A_126, %mul3A_119 : vector<16x256xf32>
    %sub3A_128 = arith.subf %mul3A_124, %mul3A_127 : vector<16x256xf32>
    %add3A_129 = arith.constant 3.000000e+00 : f32
    %add3A_130 = vector.broadcast %add3A_129 : f32 to vector<16x256xf32>
    %add3A_131 = arith.addf %sub3A_128, %add3A_130 : vector<16x256xf32>
    %mul3A_132 = arith.constant 1.250000e-01 : f32
    %mul3A_133 = vector.broadcast %mul3A_132 : f32 to vector<16x256xf32>
    %mul3A_134 = arith.mulf %add3A_131, %mul3A_133 : vector<16x256xf32>
    %mul3A_135 = arith.mulf %mul3A_134, %mul3A_42 : vector<16x256xf32>
    %add3A_136 = arith.addf %broadcast_in_dim3A_23, %mul3A_135 : vector<16x256xf32>
    %mul3A_137 = arith.constant 2.310000e+02 : f32
    %mul3A_138 = vector.broadcast %mul3A_137 : f32 to vector<16x256xf32>
    %mul3A_139 = arith.mulf %mul3A_138, %mul3A_121 : vector<16x256xf32>
    %mul3A_140 = arith.constant 3.150000e+02 : f32
    %mul3A_141 = vector.broadcast %mul3A_140 : f32 to vector<16x256xf32>
    %mul3A_142 = arith.mulf %mul3A_141, %mul3A_120 : vector<16x256xf32>
    %sub3A_143 = arith.subf %mul3A_139, %mul3A_142 : vector<16x256xf32>
    %mul3A_144 = arith.constant 1.050000e+02 : f32
    %mul3A_145 = vector.broadcast %mul3A_144 : f32 to vector<16x256xf32>
    %mul3A_146 = arith.mulf %mul3A_145, %mul3A_119 : vector<16x256xf32>
    %add3A_147 = arith.addf %sub3A_143, %mul3A_146 : vector<16x256xf32>
    %sub3A_148 = arith.constant 5.000000e+00 : f32
    %sub3A_149 = vector.broadcast %sub3A_148 : f32 to vector<16x256xf32>
    %sub3A_150 = arith.subf %add3A_147, %sub3A_149 : vector<16x256xf32>
    %mul3A_151 = arith.constant 6.250000e-02 : f32
    %mul3A_152 = vector.broadcast %mul3A_151 : f32 to vector<16x256xf32>
    %mul3A_153 = arith.mulf %sub3A_150, %mul3A_152 : vector<16x256xf32>
    %mul3A_154 = arith.mulf %mul3A_153, %mul3A_42 : vector<16x256xf32>
    %add3A_155 = arith.addf %broadcast_in_dim3A_25, %mul3A_154 : vector<16x256xf32>
    %slice3A_156 = vector.extract_strided_slice %mul3A_16 {offsets = [1, 0], sizes = [1, 256], strides = [1, 1]} : vector<16x256xf32> to vector<1x256xf32>
    %mul3A_157 = vector.broadcast %slice3A_156 : vector<1x256xf32> to vector<16x256xf32>
    %mul3A_158 = arith.mulf %mul3A_157, %mul3A_16 : vector<16x256xf32>
    %slice3A_159 = vector.extract_strided_slice %mul3A_17 {offsets = [1, 0], sizes = [1, 256], strides = [1, 1]} : vector<16x256xf32> to vector<1x256xf32>
    %mul3A_160 = vector.broadcast %slice3A_159 : vector<1x256xf32> to vector<16x256xf32>
    %mul3A_161 = arith.mulf %mul3A_160, %mul3A_17 : vector<16x256xf32>
    %add3A_162 = arith.addf %mul3A_158, %mul3A_161 : vector<16x256xf32>
    %slice3A_163 = vector.extract_strided_slice %mul3A_18 {offsets = [1, 0], sizes = [1, 256], strides = [1, 1]} : vector<16x256xf32> to vector<1x256xf32>
    %mul3A_164 = vector.broadcast %slice3A_163 : vector<1x256xf32> to vector<16x256xf32>
    %mul3A_165 = arith.mulf %mul3A_164, %mul3A_18 : vector<16x256xf32>
    %add3A_166 = arith.addf %add3A_162, %mul3A_165 : vector<16x256xf32>
    %jit3A_167 = arith.constant -1.000000e+00 : f32
    %jit3A_168 = arith.constant 1.000000e+00 : f32
    %max3A_169 = vector.broadcast %jit3A_167 : f32 to vector<16x256xf32>
    %max3A_170 = arith.maximumf %max3A_169, %add3A_166 : vector<16x256xf32>
    %min3A_171 = vector.broadcast %jit3A_168 : f32 to vector<16x256xf32>
    %min3A_172 = arith.minimumf %min3A_171, %max3A_170 : vector<16x256xf32>
    %slice3A_173 = vector.extract_strided_slice %convert_element_type3A_15 {offsets = [1, 0], sizes = [1, 256], strides = [1, 1]} : vector<16x256xf32> to vector<1x256xf32>
    %mul3A_174 = vector.broadcast %slice3A_173 : vector<1x256xf32> to vector<16x256xf32>
    %mul3A_175 = arith.mulf %mul3A_174, %convert_element_type3A_15 : vector<16x256xf32>
    %gt3A_176 = arith.constant 1 : i32
    %gt3A_177 = vector.broadcast %gt3A_176 : i32 to vector<16x256xi32>
    %gt3A_178 = arith.cmpi sgt, %iota3A, %gt3A_177 : vector<16x256xi32>
    %jit3A_179 = arith.constant 0.000000e+00 : f32
    %broadcast_in_dim3A_180 = vector.broadcast %jit3A_179 : f32 to vector<16x256xf32>
    %select_n3A_181 = arith.select %gt3A_178, %mul3A_175, %broadcast_in_dim3A_180 : vector<16x256xi1>, vector<16x256xf32>
    %add3A_182 = arith.addf %add3A_47, %select_n3A_181 : vector<16x256xf32>
    %gt3A_183 = arith.constant 0.000000e+00 : f32
    %gt3A_184 = vector.broadcast %gt3A_183 : f32 to vector<16x256xf32>
    %gt3A_185 = arith.cmpf ogt, %select_n3A_181, %gt3A_184 : vector<16x256xf32>
    %jit3A_186 = arith.constant -0.999998986 : f32
    %jit3A_187 = arith.constant 0.999998986 : f32
    %max3A_188 = vector.broadcast %jit3A_186 : f32 to vector<16x256xf32>
    %max3A_189 = arith.maximumf %max3A_188, %min3A_172 : vector<16x256xf32>
    %min3A_190 = vector.broadcast %jit3A_187 : f32 to vector<16x256xf32>
    %min3A_191 = arith.minimumf %min3A_190, %max3A_189 : vector<16x256xf32>
    %jit3A_192 = arith.constant 0.000000e+00 : f32
    %broadcast_in_dim3A_193 = vector.broadcast %jit3A_192 : f32 to vector<16x256xf32>
    %select_n3A_194 = arith.select %gt3A_185, %min3A_191, %broadcast_in_dim3A_193 : vector<16x256xi1>, vector<16x256xf32>
    %abs3A_195 = math.absf %select_n3A_194 : vector<16x256xf32>
    %sub3A_196 = arith.constant 1.000000e+00 : f32
    %sub3A_197 = vector.broadcast %sub3A_196 : f32 to vector<16x256xf32>
    %sub3A_198 = arith.subf %sub3A_197, %abs3A_195 : vector<16x256xf32>
    %max3A_199 = arith.constant 0.000000e+00 : f32
    %max3A_200 = vector.broadcast %max3A_199 : f32 to vector<16x256xf32>
    %max3A_201 = arith.maximumf %sub3A_198, %max3A_200 : vector<16x256xf32>
    %sqrt3A_202 = math.sqrt %max3A_201 : vector<16x256xf32>
    %mul3A_203 = arith.constant -0.0012624911 : f32
    %mul3A_204 = vector.broadcast %mul3A_203 : f32 to vector<16x256xf32>
    %mul3A_205 = arith.mulf %mul3A_204, %abs3A_195 : vector<16x256xf32>
    %add3A_206 = arith.constant 6.670090e-03 : f32
    %add3A_207 = vector.broadcast %add3A_206 : f32 to vector<16x256xf32>
    %add3A_208 = arith.addf %mul3A_205, %add3A_207 : vector<16x256xf32>
    %mul3A_209 = arith.mulf %add3A_208, %abs3A_195 : vector<16x256xf32>
    %add3A_210 = arith.constant -0.0170881264 : f32
    %add3A_211 = vector.broadcast %add3A_210 : f32 to vector<16x256xf32>
    %add3A_212 = arith.addf %mul3A_209, %add3A_211 : vector<16x256xf32>
    %mul3A_213 = arith.mulf %add3A_212, %abs3A_195 : vector<16x256xf32>
    %add3A_214 = arith.constant 0.0308918804 : f32
    %add3A_215 = vector.broadcast %add3A_214 : f32 to vector<16x256xf32>
    %add3A_216 = arith.addf %mul3A_213, %add3A_215 : vector<16x256xf32>
    %mul3A_217 = arith.mulf %add3A_216, %abs3A_195 : vector<16x256xf32>
    %add3A_218 = arith.constant -0.0501743034 : f32
    %add3A_219 = vector.broadcast %add3A_218 : f32 to vector<16x256xf32>
    %add3A_220 = arith.addf %mul3A_217, %add3A_219 : vector<16x256xf32>
    %mul3A_221 = arith.mulf %add3A_220, %abs3A_195 : vector<16x256xf32>
    %add3A_222 = arith.constant 0.0889789909 : f32
    %add3A_223 = vector.broadcast %add3A_222 : f32 to vector<16x256xf32>
    %add3A_224 = arith.addf %mul3A_221, %add3A_223 : vector<16x256xf32>
    %mul3A_225 = arith.mulf %add3A_224, %abs3A_195 : vector<16x256xf32>
    %add3A_226 = arith.constant -0.214598805 : f32
    %add3A_227 = vector.broadcast %add3A_226 : f32 to vector<16x256xf32>
    %add3A_228 = arith.addf %mul3A_225, %add3A_227 : vector<16x256xf32>
    %mul3A_229 = arith.mulf %add3A_228, %abs3A_195 : vector<16x256xf32>
    %add3A_230 = arith.constant 1.57079625 : f32
    %add3A_231 = vector.broadcast %add3A_230 : f32 to vector<16x256xf32>
    %add3A_232 = arith.addf %mul3A_229, %add3A_231 : vector<16x256xf32>
    %lt3A_233 = arith.constant 0.000000e+00 : f32
    %lt3A_234 = vector.broadcast %lt3A_233 : f32 to vector<16x256xf32>
    %lt3A_235 = arith.cmpf olt, %select_n3A_194, %lt3A_234 : vector<16x256xf32>
    %mul3A_236 = arith.mulf %sqrt3A_202, %add3A_232 : vector<16x256xf32>
    %sub3A_237 = arith.constant 3.14159274 : f32
    %sub3A_238 = vector.broadcast %sub3A_237 : f32 to vector<16x256xf32>
    %sub3A_239 = arith.subf %sub3A_238, %mul3A_236 : vector<16x256xf32>
    %mul3A_240 = arith.mulf %sqrt3A_202, %add3A_232 : vector<16x256xf32>
    %select_n3A_241 = arith.select %lt3A_235, %sub3A_239, %mul3A_240 : vector<16x256xi1>, vector<16x256xf32>
    %mul3A_242 = arith.constant 57.2957802 : f32
    %mul3A_243 = vector.broadcast %mul3A_242 : f32 to vector<16x256xf32>
    %mul3A_244 = arith.mulf %select_n3A_241, %mul3A_243 : vector<16x256xf32>
    %sub3A_245 = arith.constant 109.471222 : f32
    %sub3A_246 = vector.broadcast %sub3A_245 : f32 to vector<16x256xf32>
    %sub3A_247 = arith.subf %mul3A_244, %sub3A_246 : vector<16x256xf32>
    %mul3A_248 = arith.constant 0.0833333358 : f32
    %mul3A_249 = vector.broadcast %mul3A_248 : f32 to vector<16x256xf32>
    %mul3A_250 = arith.mulf %sub3A_247, %mul3A_249 : vector<16x256xf32>
    %mul3A_251 = arith.constant -5.000000e-01 : f32
    %mul3A_252 = vector.broadcast %mul3A_251 : f32 to vector<16x256xf32>
    %mul3A_253 = arith.mulf %mul3A_252, %mul3A_250 : vector<16x256xf32>
    %mul3A_254 = arith.mulf %mul3A_253, %mul3A_250 : vector<16x256xf32>
    %exp3A_255 = math.exp %mul3A_254 : vector<16x256xf32>
    %mul3A_256 = arith.mulf %exp3A_255, %select_n3A_181 : vector<16x256xf32>
    %add3A_257 = arith.addf %add3A_118, %mul3A_256 : vector<16x256xf32>
    %mul3A_258 = arith.mulf %min3A_172, %min3A_172 : vector<16x256xf32>
    %mul3A_259 = arith.mulf %mul3A_258, %mul3A_258 : vector<16x256xf32>
    %mul3A_260 = arith.mulf %mul3A_259, %mul3A_258 : vector<16x256xf32>
    %mul3A_261 = arith.constant 3.500000e+01 : f32
    %mul3A_262 = vector.broadcast %mul3A_261 : f32 to vector<16x256xf32>
    %mul3A_263 = arith.mulf %mul3A_262, %mul3A_259 : vector<16x256xf32>
    %mul3A_264 = arith.constant 3.000000e+01 : f32
    %mul3A_265 = vector.broadcast %mul3A_264 : f32 to vector<16x256xf32>
    %mul3A_266 = arith.mulf %mul3A_265, %mul3A_258 : vector<16x256xf32>
    %sub3A_267 = arith.subf %mul3A_263, %mul3A_266 : vector<16x256xf32>
    %add3A_268 = arith.constant 3.000000e+00 : f32
    %add3A_269 = vector.broadcast %add3A_268 : f32 to vector<16x256xf32>
    %add3A_270 = arith.addf %sub3A_267, %add3A_269 : vector<16x256xf32>
    %mul3A_271 = arith.constant 1.250000e-01 : f32
    %mul3A_272 = vector.broadcast %mul3A_271 : f32 to vector<16x256xf32>
    %mul3A_273 = arith.mulf %add3A_270, %mul3A_272 : vector<16x256xf32>
    %mul3A_274 = arith.mulf %mul3A_273, %mul3A_175 : vector<16x256xf32>
    %add3A_275 = arith.addf %add3A_136, %mul3A_274 : vector<16x256xf32>
    %mul3A_276 = arith.constant 2.310000e+02 : f32
    %mul3A_277 = vector.broadcast %mul3A_276 : f32 to vector<16x256xf32>
    %mul3A_278 = arith.mulf %mul3A_277, %mul3A_260 : vector<16x256xf32>
    %mul3A_279 = arith.constant 3.150000e+02 : f32
    %mul3A_280 = vector.broadcast %mul3A_279 : f32 to vector<16x256xf32>
    %mul3A_281 = arith.mulf %mul3A_280, %mul3A_259 : vector<16x256xf32>
    %sub3A_282 = arith.subf %mul3A_278, %mul3A_281 : vector<16x256xf32>
    %mul3A_283 = arith.constant 1.050000e+02 : f32
    %mul3A_284 = vector.broadcast %mul3A_283 : f32 to vector<16x256xf32>
    %mul3A_285 = arith.mulf %mul3A_284, %mul3A_258 : vector<16x256xf32>
    %add3A_286 = arith.addf %sub3A_282, %mul3A_285 : vector<16x256xf32>
    %sub3A_287 = arith.constant 5.000000e+00 : f32
    %sub3A_288 = vector.broadcast %sub3A_287 : f32 to vector<16x256xf32>
    %sub3A_289 = arith.subf %add3A_286, %sub3A_288 : vector<16x256xf32>
    %mul3A_290 = arith.constant 6.250000e-02 : f32
    %mul3A_291 = vector.broadcast %mul3A_290 : f32 to vector<16x256xf32>
    %mul3A_292 = arith.mulf %sub3A_289, %mul3A_291 : vector<16x256xf32>
    %mul3A_293 = arith.mulf %mul3A_292, %mul3A_175 : vector<16x256xf32>
    %add3A_294 = arith.addf %add3A_155, %mul3A_293 : vector<16x256xf32>
    %slice3A_295 = vector.extract_strided_slice %mul3A_16 {offsets = [2, 0], sizes = [1, 256], strides = [1, 1]} : vector<16x256xf32> to vector<1x256xf32>
    %mul3A_296 = vector.broadcast %slice3A_295 : vector<1x256xf32> to vector<16x256xf32>
    %mul3A_297 = arith.mulf %mul3A_296, %mul3A_16 : vector<16x256xf32>
    %slice3A_298 = vector.extract_strided_slice %mul3A_17 {offsets = [2, 0], sizes = [1, 256], strides = [1, 1]} : vector<16x256xf32> to vector<1x256xf32>
    %mul3A_299 = vector.broadcast %slice3A_298 : vector<1x256xf32> to vector<16x256xf32>
    %mul3A_300 = arith.mulf %mul3A_299, %mul3A_17 : vector<16x256xf32>
    %add3A_301 = arith.addf %mul3A_297, %mul3A_300 : vector<16x256xf32>
    %slice3A_302 = vector.extract_strided_slice %mul3A_18 {offsets = [2, 0], sizes = [1, 256], strides = [1, 1]} : vector<16x256xf32> to vector<1x256xf32>
    %mul3A_303 = vector.broadcast %slice3A_302 : vector<1x256xf32> to vector<16x256xf32>
    %mul3A_304 = arith.mulf %mul3A_303, %mul3A_18 : vector<16x256xf32>
    %add3A_305 = arith.addf %add3A_301, %mul3A_304 : vector<16x256xf32>
    %jit3A_306 = arith.constant -1.000000e+00 : f32
    %jit3A_307 = arith.constant 1.000000e+00 : f32
    %max3A_308 = vector.broadcast %jit3A_306 : f32 to vector<16x256xf32>
    %max3A_309 = arith.maximumf %max3A_308, %add3A_305 : vector<16x256xf32>
    %min3A_310 = vector.broadcast %jit3A_307 : f32 to vector<16x256xf32>
    %min3A_311 = arith.minimumf %min3A_310, %max3A_309 : vector<16x256xf32>
    %slice3A_312 = vector.extract_strided_slice %convert_element_type3A_15 {offsets = [2, 0], sizes = [1, 256], strides = [1, 1]} : vector<16x256xf32> to vector<1x256xf32>
    %mul3A_313 = vector.broadcast %slice3A_312 : vector<1x256xf32> to vector<16x256xf32>
    %mul3A_314 = arith.mulf %mul3A_313, %convert_element_type3A_15 : vector<16x256xf32>
    %gt3A_315 = arith.constant 2 : i32
    %gt3A_316 = vector.broadcast %gt3A_315 : i32 to vector<16x256xi32>
    %gt3A_317 = arith.cmpi sgt, %iota3A, %gt3A_316 : vector<16x256xi32>
    %jit3A_318 = arith.constant 0.000000e+00 : f32
    %broadcast_in_dim3A_319 = vector.broadcast %jit3A_318 : f32 to vector<16x256xf32>
    %select_n3A_320 = arith.select %gt3A_317, %mul3A_314, %broadcast_in_dim3A_319 : vector<16x256xi1>, vector<16x256xf32>
    %add3A_321 = arith.addf %add3A_182, %select_n3A_320 : vector<16x256xf32>
    %gt3A_322 = arith.constant 0.000000e+00 : f32
    %gt3A_323 = vector.broadcast %gt3A_322 : f32 to vector<16x256xf32>
    %gt3A_324 = arith.cmpf ogt, %select_n3A_320, %gt3A_323 : vector<16x256xf32>
    %jit3A_325 = arith.constant -0.999998986 : f32
    %jit3A_326 = arith.constant 0.999998986 : f32
    %max3A_327 = vector.broadcast %jit3A_325 : f32 to vector<16x256xf32>
    %max3A_328 = arith.maximumf %max3A_327, %min3A_311 : vector<16x256xf32>
    %min3A_329 = vector.broadcast %jit3A_326 : f32 to vector<16x256xf32>
    %min3A_330 = arith.minimumf %min3A_329, %max3A_328 : vector<16x256xf32>
    %jit3A_331 = arith.constant 0.000000e+00 : f32
    %broadcast_in_dim3A_332 = vector.broadcast %jit3A_331 : f32 to vector<16x256xf32>
    %select_n3A_333 = arith.select %gt3A_324, %min3A_330, %broadcast_in_dim3A_332 : vector<16x256xi1>, vector<16x256xf32>
    %abs3A_334 = math.absf %select_n3A_333 : vector<16x256xf32>
    %sub3A_335 = arith.constant 1.000000e+00 : f32
    %sub3A_336 = vector.broadcast %sub3A_335 : f32 to vector<16x256xf32>
    %sub3A_337 = arith.subf %sub3A_336, %abs3A_334 : vector<16x256xf32>
    %max3A_338 = arith.constant 0.000000e+00 : f32
    %max3A_339 = vector.broadcast %max3A_338 : f32 to vector<16x256xf32>
    %max3A_340 = arith.maximumf %sub3A_337, %max3A_339 : vector<16x256xf32>
    %sqrt3A_341 = math.sqrt %max3A_340 : vector<16x256xf32>
    %mul3A_342 = arith.constant -0.0012624911 : f32
    %mul3A_343 = vector.broadcast %mul3A_342 : f32 to vector<16x256xf32>
    %mul3A_344 = arith.mulf %mul3A_343, %abs3A_334 : vector<16x256xf32>
    %add3A_345 = arith.constant 6.670090e-03 : f32
    %add3A_346 = vector.broadcast %add3A_345 : f32 to vector<16x256xf32>
    %add3A_347 = arith.addf %mul3A_344, %add3A_346 : vector<16x256xf32>
    %mul3A_348 = arith.mulf %add3A_347, %abs3A_334 : vector<16x256xf32>
    %add3A_349 = arith.constant -0.0170881264 : f32
    %add3A_350 = vector.broadcast %add3A_349 : f32 to vector<16x256xf32>
    %add3A_351 = arith.addf %mul3A_348, %add3A_350 : vector<16x256xf32>
    %mul3A_352 = arith.mulf %add3A_351, %abs3A_334 : vector<16x256xf32>
    %add3A_353 = arith.constant 0.0308918804 : f32
    %add3A_354 = vector.broadcast %add3A_353 : f32 to vector<16x256xf32>
    %add3A_355 = arith.addf %mul3A_352, %add3A_354 : vector<16x256xf32>
    %mul3A_356 = arith.mulf %add3A_355, %abs3A_334 : vector<16x256xf32>
    %add3A_357 = arith.constant -0.0501743034 : f32
    %add3A_358 = vector.broadcast %add3A_357 : f32 to vector<16x256xf32>
    %add3A_359 = arith.addf %mul3A_356, %add3A_358 : vector<16x256xf32>
    %mul3A_360 = arith.mulf %add3A_359, %abs3A_334 : vector<16x256xf32>
    %add3A_361 = arith.constant 0.0889789909 : f32
    %add3A_362 = vector.broadcast %add3A_361 : f32 to vector<16x256xf32>
    %add3A_363 = arith.addf %mul3A_360, %add3A_362 : vector<16x256xf32>
    %mul3A_364 = arith.mulf %add3A_363, %abs3A_334 : vector<16x256xf32>
    %add3A_365 = arith.constant -0.214598805 : f32
    %add3A_366 = vector.broadcast %add3A_365 : f32 to vector<16x256xf32>
    %add3A_367 = arith.addf %mul3A_364, %add3A_366 : vector<16x256xf32>
    %mul3A_368 = arith.mulf %add3A_367, %abs3A_334 : vector<16x256xf32>
    %add3A_369 = arith.constant 1.57079625 : f32
    %add3A_370 = vector.broadcast %add3A_369 : f32 to vector<16x256xf32>
    %add3A_371 = arith.addf %mul3A_368, %add3A_370 : vector<16x256xf32>
    %lt3A_372 = arith.constant 0.000000e+00 : f32
    %lt3A_373 = vector.broadcast %lt3A_372 : f32 to vector<16x256xf32>
    %lt3A_374 = arith.cmpf olt, %select_n3A_333, %lt3A_373 : vector<16x256xf32>
    %mul3A_375 = arith.mulf %sqrt3A_341, %add3A_371 : vector<16x256xf32>
    %sub3A_376 = arith.constant 3.14159274 : f32
    %sub3A_377 = vector.broadcast %sub3A_376 : f32 to vector<16x256xf32>
    %sub3A_378 = arith.subf %sub3A_377, %mul3A_375 : vector<16x256xf32>
    %mul3A_379 = arith.mulf %sqrt3A_341, %add3A_371 : vector<16x256xf32>
    %select_n3A_380 = arith.select %lt3A_374, %sub3A_378, %mul3A_379 : vector<16x256xi1>, vector<16x256xf32>
    %mul3A_381 = arith.constant 57.2957802 : f32
    %mul3A_382 = vector.broadcast %mul3A_381 : f32 to vector<16x256xf32>
    %mul3A_383 = arith.mulf %select_n3A_380, %mul3A_382 : vector<16x256xf32>
    %sub3A_384 = arith.constant 109.471222 : f32
    %sub3A_385 = vector.broadcast %sub3A_384 : f32 to vector<16x256xf32>
    %sub3A_386 = arith.subf %mul3A_383, %sub3A_385 : vector<16x256xf32>
    %mul3A_387 = arith.constant 0.0833333358 : f32
    %mul3A_388 = vector.broadcast %mul3A_387 : f32 to vector<16x256xf32>
    %mul3A_389 = arith.mulf %sub3A_386, %mul3A_388 : vector<16x256xf32>
    %mul3A_390 = arith.constant -5.000000e-01 : f32
    %mul3A_391 = vector.broadcast %mul3A_390 : f32 to vector<16x256xf32>
    %mul3A_392 = arith.mulf %mul3A_391, %mul3A_389 : vector<16x256xf32>
    %mul3A_393 = arith.mulf %mul3A_392, %mul3A_389 : vector<16x256xf32>
    %exp3A_394 = math.exp %mul3A_393 : vector<16x256xf32>
    %mul3A_395 = arith.mulf %exp3A_394, %select_n3A_320 : vector<16x256xf32>
    %add3A_396 = arith.addf %add3A_257, %mul3A_395 : vector<16x256xf32>
    %mul3A_397 = arith.mulf %min3A_311, %min3A_311 : vector<16x256xf32>
    %mul3A_398 = arith.mulf %mul3A_397, %mul3A_397 : vector<16x256xf32>
    %mul3A_399 = arith.mulf %mul3A_398, %mul3A_397 : vector<16x256xf32>
    %mul3A_400 = arith.constant 3.500000e+01 : f32
    %mul3A_401 = vector.broadcast %mul3A_400 : f32 to vector<16x256xf32>
    %mul3A_402 = arith.mulf %mul3A_401, %mul3A_398 : vector<16x256xf32>
    %mul3A_403 = arith.constant 3.000000e+01 : f32
    %mul3A_404 = vector.broadcast %mul3A_403 : f32 to vector<16x256xf32>
    %mul3A_405 = arith.mulf %mul3A_404, %mul3A_397 : vector<16x256xf32>
    %sub3A_406 = arith.subf %mul3A_402, %mul3A_405 : vector<16x256xf32>
    %add3A_407 = arith.constant 3.000000e+00 : f32
    %add3A_408 = vector.broadcast %add3A_407 : f32 to vector<16x256xf32>
    %add3A_409 = arith.addf %sub3A_406, %add3A_408 : vector<16x256xf32>
    %mul3A_410 = arith.constant 1.250000e-01 : f32
    %mul3A_411 = vector.broadcast %mul3A_410 : f32 to vector<16x256xf32>
    %mul3A_412 = arith.mulf %add3A_409, %mul3A_411 : vector<16x256xf32>
    %mul3A_413 = arith.mulf %mul3A_412, %mul3A_314 : vector<16x256xf32>
    %add3A_414 = arith.addf %add3A_275, %mul3A_413 : vector<16x256xf32>
    %mul3A_415 = arith.constant 2.310000e+02 : f32
    %mul3A_416 = vector.broadcast %mul3A_415 : f32 to vector<16x256xf32>
    %mul3A_417 = arith.mulf %mul3A_416, %mul3A_399 : vector<16x256xf32>
    %mul3A_418 = arith.constant 3.150000e+02 : f32
    %mul3A_419 = vector.broadcast %mul3A_418 : f32 to vector<16x256xf32>
    %mul3A_420 = arith.mulf %mul3A_419, %mul3A_398 : vector<16x256xf32>
    %sub3A_421 = arith.subf %mul3A_417, %mul3A_420 : vector<16x256xf32>
    %mul3A_422 = arith.constant 1.050000e+02 : f32
    %mul3A_423 = vector.broadcast %mul3A_422 : f32 to vector<16x256xf32>
    %mul3A_424 = arith.mulf %mul3A_423, %mul3A_397 : vector<16x256xf32>
    %add3A_425 = arith.addf %sub3A_421, %mul3A_424 : vector<16x256xf32>
    %sub3A_426 = arith.constant 5.000000e+00 : f32
    %sub3A_427 = vector.broadcast %sub3A_426 : f32 to vector<16x256xf32>
    %sub3A_428 = arith.subf %add3A_425, %sub3A_427 : vector<16x256xf32>
    %mul3A_429 = arith.constant 6.250000e-02 : f32
    %mul3A_430 = vector.broadcast %mul3A_429 : f32 to vector<16x256xf32>
    %mul3A_431 = arith.mulf %sub3A_428, %mul3A_430 : vector<16x256xf32>
    %mul3A_432 = arith.mulf %mul3A_431, %mul3A_314 : vector<16x256xf32>
    %add3A_433 = arith.addf %add3A_294, %mul3A_432 : vector<16x256xf32>
    %slice3A_434 = vector.extract_strided_slice %mul3A_16 {offsets = [3, 0], sizes = [1, 256], strides = [1, 1]} : vector<16x256xf32> to vector<1x256xf32>
    %mul3A_435 = vector.broadcast %slice3A_434 : vector<1x256xf32> to vector<16x256xf32>
    %mul3A_436 = arith.mulf %mul3A_435, %mul3A_16 : vector<16x256xf32>
    %slice3A_437 = vector.extract_strided_slice %mul3A_17 {offsets = [3, 0], sizes = [1, 256], strides = [1, 1]} : vector<16x256xf32> to vector<1x256xf32>
    %mul3A_438 = vector.broadcast %slice3A_437 : vector<1x256xf32> to vector<16x256xf32>
    %mul3A_439 = arith.mulf %mul3A_438, %mul3A_17 : vector<16x256xf32>
    %add3A_440 = arith.addf %mul3A_436, %mul3A_439 : vector<16x256xf32>
    %slice3A_441 = vector.extract_strided_slice %mul3A_18 {offsets = [3, 0], sizes = [1, 256], strides = [1, 1]} : vector<16x256xf32> to vector<1x256xf32>
    %mul3A_442 = vector.broadcast %slice3A_441 : vector<1x256xf32> to vector<16x256xf32>
    %mul3A_443 = arith.mulf %mul3A_442, %mul3A_18 : vector<16x256xf32>
    %add3A_444 = arith.addf %add3A_440, %mul3A_443 : vector<16x256xf32>
    %jit3A_445 = arith.constant -1.000000e+00 : f32
    %jit3A_446 = arith.constant 1.000000e+00 : f32
    %max3A_447 = vector.broadcast %jit3A_445 : f32 to vector<16x256xf32>
    %max3A_448 = arith.maximumf %max3A_447, %add3A_444 : vector<16x256xf32>
    %min3A_449 = vector.broadcast %jit3A_446 : f32 to vector<16x256xf32>
    %min3A_450 = arith.minimumf %min3A_449, %max3A_448 : vector<16x256xf32>
    %slice3A_451 = vector.extract_strided_slice %convert_element_type3A_15 {offsets = [3, 0], sizes = [1, 256], strides = [1, 1]} : vector<16x256xf32> to vector<1x256xf32>
    %mul3A_452 = vector.broadcast %slice3A_451 : vector<1x256xf32> to vector<16x256xf32>
    %mul3A_453 = arith.mulf %mul3A_452, %convert_element_type3A_15 : vector<16x256xf32>
    %gt3A_454 = arith.constant 3 : i32
    %gt3A_455 = vector.broadcast %gt3A_454 : i32 to vector<16x256xi32>
    %gt3A_456 = arith.cmpi sgt, %iota3A, %gt3A_455 : vector<16x256xi32>
    %jit3A_457 = arith.constant 0.000000e+00 : f32
    %broadcast_in_dim3A_458 = vector.broadcast %jit3A_457 : f32 to vector<16x256xf32>
    %select_n3A_459 = arith.select %gt3A_456, %mul3A_453, %broadcast_in_dim3A_458 : vector<16x256xi1>, vector<16x256xf32>
    %add3A_460 = arith.addf %add3A_321, %select_n3A_459 : vector<16x256xf32>
    %gt3A_461 = arith.constant 0.000000e+00 : f32
    %gt3A_462 = vector.broadcast %gt3A_461 : f32 to vector<16x256xf32>
    %gt3A_463 = arith.cmpf ogt, %select_n3A_459, %gt3A_462 : vector<16x256xf32>
    %jit3A_464 = arith.constant -0.999998986 : f32
    %jit3A_465 = arith.constant 0.999998986 : f32
    %max3A_466 = vector.broadcast %jit3A_464 : f32 to vector<16x256xf32>
    %max3A_467 = arith.maximumf %max3A_466, %min3A_450 : vector<16x256xf32>
    %min3A_468 = vector.broadcast %jit3A_465 : f32 to vector<16x256xf32>
    %min3A_469 = arith.minimumf %min3A_468, %max3A_467 : vector<16x256xf32>
    %jit3A_470 = arith.constant 0.000000e+00 : f32
    %broadcast_in_dim3A_471 = vector.broadcast %jit3A_470 : f32 to vector<16x256xf32>
    %select_n3A_472 = arith.select %gt3A_463, %min3A_469, %broadcast_in_dim3A_471 : vector<16x256xi1>, vector<16x256xf32>
    %abs3A_473 = math.absf %select_n3A_472 : vector<16x256xf32>
    %sub3A_474 = arith.constant 1.000000e+00 : f32
    %sub3A_475 = vector.broadcast %sub3A_474 : f32 to vector<16x256xf32>
    %sub3A_476 = arith.subf %sub3A_475, %abs3A_473 : vector<16x256xf32>
    %max3A_477 = arith.constant 0.000000e+00 : f32
    %max3A_478 = vector.broadcast %max3A_477 : f32 to vector<16x256xf32>
    %max3A_479 = arith.maximumf %sub3A_476, %max3A_478 : vector<16x256xf32>
    %sqrt3A_480 = math.sqrt %max3A_479 : vector<16x256xf32>
    %mul3A_481 = arith.constant -0.0012624911 : f32
    %mul3A_482 = vector.broadcast %mul3A_481 : f32 to vector<16x256xf32>
    %mul3A_483 = arith.mulf %mul3A_482, %abs3A_473 : vector<16x256xf32>
    %add3A_484 = arith.constant 6.670090e-03 : f32
    %add3A_485 = vector.broadcast %add3A_484 : f32 to vector<16x256xf32>
    %add3A_486 = arith.addf %mul3A_483, %add3A_485 : vector<16x256xf32>
    %mul3A_487 = arith.mulf %add3A_486, %abs3A_473 : vector<16x256xf32>
    %add3A_488 = arith.constant -0.0170881264 : f32
    %add3A_489 = vector.broadcast %add3A_488 : f32 to vector<16x256xf32>
    %add3A_490 = arith.addf %mul3A_487, %add3A_489 : vector<16x256xf32>
    %mul3A_491 = arith.mulf %add3A_490, %abs3A_473 : vector<16x256xf32>
    %add3A_492 = arith.constant 0.0308918804 : f32
    %add3A_493 = vector.broadcast %add3A_492 : f32 to vector<16x256xf32>
    %add3A_494 = arith.addf %mul3A_491, %add3A_493 : vector<16x256xf32>
    %mul3A_495 = arith.mulf %add3A_494, %abs3A_473 : vector<16x256xf32>
    %add3A_496 = arith.constant -0.0501743034 : f32
    %add3A_497 = vector.broadcast %add3A_496 : f32 to vector<16x256xf32>
    %add3A_498 = arith.addf %mul3A_495, %add3A_497 : vector<16x256xf32>
    %mul3A_499 = arith.mulf %add3A_498, %abs3A_473 : vector<16x256xf32>
    %add3A_500 = arith.constant 0.0889789909 : f32
    %add3A_501 = vector.broadcast %add3A_500 : f32 to vector<16x256xf32>
    %add3A_502 = arith.addf %mul3A_499, %add3A_501 : vector<16x256xf32>
    %mul3A_503 = arith.mulf %add3A_502, %abs3A_473 : vector<16x256xf32>
    %add3A_504 = arith.constant -0.214598805 : f32
    %add3A_505 = vector.broadcast %add3A_504 : f32 to vector<16x256xf32>
    %add3A_506 = arith.addf %mul3A_503, %add3A_505 : vector<16x256xf32>
    %mul3A_507 = arith.mulf %add3A_506, %abs3A_473 : vector<16x256xf32>
    %add3A_508 = arith.constant 1.57079625 : f32
    %add3A_509 = vector.broadcast %add3A_508 : f32 to vector<16x256xf32>
    %add3A_510 = arith.addf %mul3A_507, %add3A_509 : vector<16x256xf32>
    %lt3A_511 = arith.constant 0.000000e+00 : f32
    %lt3A_512 = vector.broadcast %lt3A_511 : f32 to vector<16x256xf32>
    %lt3A_513 = arith.cmpf olt, %select_n3A_472, %lt3A_512 : vector<16x256xf32>
    %mul3A_514 = arith.mulf %sqrt3A_480, %add3A_510 : vector<16x256xf32>
    %sub3A_515 = arith.constant 3.14159274 : f32
    %sub3A_516 = vector.broadcast %sub3A_515 : f32 to vector<16x256xf32>
    %sub3A_517 = arith.subf %sub3A_516, %mul3A_514 : vector<16x256xf32>
    %mul3A_518 = arith.mulf %sqrt3A_480, %add3A_510 : vector<16x256xf32>
    %select_n3A_519 = arith.select %lt3A_513, %sub3A_517, %mul3A_518 : vector<16x256xi1>, vector<16x256xf32>
    %mul3A_520 = arith.constant 57.2957802 : f32
    %mul3A_521 = vector.broadcast %mul3A_520 : f32 to vector<16x256xf32>
    %mul3A_522 = arith.mulf %select_n3A_519, %mul3A_521 : vector<16x256xf32>
    %sub3A_523 = arith.constant 109.471222 : f32
    %sub3A_524 = vector.broadcast %sub3A_523 : f32 to vector<16x256xf32>
    %sub3A_525 = arith.subf %mul3A_522, %sub3A_524 : vector<16x256xf32>
    %mul3A_526 = arith.constant 0.0833333358 : f32
    %mul3A_527 = vector.broadcast %mul3A_526 : f32 to vector<16x256xf32>
    %mul3A_528 = arith.mulf %sub3A_525, %mul3A_527 : vector<16x256xf32>
    %mul3A_529 = arith.constant -5.000000e-01 : f32
    %mul3A_530 = vector.broadcast %mul3A_529 : f32 to vector<16x256xf32>
    %mul3A_531 = arith.mulf %mul3A_530, %mul3A_528 : vector<16x256xf32>
    %mul3A_532 = arith.mulf %mul3A_531, %mul3A_528 : vector<16x256xf32>
    %exp3A_533 = math.exp %mul3A_532 : vector<16x256xf32>
    %mul3A_534 = arith.mulf %exp3A_533, %select_n3A_459 : vector<16x256xf32>
    %add3A_535 = arith.addf %add3A_396, %mul3A_534 : vector<16x256xf32>
    %mul3A_536 = arith.mulf %min3A_450, %min3A_450 : vector<16x256xf32>
    %mul3A_537 = arith.mulf %mul3A_536, %mul3A_536 : vector<16x256xf32>
    %mul3A_538 = arith.mulf %mul3A_537, %mul3A_536 : vector<16x256xf32>
    %mul3A_539 = arith.constant 3.500000e+01 : f32
    %mul3A_540 = vector.broadcast %mul3A_539 : f32 to vector<16x256xf32>
    %mul3A_541 = arith.mulf %mul3A_540, %mul3A_537 : vector<16x256xf32>
    %mul3A_542 = arith.constant 3.000000e+01 : f32
    %mul3A_543 = vector.broadcast %mul3A_542 : f32 to vector<16x256xf32>
    %mul3A_544 = arith.mulf %mul3A_543, %mul3A_536 : vector<16x256xf32>
    %sub3A_545 = arith.subf %mul3A_541, %mul3A_544 : vector<16x256xf32>
    %add3A_546 = arith.constant 3.000000e+00 : f32
    %add3A_547 = vector.broadcast %add3A_546 : f32 to vector<16x256xf32>
    %add3A_548 = arith.addf %sub3A_545, %add3A_547 : vector<16x256xf32>
    %mul3A_549 = arith.constant 1.250000e-01 : f32
    %mul3A_550 = vector.broadcast %mul3A_549 : f32 to vector<16x256xf32>
    %mul3A_551 = arith.mulf %add3A_548, %mul3A_550 : vector<16x256xf32>
    %mul3A_552 = arith.mulf %mul3A_551, %mul3A_453 : vector<16x256xf32>
    %add3A_553 = arith.addf %add3A_414, %mul3A_552 : vector<16x256xf32>
    %mul3A_554 = arith.constant 2.310000e+02 : f32
    %mul3A_555 = vector.broadcast %mul3A_554 : f32 to vector<16x256xf32>
    %mul3A_556 = arith.mulf %mul3A_555, %mul3A_538 : vector<16x256xf32>
    %mul3A_557 = arith.constant 3.150000e+02 : f32
    %mul3A_558 = vector.broadcast %mul3A_557 : f32 to vector<16x256xf32>
    %mul3A_559 = arith.mulf %mul3A_558, %mul3A_537 : vector<16x256xf32>
    %sub3A_560 = arith.subf %mul3A_556, %mul3A_559 : vector<16x256xf32>
    %mul3A_561 = arith.constant 1.050000e+02 : f32
    %mul3A_562 = vector.broadcast %mul3A_561 : f32 to vector<16x256xf32>
    %mul3A_563 = arith.mulf %mul3A_562, %mul3A_536 : vector<16x256xf32>
    %add3A_564 = arith.addf %sub3A_560, %mul3A_563 : vector<16x256xf32>
    %sub3A_565 = arith.constant 5.000000e+00 : f32
    %sub3A_566 = vector.broadcast %sub3A_565 : f32 to vector<16x256xf32>
    %sub3A_567 = arith.subf %add3A_564, %sub3A_566 : vector<16x256xf32>
    %mul3A_568 = arith.constant 6.250000e-02 : f32
    %mul3A_569 = vector.broadcast %mul3A_568 : f32 to vector<16x256xf32>
    %mul3A_570 = arith.mulf %sub3A_567, %mul3A_569 : vector<16x256xf32>
    %mul3A_571 = arith.mulf %mul3A_570, %mul3A_453 : vector<16x256xf32>
    %add3A_572 = arith.addf %add3A_433, %mul3A_571 : vector<16x256xf32>
    %slice3A_573 = vector.extract_strided_slice %mul3A_16 {offsets = [4, 0], sizes = [1, 256], strides = [1, 1]} : vector<16x256xf32> to vector<1x256xf32>
    %mul3A_574 = vector.broadcast %slice3A_573 : vector<1x256xf32> to vector<16x256xf32>
    %mul3A_575 = arith.mulf %mul3A_574, %mul3A_16 : vector<16x256xf32>
    %slice3A_576 = vector.extract_strided_slice %mul3A_17 {offsets = [4, 0], sizes = [1, 256], strides = [1, 1]} : vector<16x256xf32> to vector<1x256xf32>
    %mul3A_577 = vector.broadcast %slice3A_576 : vector<1x256xf32> to vector<16x256xf32>
    %mul3A_578 = arith.mulf %mul3A_577, %mul3A_17 : vector<16x256xf32>
    %add3A_579 = arith.addf %mul3A_575, %mul3A_578 : vector<16x256xf32>
    %slice3A_580 = vector.extract_strided_slice %mul3A_18 {offsets = [4, 0], sizes = [1, 256], strides = [1, 1]} : vector<16x256xf32> to vector<1x256xf32>
    %mul3A_581 = vector.broadcast %slice3A_580 : vector<1x256xf32> to vector<16x256xf32>
    %mul3A_582 = arith.mulf %mul3A_581, %mul3A_18 : vector<16x256xf32>
    %add3A_583 = arith.addf %add3A_579, %mul3A_582 : vector<16x256xf32>
    %jit3A_584 = arith.constant -1.000000e+00 : f32
    %jit3A_585 = arith.constant 1.000000e+00 : f32
    %max3A_586 = vector.broadcast %jit3A_584 : f32 to vector<16x256xf32>
    %max3A_587 = arith.maximumf %max3A_586, %add3A_583 : vector<16x256xf32>
    %min3A_588 = vector.broadcast %jit3A_585 : f32 to vector<16x256xf32>
    %min3A_589 = arith.minimumf %min3A_588, %max3A_587 : vector<16x256xf32>
    %slice3A_590 = vector.extract_strided_slice %convert_element_type3A_15 {offsets = [4, 0], sizes = [1, 256], strides = [1, 1]} : vector<16x256xf32> to vector<1x256xf32>
    %mul3A_591 = vector.broadcast %slice3A_590 : vector<1x256xf32> to vector<16x256xf32>
    %mul3A_592 = arith.mulf %mul3A_591, %convert_element_type3A_15 : vector<16x256xf32>
    %gt3A_593 = arith.constant 4 : i32
    %gt3A_594 = vector.broadcast %gt3A_593 : i32 to vector<16x256xi32>
    %gt3A_595 = arith.cmpi sgt, %iota3A, %gt3A_594 : vector<16x256xi32>
    %jit3A_596 = arith.constant 0.000000e+00 : f32
    %broadcast_in_dim3A_597 = vector.broadcast %jit3A_596 : f32 to vector<16x256xf32>
    %select_n3A_598 = arith.select %gt3A_595, %mul3A_592, %broadcast_in_dim3A_597 : vector<16x256xi1>, vector<16x256xf32>
    %add3A_599 = arith.addf %add3A_460, %select_n3A_598 : vector<16x256xf32>
    %gt3A_600 = arith.constant 0.000000e+00 : f32
    %gt3A_601 = vector.broadcast %gt3A_600 : f32 to vector<16x256xf32>
    %gt3A_602 = arith.cmpf ogt, %select_n3A_598, %gt3A_601 : vector<16x256xf32>
    %jit3A_603 = arith.constant -0.999998986 : f32
    %jit3A_604 = arith.constant 0.999998986 : f32
    %max3A_605 = vector.broadcast %jit3A_603 : f32 to vector<16x256xf32>
    %max3A_606 = arith.maximumf %max3A_605, %min3A_589 : vector<16x256xf32>
    %min3A_607 = vector.broadcast %jit3A_604 : f32 to vector<16x256xf32>
    %min3A_608 = arith.minimumf %min3A_607, %max3A_606 : vector<16x256xf32>
    %jit3A_609 = arith.constant 0.000000e+00 : f32
    %broadcast_in_dim3A_610 = vector.broadcast %jit3A_609 : f32 to vector<16x256xf32>
    %select_n3A_611 = arith.select %gt3A_602, %min3A_608, %broadcast_in_dim3A_610 : vector<16x256xi1>, vector<16x256xf32>
    %abs3A_612 = math.absf %select_n3A_611 : vector<16x256xf32>
    %sub3A_613 = arith.constant 1.000000e+00 : f32
    %sub3A_614 = vector.broadcast %sub3A_613 : f32 to vector<16x256xf32>
    %sub3A_615 = arith.subf %sub3A_614, %abs3A_612 : vector<16x256xf32>
    %max3A_616 = arith.constant 0.000000e+00 : f32
    %max3A_617 = vector.broadcast %max3A_616 : f32 to vector<16x256xf32>
    %max3A_618 = arith.maximumf %sub3A_615, %max3A_617 : vector<16x256xf32>
    %sqrt3A_619 = math.sqrt %max3A_618 : vector<16x256xf32>
    %mul3A_620 = arith.constant -0.0012624911 : f32
    %mul3A_621 = vector.broadcast %mul3A_620 : f32 to vector<16x256xf32>
    %mul3A_622 = arith.mulf %mul3A_621, %abs3A_612 : vector<16x256xf32>
    %add3A_623 = arith.constant 6.670090e-03 : f32
    %add3A_624 = vector.broadcast %add3A_623 : f32 to vector<16x256xf32>
    %add3A_625 = arith.addf %mul3A_622, %add3A_624 : vector<16x256xf32>
    %mul3A_626 = arith.mulf %add3A_625, %abs3A_612 : vector<16x256xf32>
    %add3A_627 = arith.constant -0.0170881264 : f32
    %add3A_628 = vector.broadcast %add3A_627 : f32 to vector<16x256xf32>
    %add3A_629 = arith.addf %mul3A_626, %add3A_628 : vector<16x256xf32>
    %mul3A_630 = arith.mulf %add3A_629, %abs3A_612 : vector<16x256xf32>
    %add3A_631 = arith.constant 0.0308918804 : f32
    %add3A_632 = vector.broadcast %add3A_631 : f32 to vector<16x256xf32>
    %add3A_633 = arith.addf %mul3A_630, %add3A_632 : vector<16x256xf32>
    %mul3A_634 = arith.mulf %add3A_633, %abs3A_612 : vector<16x256xf32>
    %add3A_635 = arith.constant -0.0501743034 : f32
    %add3A_636 = vector.broadcast %add3A_635 : f32 to vector<16x256xf32>
    %add3A_637 = arith.addf %mul3A_634, %add3A_636 : vector<16x256xf32>
    %mul3A_638 = arith.mulf %add3A_637, %abs3A_612 : vector<16x256xf32>
    %add3A_639 = arith.constant 0.0889789909 : f32
    %add3A_640 = vector.broadcast %add3A_639 : f32 to vector<16x256xf32>
    %add3A_641 = arith.addf %mul3A_638, %add3A_640 : vector<16x256xf32>
    %mul3A_642 = arith.mulf %add3A_641, %abs3A_612 : vector<16x256xf32>
    %add3A_643 = arith.constant -0.214598805 : f32
    %add3A_644 = vector.broadcast %add3A_643 : f32 to vector<16x256xf32>
    %add3A_645 = arith.addf %mul3A_642, %add3A_644 : vector<16x256xf32>
    %mul3A_646 = arith.mulf %add3A_645, %abs3A_612 : vector<16x256xf32>
    %add3A_647 = arith.constant 1.57079625 : f32
    %add3A_648 = vector.broadcast %add3A_647 : f32 to vector<16x256xf32>
    %add3A_649 = arith.addf %mul3A_646, %add3A_648 : vector<16x256xf32>
    %lt3A_650 = arith.constant 0.000000e+00 : f32
    %lt3A_651 = vector.broadcast %lt3A_650 : f32 to vector<16x256xf32>
    %lt3A_652 = arith.cmpf olt, %select_n3A_611, %lt3A_651 : vector<16x256xf32>
    %mul3A_653 = arith.mulf %sqrt3A_619, %add3A_649 : vector<16x256xf32>
    %sub3A_654 = arith.constant 3.14159274 : f32
    %sub3A_655 = vector.broadcast %sub3A_654 : f32 to vector<16x256xf32>
    %sub3A_656 = arith.subf %sub3A_655, %mul3A_653 : vector<16x256xf32>
    %mul3A_657 = arith.mulf %sqrt3A_619, %add3A_649 : vector<16x256xf32>
    %select_n3A_658 = arith.select %lt3A_652, %sub3A_656, %mul3A_657 : vector<16x256xi1>, vector<16x256xf32>
    %mul3A_659 = arith.constant 57.2957802 : f32
    %mul3A_660 = vector.broadcast %mul3A_659 : f32 to vector<16x256xf32>
    %mul3A_661 = arith.mulf %select_n3A_658, %mul3A_660 : vector<16x256xf32>
    %sub3A_662 = arith.constant 109.471222 : f32
    %sub3A_663 = vector.broadcast %sub3A_662 : f32 to vector<16x256xf32>
    %sub3A_664 = arith.subf %mul3A_661, %sub3A_663 : vector<16x256xf32>
    %mul3A_665 = arith.constant 0.0833333358 : f32
    %mul3A_666 = vector.broadcast %mul3A_665 : f32 to vector<16x256xf32>
    %mul3A_667 = arith.mulf %sub3A_664, %mul3A_666 : vector<16x256xf32>
    %mul3A_668 = arith.constant -5.000000e-01 : f32
    %mul3A_669 = vector.broadcast %mul3A_668 : f32 to vector<16x256xf32>
    %mul3A_670 = arith.mulf %mul3A_669, %mul3A_667 : vector<16x256xf32>
    %mul3A_671 = arith.mulf %mul3A_670, %mul3A_667 : vector<16x256xf32>
    %exp3A_672 = math.exp %mul3A_671 : vector<16x256xf32>
    %mul3A_673 = arith.mulf %exp3A_672, %select_n3A_598 : vector<16x256xf32>
    %add3A_674 = arith.addf %add3A_535, %mul3A_673 : vector<16x256xf32>
    %mul3A_675 = arith.mulf %min3A_589, %min3A_589 : vector<16x256xf32>
    %mul3A_676 = arith.mulf %mul3A_675, %mul3A_675 : vector<16x256xf32>
    %mul3A_677 = arith.mulf %mul3A_676, %mul3A_675 : vector<16x256xf32>
    %mul3A_678 = arith.constant 3.500000e+01 : f32
    %mul3A_679 = vector.broadcast %mul3A_678 : f32 to vector<16x256xf32>
    %mul3A_680 = arith.mulf %mul3A_679, %mul3A_676 : vector<16x256xf32>
    %mul3A_681 = arith.constant 3.000000e+01 : f32
    %mul3A_682 = vector.broadcast %mul3A_681 : f32 to vector<16x256xf32>
    %mul3A_683 = arith.mulf %mul3A_682, %mul3A_675 : vector<16x256xf32>
    %sub3A_684 = arith.subf %mul3A_680, %mul3A_683 : vector<16x256xf32>
    %add3A_685 = arith.constant 3.000000e+00 : f32
    %add3A_686 = vector.broadcast %add3A_685 : f32 to vector<16x256xf32>
    %add3A_687 = arith.addf %sub3A_684, %add3A_686 : vector<16x256xf32>
    %mul3A_688 = arith.constant 1.250000e-01 : f32
    %mul3A_689 = vector.broadcast %mul3A_688 : f32 to vector<16x256xf32>
    %mul3A_690 = arith.mulf %add3A_687, %mul3A_689 : vector<16x256xf32>
    %mul3A_691 = arith.mulf %mul3A_690, %mul3A_592 : vector<16x256xf32>
    %add3A_692 = arith.addf %add3A_553, %mul3A_691 : vector<16x256xf32>
    %mul3A_693 = arith.constant 2.310000e+02 : f32
    %mul3A_694 = vector.broadcast %mul3A_693 : f32 to vector<16x256xf32>
    %mul3A_695 = arith.mulf %mul3A_694, %mul3A_677 : vector<16x256xf32>
    %mul3A_696 = arith.constant 3.150000e+02 : f32
    %mul3A_697 = vector.broadcast %mul3A_696 : f32 to vector<16x256xf32>
    %mul3A_698 = arith.mulf %mul3A_697, %mul3A_676 : vector<16x256xf32>
    %sub3A_699 = arith.subf %mul3A_695, %mul3A_698 : vector<16x256xf32>
    %mul3A_700 = arith.constant 1.050000e+02 : f32
    %mul3A_701 = vector.broadcast %mul3A_700 : f32 to vector<16x256xf32>
    %mul3A_702 = arith.mulf %mul3A_701, %mul3A_675 : vector<16x256xf32>
    %add3A_703 = arith.addf %sub3A_699, %mul3A_702 : vector<16x256xf32>
    %sub3A_704 = arith.constant 5.000000e+00 : f32
    %sub3A_705 = vector.broadcast %sub3A_704 : f32 to vector<16x256xf32>
    %sub3A_706 = arith.subf %add3A_703, %sub3A_705 : vector<16x256xf32>
    %mul3A_707 = arith.constant 6.250000e-02 : f32
    %mul3A_708 = vector.broadcast %mul3A_707 : f32 to vector<16x256xf32>
    %mul3A_709 = arith.mulf %sub3A_706, %mul3A_708 : vector<16x256xf32>
    %mul3A_710 = arith.mulf %mul3A_709, %mul3A_592 : vector<16x256xf32>
    %add3A_711 = arith.addf %add3A_572, %mul3A_710 : vector<16x256xf32>
    %slice3A_712 = vector.extract_strided_slice %mul3A_16 {offsets = [5, 0], sizes = [1, 256], strides = [1, 1]} : vector<16x256xf32> to vector<1x256xf32>
    %mul3A_713 = vector.broadcast %slice3A_712 : vector<1x256xf32> to vector<16x256xf32>
    %mul3A_714 = arith.mulf %mul3A_713, %mul3A_16 : vector<16x256xf32>
    %slice3A_715 = vector.extract_strided_slice %mul3A_17 {offsets = [5, 0], sizes = [1, 256], strides = [1, 1]} : vector<16x256xf32> to vector<1x256xf32>
    %mul3A_716 = vector.broadcast %slice3A_715 : vector<1x256xf32> to vector<16x256xf32>
    %mul3A_717 = arith.mulf %mul3A_716, %mul3A_17 : vector<16x256xf32>
    %add3A_718 = arith.addf %mul3A_714, %mul3A_717 : vector<16x256xf32>
    %slice3A_719 = vector.extract_strided_slice %mul3A_18 {offsets = [5, 0], sizes = [1, 256], strides = [1, 1]} : vector<16x256xf32> to vector<1x256xf32>
    %mul3A_720 = vector.broadcast %slice3A_719 : vector<1x256xf32> to vector<16x256xf32>
    %mul3A_721 = arith.mulf %mul3A_720, %mul3A_18 : vector<16x256xf32>
    %add3A_722 = arith.addf %add3A_718, %mul3A_721 : vector<16x256xf32>
    %jit3A_723 = arith.constant -1.000000e+00 : f32
    %jit3A_724 = arith.constant 1.000000e+00 : f32
    %max3A_725 = vector.broadcast %jit3A_723 : f32 to vector<16x256xf32>
    %max3A_726 = arith.maximumf %max3A_725, %add3A_722 : vector<16x256xf32>
    %min3A_727 = vector.broadcast %jit3A_724 : f32 to vector<16x256xf32>
    %min3A_728 = arith.minimumf %min3A_727, %max3A_726 : vector<16x256xf32>
    %slice3A_729 = vector.extract_strided_slice %convert_element_type3A_15 {offsets = [5, 0], sizes = [1, 256], strides = [1, 1]} : vector<16x256xf32> to vector<1x256xf32>
    %mul3A_730 = vector.broadcast %slice3A_729 : vector<1x256xf32> to vector<16x256xf32>
    %mul3A_731 = arith.mulf %mul3A_730, %convert_element_type3A_15 : vector<16x256xf32>
    %gt3A_732 = arith.constant 5 : i32
    %gt3A_733 = vector.broadcast %gt3A_732 : i32 to vector<16x256xi32>
    %gt3A_734 = arith.cmpi sgt, %iota3A, %gt3A_733 : vector<16x256xi32>
    %jit3A_735 = arith.constant 0.000000e+00 : f32
    %broadcast_in_dim3A_736 = vector.broadcast %jit3A_735 : f32 to vector<16x256xf32>
    %select_n3A_737 = arith.select %gt3A_734, %mul3A_731, %broadcast_in_dim3A_736 : vector<16x256xi1>, vector<16x256xf32>
    %add3A_738 = arith.addf %add3A_599, %select_n3A_737 : vector<16x256xf32>
    %gt3A_739 = arith.constant 0.000000e+00 : f32
    %gt3A_740 = vector.broadcast %gt3A_739 : f32 to vector<16x256xf32>
    %gt3A_741 = arith.cmpf ogt, %select_n3A_737, %gt3A_740 : vector<16x256xf32>
    %jit3A_742 = arith.constant -0.999998986 : f32
    %jit3A_743 = arith.constant 0.999998986 : f32
    %max3A_744 = vector.broadcast %jit3A_742 : f32 to vector<16x256xf32>
    %max3A_745 = arith.maximumf %max3A_744, %min3A_728 : vector<16x256xf32>
    %min3A_746 = vector.broadcast %jit3A_743 : f32 to vector<16x256xf32>
    %min3A_747 = arith.minimumf %min3A_746, %max3A_745 : vector<16x256xf32>
    %jit3A_748 = arith.constant 0.000000e+00 : f32
    %broadcast_in_dim3A_749 = vector.broadcast %jit3A_748 : f32 to vector<16x256xf32>
    %select_n3A_750 = arith.select %gt3A_741, %min3A_747, %broadcast_in_dim3A_749 : vector<16x256xi1>, vector<16x256xf32>
    %abs3A_751 = math.absf %select_n3A_750 : vector<16x256xf32>
    %sub3A_752 = arith.constant 1.000000e+00 : f32
    %sub3A_753 = vector.broadcast %sub3A_752 : f32 to vector<16x256xf32>
    %sub3A_754 = arith.subf %sub3A_753, %abs3A_751 : vector<16x256xf32>
    %max3A_755 = arith.constant 0.000000e+00 : f32
    %max3A_756 = vector.broadcast %max3A_755 : f32 to vector<16x256xf32>
    %max3A_757 = arith.maximumf %sub3A_754, %max3A_756 : vector<16x256xf32>
    %sqrt3A_758 = math.sqrt %max3A_757 : vector<16x256xf32>
    %mul3A_759 = arith.constant -0.0012624911 : f32
    %mul3A_760 = vector.broadcast %mul3A_759 : f32 to vector<16x256xf32>
    %mul3A_761 = arith.mulf %mul3A_760, %abs3A_751 : vector<16x256xf32>
    %add3A_762 = arith.constant 6.670090e-03 : f32
    %add3A_763 = vector.broadcast %add3A_762 : f32 to vector<16x256xf32>
    %add3A_764 = arith.addf %mul3A_761, %add3A_763 : vector<16x256xf32>
    %mul3A_765 = arith.mulf %add3A_764, %abs3A_751 : vector<16x256xf32>
    %add3A_766 = arith.constant -0.0170881264 : f32
    %add3A_767 = vector.broadcast %add3A_766 : f32 to vector<16x256xf32>
    %add3A_768 = arith.addf %mul3A_765, %add3A_767 : vector<16x256xf32>
    %mul3A_769 = arith.mulf %add3A_768, %abs3A_751 : vector<16x256xf32>
    %add3A_770 = arith.constant 0.0308918804 : f32
    %add3A_771 = vector.broadcast %add3A_770 : f32 to vector<16x256xf32>
    %add3A_772 = arith.addf %mul3A_769, %add3A_771 : vector<16x256xf32>
    %mul3A_773 = arith.mulf %add3A_772, %abs3A_751 : vector<16x256xf32>
    %add3A_774 = arith.constant -0.0501743034 : f32
    %add3A_775 = vector.broadcast %add3A_774 : f32 to vector<16x256xf32>
    %add3A_776 = arith.addf %mul3A_773, %add3A_775 : vector<16x256xf32>
    %mul3A_777 = arith.mulf %add3A_776, %abs3A_751 : vector<16x256xf32>
    %add3A_778 = arith.constant 0.0889789909 : f32
    %add3A_779 = vector.broadcast %add3A_778 : f32 to vector<16x256xf32>
    %add3A_780 = arith.addf %mul3A_777, %add3A_779 : vector<16x256xf32>
    %mul3A_781 = arith.mulf %add3A_780, %abs3A_751 : vector<16x256xf32>
    %add3A_782 = arith.constant -0.214598805 : f32
    %add3A_783 = vector.broadcast %add3A_782 : f32 to vector<16x256xf32>
    %add3A_784 = arith.addf %mul3A_781, %add3A_783 : vector<16x256xf32>
    %mul3A_785 = arith.mulf %add3A_784, %abs3A_751 : vector<16x256xf32>
    %add3A_786 = arith.constant 1.57079625 : f32
    %add3A_787 = vector.broadcast %add3A_786 : f32 to vector<16x256xf32>
    %add3A_788 = arith.addf %mul3A_785, %add3A_787 : vector<16x256xf32>
    %lt3A_789 = arith.constant 0.000000e+00 : f32
    %lt3A_790 = vector.broadcast %lt3A_789 : f32 to vector<16x256xf32>
    %lt3A_791 = arith.cmpf olt, %select_n3A_750, %lt3A_790 : vector<16x256xf32>
    %mul3A_792 = arith.mulf %sqrt3A_758, %add3A_788 : vector<16x256xf32>
    %sub3A_793 = arith.constant 3.14159274 : f32
    %sub3A_794 = vector.broadcast %sub3A_793 : f32 to vector<16x256xf32>
    %sub3A_795 = arith.subf %sub3A_794, %mul3A_792 : vector<16x256xf32>
    %mul3A_796 = arith.mulf %sqrt3A_758, %add3A_788 : vector<16x256xf32>
    %select_n3A_797 = arith.select %lt3A_791, %sub3A_795, %mul3A_796 : vector<16x256xi1>, vector<16x256xf32>
    %mul3A_798 = arith.constant 57.2957802 : f32
    %mul3A_799 = vector.broadcast %mul3A_798 : f32 to vector<16x256xf32>
    %mul3A_800 = arith.mulf %select_n3A_797, %mul3A_799 : vector<16x256xf32>
    %sub3A_801 = arith.constant 109.471222 : f32
    %sub3A_802 = vector.broadcast %sub3A_801 : f32 to vector<16x256xf32>
    %sub3A_803 = arith.subf %mul3A_800, %sub3A_802 : vector<16x256xf32>
    %mul3A_804 = arith.constant 0.0833333358 : f32
    %mul3A_805 = vector.broadcast %mul3A_804 : f32 to vector<16x256xf32>
    %mul3A_806 = arith.mulf %sub3A_803, %mul3A_805 : vector<16x256xf32>
    %mul3A_807 = arith.constant -5.000000e-01 : f32
    %mul3A_808 = vector.broadcast %mul3A_807 : f32 to vector<16x256xf32>
    %mul3A_809 = arith.mulf %mul3A_808, %mul3A_806 : vector<16x256xf32>
    %mul3A_810 = arith.mulf %mul3A_809, %mul3A_806 : vector<16x256xf32>
    %exp3A_811 = math.exp %mul3A_810 : vector<16x256xf32>
    %mul3A_812 = arith.mulf %exp3A_811, %select_n3A_737 : vector<16x256xf32>
    %add3A_813 = arith.addf %add3A_674, %mul3A_812 : vector<16x256xf32>
    %mul3A_814 = arith.mulf %min3A_728, %min3A_728 : vector<16x256xf32>
    %mul3A_815 = arith.mulf %mul3A_814, %mul3A_814 : vector<16x256xf32>
    %mul3A_816 = arith.mulf %mul3A_815, %mul3A_814 : vector<16x256xf32>
    %mul3A_817 = arith.constant 3.500000e+01 : f32
    %mul3A_818 = vector.broadcast %mul3A_817 : f32 to vector<16x256xf32>
    %mul3A_819 = arith.mulf %mul3A_818, %mul3A_815 : vector<16x256xf32>
    %mul3A_820 = arith.constant 3.000000e+01 : f32
    %mul3A_821 = vector.broadcast %mul3A_820 : f32 to vector<16x256xf32>
    %mul3A_822 = arith.mulf %mul3A_821, %mul3A_814 : vector<16x256xf32>
    %sub3A_823 = arith.subf %mul3A_819, %mul3A_822 : vector<16x256xf32>
    %add3A_824 = arith.constant 3.000000e+00 : f32
    %add3A_825 = vector.broadcast %add3A_824 : f32 to vector<16x256xf32>
    %add3A_826 = arith.addf %sub3A_823, %add3A_825 : vector<16x256xf32>
    %mul3A_827 = arith.constant 1.250000e-01 : f32
    %mul3A_828 = vector.broadcast %mul3A_827 : f32 to vector<16x256xf32>
    %mul3A_829 = arith.mulf %add3A_826, %mul3A_828 : vector<16x256xf32>
    %mul3A_830 = arith.mulf %mul3A_829, %mul3A_731 : vector<16x256xf32>
    %add3A_831 = arith.addf %add3A_692, %mul3A_830 : vector<16x256xf32>
    %mul3A_832 = arith.constant 2.310000e+02 : f32
    %mul3A_833 = vector.broadcast %mul3A_832 : f32 to vector<16x256xf32>
    %mul3A_834 = arith.mulf %mul3A_833, %mul3A_816 : vector<16x256xf32>
    %mul3A_835 = arith.constant 3.150000e+02 : f32
    %mul3A_836 = vector.broadcast %mul3A_835 : f32 to vector<16x256xf32>
    %mul3A_837 = arith.mulf %mul3A_836, %mul3A_815 : vector<16x256xf32>
    %sub3A_838 = arith.subf %mul3A_834, %mul3A_837 : vector<16x256xf32>
    %mul3A_839 = arith.constant 1.050000e+02 : f32
    %mul3A_840 = vector.broadcast %mul3A_839 : f32 to vector<16x256xf32>
    %mul3A_841 = arith.mulf %mul3A_840, %mul3A_814 : vector<16x256xf32>
    %add3A_842 = arith.addf %sub3A_838, %mul3A_841 : vector<16x256xf32>
    %sub3A_843 = arith.constant 5.000000e+00 : f32
    %sub3A_844 = vector.broadcast %sub3A_843 : f32 to vector<16x256xf32>
    %sub3A_845 = arith.subf %add3A_842, %sub3A_844 : vector<16x256xf32>
    %mul3A_846 = arith.constant 6.250000e-02 : f32
    %mul3A_847 = vector.broadcast %mul3A_846 : f32 to vector<16x256xf32>
    %mul3A_848 = arith.mulf %sub3A_845, %mul3A_847 : vector<16x256xf32>
    %mul3A_849 = arith.mulf %mul3A_848, %mul3A_731 : vector<16x256xf32>
    %add3A_850 = arith.addf %add3A_711, %mul3A_849 : vector<16x256xf32>
    %slice3A_851 = vector.extract_strided_slice %mul3A_16 {offsets = [6, 0], sizes = [1, 256], strides = [1, 1]} : vector<16x256xf32> to vector<1x256xf32>
    %mul3A_852 = vector.broadcast %slice3A_851 : vector<1x256xf32> to vector<16x256xf32>
    %mul3A_853 = arith.mulf %mul3A_852, %mul3A_16 : vector<16x256xf32>
    %slice3A_854 = vector.extract_strided_slice %mul3A_17 {offsets = [6, 0], sizes = [1, 256], strides = [1, 1]} : vector<16x256xf32> to vector<1x256xf32>
    %mul3A_855 = vector.broadcast %slice3A_854 : vector<1x256xf32> to vector<16x256xf32>
    %mul3A_856 = arith.mulf %mul3A_855, %mul3A_17 : vector<16x256xf32>
    %add3A_857 = arith.addf %mul3A_853, %mul3A_856 : vector<16x256xf32>
    %slice3A_858 = vector.extract_strided_slice %mul3A_18 {offsets = [6, 0], sizes = [1, 256], strides = [1, 1]} : vector<16x256xf32> to vector<1x256xf32>
    %mul3A_859 = vector.broadcast %slice3A_858 : vector<1x256xf32> to vector<16x256xf32>
    %mul3A_860 = arith.mulf %mul3A_859, %mul3A_18 : vector<16x256xf32>
    %add3A_861 = arith.addf %add3A_857, %mul3A_860 : vector<16x256xf32>
    %jit3A_862 = arith.constant -1.000000e+00 : f32
    %jit3A_863 = arith.constant 1.000000e+00 : f32
    %max3A_864 = vector.broadcast %jit3A_862 : f32 to vector<16x256xf32>
    %max3A_865 = arith.maximumf %max3A_864, %add3A_861 : vector<16x256xf32>
    %min3A_866 = vector.broadcast %jit3A_863 : f32 to vector<16x256xf32>
    %min3A_867 = arith.minimumf %min3A_866, %max3A_865 : vector<16x256xf32>
    %slice3A_868 = vector.extract_strided_slice %convert_element_type3A_15 {offsets = [6, 0], sizes = [1, 256], strides = [1, 1]} : vector<16x256xf32> to vector<1x256xf32>
    %mul3A_869 = vector.broadcast %slice3A_868 : vector<1x256xf32> to vector<16x256xf32>
    %mul3A_870 = arith.mulf %mul3A_869, %convert_element_type3A_15 : vector<16x256xf32>
    %gt3A_871 = arith.constant 6 : i32
    %gt3A_872 = vector.broadcast %gt3A_871 : i32 to vector<16x256xi32>
    %gt3A_873 = arith.cmpi sgt, %iota3A, %gt3A_872 : vector<16x256xi32>
    %jit3A_874 = arith.constant 0.000000e+00 : f32
    %broadcast_in_dim3A_875 = vector.broadcast %jit3A_874 : f32 to vector<16x256xf32>
    %select_n3A_876 = arith.select %gt3A_873, %mul3A_870, %broadcast_in_dim3A_875 : vector<16x256xi1>, vector<16x256xf32>
    %add3A_877 = arith.addf %add3A_738, %select_n3A_876 : vector<16x256xf32>
    %gt3A_878 = arith.constant 0.000000e+00 : f32
    %gt3A_879 = vector.broadcast %gt3A_878 : f32 to vector<16x256xf32>
    %gt3A_880 = arith.cmpf ogt, %select_n3A_876, %gt3A_879 : vector<16x256xf32>
    %jit3A_881 = arith.constant -0.999998986 : f32
    %jit3A_882 = arith.constant 0.999998986 : f32
    %max3A_883 = vector.broadcast %jit3A_881 : f32 to vector<16x256xf32>
    %max3A_884 = arith.maximumf %max3A_883, %min3A_867 : vector<16x256xf32>
    %min3A_885 = vector.broadcast %jit3A_882 : f32 to vector<16x256xf32>
    %min3A_886 = arith.minimumf %min3A_885, %max3A_884 : vector<16x256xf32>
    %jit3A_887 = arith.constant 0.000000e+00 : f32
    %broadcast_in_dim3A_888 = vector.broadcast %jit3A_887 : f32 to vector<16x256xf32>
    %select_n3A_889 = arith.select %gt3A_880, %min3A_886, %broadcast_in_dim3A_888 : vector<16x256xi1>, vector<16x256xf32>
    %abs3A_890 = math.absf %select_n3A_889 : vector<16x256xf32>
    %sub3A_891 = arith.constant 1.000000e+00 : f32
    %sub3A_892 = vector.broadcast %sub3A_891 : f32 to vector<16x256xf32>
    %sub3A_893 = arith.subf %sub3A_892, %abs3A_890 : vector<16x256xf32>
    %max3A_894 = arith.constant 0.000000e+00 : f32
    %max3A_895 = vector.broadcast %max3A_894 : f32 to vector<16x256xf32>
    %max3A_896 = arith.maximumf %sub3A_893, %max3A_895 : vector<16x256xf32>
    %sqrt3A_897 = math.sqrt %max3A_896 : vector<16x256xf32>
    %mul3A_898 = arith.constant -0.0012624911 : f32
    %mul3A_899 = vector.broadcast %mul3A_898 : f32 to vector<16x256xf32>
    %mul3A_900 = arith.mulf %mul3A_899, %abs3A_890 : vector<16x256xf32>
    %add3A_901 = arith.constant 6.670090e-03 : f32
    %add3A_902 = vector.broadcast %add3A_901 : f32 to vector<16x256xf32>
    %add3A_903 = arith.addf %mul3A_900, %add3A_902 : vector<16x256xf32>
    %mul3A_904 = arith.mulf %add3A_903, %abs3A_890 : vector<16x256xf32>
    %add3A_905 = arith.constant -0.0170881264 : f32
    %add3A_906 = vector.broadcast %add3A_905 : f32 to vector<16x256xf32>
    %add3A_907 = arith.addf %mul3A_904, %add3A_906 : vector<16x256xf32>
    %mul3A_908 = arith.mulf %add3A_907, %abs3A_890 : vector<16x256xf32>
    %add3A_909 = arith.constant 0.0308918804 : f32
    %add3A_910 = vector.broadcast %add3A_909 : f32 to vector<16x256xf32>
    %add3A_911 = arith.addf %mul3A_908, %add3A_910 : vector<16x256xf32>
    %mul3A_912 = arith.mulf %add3A_911, %abs3A_890 : vector<16x256xf32>
    %add3A_913 = arith.constant -0.0501743034 : f32
    %add3A_914 = vector.broadcast %add3A_913 : f32 to vector<16x256xf32>
    %add3A_915 = arith.addf %mul3A_912, %add3A_914 : vector<16x256xf32>
    %mul3A_916 = arith.mulf %add3A_915, %abs3A_890 : vector<16x256xf32>
    %add3A_917 = arith.constant 0.0889789909 : f32
    %add3A_918 = vector.broadcast %add3A_917 : f32 to vector<16x256xf32>
    %add3A_919 = arith.addf %mul3A_916, %add3A_918 : vector<16x256xf32>
    %mul3A_920 = arith.mulf %add3A_919, %abs3A_890 : vector<16x256xf32>
    %add3A_921 = arith.constant -0.214598805 : f32
    %add3A_922 = vector.broadcast %add3A_921 : f32 to vector<16x256xf32>
    %add3A_923 = arith.addf %mul3A_920, %add3A_922 : vector<16x256xf32>
    %mul3A_924 = arith.mulf %add3A_923, %abs3A_890 : vector<16x256xf32>
    %add3A_925 = arith.constant 1.57079625 : f32
    %add3A_926 = vector.broadcast %add3A_925 : f32 to vector<16x256xf32>
    %add3A_927 = arith.addf %mul3A_924, %add3A_926 : vector<16x256xf32>
    %lt3A_928 = arith.constant 0.000000e+00 : f32
    %lt3A_929 = vector.broadcast %lt3A_928 : f32 to vector<16x256xf32>
    %lt3A_930 = arith.cmpf olt, %select_n3A_889, %lt3A_929 : vector<16x256xf32>
    %mul3A_931 = arith.mulf %sqrt3A_897, %add3A_927 : vector<16x256xf32>
    %sub3A_932 = arith.constant 3.14159274 : f32
    %sub3A_933 = vector.broadcast %sub3A_932 : f32 to vector<16x256xf32>
    %sub3A_934 = arith.subf %sub3A_933, %mul3A_931 : vector<16x256xf32>
    %mul3A_935 = arith.mulf %sqrt3A_897, %add3A_927 : vector<16x256xf32>
    %select_n3A_936 = arith.select %lt3A_930, %sub3A_934, %mul3A_935 : vector<16x256xi1>, vector<16x256xf32>
    %mul3A_937 = arith.constant 57.2957802 : f32
    %mul3A_938 = vector.broadcast %mul3A_937 : f32 to vector<16x256xf32>
    %mul3A_939 = arith.mulf %select_n3A_936, %mul3A_938 : vector<16x256xf32>
    %sub3A_940 = arith.constant 109.471222 : f32
    %sub3A_941 = vector.broadcast %sub3A_940 : f32 to vector<16x256xf32>
    %sub3A_942 = arith.subf %mul3A_939, %sub3A_941 : vector<16x256xf32>
    %mul3A_943 = arith.constant 0.0833333358 : f32
    %mul3A_944 = vector.broadcast %mul3A_943 : f32 to vector<16x256xf32>
    %mul3A_945 = arith.mulf %sub3A_942, %mul3A_944 : vector<16x256xf32>
    %mul3A_946 = arith.constant -5.000000e-01 : f32
    %mul3A_947 = vector.broadcast %mul3A_946 : f32 to vector<16x256xf32>
    %mul3A_948 = arith.mulf %mul3A_947, %mul3A_945 : vector<16x256xf32>
    %mul3A_949 = arith.mulf %mul3A_948, %mul3A_945 : vector<16x256xf32>
    %exp3A_950 = math.exp %mul3A_949 : vector<16x256xf32>
    %mul3A_951 = arith.mulf %exp3A_950, %select_n3A_876 : vector<16x256xf32>
    %add3A_952 = arith.addf %add3A_813, %mul3A_951 : vector<16x256xf32>
    %mul3A_953 = arith.mulf %min3A_867, %min3A_867 : vector<16x256xf32>
    %mul3A_954 = arith.mulf %mul3A_953, %mul3A_953 : vector<16x256xf32>
    %mul3A_955 = arith.mulf %mul3A_954, %mul3A_953 : vector<16x256xf32>
    %mul3A_956 = arith.constant 3.500000e+01 : f32
    %mul3A_957 = vector.broadcast %mul3A_956 : f32 to vector<16x256xf32>
    %mul3A_958 = arith.mulf %mul3A_957, %mul3A_954 : vector<16x256xf32>
    %mul3A_959 = arith.constant 3.000000e+01 : f32
    %mul3A_960 = vector.broadcast %mul3A_959 : f32 to vector<16x256xf32>
    %mul3A_961 = arith.mulf %mul3A_960, %mul3A_953 : vector<16x256xf32>
    %sub3A_962 = arith.subf %mul3A_958, %mul3A_961 : vector<16x256xf32>
    %add3A_963 = arith.constant 3.000000e+00 : f32
    %add3A_964 = vector.broadcast %add3A_963 : f32 to vector<16x256xf32>
    %add3A_965 = arith.addf %sub3A_962, %add3A_964 : vector<16x256xf32>
    %mul3A_966 = arith.constant 1.250000e-01 : f32
    %mul3A_967 = vector.broadcast %mul3A_966 : f32 to vector<16x256xf32>
    %mul3A_968 = arith.mulf %add3A_965, %mul3A_967 : vector<16x256xf32>
    %mul3A_969 = arith.mulf %mul3A_968, %mul3A_870 : vector<16x256xf32>
    %add3A_970 = arith.addf %add3A_831, %mul3A_969 : vector<16x256xf32>
    %mul3A_971 = arith.constant 2.310000e+02 : f32
    %mul3A_972 = vector.broadcast %mul3A_971 : f32 to vector<16x256xf32>
    %mul3A_973 = arith.mulf %mul3A_972, %mul3A_955 : vector<16x256xf32>
    %mul3A_974 = arith.constant 3.150000e+02 : f32
    %mul3A_975 = vector.broadcast %mul3A_974 : f32 to vector<16x256xf32>
    %mul3A_976 = arith.mulf %mul3A_975, %mul3A_954 : vector<16x256xf32>
    %sub3A_977 = arith.subf %mul3A_973, %mul3A_976 : vector<16x256xf32>
    %mul3A_978 = arith.constant 1.050000e+02 : f32
    %mul3A_979 = vector.broadcast %mul3A_978 : f32 to vector<16x256xf32>
    %mul3A_980 = arith.mulf %mul3A_979, %mul3A_953 : vector<16x256xf32>
    %add3A_981 = arith.addf %sub3A_977, %mul3A_980 : vector<16x256xf32>
    %sub3A_982 = arith.constant 5.000000e+00 : f32
    %sub3A_983 = vector.broadcast %sub3A_982 : f32 to vector<16x256xf32>
    %sub3A_984 = arith.subf %add3A_981, %sub3A_983 : vector<16x256xf32>
    %mul3A_985 = arith.constant 6.250000e-02 : f32
    %mul3A_986 = vector.broadcast %mul3A_985 : f32 to vector<16x256xf32>
    %mul3A_987 = arith.mulf %sub3A_984, %mul3A_986 : vector<16x256xf32>
    %mul3A_988 = arith.mulf %mul3A_987, %mul3A_870 : vector<16x256xf32>
    %add3A_989 = arith.addf %add3A_850, %mul3A_988 : vector<16x256xf32>
    %slice3A_990 = vector.extract_strided_slice %mul3A_16 {offsets = [7, 0], sizes = [1, 256], strides = [1, 1]} : vector<16x256xf32> to vector<1x256xf32>
    %mul3A_991 = vector.broadcast %slice3A_990 : vector<1x256xf32> to vector<16x256xf32>
    %mul3A_992 = arith.mulf %mul3A_991, %mul3A_16 : vector<16x256xf32>
    %slice3A_993 = vector.extract_strided_slice %mul3A_17 {offsets = [7, 0], sizes = [1, 256], strides = [1, 1]} : vector<16x256xf32> to vector<1x256xf32>
    %mul3A_994 = vector.broadcast %slice3A_993 : vector<1x256xf32> to vector<16x256xf32>
    %mul3A_995 = arith.mulf %mul3A_994, %mul3A_17 : vector<16x256xf32>
    %add3A_996 = arith.addf %mul3A_992, %mul3A_995 : vector<16x256xf32>
    %slice3A_997 = vector.extract_strided_slice %mul3A_18 {offsets = [7, 0], sizes = [1, 256], strides = [1, 1]} : vector<16x256xf32> to vector<1x256xf32>
    %mul3A_998 = vector.broadcast %slice3A_997 : vector<1x256xf32> to vector<16x256xf32>
    %mul3A_999 = arith.mulf %mul3A_998, %mul3A_18 : vector<16x256xf32>
    %add3A_1000 = arith.addf %add3A_996, %mul3A_999 : vector<16x256xf32>
    %jit3A_1001 = arith.constant -1.000000e+00 : f32
    %jit3A_1002 = arith.constant 1.000000e+00 : f32
    %max3A_1003 = vector.broadcast %jit3A_1001 : f32 to vector<16x256xf32>
    %max3A_1004 = arith.maximumf %max3A_1003, %add3A_1000 : vector<16x256xf32>
    %min3A_1005 = vector.broadcast %jit3A_1002 : f32 to vector<16x256xf32>
    %min3A_1006 = arith.minimumf %min3A_1005, %max3A_1004 : vector<16x256xf32>
    %slice3A_1007 = vector.extract_strided_slice %convert_element_type3A_15 {offsets = [7, 0], sizes = [1, 256], strides = [1, 1]} : vector<16x256xf32> to vector<1x256xf32>
    %mul3A_1008 = vector.broadcast %slice3A_1007 : vector<1x256xf32> to vector<16x256xf32>
    %mul3A_1009 = arith.mulf %mul3A_1008, %convert_element_type3A_15 : vector<16x256xf32>
    %gt3A_1010 = arith.constant 7 : i32
    %gt3A_1011 = vector.broadcast %gt3A_1010 : i32 to vector<16x256xi32>
    %gt3A_1012 = arith.cmpi sgt, %iota3A, %gt3A_1011 : vector<16x256xi32>
    %jit3A_1013 = arith.constant 0.000000e+00 : f32
    %broadcast_in_dim3A_1014 = vector.broadcast %jit3A_1013 : f32 to vector<16x256xf32>
    %select_n3A_1015 = arith.select %gt3A_1012, %mul3A_1009, %broadcast_in_dim3A_1014 : vector<16x256xi1>, vector<16x256xf32>
    %add3A_1016 = arith.addf %add3A_877, %select_n3A_1015 : vector<16x256xf32>
    %gt3A_1017 = arith.constant 0.000000e+00 : f32
    %gt3A_1018 = vector.broadcast %gt3A_1017 : f32 to vector<16x256xf32>
    %gt3A_1019 = arith.cmpf ogt, %select_n3A_1015, %gt3A_1018 : vector<16x256xf32>
    %jit3A_1020 = arith.constant -0.999998986 : f32
    %jit3A_1021 = arith.constant 0.999998986 : f32
    %max3A_1022 = vector.broadcast %jit3A_1020 : f32 to vector<16x256xf32>
    %max3A_1023 = arith.maximumf %max3A_1022, %min3A_1006 : vector<16x256xf32>
    %min3A_1024 = vector.broadcast %jit3A_1021 : f32 to vector<16x256xf32>
    %min3A_1025 = arith.minimumf %min3A_1024, %max3A_1023 : vector<16x256xf32>
    %jit3A_1026 = arith.constant 0.000000e+00 : f32
    %broadcast_in_dim3A_1027 = vector.broadcast %jit3A_1026 : f32 to vector<16x256xf32>
    %select_n3A_1028 = arith.select %gt3A_1019, %min3A_1025, %broadcast_in_dim3A_1027 : vector<16x256xi1>, vector<16x256xf32>
    %abs3A_1029 = math.absf %select_n3A_1028 : vector<16x256xf32>
    %sub3A_1030 = arith.constant 1.000000e+00 : f32
    %sub3A_1031 = vector.broadcast %sub3A_1030 : f32 to vector<16x256xf32>
    %sub3A_1032 = arith.subf %sub3A_1031, %abs3A_1029 : vector<16x256xf32>
    %max3A_1033 = arith.constant 0.000000e+00 : f32
    %max3A_1034 = vector.broadcast %max3A_1033 : f32 to vector<16x256xf32>
    %max3A_1035 = arith.maximumf %sub3A_1032, %max3A_1034 : vector<16x256xf32>
    %sqrt3A_1036 = math.sqrt %max3A_1035 : vector<16x256xf32>
    %mul3A_1037 = arith.constant -0.0012624911 : f32
    %mul3A_1038 = vector.broadcast %mul3A_1037 : f32 to vector<16x256xf32>
    %mul3A_1039 = arith.mulf %mul3A_1038, %abs3A_1029 : vector<16x256xf32>
    %add3A_1040 = arith.constant 6.670090e-03 : f32
    %add3A_1041 = vector.broadcast %add3A_1040 : f32 to vector<16x256xf32>
    %add3A_1042 = arith.addf %mul3A_1039, %add3A_1041 : vector<16x256xf32>
    %mul3A_1043 = arith.mulf %add3A_1042, %abs3A_1029 : vector<16x256xf32>
    %add3A_1044 = arith.constant -0.0170881264 : f32
    %add3A_1045 = vector.broadcast %add3A_1044 : f32 to vector<16x256xf32>
    %add3A_1046 = arith.addf %mul3A_1043, %add3A_1045 : vector<16x256xf32>
    %mul3A_1047 = arith.mulf %add3A_1046, %abs3A_1029 : vector<16x256xf32>
    %add3A_1048 = arith.constant 0.0308918804 : f32
    %add3A_1049 = vector.broadcast %add3A_1048 : f32 to vector<16x256xf32>
    %add3A_1050 = arith.addf %mul3A_1047, %add3A_1049 : vector<16x256xf32>
    %mul3A_1051 = arith.mulf %add3A_1050, %abs3A_1029 : vector<16x256xf32>
    %add3A_1052 = arith.constant -0.0501743034 : f32
    %add3A_1053 = vector.broadcast %add3A_1052 : f32 to vector<16x256xf32>
    %add3A_1054 = arith.addf %mul3A_1051, %add3A_1053 : vector<16x256xf32>
    %mul3A_1055 = arith.mulf %add3A_1054, %abs3A_1029 : vector<16x256xf32>
    %add3A_1056 = arith.constant 0.0889789909 : f32
    %add3A_1057 = vector.broadcast %add3A_1056 : f32 to vector<16x256xf32>
    %add3A_1058 = arith.addf %mul3A_1055, %add3A_1057 : vector<16x256xf32>
    %mul3A_1059 = arith.mulf %add3A_1058, %abs3A_1029 : vector<16x256xf32>
    %add3A_1060 = arith.constant -0.214598805 : f32
    %add3A_1061 = vector.broadcast %add3A_1060 : f32 to vector<16x256xf32>
    %add3A_1062 = arith.addf %mul3A_1059, %add3A_1061 : vector<16x256xf32>
    %mul3A_1063 = arith.mulf %add3A_1062, %abs3A_1029 : vector<16x256xf32>
    %add3A_1064 = arith.constant 1.57079625 : f32
    %add3A_1065 = vector.broadcast %add3A_1064 : f32 to vector<16x256xf32>
    %add3A_1066 = arith.addf %mul3A_1063, %add3A_1065 : vector<16x256xf32>
    %lt3A_1067 = arith.constant 0.000000e+00 : f32
    %lt3A_1068 = vector.broadcast %lt3A_1067 : f32 to vector<16x256xf32>
    %lt3A_1069 = arith.cmpf olt, %select_n3A_1028, %lt3A_1068 : vector<16x256xf32>
    %mul3A_1070 = arith.mulf %sqrt3A_1036, %add3A_1066 : vector<16x256xf32>
    %sub3A_1071 = arith.constant 3.14159274 : f32
    %sub3A_1072 = vector.broadcast %sub3A_1071 : f32 to vector<16x256xf32>
    %sub3A_1073 = arith.subf %sub3A_1072, %mul3A_1070 : vector<16x256xf32>
    %mul3A_1074 = arith.mulf %sqrt3A_1036, %add3A_1066 : vector<16x256xf32>
    %select_n3A_1075 = arith.select %lt3A_1069, %sub3A_1073, %mul3A_1074 : vector<16x256xi1>, vector<16x256xf32>
    %mul3A_1076 = arith.constant 57.2957802 : f32
    %mul3A_1077 = vector.broadcast %mul3A_1076 : f32 to vector<16x256xf32>
    %mul3A_1078 = arith.mulf %select_n3A_1075, %mul3A_1077 : vector<16x256xf32>
    %sub3A_1079 = arith.constant 109.471222 : f32
    %sub3A_1080 = vector.broadcast %sub3A_1079 : f32 to vector<16x256xf32>
    %sub3A_1081 = arith.subf %mul3A_1078, %sub3A_1080 : vector<16x256xf32>
    %mul3A_1082 = arith.constant 0.0833333358 : f32
    %mul3A_1083 = vector.broadcast %mul3A_1082 : f32 to vector<16x256xf32>
    %mul3A_1084 = arith.mulf %sub3A_1081, %mul3A_1083 : vector<16x256xf32>
    %mul3A_1085 = arith.constant -5.000000e-01 : f32
    %mul3A_1086 = vector.broadcast %mul3A_1085 : f32 to vector<16x256xf32>
    %mul3A_1087 = arith.mulf %mul3A_1086, %mul3A_1084 : vector<16x256xf32>
    %mul3A_1088 = arith.mulf %mul3A_1087, %mul3A_1084 : vector<16x256xf32>
    %exp3A_1089 = math.exp %mul3A_1088 : vector<16x256xf32>
    %mul3A_1090 = arith.mulf %exp3A_1089, %select_n3A_1015 : vector<16x256xf32>
    %add3A_1091 = arith.addf %add3A_952, %mul3A_1090 : vector<16x256xf32>
    %mul3A_1092 = arith.mulf %min3A_1006, %min3A_1006 : vector<16x256xf32>
    %mul3A_1093 = arith.mulf %mul3A_1092, %mul3A_1092 : vector<16x256xf32>
    %mul3A_1094 = arith.mulf %mul3A_1093, %mul3A_1092 : vector<16x256xf32>
    %mul3A_1095 = arith.constant 3.500000e+01 : f32
    %mul3A_1096 = vector.broadcast %mul3A_1095 : f32 to vector<16x256xf32>
    %mul3A_1097 = arith.mulf %mul3A_1096, %mul3A_1093 : vector<16x256xf32>
    %mul3A_1098 = arith.constant 3.000000e+01 : f32
    %mul3A_1099 = vector.broadcast %mul3A_1098 : f32 to vector<16x256xf32>
    %mul3A_1100 = arith.mulf %mul3A_1099, %mul3A_1092 : vector<16x256xf32>
    %sub3A_1101 = arith.subf %mul3A_1097, %mul3A_1100 : vector<16x256xf32>
    %add3A_1102 = arith.constant 3.000000e+00 : f32
    %add3A_1103 = vector.broadcast %add3A_1102 : f32 to vector<16x256xf32>
    %add3A_1104 = arith.addf %sub3A_1101, %add3A_1103 : vector<16x256xf32>
    %mul3A_1105 = arith.constant 1.250000e-01 : f32
    %mul3A_1106 = vector.broadcast %mul3A_1105 : f32 to vector<16x256xf32>
    %mul3A_1107 = arith.mulf %add3A_1104, %mul3A_1106 : vector<16x256xf32>
    %mul3A_1108 = arith.mulf %mul3A_1107, %mul3A_1009 : vector<16x256xf32>
    %add3A_1109 = arith.addf %add3A_970, %mul3A_1108 : vector<16x256xf32>
    %mul3A_1110 = arith.constant 2.310000e+02 : f32
    %mul3A_1111 = vector.broadcast %mul3A_1110 : f32 to vector<16x256xf32>
    %mul3A_1112 = arith.mulf %mul3A_1111, %mul3A_1094 : vector<16x256xf32>
    %mul3A_1113 = arith.constant 3.150000e+02 : f32
    %mul3A_1114 = vector.broadcast %mul3A_1113 : f32 to vector<16x256xf32>
    %mul3A_1115 = arith.mulf %mul3A_1114, %mul3A_1093 : vector<16x256xf32>
    %sub3A_1116 = arith.subf %mul3A_1112, %mul3A_1115 : vector<16x256xf32>
    %mul3A_1117 = arith.constant 1.050000e+02 : f32
    %mul3A_1118 = vector.broadcast %mul3A_1117 : f32 to vector<16x256xf32>
    %mul3A_1119 = arith.mulf %mul3A_1118, %mul3A_1092 : vector<16x256xf32>
    %add3A_1120 = arith.addf %sub3A_1116, %mul3A_1119 : vector<16x256xf32>
    %sub3A_1121 = arith.constant 5.000000e+00 : f32
    %sub3A_1122 = vector.broadcast %sub3A_1121 : f32 to vector<16x256xf32>
    %sub3A_1123 = arith.subf %add3A_1120, %sub3A_1122 : vector<16x256xf32>
    %mul3A_1124 = arith.constant 6.250000e-02 : f32
    %mul3A_1125 = vector.broadcast %mul3A_1124 : f32 to vector<16x256xf32>
    %mul3A_1126 = arith.mulf %sub3A_1123, %mul3A_1125 : vector<16x256xf32>
    %mul3A_1127 = arith.mulf %mul3A_1126, %mul3A_1009 : vector<16x256xf32>
    %add3A_1128 = arith.addf %add3A_989, %mul3A_1127 : vector<16x256xf32>
    %slice3A_1129 = vector.extract_strided_slice %mul3A_16 {offsets = [8, 0], sizes = [1, 256], strides = [1, 1]} : vector<16x256xf32> to vector<1x256xf32>
    %mul3A_1130 = vector.broadcast %slice3A_1129 : vector<1x256xf32> to vector<16x256xf32>
    %mul3A_1131 = arith.mulf %mul3A_1130, %mul3A_16 : vector<16x256xf32>
    %slice3A_1132 = vector.extract_strided_slice %mul3A_17 {offsets = [8, 0], sizes = [1, 256], strides = [1, 1]} : vector<16x256xf32> to vector<1x256xf32>
    %mul3A_1133 = vector.broadcast %slice3A_1132 : vector<1x256xf32> to vector<16x256xf32>
    %mul3A_1134 = arith.mulf %mul3A_1133, %mul3A_17 : vector<16x256xf32>
    %add3A_1135 = arith.addf %mul3A_1131, %mul3A_1134 : vector<16x256xf32>
    %slice3A_1136 = vector.extract_strided_slice %mul3A_18 {offsets = [8, 0], sizes = [1, 256], strides = [1, 1]} : vector<16x256xf32> to vector<1x256xf32>
    %mul3A_1137 = vector.broadcast %slice3A_1136 : vector<1x256xf32> to vector<16x256xf32>
    %mul3A_1138 = arith.mulf %mul3A_1137, %mul3A_18 : vector<16x256xf32>
    %add3A_1139 = arith.addf %add3A_1135, %mul3A_1138 : vector<16x256xf32>
    %jit3A_1140 = arith.constant -1.000000e+00 : f32
    %jit3A_1141 = arith.constant 1.000000e+00 : f32
    %max3A_1142 = vector.broadcast %jit3A_1140 : f32 to vector<16x256xf32>
    %max3A_1143 = arith.maximumf %max3A_1142, %add3A_1139 : vector<16x256xf32>
    %min3A_1144 = vector.broadcast %jit3A_1141 : f32 to vector<16x256xf32>
    %min3A_1145 = arith.minimumf %min3A_1144, %max3A_1143 : vector<16x256xf32>
    %slice3A_1146 = vector.extract_strided_slice %convert_element_type3A_15 {offsets = [8, 0], sizes = [1, 256], strides = [1, 1]} : vector<16x256xf32> to vector<1x256xf32>
    %mul3A_1147 = vector.broadcast %slice3A_1146 : vector<1x256xf32> to vector<16x256xf32>
    %mul3A_1148 = arith.mulf %mul3A_1147, %convert_element_type3A_15 : vector<16x256xf32>
    %gt3A_1149 = arith.constant 8 : i32
    %gt3A_1150 = vector.broadcast %gt3A_1149 : i32 to vector<16x256xi32>
    %gt3A_1151 = arith.cmpi sgt, %iota3A, %gt3A_1150 : vector<16x256xi32>
    %jit3A_1152 = arith.constant 0.000000e+00 : f32
    %broadcast_in_dim3A_1153 = vector.broadcast %jit3A_1152 : f32 to vector<16x256xf32>
    %select_n3A_1154 = arith.select %gt3A_1151, %mul3A_1148, %broadcast_in_dim3A_1153 : vector<16x256xi1>, vector<16x256xf32>
    %add3A_1155 = arith.addf %add3A_1016, %select_n3A_1154 : vector<16x256xf32>
    %gt3A_1156 = arith.constant 0.000000e+00 : f32
    %gt3A_1157 = vector.broadcast %gt3A_1156 : f32 to vector<16x256xf32>
    %gt3A_1158 = arith.cmpf ogt, %select_n3A_1154, %gt3A_1157 : vector<16x256xf32>
    %jit3A_1159 = arith.constant -0.999998986 : f32
    %jit3A_1160 = arith.constant 0.999998986 : f32
    %max3A_1161 = vector.broadcast %jit3A_1159 : f32 to vector<16x256xf32>
    %max3A_1162 = arith.maximumf %max3A_1161, %min3A_1145 : vector<16x256xf32>
    %min3A_1163 = vector.broadcast %jit3A_1160 : f32 to vector<16x256xf32>
    %min3A_1164 = arith.minimumf %min3A_1163, %max3A_1162 : vector<16x256xf32>
    %jit3A_1165 = arith.constant 0.000000e+00 : f32
    %broadcast_in_dim3A_1166 = vector.broadcast %jit3A_1165 : f32 to vector<16x256xf32>
    %select_n3A_1167 = arith.select %gt3A_1158, %min3A_1164, %broadcast_in_dim3A_1166 : vector<16x256xi1>, vector<16x256xf32>
    %abs3A_1168 = math.absf %select_n3A_1167 : vector<16x256xf32>
    %sub3A_1169 = arith.constant 1.000000e+00 : f32
    %sub3A_1170 = vector.broadcast %sub3A_1169 : f32 to vector<16x256xf32>
    %sub3A_1171 = arith.subf %sub3A_1170, %abs3A_1168 : vector<16x256xf32>
    %max3A_1172 = arith.constant 0.000000e+00 : f32
    %max3A_1173 = vector.broadcast %max3A_1172 : f32 to vector<16x256xf32>
    %max3A_1174 = arith.maximumf %sub3A_1171, %max3A_1173 : vector<16x256xf32>
    %sqrt3A_1175 = math.sqrt %max3A_1174 : vector<16x256xf32>
    %mul3A_1176 = arith.constant -0.0012624911 : f32
    %mul3A_1177 = vector.broadcast %mul3A_1176 : f32 to vector<16x256xf32>
    %mul3A_1178 = arith.mulf %mul3A_1177, %abs3A_1168 : vector<16x256xf32>
    %add3A_1179 = arith.constant 6.670090e-03 : f32
    %add3A_1180 = vector.broadcast %add3A_1179 : f32 to vector<16x256xf32>
    %add3A_1181 = arith.addf %mul3A_1178, %add3A_1180 : vector<16x256xf32>
    %mul3A_1182 = arith.mulf %add3A_1181, %abs3A_1168 : vector<16x256xf32>
    %add3A_1183 = arith.constant -0.0170881264 : f32
    %add3A_1184 = vector.broadcast %add3A_1183 : f32 to vector<16x256xf32>
    %add3A_1185 = arith.addf %mul3A_1182, %add3A_1184 : vector<16x256xf32>
    %mul3A_1186 = arith.mulf %add3A_1185, %abs3A_1168 : vector<16x256xf32>
    %add3A_1187 = arith.constant 0.0308918804 : f32
    %add3A_1188 = vector.broadcast %add3A_1187 : f32 to vector<16x256xf32>
    %add3A_1189 = arith.addf %mul3A_1186, %add3A_1188 : vector<16x256xf32>
    %mul3A_1190 = arith.mulf %add3A_1189, %abs3A_1168 : vector<16x256xf32>
    %add3A_1191 = arith.constant -0.0501743034 : f32
    %add3A_1192 = vector.broadcast %add3A_1191 : f32 to vector<16x256xf32>
    %add3A_1193 = arith.addf %mul3A_1190, %add3A_1192 : vector<16x256xf32>
    %mul3A_1194 = arith.mulf %add3A_1193, %abs3A_1168 : vector<16x256xf32>
    %add3A_1195 = arith.constant 0.0889789909 : f32
    %add3A_1196 = vector.broadcast %add3A_1195 : f32 to vector<16x256xf32>
    %add3A_1197 = arith.addf %mul3A_1194, %add3A_1196 : vector<16x256xf32>
    %mul3A_1198 = arith.mulf %add3A_1197, %abs3A_1168 : vector<16x256xf32>
    %add3A_1199 = arith.constant -0.214598805 : f32
    %add3A_1200 = vector.broadcast %add3A_1199 : f32 to vector<16x256xf32>
    %add3A_1201 = arith.addf %mul3A_1198, %add3A_1200 : vector<16x256xf32>
    %mul3A_1202 = arith.mulf %add3A_1201, %abs3A_1168 : vector<16x256xf32>
    %add3A_1203 = arith.constant 1.57079625 : f32
    %add3A_1204 = vector.broadcast %add3A_1203 : f32 to vector<16x256xf32>
    %add3A_1205 = arith.addf %mul3A_1202, %add3A_1204 : vector<16x256xf32>
    %lt3A_1206 = arith.constant 0.000000e+00 : f32
    %lt3A_1207 = vector.broadcast %lt3A_1206 : f32 to vector<16x256xf32>
    %lt3A_1208 = arith.cmpf olt, %select_n3A_1167, %lt3A_1207 : vector<16x256xf32>
    %mul3A_1209 = arith.mulf %sqrt3A_1175, %add3A_1205 : vector<16x256xf32>
    %sub3A_1210 = arith.constant 3.14159274 : f32
    %sub3A_1211 = vector.broadcast %sub3A_1210 : f32 to vector<16x256xf32>
    %sub3A_1212 = arith.subf %sub3A_1211, %mul3A_1209 : vector<16x256xf32>
    %mul3A_1213 = arith.mulf %sqrt3A_1175, %add3A_1205 : vector<16x256xf32>
    %select_n3A_1214 = arith.select %lt3A_1208, %sub3A_1212, %mul3A_1213 : vector<16x256xi1>, vector<16x256xf32>
    %mul3A_1215 = arith.constant 57.2957802 : f32
    %mul3A_1216 = vector.broadcast %mul3A_1215 : f32 to vector<16x256xf32>
    %mul3A_1217 = arith.mulf %select_n3A_1214, %mul3A_1216 : vector<16x256xf32>
    %sub3A_1218 = arith.constant 109.471222 : f32
    %sub3A_1219 = vector.broadcast %sub3A_1218 : f32 to vector<16x256xf32>
    %sub3A_1220 = arith.subf %mul3A_1217, %sub3A_1219 : vector<16x256xf32>
    %mul3A_1221 = arith.constant 0.0833333358 : f32
    %mul3A_1222 = vector.broadcast %mul3A_1221 : f32 to vector<16x256xf32>
    %mul3A_1223 = arith.mulf %sub3A_1220, %mul3A_1222 : vector<16x256xf32>
    %mul3A_1224 = arith.constant -5.000000e-01 : f32
    %mul3A_1225 = vector.broadcast %mul3A_1224 : f32 to vector<16x256xf32>
    %mul3A_1226 = arith.mulf %mul3A_1225, %mul3A_1223 : vector<16x256xf32>
    %mul3A_1227 = arith.mulf %mul3A_1226, %mul3A_1223 : vector<16x256xf32>
    %exp3A_1228 = math.exp %mul3A_1227 : vector<16x256xf32>
    %mul3A_1229 = arith.mulf %exp3A_1228, %select_n3A_1154 : vector<16x256xf32>
    %add3A_1230 = arith.addf %add3A_1091, %mul3A_1229 : vector<16x256xf32>
    %mul3A_1231 = arith.mulf %min3A_1145, %min3A_1145 : vector<16x256xf32>
    %mul3A_1232 = arith.mulf %mul3A_1231, %mul3A_1231 : vector<16x256xf32>
    %mul3A_1233 = arith.mulf %mul3A_1232, %mul3A_1231 : vector<16x256xf32>
    %mul3A_1234 = arith.constant 3.500000e+01 : f32
    %mul3A_1235 = vector.broadcast %mul3A_1234 : f32 to vector<16x256xf32>
    %mul3A_1236 = arith.mulf %mul3A_1235, %mul3A_1232 : vector<16x256xf32>
    %mul3A_1237 = arith.constant 3.000000e+01 : f32
    %mul3A_1238 = vector.broadcast %mul3A_1237 : f32 to vector<16x256xf32>
    %mul3A_1239 = arith.mulf %mul3A_1238, %mul3A_1231 : vector<16x256xf32>
    %sub3A_1240 = arith.subf %mul3A_1236, %mul3A_1239 : vector<16x256xf32>
    %add3A_1241 = arith.constant 3.000000e+00 : f32
    %add3A_1242 = vector.broadcast %add3A_1241 : f32 to vector<16x256xf32>
    %add3A_1243 = arith.addf %sub3A_1240, %add3A_1242 : vector<16x256xf32>
    %mul3A_1244 = arith.constant 1.250000e-01 : f32
    %mul3A_1245 = vector.broadcast %mul3A_1244 : f32 to vector<16x256xf32>
    %mul3A_1246 = arith.mulf %add3A_1243, %mul3A_1245 : vector<16x256xf32>
    %mul3A_1247 = arith.mulf %mul3A_1246, %mul3A_1148 : vector<16x256xf32>
    %add3A_1248 = arith.addf %add3A_1109, %mul3A_1247 : vector<16x256xf32>
    %mul3A_1249 = arith.constant 2.310000e+02 : f32
    %mul3A_1250 = vector.broadcast %mul3A_1249 : f32 to vector<16x256xf32>
    %mul3A_1251 = arith.mulf %mul3A_1250, %mul3A_1233 : vector<16x256xf32>
    %mul3A_1252 = arith.constant 3.150000e+02 : f32
    %mul3A_1253 = vector.broadcast %mul3A_1252 : f32 to vector<16x256xf32>
    %mul3A_1254 = arith.mulf %mul3A_1253, %mul3A_1232 : vector<16x256xf32>
    %sub3A_1255 = arith.subf %mul3A_1251, %mul3A_1254 : vector<16x256xf32>
    %mul3A_1256 = arith.constant 1.050000e+02 : f32
    %mul3A_1257 = vector.broadcast %mul3A_1256 : f32 to vector<16x256xf32>
    %mul3A_1258 = arith.mulf %mul3A_1257, %mul3A_1231 : vector<16x256xf32>
    %add3A_1259 = arith.addf %sub3A_1255, %mul3A_1258 : vector<16x256xf32>
    %sub3A_1260 = arith.constant 5.000000e+00 : f32
    %sub3A_1261 = vector.broadcast %sub3A_1260 : f32 to vector<16x256xf32>
    %sub3A_1262 = arith.subf %add3A_1259, %sub3A_1261 : vector<16x256xf32>
    %mul3A_1263 = arith.constant 6.250000e-02 : f32
    %mul3A_1264 = vector.broadcast %mul3A_1263 : f32 to vector<16x256xf32>
    %mul3A_1265 = arith.mulf %sub3A_1262, %mul3A_1264 : vector<16x256xf32>
    %mul3A_1266 = arith.mulf %mul3A_1265, %mul3A_1148 : vector<16x256xf32>
    %add3A_1267 = arith.addf %add3A_1128, %mul3A_1266 : vector<16x256xf32>
    %slice3A_1268 = vector.extract_strided_slice %mul3A_16 {offsets = [9, 0], sizes = [1, 256], strides = [1, 1]} : vector<16x256xf32> to vector<1x256xf32>
    %mul3A_1269 = vector.broadcast %slice3A_1268 : vector<1x256xf32> to vector<16x256xf32>
    %mul3A_1270 = arith.mulf %mul3A_1269, %mul3A_16 : vector<16x256xf32>
    %slice3A_1271 = vector.extract_strided_slice %mul3A_17 {offsets = [9, 0], sizes = [1, 256], strides = [1, 1]} : vector<16x256xf32> to vector<1x256xf32>
    %mul3A_1272 = vector.broadcast %slice3A_1271 : vector<1x256xf32> to vector<16x256xf32>
    %mul3A_1273 = arith.mulf %mul3A_1272, %mul3A_17 : vector<16x256xf32>
    %add3A_1274 = arith.addf %mul3A_1270, %mul3A_1273 : vector<16x256xf32>
    %slice3A_1275 = vector.extract_strided_slice %mul3A_18 {offsets = [9, 0], sizes = [1, 256], strides = [1, 1]} : vector<16x256xf32> to vector<1x256xf32>
    %mul3A_1276 = vector.broadcast %slice3A_1275 : vector<1x256xf32> to vector<16x256xf32>
    %mul3A_1277 = arith.mulf %mul3A_1276, %mul3A_18 : vector<16x256xf32>
    %add3A_1278 = arith.addf %add3A_1274, %mul3A_1277 : vector<16x256xf32>
    %jit3A_1279 = arith.constant -1.000000e+00 : f32
    %jit3A_1280 = arith.constant 1.000000e+00 : f32
    %max3A_1281 = vector.broadcast %jit3A_1279 : f32 to vector<16x256xf32>
    %max3A_1282 = arith.maximumf %max3A_1281, %add3A_1278 : vector<16x256xf32>
    %min3A_1283 = vector.broadcast %jit3A_1280 : f32 to vector<16x256xf32>
    %min3A_1284 = arith.minimumf %min3A_1283, %max3A_1282 : vector<16x256xf32>
    %slice3A_1285 = vector.extract_strided_slice %convert_element_type3A_15 {offsets = [9, 0], sizes = [1, 256], strides = [1, 1]} : vector<16x256xf32> to vector<1x256xf32>
    %mul3A_1286 = vector.broadcast %slice3A_1285 : vector<1x256xf32> to vector<16x256xf32>
    %mul3A_1287 = arith.mulf %mul3A_1286, %convert_element_type3A_15 : vector<16x256xf32>
    %gt3A_1288 = arith.constant 9 : i32
    %gt3A_1289 = vector.broadcast %gt3A_1288 : i32 to vector<16x256xi32>
    %gt3A_1290 = arith.cmpi sgt, %iota3A, %gt3A_1289 : vector<16x256xi32>
    %jit3A_1291 = arith.constant 0.000000e+00 : f32
    %broadcast_in_dim3A_1292 = vector.broadcast %jit3A_1291 : f32 to vector<16x256xf32>
    %select_n3A_1293 = arith.select %gt3A_1290, %mul3A_1287, %broadcast_in_dim3A_1292 : vector<16x256xi1>, vector<16x256xf32>
    %add3A_1294 = arith.addf %add3A_1155, %select_n3A_1293 : vector<16x256xf32>
    %gt3A_1295 = arith.constant 0.000000e+00 : f32
    %gt3A_1296 = vector.broadcast %gt3A_1295 : f32 to vector<16x256xf32>
    %gt3A_1297 = arith.cmpf ogt, %select_n3A_1293, %gt3A_1296 : vector<16x256xf32>
    %jit3A_1298 = arith.constant -0.999998986 : f32
    %jit3A_1299 = arith.constant 0.999998986 : f32
    %max3A_1300 = vector.broadcast %jit3A_1298 : f32 to vector<16x256xf32>
    %max3A_1301 = arith.maximumf %max3A_1300, %min3A_1284 : vector<16x256xf32>
    %min3A_1302 = vector.broadcast %jit3A_1299 : f32 to vector<16x256xf32>
    %min3A_1303 = arith.minimumf %min3A_1302, %max3A_1301 : vector<16x256xf32>
    %jit3A_1304 = arith.constant 0.000000e+00 : f32
    %broadcast_in_dim3A_1305 = vector.broadcast %jit3A_1304 : f32 to vector<16x256xf32>
    %select_n3A_1306 = arith.select %gt3A_1297, %min3A_1303, %broadcast_in_dim3A_1305 : vector<16x256xi1>, vector<16x256xf32>
    %abs3A_1307 = math.absf %select_n3A_1306 : vector<16x256xf32>
    %sub3A_1308 = arith.constant 1.000000e+00 : f32
    %sub3A_1309 = vector.broadcast %sub3A_1308 : f32 to vector<16x256xf32>
    %sub3A_1310 = arith.subf %sub3A_1309, %abs3A_1307 : vector<16x256xf32>
    %max3A_1311 = arith.constant 0.000000e+00 : f32
    %max3A_1312 = vector.broadcast %max3A_1311 : f32 to vector<16x256xf32>
    %max3A_1313 = arith.maximumf %sub3A_1310, %max3A_1312 : vector<16x256xf32>
    %sqrt3A_1314 = math.sqrt %max3A_1313 : vector<16x256xf32>
    %mul3A_1315 = arith.constant -0.0012624911 : f32
    %mul3A_1316 = vector.broadcast %mul3A_1315 : f32 to vector<16x256xf32>
    %mul3A_1317 = arith.mulf %mul3A_1316, %abs3A_1307 : vector<16x256xf32>
    %add3A_1318 = arith.constant 6.670090e-03 : f32
    %add3A_1319 = vector.broadcast %add3A_1318 : f32 to vector<16x256xf32>
    %add3A_1320 = arith.addf %mul3A_1317, %add3A_1319 : vector<16x256xf32>
    %mul3A_1321 = arith.mulf %add3A_1320, %abs3A_1307 : vector<16x256xf32>
    %add3A_1322 = arith.constant -0.0170881264 : f32
    %add3A_1323 = vector.broadcast %add3A_1322 : f32 to vector<16x256xf32>
    %add3A_1324 = arith.addf %mul3A_1321, %add3A_1323 : vector<16x256xf32>
    %mul3A_1325 = arith.mulf %add3A_1324, %abs3A_1307 : vector<16x256xf32>
    %add3A_1326 = arith.constant 0.0308918804 : f32
    %add3A_1327 = vector.broadcast %add3A_1326 : f32 to vector<16x256xf32>
    %add3A_1328 = arith.addf %mul3A_1325, %add3A_1327 : vector<16x256xf32>
    %mul3A_1329 = arith.mulf %add3A_1328, %abs3A_1307 : vector<16x256xf32>
    %add3A_1330 = arith.constant -0.0501743034 : f32
    %add3A_1331 = vector.broadcast %add3A_1330 : f32 to vector<16x256xf32>
    %add3A_1332 = arith.addf %mul3A_1329, %add3A_1331 : vector<16x256xf32>
    %mul3A_1333 = arith.mulf %add3A_1332, %abs3A_1307 : vector<16x256xf32>
    %add3A_1334 = arith.constant 0.0889789909 : f32
    %add3A_1335 = vector.broadcast %add3A_1334 : f32 to vector<16x256xf32>
    %add3A_1336 = arith.addf %mul3A_1333, %add3A_1335 : vector<16x256xf32>
    %mul3A_1337 = arith.mulf %add3A_1336, %abs3A_1307 : vector<16x256xf32>
    %add3A_1338 = arith.constant -0.214598805 : f32
    %add3A_1339 = vector.broadcast %add3A_1338 : f32 to vector<16x256xf32>
    %add3A_1340 = arith.addf %mul3A_1337, %add3A_1339 : vector<16x256xf32>
    %mul3A_1341 = arith.mulf %add3A_1340, %abs3A_1307 : vector<16x256xf32>
    %add3A_1342 = arith.constant 1.57079625 : f32
    %add3A_1343 = vector.broadcast %add3A_1342 : f32 to vector<16x256xf32>
    %add3A_1344 = arith.addf %mul3A_1341, %add3A_1343 : vector<16x256xf32>
    %lt3A_1345 = arith.constant 0.000000e+00 : f32
    %lt3A_1346 = vector.broadcast %lt3A_1345 : f32 to vector<16x256xf32>
    %lt3A_1347 = arith.cmpf olt, %select_n3A_1306, %lt3A_1346 : vector<16x256xf32>
    %mul3A_1348 = arith.mulf %sqrt3A_1314, %add3A_1344 : vector<16x256xf32>
    %sub3A_1349 = arith.constant 3.14159274 : f32
    %sub3A_1350 = vector.broadcast %sub3A_1349 : f32 to vector<16x256xf32>
    %sub3A_1351 = arith.subf %sub3A_1350, %mul3A_1348 : vector<16x256xf32>
    %mul3A_1352 = arith.mulf %sqrt3A_1314, %add3A_1344 : vector<16x256xf32>
    %select_n3A_1353 = arith.select %lt3A_1347, %sub3A_1351, %mul3A_1352 : vector<16x256xi1>, vector<16x256xf32>
    %mul3A_1354 = arith.constant 57.2957802 : f32
    %mul3A_1355 = vector.broadcast %mul3A_1354 : f32 to vector<16x256xf32>
    %mul3A_1356 = arith.mulf %select_n3A_1353, %mul3A_1355 : vector<16x256xf32>
    %sub3A_1357 = arith.constant 109.471222 : f32
    %sub3A_1358 = vector.broadcast %sub3A_1357 : f32 to vector<16x256xf32>
    %sub3A_1359 = arith.subf %mul3A_1356, %sub3A_1358 : vector<16x256xf32>
    %mul3A_1360 = arith.constant 0.0833333358 : f32
    %mul3A_1361 = vector.broadcast %mul3A_1360 : f32 to vector<16x256xf32>
    %mul3A_1362 = arith.mulf %sub3A_1359, %mul3A_1361 : vector<16x256xf32>
    %mul3A_1363 = arith.constant -5.000000e-01 : f32
    %mul3A_1364 = vector.broadcast %mul3A_1363 : f32 to vector<16x256xf32>
    %mul3A_1365 = arith.mulf %mul3A_1364, %mul3A_1362 : vector<16x256xf32>
    %mul3A_1366 = arith.mulf %mul3A_1365, %mul3A_1362 : vector<16x256xf32>
    %exp3A_1367 = math.exp %mul3A_1366 : vector<16x256xf32>
    %mul3A_1368 = arith.mulf %exp3A_1367, %select_n3A_1293 : vector<16x256xf32>
    %add3A_1369 = arith.addf %add3A_1230, %mul3A_1368 : vector<16x256xf32>
    %mul3A_1370 = arith.mulf %min3A_1284, %min3A_1284 : vector<16x256xf32>
    %mul3A_1371 = arith.mulf %mul3A_1370, %mul3A_1370 : vector<16x256xf32>
    %mul3A_1372 = arith.mulf %mul3A_1371, %mul3A_1370 : vector<16x256xf32>
    %mul3A_1373 = arith.constant 3.500000e+01 : f32
    %mul3A_1374 = vector.broadcast %mul3A_1373 : f32 to vector<16x256xf32>
    %mul3A_1375 = arith.mulf %mul3A_1374, %mul3A_1371 : vector<16x256xf32>
    %mul3A_1376 = arith.constant 3.000000e+01 : f32
    %mul3A_1377 = vector.broadcast %mul3A_1376 : f32 to vector<16x256xf32>
    %mul3A_1378 = arith.mulf %mul3A_1377, %mul3A_1370 : vector<16x256xf32>
    %sub3A_1379 = arith.subf %mul3A_1375, %mul3A_1378 : vector<16x256xf32>
    %add3A_1380 = arith.constant 3.000000e+00 : f32
    %add3A_1381 = vector.broadcast %add3A_1380 : f32 to vector<16x256xf32>
    %add3A_1382 = arith.addf %sub3A_1379, %add3A_1381 : vector<16x256xf32>
    %mul3A_1383 = arith.constant 1.250000e-01 : f32
    %mul3A_1384 = vector.broadcast %mul3A_1383 : f32 to vector<16x256xf32>
    %mul3A_1385 = arith.mulf %add3A_1382, %mul3A_1384 : vector<16x256xf32>
    %mul3A_1386 = arith.mulf %mul3A_1385, %mul3A_1287 : vector<16x256xf32>
    %add3A_1387 = arith.addf %add3A_1248, %mul3A_1386 : vector<16x256xf32>
    %mul3A_1388 = arith.constant 2.310000e+02 : f32
    %mul3A_1389 = vector.broadcast %mul3A_1388 : f32 to vector<16x256xf32>
    %mul3A_1390 = arith.mulf %mul3A_1389, %mul3A_1372 : vector<16x256xf32>
    %mul3A_1391 = arith.constant 3.150000e+02 : f32
    %mul3A_1392 = vector.broadcast %mul3A_1391 : f32 to vector<16x256xf32>
    %mul3A_1393 = arith.mulf %mul3A_1392, %mul3A_1371 : vector<16x256xf32>
    %sub3A_1394 = arith.subf %mul3A_1390, %mul3A_1393 : vector<16x256xf32>
    %mul3A_1395 = arith.constant 1.050000e+02 : f32
    %mul3A_1396 = vector.broadcast %mul3A_1395 : f32 to vector<16x256xf32>
    %mul3A_1397 = arith.mulf %mul3A_1396, %mul3A_1370 : vector<16x256xf32>
    %add3A_1398 = arith.addf %sub3A_1394, %mul3A_1397 : vector<16x256xf32>
    %sub3A_1399 = arith.constant 5.000000e+00 : f32
    %sub3A_1400 = vector.broadcast %sub3A_1399 : f32 to vector<16x256xf32>
    %sub3A_1401 = arith.subf %add3A_1398, %sub3A_1400 : vector<16x256xf32>
    %mul3A_1402 = arith.constant 6.250000e-02 : f32
    %mul3A_1403 = vector.broadcast %mul3A_1402 : f32 to vector<16x256xf32>
    %mul3A_1404 = arith.mulf %sub3A_1401, %mul3A_1403 : vector<16x256xf32>
    %mul3A_1405 = arith.mulf %mul3A_1404, %mul3A_1287 : vector<16x256xf32>
    %add3A_1406 = arith.addf %add3A_1267, %mul3A_1405 : vector<16x256xf32>
    %slice3A_1407 = vector.extract_strided_slice %mul3A_16 {offsets = [10, 0], sizes = [1, 256], strides = [1, 1]} : vector<16x256xf32> to vector<1x256xf32>
    %mul3A_1408 = vector.broadcast %slice3A_1407 : vector<1x256xf32> to vector<16x256xf32>
    %mul3A_1409 = arith.mulf %mul3A_1408, %mul3A_16 : vector<16x256xf32>
    %slice3A_1410 = vector.extract_strided_slice %mul3A_17 {offsets = [10, 0], sizes = [1, 256], strides = [1, 1]} : vector<16x256xf32> to vector<1x256xf32>
    %mul3A_1411 = vector.broadcast %slice3A_1410 : vector<1x256xf32> to vector<16x256xf32>
    %mul3A_1412 = arith.mulf %mul3A_1411, %mul3A_17 : vector<16x256xf32>
    %add3A_1413 = arith.addf %mul3A_1409, %mul3A_1412 : vector<16x256xf32>
    %slice3A_1414 = vector.extract_strided_slice %mul3A_18 {offsets = [10, 0], sizes = [1, 256], strides = [1, 1]} : vector<16x256xf32> to vector<1x256xf32>
    %mul3A_1415 = vector.broadcast %slice3A_1414 : vector<1x256xf32> to vector<16x256xf32>
    %mul3A_1416 = arith.mulf %mul3A_1415, %mul3A_18 : vector<16x256xf32>
    %add3A_1417 = arith.addf %add3A_1413, %mul3A_1416 : vector<16x256xf32>
    %jit3A_1418 = arith.constant -1.000000e+00 : f32
    %jit3A_1419 = arith.constant 1.000000e+00 : f32
    %max3A_1420 = vector.broadcast %jit3A_1418 : f32 to vector<16x256xf32>
    %max3A_1421 = arith.maximumf %max3A_1420, %add3A_1417 : vector<16x256xf32>
    %min3A_1422 = vector.broadcast %jit3A_1419 : f32 to vector<16x256xf32>
    %min3A_1423 = arith.minimumf %min3A_1422, %max3A_1421 : vector<16x256xf32>
    %slice3A_1424 = vector.extract_strided_slice %convert_element_type3A_15 {offsets = [10, 0], sizes = [1, 256], strides = [1, 1]} : vector<16x256xf32> to vector<1x256xf32>
    %mul3A_1425 = vector.broadcast %slice3A_1424 : vector<1x256xf32> to vector<16x256xf32>
    %mul3A_1426 = arith.mulf %mul3A_1425, %convert_element_type3A_15 : vector<16x256xf32>
    %gt3A_1427 = arith.constant 10 : i32
    %gt3A_1428 = vector.broadcast %gt3A_1427 : i32 to vector<16x256xi32>
    %gt3A_1429 = arith.cmpi sgt, %iota3A, %gt3A_1428 : vector<16x256xi32>
    %jit3A_1430 = arith.constant 0.000000e+00 : f32
    %broadcast_in_dim3A_1431 = vector.broadcast %jit3A_1430 : f32 to vector<16x256xf32>
    %select_n3A_1432 = arith.select %gt3A_1429, %mul3A_1426, %broadcast_in_dim3A_1431 : vector<16x256xi1>, vector<16x256xf32>
    %add3A_1433 = arith.addf %add3A_1294, %select_n3A_1432 : vector<16x256xf32>
    %gt3A_1434 = arith.constant 0.000000e+00 : f32
    %gt3A_1435 = vector.broadcast %gt3A_1434 : f32 to vector<16x256xf32>
    %gt3A_1436 = arith.cmpf ogt, %select_n3A_1432, %gt3A_1435 : vector<16x256xf32>
    %jit3A_1437 = arith.constant -0.999998986 : f32
    %jit3A_1438 = arith.constant 0.999998986 : f32
    %max3A_1439 = vector.broadcast %jit3A_1437 : f32 to vector<16x256xf32>
    %max3A_1440 = arith.maximumf %max3A_1439, %min3A_1423 : vector<16x256xf32>
    %min3A_1441 = vector.broadcast %jit3A_1438 : f32 to vector<16x256xf32>
    %min3A_1442 = arith.minimumf %min3A_1441, %max3A_1440 : vector<16x256xf32>
    %jit3A_1443 = arith.constant 0.000000e+00 : f32
    %broadcast_in_dim3A_1444 = vector.broadcast %jit3A_1443 : f32 to vector<16x256xf32>
    %select_n3A_1445 = arith.select %gt3A_1436, %min3A_1442, %broadcast_in_dim3A_1444 : vector<16x256xi1>, vector<16x256xf32>
    %abs3A_1446 = math.absf %select_n3A_1445 : vector<16x256xf32>
    %sub3A_1447 = arith.constant 1.000000e+00 : f32
    %sub3A_1448 = vector.broadcast %sub3A_1447 : f32 to vector<16x256xf32>
    %sub3A_1449 = arith.subf %sub3A_1448, %abs3A_1446 : vector<16x256xf32>
    %max3A_1450 = arith.constant 0.000000e+00 : f32
    %max3A_1451 = vector.broadcast %max3A_1450 : f32 to vector<16x256xf32>
    %max3A_1452 = arith.maximumf %sub3A_1449, %max3A_1451 : vector<16x256xf32>
    %sqrt3A_1453 = math.sqrt %max3A_1452 : vector<16x256xf32>
    %mul3A_1454 = arith.constant -0.0012624911 : f32
    %mul3A_1455 = vector.broadcast %mul3A_1454 : f32 to vector<16x256xf32>
    %mul3A_1456 = arith.mulf %mul3A_1455, %abs3A_1446 : vector<16x256xf32>
    %add3A_1457 = arith.constant 6.670090e-03 : f32
    %add3A_1458 = vector.broadcast %add3A_1457 : f32 to vector<16x256xf32>
    %add3A_1459 = arith.addf %mul3A_1456, %add3A_1458 : vector<16x256xf32>
    %mul3A_1460 = arith.mulf %add3A_1459, %abs3A_1446 : vector<16x256xf32>
    %add3A_1461 = arith.constant -0.0170881264 : f32
    %add3A_1462 = vector.broadcast %add3A_1461 : f32 to vector<16x256xf32>
    %add3A_1463 = arith.addf %mul3A_1460, %add3A_1462 : vector<16x256xf32>
    %mul3A_1464 = arith.mulf %add3A_1463, %abs3A_1446 : vector<16x256xf32>
    %add3A_1465 = arith.constant 0.0308918804 : f32
    %add3A_1466 = vector.broadcast %add3A_1465 : f32 to vector<16x256xf32>
    %add3A_1467 = arith.addf %mul3A_1464, %add3A_1466 : vector<16x256xf32>
    %mul3A_1468 = arith.mulf %add3A_1467, %abs3A_1446 : vector<16x256xf32>
    %add3A_1469 = arith.constant -0.0501743034 : f32
    %add3A_1470 = vector.broadcast %add3A_1469 : f32 to vector<16x256xf32>
    %add3A_1471 = arith.addf %mul3A_1468, %add3A_1470 : vector<16x256xf32>
    %mul3A_1472 = arith.mulf %add3A_1471, %abs3A_1446 : vector<16x256xf32>
    %add3A_1473 = arith.constant 0.0889789909 : f32
    %add3A_1474 = vector.broadcast %add3A_1473 : f32 to vector<16x256xf32>
    %add3A_1475 = arith.addf %mul3A_1472, %add3A_1474 : vector<16x256xf32>
    %mul3A_1476 = arith.mulf %add3A_1475, %abs3A_1446 : vector<16x256xf32>
    %add3A_1477 = arith.constant -0.214598805 : f32
    %add3A_1478 = vector.broadcast %add3A_1477 : f32 to vector<16x256xf32>
    %add3A_1479 = arith.addf %mul3A_1476, %add3A_1478 : vector<16x256xf32>
    %mul3A_1480 = arith.mulf %add3A_1479, %abs3A_1446 : vector<16x256xf32>
    %add3A_1481 = arith.constant 1.57079625 : f32
    %add3A_1482 = vector.broadcast %add3A_1481 : f32 to vector<16x256xf32>
    %add3A_1483 = arith.addf %mul3A_1480, %add3A_1482 : vector<16x256xf32>
    %lt3A_1484 = arith.constant 0.000000e+00 : f32
    %lt3A_1485 = vector.broadcast %lt3A_1484 : f32 to vector<16x256xf32>
    %lt3A_1486 = arith.cmpf olt, %select_n3A_1445, %lt3A_1485 : vector<16x256xf32>
    %mul3A_1487 = arith.mulf %sqrt3A_1453, %add3A_1483 : vector<16x256xf32>
    %sub3A_1488 = arith.constant 3.14159274 : f32
    %sub3A_1489 = vector.broadcast %sub3A_1488 : f32 to vector<16x256xf32>
    %sub3A_1490 = arith.subf %sub3A_1489, %mul3A_1487 : vector<16x256xf32>
    %mul3A_1491 = arith.mulf %sqrt3A_1453, %add3A_1483 : vector<16x256xf32>
    %select_n3A_1492 = arith.select %lt3A_1486, %sub3A_1490, %mul3A_1491 : vector<16x256xi1>, vector<16x256xf32>
    %mul3A_1493 = arith.constant 57.2957802 : f32
    %mul3A_1494 = vector.broadcast %mul3A_1493 : f32 to vector<16x256xf32>
    %mul3A_1495 = arith.mulf %select_n3A_1492, %mul3A_1494 : vector<16x256xf32>
    %sub3A_1496 = arith.constant 109.471222 : f32
    %sub3A_1497 = vector.broadcast %sub3A_1496 : f32 to vector<16x256xf32>
    %sub3A_1498 = arith.subf %mul3A_1495, %sub3A_1497 : vector<16x256xf32>
    %mul3A_1499 = arith.constant 0.0833333358 : f32
    %mul3A_1500 = vector.broadcast %mul3A_1499 : f32 to vector<16x256xf32>
    %mul3A_1501 = arith.mulf %sub3A_1498, %mul3A_1500 : vector<16x256xf32>
    %mul3A_1502 = arith.constant -5.000000e-01 : f32
    %mul3A_1503 = vector.broadcast %mul3A_1502 : f32 to vector<16x256xf32>
    %mul3A_1504 = arith.mulf %mul3A_1503, %mul3A_1501 : vector<16x256xf32>
    %mul3A_1505 = arith.mulf %mul3A_1504, %mul3A_1501 : vector<16x256xf32>
    %exp3A_1506 = math.exp %mul3A_1505 : vector<16x256xf32>
    %mul3A_1507 = arith.mulf %exp3A_1506, %select_n3A_1432 : vector<16x256xf32>
    %add3A_1508 = arith.addf %add3A_1369, %mul3A_1507 : vector<16x256xf32>
    %mul3A_1509 = arith.mulf %min3A_1423, %min3A_1423 : vector<16x256xf32>
    %mul3A_1510 = arith.mulf %mul3A_1509, %mul3A_1509 : vector<16x256xf32>
    %mul3A_1511 = arith.mulf %mul3A_1510, %mul3A_1509 : vector<16x256xf32>
    %mul3A_1512 = arith.constant 3.500000e+01 : f32
    %mul3A_1513 = vector.broadcast %mul3A_1512 : f32 to vector<16x256xf32>
    %mul3A_1514 = arith.mulf %mul3A_1513, %mul3A_1510 : vector<16x256xf32>
    %mul3A_1515 = arith.constant 3.000000e+01 : f32
    %mul3A_1516 = vector.broadcast %mul3A_1515 : f32 to vector<16x256xf32>
    %mul3A_1517 = arith.mulf %mul3A_1516, %mul3A_1509 : vector<16x256xf32>
    %sub3A_1518 = arith.subf %mul3A_1514, %mul3A_1517 : vector<16x256xf32>
    %add3A_1519 = arith.constant 3.000000e+00 : f32
    %add3A_1520 = vector.broadcast %add3A_1519 : f32 to vector<16x256xf32>
    %add3A_1521 = arith.addf %sub3A_1518, %add3A_1520 : vector<16x256xf32>
    %mul3A_1522 = arith.constant 1.250000e-01 : f32
    %mul3A_1523 = vector.broadcast %mul3A_1522 : f32 to vector<16x256xf32>
    %mul3A_1524 = arith.mulf %add3A_1521, %mul3A_1523 : vector<16x256xf32>
    %mul3A_1525 = arith.mulf %mul3A_1524, %mul3A_1426 : vector<16x256xf32>
    %add3A_1526 = arith.addf %add3A_1387, %mul3A_1525 : vector<16x256xf32>
    %mul3A_1527 = arith.constant 2.310000e+02 : f32
    %mul3A_1528 = vector.broadcast %mul3A_1527 : f32 to vector<16x256xf32>
    %mul3A_1529 = arith.mulf %mul3A_1528, %mul3A_1511 : vector<16x256xf32>
    %mul3A_1530 = arith.constant 3.150000e+02 : f32
    %mul3A_1531 = vector.broadcast %mul3A_1530 : f32 to vector<16x256xf32>
    %mul3A_1532 = arith.mulf %mul3A_1531, %mul3A_1510 : vector<16x256xf32>
    %sub3A_1533 = arith.subf %mul3A_1529, %mul3A_1532 : vector<16x256xf32>
    %mul3A_1534 = arith.constant 1.050000e+02 : f32
    %mul3A_1535 = vector.broadcast %mul3A_1534 : f32 to vector<16x256xf32>
    %mul3A_1536 = arith.mulf %mul3A_1535, %mul3A_1509 : vector<16x256xf32>
    %add3A_1537 = arith.addf %sub3A_1533, %mul3A_1536 : vector<16x256xf32>
    %sub3A_1538 = arith.constant 5.000000e+00 : f32
    %sub3A_1539 = vector.broadcast %sub3A_1538 : f32 to vector<16x256xf32>
    %sub3A_1540 = arith.subf %add3A_1537, %sub3A_1539 : vector<16x256xf32>
    %mul3A_1541 = arith.constant 6.250000e-02 : f32
    %mul3A_1542 = vector.broadcast %mul3A_1541 : f32 to vector<16x256xf32>
    %mul3A_1543 = arith.mulf %sub3A_1540, %mul3A_1542 : vector<16x256xf32>
    %mul3A_1544 = arith.mulf %mul3A_1543, %mul3A_1426 : vector<16x256xf32>
    %add3A_1545 = arith.addf %add3A_1406, %mul3A_1544 : vector<16x256xf32>
    %slice3A_1546 = vector.extract_strided_slice %mul3A_16 {offsets = [11, 0], sizes = [1, 256], strides = [1, 1]} : vector<16x256xf32> to vector<1x256xf32>
    %mul3A_1547 = vector.broadcast %slice3A_1546 : vector<1x256xf32> to vector<16x256xf32>
    %mul3A_1548 = arith.mulf %mul3A_1547, %mul3A_16 : vector<16x256xf32>
    %slice3A_1549 = vector.extract_strided_slice %mul3A_17 {offsets = [11, 0], sizes = [1, 256], strides = [1, 1]} : vector<16x256xf32> to vector<1x256xf32>
    %mul3A_1550 = vector.broadcast %slice3A_1549 : vector<1x256xf32> to vector<16x256xf32>
    %mul3A_1551 = arith.mulf %mul3A_1550, %mul3A_17 : vector<16x256xf32>
    %add3A_1552 = arith.addf %mul3A_1548, %mul3A_1551 : vector<16x256xf32>
    %slice3A_1553 = vector.extract_strided_slice %mul3A_18 {offsets = [11, 0], sizes = [1, 256], strides = [1, 1]} : vector<16x256xf32> to vector<1x256xf32>
    %mul3A_1554 = vector.broadcast %slice3A_1553 : vector<1x256xf32> to vector<16x256xf32>
    %mul3A_1555 = arith.mulf %mul3A_1554, %mul3A_18 : vector<16x256xf32>
    %add3A_1556 = arith.addf %add3A_1552, %mul3A_1555 : vector<16x256xf32>
    %jit3A_1557 = arith.constant -1.000000e+00 : f32
    %jit3A_1558 = arith.constant 1.000000e+00 : f32
    %max3A_1559 = vector.broadcast %jit3A_1557 : f32 to vector<16x256xf32>
    %max3A_1560 = arith.maximumf %max3A_1559, %add3A_1556 : vector<16x256xf32>
    %min3A_1561 = vector.broadcast %jit3A_1558 : f32 to vector<16x256xf32>
    %min3A_1562 = arith.minimumf %min3A_1561, %max3A_1560 : vector<16x256xf32>
    %slice3A_1563 = vector.extract_strided_slice %convert_element_type3A_15 {offsets = [11, 0], sizes = [1, 256], strides = [1, 1]} : vector<16x256xf32> to vector<1x256xf32>
    %mul3A_1564 = vector.broadcast %slice3A_1563 : vector<1x256xf32> to vector<16x256xf32>
    %mul3A_1565 = arith.mulf %mul3A_1564, %convert_element_type3A_15 : vector<16x256xf32>
    %gt3A_1566 = arith.constant 11 : i32
    %gt3A_1567 = vector.broadcast %gt3A_1566 : i32 to vector<16x256xi32>
    %gt3A_1568 = arith.cmpi sgt, %iota3A, %gt3A_1567 : vector<16x256xi32>
    %jit3A_1569 = arith.constant 0.000000e+00 : f32
    %broadcast_in_dim3A_1570 = vector.broadcast %jit3A_1569 : f32 to vector<16x256xf32>
    %select_n3A_1571 = arith.select %gt3A_1568, %mul3A_1565, %broadcast_in_dim3A_1570 : vector<16x256xi1>, vector<16x256xf32>
    %add3A_1572 = arith.addf %add3A_1433, %select_n3A_1571 : vector<16x256xf32>
    %gt3A_1573 = arith.constant 0.000000e+00 : f32
    %gt3A_1574 = vector.broadcast %gt3A_1573 : f32 to vector<16x256xf32>
    %gt3A_1575 = arith.cmpf ogt, %select_n3A_1571, %gt3A_1574 : vector<16x256xf32>
    %jit3A_1576 = arith.constant -0.999998986 : f32
    %jit3A_1577 = arith.constant 0.999998986 : f32
    %max3A_1578 = vector.broadcast %jit3A_1576 : f32 to vector<16x256xf32>
    %max3A_1579 = arith.maximumf %max3A_1578, %min3A_1562 : vector<16x256xf32>
    %min3A_1580 = vector.broadcast %jit3A_1577 : f32 to vector<16x256xf32>
    %min3A_1581 = arith.minimumf %min3A_1580, %max3A_1579 : vector<16x256xf32>
    %jit3A_1582 = arith.constant 0.000000e+00 : f32
    %broadcast_in_dim3A_1583 = vector.broadcast %jit3A_1582 : f32 to vector<16x256xf32>
    %select_n3A_1584 = arith.select %gt3A_1575, %min3A_1581, %broadcast_in_dim3A_1583 : vector<16x256xi1>, vector<16x256xf32>
    %abs3A_1585 = math.absf %select_n3A_1584 : vector<16x256xf32>
    %sub3A_1586 = arith.constant 1.000000e+00 : f32
    %sub3A_1587 = vector.broadcast %sub3A_1586 : f32 to vector<16x256xf32>
    %sub3A_1588 = arith.subf %sub3A_1587, %abs3A_1585 : vector<16x256xf32>
    %max3A_1589 = arith.constant 0.000000e+00 : f32
    %max3A_1590 = vector.broadcast %max3A_1589 : f32 to vector<16x256xf32>
    %max3A_1591 = arith.maximumf %sub3A_1588, %max3A_1590 : vector<16x256xf32>
    %sqrt3A_1592 = math.sqrt %max3A_1591 : vector<16x256xf32>
    %mul3A_1593 = arith.constant -0.0012624911 : f32
    %mul3A_1594 = vector.broadcast %mul3A_1593 : f32 to vector<16x256xf32>
    %mul3A_1595 = arith.mulf %mul3A_1594, %abs3A_1585 : vector<16x256xf32>
    %add3A_1596 = arith.constant 6.670090e-03 : f32
    %add3A_1597 = vector.broadcast %add3A_1596 : f32 to vector<16x256xf32>
    %add3A_1598 = arith.addf %mul3A_1595, %add3A_1597 : vector<16x256xf32>
    %mul3A_1599 = arith.mulf %add3A_1598, %abs3A_1585 : vector<16x256xf32>
    %add3A_1600 = arith.constant -0.0170881264 : f32
    %add3A_1601 = vector.broadcast %add3A_1600 : f32 to vector<16x256xf32>
    %add3A_1602 = arith.addf %mul3A_1599, %add3A_1601 : vector<16x256xf32>
    %mul3A_1603 = arith.mulf %add3A_1602, %abs3A_1585 : vector<16x256xf32>
    %add3A_1604 = arith.constant 0.0308918804 : f32
    %add3A_1605 = vector.broadcast %add3A_1604 : f32 to vector<16x256xf32>
    %add3A_1606 = arith.addf %mul3A_1603, %add3A_1605 : vector<16x256xf32>
    %mul3A_1607 = arith.mulf %add3A_1606, %abs3A_1585 : vector<16x256xf32>
    %add3A_1608 = arith.constant -0.0501743034 : f32
    %add3A_1609 = vector.broadcast %add3A_1608 : f32 to vector<16x256xf32>
    %add3A_1610 = arith.addf %mul3A_1607, %add3A_1609 : vector<16x256xf32>
    %mul3A_1611 = arith.mulf %add3A_1610, %abs3A_1585 : vector<16x256xf32>
    %add3A_1612 = arith.constant 0.0889789909 : f32
    %add3A_1613 = vector.broadcast %add3A_1612 : f32 to vector<16x256xf32>
    %add3A_1614 = arith.addf %mul3A_1611, %add3A_1613 : vector<16x256xf32>
    %mul3A_1615 = arith.mulf %add3A_1614, %abs3A_1585 : vector<16x256xf32>
    %add3A_1616 = arith.constant -0.214598805 : f32
    %add3A_1617 = vector.broadcast %add3A_1616 : f32 to vector<16x256xf32>
    %add3A_1618 = arith.addf %mul3A_1615, %add3A_1617 : vector<16x256xf32>
    %mul3A_1619 = arith.mulf %add3A_1618, %abs3A_1585 : vector<16x256xf32>
    %add3A_1620 = arith.constant 1.57079625 : f32
    %add3A_1621 = vector.broadcast %add3A_1620 : f32 to vector<16x256xf32>
    %add3A_1622 = arith.addf %mul3A_1619, %add3A_1621 : vector<16x256xf32>
    %lt3A_1623 = arith.constant 0.000000e+00 : f32
    %lt3A_1624 = vector.broadcast %lt3A_1623 : f32 to vector<16x256xf32>
    %lt3A_1625 = arith.cmpf olt, %select_n3A_1584, %lt3A_1624 : vector<16x256xf32>
    %mul3A_1626 = arith.mulf %sqrt3A_1592, %add3A_1622 : vector<16x256xf32>
    %sub3A_1627 = arith.constant 3.14159274 : f32
    %sub3A_1628 = vector.broadcast %sub3A_1627 : f32 to vector<16x256xf32>
    %sub3A_1629 = arith.subf %sub3A_1628, %mul3A_1626 : vector<16x256xf32>
    %mul3A_1630 = arith.mulf %sqrt3A_1592, %add3A_1622 : vector<16x256xf32>
    %select_n3A_1631 = arith.select %lt3A_1625, %sub3A_1629, %mul3A_1630 : vector<16x256xi1>, vector<16x256xf32>
    %mul3A_1632 = arith.constant 57.2957802 : f32
    %mul3A_1633 = vector.broadcast %mul3A_1632 : f32 to vector<16x256xf32>
    %mul3A_1634 = arith.mulf %select_n3A_1631, %mul3A_1633 : vector<16x256xf32>
    %sub3A_1635 = arith.constant 109.471222 : f32
    %sub3A_1636 = vector.broadcast %sub3A_1635 : f32 to vector<16x256xf32>
    %sub3A_1637 = arith.subf %mul3A_1634, %sub3A_1636 : vector<16x256xf32>
    %mul3A_1638 = arith.constant 0.0833333358 : f32
    %mul3A_1639 = vector.broadcast %mul3A_1638 : f32 to vector<16x256xf32>
    %mul3A_1640 = arith.mulf %sub3A_1637, %mul3A_1639 : vector<16x256xf32>
    %mul3A_1641 = arith.constant -5.000000e-01 : f32
    %mul3A_1642 = vector.broadcast %mul3A_1641 : f32 to vector<16x256xf32>
    %mul3A_1643 = arith.mulf %mul3A_1642, %mul3A_1640 : vector<16x256xf32>
    %mul3A_1644 = arith.mulf %mul3A_1643, %mul3A_1640 : vector<16x256xf32>
    %exp3A_1645 = math.exp %mul3A_1644 : vector<16x256xf32>
    %mul3A_1646 = arith.mulf %exp3A_1645, %select_n3A_1571 : vector<16x256xf32>
    %add3A_1647 = arith.addf %add3A_1508, %mul3A_1646 : vector<16x256xf32>
    %mul3A_1648 = arith.mulf %min3A_1562, %min3A_1562 : vector<16x256xf32>
    %mul3A_1649 = arith.mulf %mul3A_1648, %mul3A_1648 : vector<16x256xf32>
    %mul3A_1650 = arith.mulf %mul3A_1649, %mul3A_1648 : vector<16x256xf32>
    %mul3A_1651 = arith.constant 3.500000e+01 : f32
    %mul3A_1652 = vector.broadcast %mul3A_1651 : f32 to vector<16x256xf32>
    %mul3A_1653 = arith.mulf %mul3A_1652, %mul3A_1649 : vector<16x256xf32>
    %mul3A_1654 = arith.constant 3.000000e+01 : f32
    %mul3A_1655 = vector.broadcast %mul3A_1654 : f32 to vector<16x256xf32>
    %mul3A_1656 = arith.mulf %mul3A_1655, %mul3A_1648 : vector<16x256xf32>
    %sub3A_1657 = arith.subf %mul3A_1653, %mul3A_1656 : vector<16x256xf32>
    %add3A_1658 = arith.constant 3.000000e+00 : f32
    %add3A_1659 = vector.broadcast %add3A_1658 : f32 to vector<16x256xf32>
    %add3A_1660 = arith.addf %sub3A_1657, %add3A_1659 : vector<16x256xf32>
    %mul3A_1661 = arith.constant 1.250000e-01 : f32
    %mul3A_1662 = vector.broadcast %mul3A_1661 : f32 to vector<16x256xf32>
    %mul3A_1663 = arith.mulf %add3A_1660, %mul3A_1662 : vector<16x256xf32>
    %mul3A_1664 = arith.mulf %mul3A_1663, %mul3A_1565 : vector<16x256xf32>
    %add3A_1665 = arith.addf %add3A_1526, %mul3A_1664 : vector<16x256xf32>
    %mul3A_1666 = arith.constant 2.310000e+02 : f32
    %mul3A_1667 = vector.broadcast %mul3A_1666 : f32 to vector<16x256xf32>
    %mul3A_1668 = arith.mulf %mul3A_1667, %mul3A_1650 : vector<16x256xf32>
    %mul3A_1669 = arith.constant 3.150000e+02 : f32
    %mul3A_1670 = vector.broadcast %mul3A_1669 : f32 to vector<16x256xf32>
    %mul3A_1671 = arith.mulf %mul3A_1670, %mul3A_1649 : vector<16x256xf32>
    %sub3A_1672 = arith.subf %mul3A_1668, %mul3A_1671 : vector<16x256xf32>
    %mul3A_1673 = arith.constant 1.050000e+02 : f32
    %mul3A_1674 = vector.broadcast %mul3A_1673 : f32 to vector<16x256xf32>
    %mul3A_1675 = arith.mulf %mul3A_1674, %mul3A_1648 : vector<16x256xf32>
    %add3A_1676 = arith.addf %sub3A_1672, %mul3A_1675 : vector<16x256xf32>
    %sub3A_1677 = arith.constant 5.000000e+00 : f32
    %sub3A_1678 = vector.broadcast %sub3A_1677 : f32 to vector<16x256xf32>
    %sub3A_1679 = arith.subf %add3A_1676, %sub3A_1678 : vector<16x256xf32>
    %mul3A_1680 = arith.constant 6.250000e-02 : f32
    %mul3A_1681 = vector.broadcast %mul3A_1680 : f32 to vector<16x256xf32>
    %mul3A_1682 = arith.mulf %sub3A_1679, %mul3A_1681 : vector<16x256xf32>
    %mul3A_1683 = arith.mulf %mul3A_1682, %mul3A_1565 : vector<16x256xf32>
    %add3A_1684 = arith.addf %add3A_1545, %mul3A_1683 : vector<16x256xf32>
    %slice3A_1685 = vector.extract_strided_slice %mul3A_16 {offsets = [12, 0], sizes = [1, 256], strides = [1, 1]} : vector<16x256xf32> to vector<1x256xf32>
    %mul3A_1686 = vector.broadcast %slice3A_1685 : vector<1x256xf32> to vector<16x256xf32>
    %mul3A_1687 = arith.mulf %mul3A_1686, %mul3A_16 : vector<16x256xf32>
    %slice3A_1688 = vector.extract_strided_slice %mul3A_17 {offsets = [12, 0], sizes = [1, 256], strides = [1, 1]} : vector<16x256xf32> to vector<1x256xf32>
    %mul3A_1689 = vector.broadcast %slice3A_1688 : vector<1x256xf32> to vector<16x256xf32>
    %mul3A_1690 = arith.mulf %mul3A_1689, %mul3A_17 : vector<16x256xf32>
    %add3A_1691 = arith.addf %mul3A_1687, %mul3A_1690 : vector<16x256xf32>
    %slice3A_1692 = vector.extract_strided_slice %mul3A_18 {offsets = [12, 0], sizes = [1, 256], strides = [1, 1]} : vector<16x256xf32> to vector<1x256xf32>
    %mul3A_1693 = vector.broadcast %slice3A_1692 : vector<1x256xf32> to vector<16x256xf32>
    %mul3A_1694 = arith.mulf %mul3A_1693, %mul3A_18 : vector<16x256xf32>
    %add3A_1695 = arith.addf %add3A_1691, %mul3A_1694 : vector<16x256xf32>
    %jit3A_1696 = arith.constant -1.000000e+00 : f32
    %jit3A_1697 = arith.constant 1.000000e+00 : f32
    %max3A_1698 = vector.broadcast %jit3A_1696 : f32 to vector<16x256xf32>
    %max3A_1699 = arith.maximumf %max3A_1698, %add3A_1695 : vector<16x256xf32>
    %min3A_1700 = vector.broadcast %jit3A_1697 : f32 to vector<16x256xf32>
    %min3A_1701 = arith.minimumf %min3A_1700, %max3A_1699 : vector<16x256xf32>
    %slice3A_1702 = vector.extract_strided_slice %convert_element_type3A_15 {offsets = [12, 0], sizes = [1, 256], strides = [1, 1]} : vector<16x256xf32> to vector<1x256xf32>
    %mul3A_1703 = vector.broadcast %slice3A_1702 : vector<1x256xf32> to vector<16x256xf32>
    %mul3A_1704 = arith.mulf %mul3A_1703, %convert_element_type3A_15 : vector<16x256xf32>
    %gt3A_1705 = arith.constant 12 : i32
    %gt3A_1706 = vector.broadcast %gt3A_1705 : i32 to vector<16x256xi32>
    %gt3A_1707 = arith.cmpi sgt, %iota3A, %gt3A_1706 : vector<16x256xi32>
    %jit3A_1708 = arith.constant 0.000000e+00 : f32
    %broadcast_in_dim3A_1709 = vector.broadcast %jit3A_1708 : f32 to vector<16x256xf32>
    %select_n3A_1710 = arith.select %gt3A_1707, %mul3A_1704, %broadcast_in_dim3A_1709 : vector<16x256xi1>, vector<16x256xf32>
    %add3A_1711 = arith.addf %add3A_1572, %select_n3A_1710 : vector<16x256xf32>
    %gt3A_1712 = arith.constant 0.000000e+00 : f32
    %gt3A_1713 = vector.broadcast %gt3A_1712 : f32 to vector<16x256xf32>
    %gt3A_1714 = arith.cmpf ogt, %select_n3A_1710, %gt3A_1713 : vector<16x256xf32>
    %jit3A_1715 = arith.constant -0.999998986 : f32
    %jit3A_1716 = arith.constant 0.999998986 : f32
    %max3A_1717 = vector.broadcast %jit3A_1715 : f32 to vector<16x256xf32>
    %max3A_1718 = arith.maximumf %max3A_1717, %min3A_1701 : vector<16x256xf32>
    %min3A_1719 = vector.broadcast %jit3A_1716 : f32 to vector<16x256xf32>
    %min3A_1720 = arith.minimumf %min3A_1719, %max3A_1718 : vector<16x256xf32>
    %jit3A_1721 = arith.constant 0.000000e+00 : f32
    %broadcast_in_dim3A_1722 = vector.broadcast %jit3A_1721 : f32 to vector<16x256xf32>
    %select_n3A_1723 = arith.select %gt3A_1714, %min3A_1720, %broadcast_in_dim3A_1722 : vector<16x256xi1>, vector<16x256xf32>
    %abs3A_1724 = math.absf %select_n3A_1723 : vector<16x256xf32>
    %sub3A_1725 = arith.constant 1.000000e+00 : f32
    %sub3A_1726 = vector.broadcast %sub3A_1725 : f32 to vector<16x256xf32>
    %sub3A_1727 = arith.subf %sub3A_1726, %abs3A_1724 : vector<16x256xf32>
    %max3A_1728 = arith.constant 0.000000e+00 : f32
    %max3A_1729 = vector.broadcast %max3A_1728 : f32 to vector<16x256xf32>
    %max3A_1730 = arith.maximumf %sub3A_1727, %max3A_1729 : vector<16x256xf32>
    %sqrt3A_1731 = math.sqrt %max3A_1730 : vector<16x256xf32>
    %mul3A_1732 = arith.constant -0.0012624911 : f32
    %mul3A_1733 = vector.broadcast %mul3A_1732 : f32 to vector<16x256xf32>
    %mul3A_1734 = arith.mulf %mul3A_1733, %abs3A_1724 : vector<16x256xf32>
    %add3A_1735 = arith.constant 6.670090e-03 : f32
    %add3A_1736 = vector.broadcast %add3A_1735 : f32 to vector<16x256xf32>
    %add3A_1737 = arith.addf %mul3A_1734, %add3A_1736 : vector<16x256xf32>
    %mul3A_1738 = arith.mulf %add3A_1737, %abs3A_1724 : vector<16x256xf32>
    %add3A_1739 = arith.constant -0.0170881264 : f32
    %add3A_1740 = vector.broadcast %add3A_1739 : f32 to vector<16x256xf32>
    %add3A_1741 = arith.addf %mul3A_1738, %add3A_1740 : vector<16x256xf32>
    %mul3A_1742 = arith.mulf %add3A_1741, %abs3A_1724 : vector<16x256xf32>
    %add3A_1743 = arith.constant 0.0308918804 : f32
    %add3A_1744 = vector.broadcast %add3A_1743 : f32 to vector<16x256xf32>
    %add3A_1745 = arith.addf %mul3A_1742, %add3A_1744 : vector<16x256xf32>
    %mul3A_1746 = arith.mulf %add3A_1745, %abs3A_1724 : vector<16x256xf32>
    %add3A_1747 = arith.constant -0.0501743034 : f32
    %add3A_1748 = vector.broadcast %add3A_1747 : f32 to vector<16x256xf32>
    %add3A_1749 = arith.addf %mul3A_1746, %add3A_1748 : vector<16x256xf32>
    %mul3A_1750 = arith.mulf %add3A_1749, %abs3A_1724 : vector<16x256xf32>
    %add3A_1751 = arith.constant 0.0889789909 : f32
    %add3A_1752 = vector.broadcast %add3A_1751 : f32 to vector<16x256xf32>
    %add3A_1753 = arith.addf %mul3A_1750, %add3A_1752 : vector<16x256xf32>
    %mul3A_1754 = arith.mulf %add3A_1753, %abs3A_1724 : vector<16x256xf32>
    %add3A_1755 = arith.constant -0.214598805 : f32
    %add3A_1756 = vector.broadcast %add3A_1755 : f32 to vector<16x256xf32>
    %add3A_1757 = arith.addf %mul3A_1754, %add3A_1756 : vector<16x256xf32>
    %mul3A_1758 = arith.mulf %add3A_1757, %abs3A_1724 : vector<16x256xf32>
    %add3A_1759 = arith.constant 1.57079625 : f32
    %add3A_1760 = vector.broadcast %add3A_1759 : f32 to vector<16x256xf32>
    %add3A_1761 = arith.addf %mul3A_1758, %add3A_1760 : vector<16x256xf32>
    %lt3A_1762 = arith.constant 0.000000e+00 : f32
    %lt3A_1763 = vector.broadcast %lt3A_1762 : f32 to vector<16x256xf32>
    %lt3A_1764 = arith.cmpf olt, %select_n3A_1723, %lt3A_1763 : vector<16x256xf32>
    %mul3A_1765 = arith.mulf %sqrt3A_1731, %add3A_1761 : vector<16x256xf32>
    %sub3A_1766 = arith.constant 3.14159274 : f32
    %sub3A_1767 = vector.broadcast %sub3A_1766 : f32 to vector<16x256xf32>
    %sub3A_1768 = arith.subf %sub3A_1767, %mul3A_1765 : vector<16x256xf32>
    %mul3A_1769 = arith.mulf %sqrt3A_1731, %add3A_1761 : vector<16x256xf32>
    %select_n3A_1770 = arith.select %lt3A_1764, %sub3A_1768, %mul3A_1769 : vector<16x256xi1>, vector<16x256xf32>
    %mul3A_1771 = arith.constant 57.2957802 : f32
    %mul3A_1772 = vector.broadcast %mul3A_1771 : f32 to vector<16x256xf32>
    %mul3A_1773 = arith.mulf %select_n3A_1770, %mul3A_1772 : vector<16x256xf32>
    %sub3A_1774 = arith.constant 109.471222 : f32
    %sub3A_1775 = vector.broadcast %sub3A_1774 : f32 to vector<16x256xf32>
    %sub3A_1776 = arith.subf %mul3A_1773, %sub3A_1775 : vector<16x256xf32>
    %mul3A_1777 = arith.constant 0.0833333358 : f32
    %mul3A_1778 = vector.broadcast %mul3A_1777 : f32 to vector<16x256xf32>
    %mul3A_1779 = arith.mulf %sub3A_1776, %mul3A_1778 : vector<16x256xf32>
    %mul3A_1780 = arith.constant -5.000000e-01 : f32
    %mul3A_1781 = vector.broadcast %mul3A_1780 : f32 to vector<16x256xf32>
    %mul3A_1782 = arith.mulf %mul3A_1781, %mul3A_1779 : vector<16x256xf32>
    %mul3A_1783 = arith.mulf %mul3A_1782, %mul3A_1779 : vector<16x256xf32>
    %exp3A_1784 = math.exp %mul3A_1783 : vector<16x256xf32>
    %mul3A_1785 = arith.mulf %exp3A_1784, %select_n3A_1710 : vector<16x256xf32>
    %add3A_1786 = arith.addf %add3A_1647, %mul3A_1785 : vector<16x256xf32>
    %mul3A_1787 = arith.mulf %min3A_1701, %min3A_1701 : vector<16x256xf32>
    %mul3A_1788 = arith.mulf %mul3A_1787, %mul3A_1787 : vector<16x256xf32>
    %mul3A_1789 = arith.mulf %mul3A_1788, %mul3A_1787 : vector<16x256xf32>
    %mul3A_1790 = arith.constant 3.500000e+01 : f32
    %mul3A_1791 = vector.broadcast %mul3A_1790 : f32 to vector<16x256xf32>
    %mul3A_1792 = arith.mulf %mul3A_1791, %mul3A_1788 : vector<16x256xf32>
    %mul3A_1793 = arith.constant 3.000000e+01 : f32
    %mul3A_1794 = vector.broadcast %mul3A_1793 : f32 to vector<16x256xf32>
    %mul3A_1795 = arith.mulf %mul3A_1794, %mul3A_1787 : vector<16x256xf32>
    %sub3A_1796 = arith.subf %mul3A_1792, %mul3A_1795 : vector<16x256xf32>
    %add3A_1797 = arith.constant 3.000000e+00 : f32
    %add3A_1798 = vector.broadcast %add3A_1797 : f32 to vector<16x256xf32>
    %add3A_1799 = arith.addf %sub3A_1796, %add3A_1798 : vector<16x256xf32>
    %mul3A_1800 = arith.constant 1.250000e-01 : f32
    %mul3A_1801 = vector.broadcast %mul3A_1800 : f32 to vector<16x256xf32>
    %mul3A_1802 = arith.mulf %add3A_1799, %mul3A_1801 : vector<16x256xf32>
    %mul3A_1803 = arith.mulf %mul3A_1802, %mul3A_1704 : vector<16x256xf32>
    %add3A_1804 = arith.addf %add3A_1665, %mul3A_1803 : vector<16x256xf32>
    %mul3A_1805 = arith.constant 2.310000e+02 : f32
    %mul3A_1806 = vector.broadcast %mul3A_1805 : f32 to vector<16x256xf32>
    %mul3A_1807 = arith.mulf %mul3A_1806, %mul3A_1789 : vector<16x256xf32>
    %mul3A_1808 = arith.constant 3.150000e+02 : f32
    %mul3A_1809 = vector.broadcast %mul3A_1808 : f32 to vector<16x256xf32>
    %mul3A_1810 = arith.mulf %mul3A_1809, %mul3A_1788 : vector<16x256xf32>
    %sub3A_1811 = arith.subf %mul3A_1807, %mul3A_1810 : vector<16x256xf32>
    %mul3A_1812 = arith.constant 1.050000e+02 : f32
    %mul3A_1813 = vector.broadcast %mul3A_1812 : f32 to vector<16x256xf32>
    %mul3A_1814 = arith.mulf %mul3A_1813, %mul3A_1787 : vector<16x256xf32>
    %add3A_1815 = arith.addf %sub3A_1811, %mul3A_1814 : vector<16x256xf32>
    %sub3A_1816 = arith.constant 5.000000e+00 : f32
    %sub3A_1817 = vector.broadcast %sub3A_1816 : f32 to vector<16x256xf32>
    %sub3A_1818 = arith.subf %add3A_1815, %sub3A_1817 : vector<16x256xf32>
    %mul3A_1819 = arith.constant 6.250000e-02 : f32
    %mul3A_1820 = vector.broadcast %mul3A_1819 : f32 to vector<16x256xf32>
    %mul3A_1821 = arith.mulf %sub3A_1818, %mul3A_1820 : vector<16x256xf32>
    %mul3A_1822 = arith.mulf %mul3A_1821, %mul3A_1704 : vector<16x256xf32>
    %add3A_1823 = arith.addf %add3A_1684, %mul3A_1822 : vector<16x256xf32>
    %slice3A_1824 = vector.extract_strided_slice %mul3A_16 {offsets = [13, 0], sizes = [1, 256], strides = [1, 1]} : vector<16x256xf32> to vector<1x256xf32>
    %mul3A_1825 = vector.broadcast %slice3A_1824 : vector<1x256xf32> to vector<16x256xf32>
    %mul3A_1826 = arith.mulf %mul3A_1825, %mul3A_16 : vector<16x256xf32>
    %slice3A_1827 = vector.extract_strided_slice %mul3A_17 {offsets = [13, 0], sizes = [1, 256], strides = [1, 1]} : vector<16x256xf32> to vector<1x256xf32>
    %mul3A_1828 = vector.broadcast %slice3A_1827 : vector<1x256xf32> to vector<16x256xf32>
    %mul3A_1829 = arith.mulf %mul3A_1828, %mul3A_17 : vector<16x256xf32>
    %add3A_1830 = arith.addf %mul3A_1826, %mul3A_1829 : vector<16x256xf32>
    %slice3A_1831 = vector.extract_strided_slice %mul3A_18 {offsets = [13, 0], sizes = [1, 256], strides = [1, 1]} : vector<16x256xf32> to vector<1x256xf32>
    %mul3A_1832 = vector.broadcast %slice3A_1831 : vector<1x256xf32> to vector<16x256xf32>
    %mul3A_1833 = arith.mulf %mul3A_1832, %mul3A_18 : vector<16x256xf32>
    %add3A_1834 = arith.addf %add3A_1830, %mul3A_1833 : vector<16x256xf32>
    %jit3A_1835 = arith.constant -1.000000e+00 : f32
    %jit3A_1836 = arith.constant 1.000000e+00 : f32
    %max3A_1837 = vector.broadcast %jit3A_1835 : f32 to vector<16x256xf32>
    %max3A_1838 = arith.maximumf %max3A_1837, %add3A_1834 : vector<16x256xf32>
    %min3A_1839 = vector.broadcast %jit3A_1836 : f32 to vector<16x256xf32>
    %min3A_1840 = arith.minimumf %min3A_1839, %max3A_1838 : vector<16x256xf32>
    %slice3A_1841 = vector.extract_strided_slice %convert_element_type3A_15 {offsets = [13, 0], sizes = [1, 256], strides = [1, 1]} : vector<16x256xf32> to vector<1x256xf32>
    %mul3A_1842 = vector.broadcast %slice3A_1841 : vector<1x256xf32> to vector<16x256xf32>
    %mul3A_1843 = arith.mulf %mul3A_1842, %convert_element_type3A_15 : vector<16x256xf32>
    %gt3A_1844 = arith.constant 13 : i32
    %gt3A_1845 = vector.broadcast %gt3A_1844 : i32 to vector<16x256xi32>
    %gt3A_1846 = arith.cmpi sgt, %iota3A, %gt3A_1845 : vector<16x256xi32>
    %jit3A_1847 = arith.constant 0.000000e+00 : f32
    %broadcast_in_dim3A_1848 = vector.broadcast %jit3A_1847 : f32 to vector<16x256xf32>
    %select_n3A_1849 = arith.select %gt3A_1846, %mul3A_1843, %broadcast_in_dim3A_1848 : vector<16x256xi1>, vector<16x256xf32>
    %add3A_1850 = arith.addf %add3A_1711, %select_n3A_1849 : vector<16x256xf32>
    %gt3A_1851 = arith.constant 0.000000e+00 : f32
    %gt3A_1852 = vector.broadcast %gt3A_1851 : f32 to vector<16x256xf32>
    %gt3A_1853 = arith.cmpf ogt, %select_n3A_1849, %gt3A_1852 : vector<16x256xf32>
    %jit3A_1854 = arith.constant -0.999998986 : f32
    %jit3A_1855 = arith.constant 0.999998986 : f32
    %max3A_1856 = vector.broadcast %jit3A_1854 : f32 to vector<16x256xf32>
    %max3A_1857 = arith.maximumf %max3A_1856, %min3A_1840 : vector<16x256xf32>
    %min3A_1858 = vector.broadcast %jit3A_1855 : f32 to vector<16x256xf32>
    %min3A_1859 = arith.minimumf %min3A_1858, %max3A_1857 : vector<16x256xf32>
    %jit3A_1860 = arith.constant 0.000000e+00 : f32
    %broadcast_in_dim3A_1861 = vector.broadcast %jit3A_1860 : f32 to vector<16x256xf32>
    %select_n3A_1862 = arith.select %gt3A_1853, %min3A_1859, %broadcast_in_dim3A_1861 : vector<16x256xi1>, vector<16x256xf32>
    %abs3A_1863 = math.absf %select_n3A_1862 : vector<16x256xf32>
    %sub3A_1864 = arith.constant 1.000000e+00 : f32
    %sub3A_1865 = vector.broadcast %sub3A_1864 : f32 to vector<16x256xf32>
    %sub3A_1866 = arith.subf %sub3A_1865, %abs3A_1863 : vector<16x256xf32>
    %max3A_1867 = arith.constant 0.000000e+00 : f32
    %max3A_1868 = vector.broadcast %max3A_1867 : f32 to vector<16x256xf32>
    %max3A_1869 = arith.maximumf %sub3A_1866, %max3A_1868 : vector<16x256xf32>
    %sqrt3A_1870 = math.sqrt %max3A_1869 : vector<16x256xf32>
    %mul3A_1871 = arith.constant -0.0012624911 : f32
    %mul3A_1872 = vector.broadcast %mul3A_1871 : f32 to vector<16x256xf32>
    %mul3A_1873 = arith.mulf %mul3A_1872, %abs3A_1863 : vector<16x256xf32>
    %add3A_1874 = arith.constant 6.670090e-03 : f32
    %add3A_1875 = vector.broadcast %add3A_1874 : f32 to vector<16x256xf32>
    %add3A_1876 = arith.addf %mul3A_1873, %add3A_1875 : vector<16x256xf32>
    %mul3A_1877 = arith.mulf %add3A_1876, %abs3A_1863 : vector<16x256xf32>
    %add3A_1878 = arith.constant -0.0170881264 : f32
    %add3A_1879 = vector.broadcast %add3A_1878 : f32 to vector<16x256xf32>
    %add3A_1880 = arith.addf %mul3A_1877, %add3A_1879 : vector<16x256xf32>
    %mul3A_1881 = arith.mulf %add3A_1880, %abs3A_1863 : vector<16x256xf32>
    %add3A_1882 = arith.constant 0.0308918804 : f32
    %add3A_1883 = vector.broadcast %add3A_1882 : f32 to vector<16x256xf32>
    %add3A_1884 = arith.addf %mul3A_1881, %add3A_1883 : vector<16x256xf32>
    %mul3A_1885 = arith.mulf %add3A_1884, %abs3A_1863 : vector<16x256xf32>
    %add3A_1886 = arith.constant -0.0501743034 : f32
    %add3A_1887 = vector.broadcast %add3A_1886 : f32 to vector<16x256xf32>
    %add3A_1888 = arith.addf %mul3A_1885, %add3A_1887 : vector<16x256xf32>
    %mul3A_1889 = arith.mulf %add3A_1888, %abs3A_1863 : vector<16x256xf32>
    %add3A_1890 = arith.constant 0.0889789909 : f32
    %add3A_1891 = vector.broadcast %add3A_1890 : f32 to vector<16x256xf32>
    %add3A_1892 = arith.addf %mul3A_1889, %add3A_1891 : vector<16x256xf32>
    %mul3A_1893 = arith.mulf %add3A_1892, %abs3A_1863 : vector<16x256xf32>
    %add3A_1894 = arith.constant -0.214598805 : f32
    %add3A_1895 = vector.broadcast %add3A_1894 : f32 to vector<16x256xf32>
    %add3A_1896 = arith.addf %mul3A_1893, %add3A_1895 : vector<16x256xf32>
    %mul3A_1897 = arith.mulf %add3A_1896, %abs3A_1863 : vector<16x256xf32>
    %add3A_1898 = arith.constant 1.57079625 : f32
    %add3A_1899 = vector.broadcast %add3A_1898 : f32 to vector<16x256xf32>
    %add3A_1900 = arith.addf %mul3A_1897, %add3A_1899 : vector<16x256xf32>
    %lt3A_1901 = arith.constant 0.000000e+00 : f32
    %lt3A_1902 = vector.broadcast %lt3A_1901 : f32 to vector<16x256xf32>
    %lt3A_1903 = arith.cmpf olt, %select_n3A_1862, %lt3A_1902 : vector<16x256xf32>
    %mul3A_1904 = arith.mulf %sqrt3A_1870, %add3A_1900 : vector<16x256xf32>
    %sub3A_1905 = arith.constant 3.14159274 : f32
    %sub3A_1906 = vector.broadcast %sub3A_1905 : f32 to vector<16x256xf32>
    %sub3A_1907 = arith.subf %sub3A_1906, %mul3A_1904 : vector<16x256xf32>
    %mul3A_1908 = arith.mulf %sqrt3A_1870, %add3A_1900 : vector<16x256xf32>
    %select_n3A_1909 = arith.select %lt3A_1903, %sub3A_1907, %mul3A_1908 : vector<16x256xi1>, vector<16x256xf32>
    %mul3A_1910 = arith.constant 57.2957802 : f32
    %mul3A_1911 = vector.broadcast %mul3A_1910 : f32 to vector<16x256xf32>
    %mul3A_1912 = arith.mulf %select_n3A_1909, %mul3A_1911 : vector<16x256xf32>
    %sub3A_1913 = arith.constant 109.471222 : f32
    %sub3A_1914 = vector.broadcast %sub3A_1913 : f32 to vector<16x256xf32>
    %sub3A_1915 = arith.subf %mul3A_1912, %sub3A_1914 : vector<16x256xf32>
    %mul3A_1916 = arith.constant 0.0833333358 : f32
    %mul3A_1917 = vector.broadcast %mul3A_1916 : f32 to vector<16x256xf32>
    %mul3A_1918 = arith.mulf %sub3A_1915, %mul3A_1917 : vector<16x256xf32>
    %mul3A_1919 = arith.constant -5.000000e-01 : f32
    %mul3A_1920 = vector.broadcast %mul3A_1919 : f32 to vector<16x256xf32>
    %mul3A_1921 = arith.mulf %mul3A_1920, %mul3A_1918 : vector<16x256xf32>
    %mul3A_1922 = arith.mulf %mul3A_1921, %mul3A_1918 : vector<16x256xf32>
    %exp3A_1923 = math.exp %mul3A_1922 : vector<16x256xf32>
    %mul3A_1924 = arith.mulf %exp3A_1923, %select_n3A_1849 : vector<16x256xf32>
    %add3A_1925 = arith.addf %add3A_1786, %mul3A_1924 : vector<16x256xf32>
    %mul3A_1926 = arith.mulf %min3A_1840, %min3A_1840 : vector<16x256xf32>
    %mul3A_1927 = arith.mulf %mul3A_1926, %mul3A_1926 : vector<16x256xf32>
    %mul3A_1928 = arith.mulf %mul3A_1927, %mul3A_1926 : vector<16x256xf32>
    %mul3A_1929 = arith.constant 3.500000e+01 : f32
    %mul3A_1930 = vector.broadcast %mul3A_1929 : f32 to vector<16x256xf32>
    %mul3A_1931 = arith.mulf %mul3A_1930, %mul3A_1927 : vector<16x256xf32>
    %mul3A_1932 = arith.constant 3.000000e+01 : f32
    %mul3A_1933 = vector.broadcast %mul3A_1932 : f32 to vector<16x256xf32>
    %mul3A_1934 = arith.mulf %mul3A_1933, %mul3A_1926 : vector<16x256xf32>
    %sub3A_1935 = arith.subf %mul3A_1931, %mul3A_1934 : vector<16x256xf32>
    %add3A_1936 = arith.constant 3.000000e+00 : f32
    %add3A_1937 = vector.broadcast %add3A_1936 : f32 to vector<16x256xf32>
    %add3A_1938 = arith.addf %sub3A_1935, %add3A_1937 : vector<16x256xf32>
    %mul3A_1939 = arith.constant 1.250000e-01 : f32
    %mul3A_1940 = vector.broadcast %mul3A_1939 : f32 to vector<16x256xf32>
    %mul3A_1941 = arith.mulf %add3A_1938, %mul3A_1940 : vector<16x256xf32>
    %mul3A_1942 = arith.mulf %mul3A_1941, %mul3A_1843 : vector<16x256xf32>
    %add3A_1943 = arith.addf %add3A_1804, %mul3A_1942 : vector<16x256xf32>
    %mul3A_1944 = arith.constant 2.310000e+02 : f32
    %mul3A_1945 = vector.broadcast %mul3A_1944 : f32 to vector<16x256xf32>
    %mul3A_1946 = arith.mulf %mul3A_1945, %mul3A_1928 : vector<16x256xf32>
    %mul3A_1947 = arith.constant 3.150000e+02 : f32
    %mul3A_1948 = vector.broadcast %mul3A_1947 : f32 to vector<16x256xf32>
    %mul3A_1949 = arith.mulf %mul3A_1948, %mul3A_1927 : vector<16x256xf32>
    %sub3A_1950 = arith.subf %mul3A_1946, %mul3A_1949 : vector<16x256xf32>
    %mul3A_1951 = arith.constant 1.050000e+02 : f32
    %mul3A_1952 = vector.broadcast %mul3A_1951 : f32 to vector<16x256xf32>
    %mul3A_1953 = arith.mulf %mul3A_1952, %mul3A_1926 : vector<16x256xf32>
    %add3A_1954 = arith.addf %sub3A_1950, %mul3A_1953 : vector<16x256xf32>
    %sub3A_1955 = arith.constant 5.000000e+00 : f32
    %sub3A_1956 = vector.broadcast %sub3A_1955 : f32 to vector<16x256xf32>
    %sub3A_1957 = arith.subf %add3A_1954, %sub3A_1956 : vector<16x256xf32>
    %mul3A_1958 = arith.constant 6.250000e-02 : f32
    %mul3A_1959 = vector.broadcast %mul3A_1958 : f32 to vector<16x256xf32>
    %mul3A_1960 = arith.mulf %sub3A_1957, %mul3A_1959 : vector<16x256xf32>
    %mul3A_1961 = arith.mulf %mul3A_1960, %mul3A_1843 : vector<16x256xf32>
    %add3A_1962 = arith.addf %add3A_1823, %mul3A_1961 : vector<16x256xf32>
    %slice3A_1963 = vector.extract_strided_slice %mul3A_16 {offsets = [14, 0], sizes = [1, 256], strides = [1, 1]} : vector<16x256xf32> to vector<1x256xf32>
    %mul3A_1964 = vector.broadcast %slice3A_1963 : vector<1x256xf32> to vector<16x256xf32>
    %mul3A_1965 = arith.mulf %mul3A_1964, %mul3A_16 : vector<16x256xf32>
    %slice3A_1966 = vector.extract_strided_slice %mul3A_17 {offsets = [14, 0], sizes = [1, 256], strides = [1, 1]} : vector<16x256xf32> to vector<1x256xf32>
    %mul3A_1967 = vector.broadcast %slice3A_1966 : vector<1x256xf32> to vector<16x256xf32>
    %mul3A_1968 = arith.mulf %mul3A_1967, %mul3A_17 : vector<16x256xf32>
    %add3A_1969 = arith.addf %mul3A_1965, %mul3A_1968 : vector<16x256xf32>
    %slice3A_1970 = vector.extract_strided_slice %mul3A_18 {offsets = [14, 0], sizes = [1, 256], strides = [1, 1]} : vector<16x256xf32> to vector<1x256xf32>
    %mul3A_1971 = vector.broadcast %slice3A_1970 : vector<1x256xf32> to vector<16x256xf32>
    %mul3A_1972 = arith.mulf %mul3A_1971, %mul3A_18 : vector<16x256xf32>
    %add3A_1973 = arith.addf %add3A_1969, %mul3A_1972 : vector<16x256xf32>
    %jit3A_1974 = arith.constant -1.000000e+00 : f32
    %jit3A_1975 = arith.constant 1.000000e+00 : f32
    %max3A_1976 = vector.broadcast %jit3A_1974 : f32 to vector<16x256xf32>
    %max3A_1977 = arith.maximumf %max3A_1976, %add3A_1973 : vector<16x256xf32>
    %min3A_1978 = vector.broadcast %jit3A_1975 : f32 to vector<16x256xf32>
    %min3A_1979 = arith.minimumf %min3A_1978, %max3A_1977 : vector<16x256xf32>
    %slice3A_1980 = vector.extract_strided_slice %convert_element_type3A_15 {offsets = [14, 0], sizes = [1, 256], strides = [1, 1]} : vector<16x256xf32> to vector<1x256xf32>
    %mul3A_1981 = vector.broadcast %slice3A_1980 : vector<1x256xf32> to vector<16x256xf32>
    %mul3A_1982 = arith.mulf %mul3A_1981, %convert_element_type3A_15 : vector<16x256xf32>
    %gt3A_1983 = arith.constant 14 : i32
    %gt3A_1984 = vector.broadcast %gt3A_1983 : i32 to vector<16x256xi32>
    %gt3A_1985 = arith.cmpi sgt, %iota3A, %gt3A_1984 : vector<16x256xi32>
    %jit3A_1986 = arith.constant 0.000000e+00 : f32
    %broadcast_in_dim3A_1987 = vector.broadcast %jit3A_1986 : f32 to vector<16x256xf32>
    %select_n3A_1988 = arith.select %gt3A_1985, %mul3A_1982, %broadcast_in_dim3A_1987 : vector<16x256xi1>, vector<16x256xf32>
    %add3A_1989 = arith.addf %add3A_1850, %select_n3A_1988 : vector<16x256xf32>
    %gt3A_1990 = arith.constant 0.000000e+00 : f32
    %gt3A_1991 = vector.broadcast %gt3A_1990 : f32 to vector<16x256xf32>
    %gt3A_1992 = arith.cmpf ogt, %select_n3A_1988, %gt3A_1991 : vector<16x256xf32>
    %jit3A_1993 = arith.constant -0.999998986 : f32
    %jit3A_1994 = arith.constant 0.999998986 : f32
    %max3A_1995 = vector.broadcast %jit3A_1993 : f32 to vector<16x256xf32>
    %max3A_1996 = arith.maximumf %max3A_1995, %min3A_1979 : vector<16x256xf32>
    %min3A_1997 = vector.broadcast %jit3A_1994 : f32 to vector<16x256xf32>
    %min3A_1998 = arith.minimumf %min3A_1997, %max3A_1996 : vector<16x256xf32>
    %jit3A_1999 = arith.constant 0.000000e+00 : f32
    %broadcast_in_dim3A_2000 = vector.broadcast %jit3A_1999 : f32 to vector<16x256xf32>
    %select_n3A_2001 = arith.select %gt3A_1992, %min3A_1998, %broadcast_in_dim3A_2000 : vector<16x256xi1>, vector<16x256xf32>
    %abs3A_2002 = math.absf %select_n3A_2001 : vector<16x256xf32>
    %sub3A_2003 = arith.constant 1.000000e+00 : f32
    %sub3A_2004 = vector.broadcast %sub3A_2003 : f32 to vector<16x256xf32>
    %sub3A_2005 = arith.subf %sub3A_2004, %abs3A_2002 : vector<16x256xf32>
    %max3A_2006 = arith.constant 0.000000e+00 : f32
    %max3A_2007 = vector.broadcast %max3A_2006 : f32 to vector<16x256xf32>
    %max3A_2008 = arith.maximumf %sub3A_2005, %max3A_2007 : vector<16x256xf32>
    %sqrt3A_2009 = math.sqrt %max3A_2008 : vector<16x256xf32>
    %mul3A_2010 = arith.constant -0.0012624911 : f32
    %mul3A_2011 = vector.broadcast %mul3A_2010 : f32 to vector<16x256xf32>
    %mul3A_2012 = arith.mulf %mul3A_2011, %abs3A_2002 : vector<16x256xf32>
    %add3A_2013 = arith.constant 6.670090e-03 : f32
    %add3A_2014 = vector.broadcast %add3A_2013 : f32 to vector<16x256xf32>
    %add3A_2015 = arith.addf %mul3A_2012, %add3A_2014 : vector<16x256xf32>
    %mul3A_2016 = arith.mulf %add3A_2015, %abs3A_2002 : vector<16x256xf32>
    %add3A_2017 = arith.constant -0.0170881264 : f32
    %add3A_2018 = vector.broadcast %add3A_2017 : f32 to vector<16x256xf32>
    %add3A_2019 = arith.addf %mul3A_2016, %add3A_2018 : vector<16x256xf32>
    %mul3A_2020 = arith.mulf %add3A_2019, %abs3A_2002 : vector<16x256xf32>
    %add3A_2021 = arith.constant 0.0308918804 : f32
    %add3A_2022 = vector.broadcast %add3A_2021 : f32 to vector<16x256xf32>
    %add3A_2023 = arith.addf %mul3A_2020, %add3A_2022 : vector<16x256xf32>
    %mul3A_2024 = arith.mulf %add3A_2023, %abs3A_2002 : vector<16x256xf32>
    %add3A_2025 = arith.constant -0.0501743034 : f32
    %add3A_2026 = vector.broadcast %add3A_2025 : f32 to vector<16x256xf32>
    %add3A_2027 = arith.addf %mul3A_2024, %add3A_2026 : vector<16x256xf32>
    %mul3A_2028 = arith.mulf %add3A_2027, %abs3A_2002 : vector<16x256xf32>
    %add3A_2029 = arith.constant 0.0889789909 : f32
    %add3A_2030 = vector.broadcast %add3A_2029 : f32 to vector<16x256xf32>
    %add3A_2031 = arith.addf %mul3A_2028, %add3A_2030 : vector<16x256xf32>
    %mul3A_2032 = arith.mulf %add3A_2031, %abs3A_2002 : vector<16x256xf32>
    %add3A_2033 = arith.constant -0.214598805 : f32
    %add3A_2034 = vector.broadcast %add3A_2033 : f32 to vector<16x256xf32>
    %add3A_2035 = arith.addf %mul3A_2032, %add3A_2034 : vector<16x256xf32>
    %mul3A_2036 = arith.mulf %add3A_2035, %abs3A_2002 : vector<16x256xf32>
    %add3A_2037 = arith.constant 1.57079625 : f32
    %add3A_2038 = vector.broadcast %add3A_2037 : f32 to vector<16x256xf32>
    %add3A_2039 = arith.addf %mul3A_2036, %add3A_2038 : vector<16x256xf32>
    %lt3A_2040 = arith.constant 0.000000e+00 : f32
    %lt3A_2041 = vector.broadcast %lt3A_2040 : f32 to vector<16x256xf32>
    %lt3A_2042 = arith.cmpf olt, %select_n3A_2001, %lt3A_2041 : vector<16x256xf32>
    %mul3A_2043 = arith.mulf %sqrt3A_2009, %add3A_2039 : vector<16x256xf32>
    %sub3A_2044 = arith.constant 3.14159274 : f32
    %sub3A_2045 = vector.broadcast %sub3A_2044 : f32 to vector<16x256xf32>
    %sub3A_2046 = arith.subf %sub3A_2045, %mul3A_2043 : vector<16x256xf32>
    %mul3A_2047 = arith.mulf %sqrt3A_2009, %add3A_2039 : vector<16x256xf32>
    %select_n3A_2048 = arith.select %lt3A_2042, %sub3A_2046, %mul3A_2047 : vector<16x256xi1>, vector<16x256xf32>
    %mul3A_2049 = arith.constant 57.2957802 : f32
    %mul3A_2050 = vector.broadcast %mul3A_2049 : f32 to vector<16x256xf32>
    %mul3A_2051 = arith.mulf %select_n3A_2048, %mul3A_2050 : vector<16x256xf32>
    %sub3A_2052 = arith.constant 109.471222 : f32
    %sub3A_2053 = vector.broadcast %sub3A_2052 : f32 to vector<16x256xf32>
    %sub3A_2054 = arith.subf %mul3A_2051, %sub3A_2053 : vector<16x256xf32>
    %mul3A_2055 = arith.constant 0.0833333358 : f32
    %mul3A_2056 = vector.broadcast %mul3A_2055 : f32 to vector<16x256xf32>
    %mul3A_2057 = arith.mulf %sub3A_2054, %mul3A_2056 : vector<16x256xf32>
    %mul3A_2058 = arith.constant -5.000000e-01 : f32
    %mul3A_2059 = vector.broadcast %mul3A_2058 : f32 to vector<16x256xf32>
    %mul3A_2060 = arith.mulf %mul3A_2059, %mul3A_2057 : vector<16x256xf32>
    %mul3A_2061 = arith.mulf %mul3A_2060, %mul3A_2057 : vector<16x256xf32>
    %exp3A_2062 = math.exp %mul3A_2061 : vector<16x256xf32>
    %mul3A_2063 = arith.mulf %exp3A_2062, %select_n3A_1988 : vector<16x256xf32>
    %add3A_2064 = arith.addf %add3A_1925, %mul3A_2063 : vector<16x256xf32>
    %mul3A_2065 = arith.mulf %min3A_1979, %min3A_1979 : vector<16x256xf32>
    %mul3A_2066 = arith.mulf %mul3A_2065, %mul3A_2065 : vector<16x256xf32>
    %mul3A_2067 = arith.mulf %mul3A_2066, %mul3A_2065 : vector<16x256xf32>
    %mul3A_2068 = arith.constant 3.500000e+01 : f32
    %mul3A_2069 = vector.broadcast %mul3A_2068 : f32 to vector<16x256xf32>
    %mul3A_2070 = arith.mulf %mul3A_2069, %mul3A_2066 : vector<16x256xf32>
    %mul3A_2071 = arith.constant 3.000000e+01 : f32
    %mul3A_2072 = vector.broadcast %mul3A_2071 : f32 to vector<16x256xf32>
    %mul3A_2073 = arith.mulf %mul3A_2072, %mul3A_2065 : vector<16x256xf32>
    %sub3A_2074 = arith.subf %mul3A_2070, %mul3A_2073 : vector<16x256xf32>
    %add3A_2075 = arith.constant 3.000000e+00 : f32
    %add3A_2076 = vector.broadcast %add3A_2075 : f32 to vector<16x256xf32>
    %add3A_2077 = arith.addf %sub3A_2074, %add3A_2076 : vector<16x256xf32>
    %mul3A_2078 = arith.constant 1.250000e-01 : f32
    %mul3A_2079 = vector.broadcast %mul3A_2078 : f32 to vector<16x256xf32>
    %mul3A_2080 = arith.mulf %add3A_2077, %mul3A_2079 : vector<16x256xf32>
    %mul3A_2081 = arith.mulf %mul3A_2080, %mul3A_1982 : vector<16x256xf32>
    %add3A_2082 = arith.addf %add3A_1943, %mul3A_2081 : vector<16x256xf32>
    %mul3A_2083 = arith.constant 2.310000e+02 : f32
    %mul3A_2084 = vector.broadcast %mul3A_2083 : f32 to vector<16x256xf32>
    %mul3A_2085 = arith.mulf %mul3A_2084, %mul3A_2067 : vector<16x256xf32>
    %mul3A_2086 = arith.constant 3.150000e+02 : f32
    %mul3A_2087 = vector.broadcast %mul3A_2086 : f32 to vector<16x256xf32>
    %mul3A_2088 = arith.mulf %mul3A_2087, %mul3A_2066 : vector<16x256xf32>
    %sub3A_2089 = arith.subf %mul3A_2085, %mul3A_2088 : vector<16x256xf32>
    %mul3A_2090 = arith.constant 1.050000e+02 : f32
    %mul3A_2091 = vector.broadcast %mul3A_2090 : f32 to vector<16x256xf32>
    %mul3A_2092 = arith.mulf %mul3A_2091, %mul3A_2065 : vector<16x256xf32>
    %add3A_2093 = arith.addf %sub3A_2089, %mul3A_2092 : vector<16x256xf32>
    %sub3A_2094 = arith.constant 5.000000e+00 : f32
    %sub3A_2095 = vector.broadcast %sub3A_2094 : f32 to vector<16x256xf32>
    %sub3A_2096 = arith.subf %add3A_2093, %sub3A_2095 : vector<16x256xf32>
    %mul3A_2097 = arith.constant 6.250000e-02 : f32
    %mul3A_2098 = vector.broadcast %mul3A_2097 : f32 to vector<16x256xf32>
    %mul3A_2099 = arith.mulf %sub3A_2096, %mul3A_2098 : vector<16x256xf32>
    %mul3A_2100 = arith.mulf %mul3A_2099, %mul3A_1982 : vector<16x256xf32>
    %add3A_2101 = arith.addf %add3A_1962, %mul3A_2100 : vector<16x256xf32>
    %slice3A_2102 = vector.extract_strided_slice %mul3A_16 {offsets = [15, 0], sizes = [1, 256], strides = [1, 1]} : vector<16x256xf32> to vector<1x256xf32>
    %mul3A_2103 = vector.broadcast %slice3A_2102 : vector<1x256xf32> to vector<16x256xf32>
    %mul3A_2104 = arith.mulf %mul3A_2103, %mul3A_16 : vector<16x256xf32>
    %slice3A_2105 = vector.extract_strided_slice %mul3A_17 {offsets = [15, 0], sizes = [1, 256], strides = [1, 1]} : vector<16x256xf32> to vector<1x256xf32>
    %mul3A_2106 = vector.broadcast %slice3A_2105 : vector<1x256xf32> to vector<16x256xf32>
    %mul3A_2107 = arith.mulf %mul3A_2106, %mul3A_17 : vector<16x256xf32>
    %add3A_2108 = arith.addf %mul3A_2104, %mul3A_2107 : vector<16x256xf32>
    %slice3A_2109 = vector.extract_strided_slice %mul3A_18 {offsets = [15, 0], sizes = [1, 256], strides = [1, 1]} : vector<16x256xf32> to vector<1x256xf32>
    %mul3A_2110 = vector.broadcast %slice3A_2109 : vector<1x256xf32> to vector<16x256xf32>
    %mul3A_2111 = arith.mulf %mul3A_2110, %mul3A_18 : vector<16x256xf32>
    %add3A_2112 = arith.addf %add3A_2108, %mul3A_2111 : vector<16x256xf32>
    %jit3A_2113 = arith.constant -1.000000e+00 : f32
    %jit3A_2114 = arith.constant 1.000000e+00 : f32
    %max3A_2115 = vector.broadcast %jit3A_2113 : f32 to vector<16x256xf32>
    %max3A_2116 = arith.maximumf %max3A_2115, %add3A_2112 : vector<16x256xf32>
    %min3A_2117 = vector.broadcast %jit3A_2114 : f32 to vector<16x256xf32>
    %min3A_2118 = arith.minimumf %min3A_2117, %max3A_2116 : vector<16x256xf32>
    %slice3A_2119 = vector.extract_strided_slice %convert_element_type3A_15 {offsets = [15, 0], sizes = [1, 256], strides = [1, 1]} : vector<16x256xf32> to vector<1x256xf32>
    %mul3A_2120 = vector.broadcast %slice3A_2119 : vector<1x256xf32> to vector<16x256xf32>
    %mul3A_2121 = arith.mulf %mul3A_2120, %convert_element_type3A_15 : vector<16x256xf32>
    %gt3A_2122 = arith.constant 15 : i32
    %gt3A_2123 = vector.broadcast %gt3A_2122 : i32 to vector<16x256xi32>
    %gt3A_2124 = arith.cmpi sgt, %iota3A, %gt3A_2123 : vector<16x256xi32>
    %jit3A_2125 = arith.constant 0.000000e+00 : f32
    %broadcast_in_dim3A_2126 = vector.broadcast %jit3A_2125 : f32 to vector<16x256xf32>
    %select_n3A_2127 = arith.select %gt3A_2124, %mul3A_2121, %broadcast_in_dim3A_2126 : vector<16x256xi1>, vector<16x256xf32>
    %add3A_2128 = arith.addf %add3A_1989, %select_n3A_2127 : vector<16x256xf32>
    %gt3A_2129 = arith.constant 0.000000e+00 : f32
    %gt3A_2130 = vector.broadcast %gt3A_2129 : f32 to vector<16x256xf32>
    %gt3A_2131 = arith.cmpf ogt, %select_n3A_2127, %gt3A_2130 : vector<16x256xf32>
    %jit3A_2132 = arith.constant -0.999998986 : f32
    %jit3A_2133 = arith.constant 0.999998986 : f32
    %max3A_2134 = vector.broadcast %jit3A_2132 : f32 to vector<16x256xf32>
    %max3A_2135 = arith.maximumf %max3A_2134, %min3A_2118 : vector<16x256xf32>
    %min3A_2136 = vector.broadcast %jit3A_2133 : f32 to vector<16x256xf32>
    %min3A_2137 = arith.minimumf %min3A_2136, %max3A_2135 : vector<16x256xf32>
    %jit3A_2138 = arith.constant 0.000000e+00 : f32
    %broadcast_in_dim3A_2139 = vector.broadcast %jit3A_2138 : f32 to vector<16x256xf32>
    %select_n3A_2140 = arith.select %gt3A_2131, %min3A_2137, %broadcast_in_dim3A_2139 : vector<16x256xi1>, vector<16x256xf32>
    %abs3A_2141 = math.absf %select_n3A_2140 : vector<16x256xf32>
    %sub3A_2142 = arith.constant 1.000000e+00 : f32
    %sub3A_2143 = vector.broadcast %sub3A_2142 : f32 to vector<16x256xf32>
    %sub3A_2144 = arith.subf %sub3A_2143, %abs3A_2141 : vector<16x256xf32>
    %max3A_2145 = arith.constant 0.000000e+00 : f32
    %max3A_2146 = vector.broadcast %max3A_2145 : f32 to vector<16x256xf32>
    %max3A_2147 = arith.maximumf %sub3A_2144, %max3A_2146 : vector<16x256xf32>
    %sqrt3A_2148 = math.sqrt %max3A_2147 : vector<16x256xf32>
    %mul3A_2149 = arith.constant -0.0012624911 : f32
    %mul3A_2150 = vector.broadcast %mul3A_2149 : f32 to vector<16x256xf32>
    %mul3A_2151 = arith.mulf %mul3A_2150, %abs3A_2141 : vector<16x256xf32>
    %add3A_2152 = arith.constant 6.670090e-03 : f32
    %add3A_2153 = vector.broadcast %add3A_2152 : f32 to vector<16x256xf32>
    %add3A_2154 = arith.addf %mul3A_2151, %add3A_2153 : vector<16x256xf32>
    %mul3A_2155 = arith.mulf %add3A_2154, %abs3A_2141 : vector<16x256xf32>
    %add3A_2156 = arith.constant -0.0170881264 : f32
    %add3A_2157 = vector.broadcast %add3A_2156 : f32 to vector<16x256xf32>
    %add3A_2158 = arith.addf %mul3A_2155, %add3A_2157 : vector<16x256xf32>
    %mul3A_2159 = arith.mulf %add3A_2158, %abs3A_2141 : vector<16x256xf32>
    %add3A_2160 = arith.constant 0.0308918804 : f32
    %add3A_2161 = vector.broadcast %add3A_2160 : f32 to vector<16x256xf32>
    %add3A_2162 = arith.addf %mul3A_2159, %add3A_2161 : vector<16x256xf32>
    %mul3A_2163 = arith.mulf %add3A_2162, %abs3A_2141 : vector<16x256xf32>
    %add3A_2164 = arith.constant -0.0501743034 : f32
    %add3A_2165 = vector.broadcast %add3A_2164 : f32 to vector<16x256xf32>
    %add3A_2166 = arith.addf %mul3A_2163, %add3A_2165 : vector<16x256xf32>
    %mul3A_2167 = arith.mulf %add3A_2166, %abs3A_2141 : vector<16x256xf32>
    %add3A_2168 = arith.constant 0.0889789909 : f32
    %add3A_2169 = vector.broadcast %add3A_2168 : f32 to vector<16x256xf32>
    %add3A_2170 = arith.addf %mul3A_2167, %add3A_2169 : vector<16x256xf32>
    %mul3A_2171 = arith.mulf %add3A_2170, %abs3A_2141 : vector<16x256xf32>
    %add3A_2172 = arith.constant -0.214598805 : f32
    %add3A_2173 = vector.broadcast %add3A_2172 : f32 to vector<16x256xf32>
    %add3A_2174 = arith.addf %mul3A_2171, %add3A_2173 : vector<16x256xf32>
    %mul3A_2175 = arith.mulf %add3A_2174, %abs3A_2141 : vector<16x256xf32>
    %add3A_2176 = arith.constant 1.57079625 : f32
    %add3A_2177 = vector.broadcast %add3A_2176 : f32 to vector<16x256xf32>
    %add3A_2178 = arith.addf %mul3A_2175, %add3A_2177 : vector<16x256xf32>
    %lt3A_2179 = arith.constant 0.000000e+00 : f32
    %lt3A_2180 = vector.broadcast %lt3A_2179 : f32 to vector<16x256xf32>
    %lt3A_2181 = arith.cmpf olt, %select_n3A_2140, %lt3A_2180 : vector<16x256xf32>
    %mul3A_2182 = arith.mulf %sqrt3A_2148, %add3A_2178 : vector<16x256xf32>
    %sub3A_2183 = arith.constant 3.14159274 : f32
    %sub3A_2184 = vector.broadcast %sub3A_2183 : f32 to vector<16x256xf32>
    %sub3A_2185 = arith.subf %sub3A_2184, %mul3A_2182 : vector<16x256xf32>
    %mul3A_2186 = arith.mulf %sqrt3A_2148, %add3A_2178 : vector<16x256xf32>
    %select_n3A_2187 = arith.select %lt3A_2181, %sub3A_2185, %mul3A_2186 : vector<16x256xi1>, vector<16x256xf32>
    %mul3A_2188 = arith.constant 57.2957802 : f32
    %mul3A_2189 = vector.broadcast %mul3A_2188 : f32 to vector<16x256xf32>
    %mul3A_2190 = arith.mulf %select_n3A_2187, %mul3A_2189 : vector<16x256xf32>
    %sub3A_2191 = arith.constant 109.471222 : f32
    %sub3A_2192 = vector.broadcast %sub3A_2191 : f32 to vector<16x256xf32>
    %sub3A_2193 = arith.subf %mul3A_2190, %sub3A_2192 : vector<16x256xf32>
    %mul3A_2194 = arith.constant 0.0833333358 : f32
    %mul3A_2195 = vector.broadcast %mul3A_2194 : f32 to vector<16x256xf32>
    %mul3A_2196 = arith.mulf %sub3A_2193, %mul3A_2195 : vector<16x256xf32>
    %mul3A_2197 = arith.constant -5.000000e-01 : f32
    %mul3A_2198 = vector.broadcast %mul3A_2197 : f32 to vector<16x256xf32>
    %mul3A_2199 = arith.mulf %mul3A_2198, %mul3A_2196 : vector<16x256xf32>
    %mul3A_2200 = arith.mulf %mul3A_2199, %mul3A_2196 : vector<16x256xf32>
    %exp3A_2201 = math.exp %mul3A_2200 : vector<16x256xf32>
    %mul3A_2202 = arith.mulf %exp3A_2201, %select_n3A_2127 : vector<16x256xf32>
    %add3A_2203 = arith.addf %add3A_2064, %mul3A_2202 : vector<16x256xf32>
    %mul3A_2204 = arith.mulf %min3A_2118, %min3A_2118 : vector<16x256xf32>
    %mul3A_2205 = arith.mulf %mul3A_2204, %mul3A_2204 : vector<16x256xf32>
    %mul3A_2206 = arith.mulf %mul3A_2205, %mul3A_2204 : vector<16x256xf32>
    %mul3A_2207 = arith.constant 3.500000e+01 : f32
    %mul3A_2208 = vector.broadcast %mul3A_2207 : f32 to vector<16x256xf32>
    %mul3A_2209 = arith.mulf %mul3A_2208, %mul3A_2205 : vector<16x256xf32>
    %mul3A_2210 = arith.constant 3.000000e+01 : f32
    %mul3A_2211 = vector.broadcast %mul3A_2210 : f32 to vector<16x256xf32>
    %mul3A_2212 = arith.mulf %mul3A_2211, %mul3A_2204 : vector<16x256xf32>
    %sub3A_2213 = arith.subf %mul3A_2209, %mul3A_2212 : vector<16x256xf32>
    %add3A_2214 = arith.constant 3.000000e+00 : f32
    %add3A_2215 = vector.broadcast %add3A_2214 : f32 to vector<16x256xf32>
    %add3A_2216 = arith.addf %sub3A_2213, %add3A_2215 : vector<16x256xf32>
    %mul3A_2217 = arith.constant 1.250000e-01 : f32
    %mul3A_2218 = vector.broadcast %mul3A_2217 : f32 to vector<16x256xf32>
    %mul3A_2219 = arith.mulf %add3A_2216, %mul3A_2218 : vector<16x256xf32>
    %mul3A_2220 = arith.mulf %mul3A_2219, %mul3A_2121 : vector<16x256xf32>
    %add3A_2221 = arith.addf %add3A_2082, %mul3A_2220 : vector<16x256xf32>
    %mul3A_2222 = arith.constant 2.310000e+02 : f32
    %mul3A_2223 = vector.broadcast %mul3A_2222 : f32 to vector<16x256xf32>
    %mul3A_2224 = arith.mulf %mul3A_2223, %mul3A_2206 : vector<16x256xf32>
    %mul3A_2225 = arith.constant 3.150000e+02 : f32
    %mul3A_2226 = vector.broadcast %mul3A_2225 : f32 to vector<16x256xf32>
    %mul3A_2227 = arith.mulf %mul3A_2226, %mul3A_2205 : vector<16x256xf32>
    %sub3A_2228 = arith.subf %mul3A_2224, %mul3A_2227 : vector<16x256xf32>
    %mul3A_2229 = arith.constant 1.050000e+02 : f32
    %mul3A_2230 = vector.broadcast %mul3A_2229 : f32 to vector<16x256xf32>
    %mul3A_2231 = arith.mulf %mul3A_2230, %mul3A_2204 : vector<16x256xf32>
    %add3A_2232 = arith.addf %sub3A_2228, %mul3A_2231 : vector<16x256xf32>
    %sub3A_2233 = arith.constant 5.000000e+00 : f32
    %sub3A_2234 = vector.broadcast %sub3A_2233 : f32 to vector<16x256xf32>
    %sub3A_2235 = arith.subf %add3A_2232, %sub3A_2234 : vector<16x256xf32>
    %mul3A_2236 = arith.constant 6.250000e-02 : f32
    %mul3A_2237 = vector.broadcast %mul3A_2236 : f32 to vector<16x256xf32>
    %mul3A_2238 = arith.mulf %sub3A_2235, %mul3A_2237 : vector<16x256xf32>
    %mul3A_2239 = arith.mulf %mul3A_2238, %mul3A_2121 : vector<16x256xf32>
    %add3A_2240 = arith.addf %add3A_2101, %mul3A_2239 : vector<16x256xf32>
    %concatenate3A = tpu.concatenate %convert_element_type3A_15, %add3A_2128, %add3A_2203, %add3A_2221, %add3A_2240 in 0 : vector<16x256xf32>, vector<16x256xf32>, vector<16x256xf32>, vector<16x256xf32>, vector<16x256xf32> -> vector<80x256xf32>
    %iota3A_2241 = tpu.iota {dimensions = array<i32: 0>} : vector<8x80xi32>
    %iota3A_2242 = tpu.iota {dimensions = array<i32: 1>} : vector<8x80xi32>
    %jit3A_2243 = arith.constant 16 : i32
    %div3A_2244 = vector.broadcast %jit3A_2243 : i32 to vector<8x80xi32>
    %div3A_2245 = arith.divsi %iota3A_2242, %div3A_2244 : vector<8x80xi32>
    %sign3A = arith.constant 0 : i32
    %sign3A_2246 = vector.broadcast %sign3A : i32 to vector<8x80xi32>
    %sign3A_2247 = arith.cmpi sgt, %iota3A_2242, %sign3A_2246 : vector<8x80xi32>
    %sign3A_2248 = arith.extui %sign3A_2247 : vector<8x80xi1> to vector<8x80xi32>
    %sign3A_2249 = arith.constant 0 : i32
    %sign3A_2250 = vector.broadcast %sign3A_2249 : i32 to vector<8x80xi32>
    %sign3A_2251 = arith.cmpi slt, %iota3A_2242, %sign3A_2250 : vector<8x80xi32>
    %sign3A_2252 = arith.extui %sign3A_2251 : vector<8x80xi1> to vector<8x80xi32>
    %sign3A_2253 = arith.subi %sign3A_2248, %sign3A_2252 : vector<8x80xi32>
    %sign3A_2254 = arith.constant 0 : i32
    %sign3A_2255 = arith.cmpi sgt, %jit3A_2243, %sign3A_2254 : i32
    %sign3A_2256 = arith.extui %sign3A_2255 : i1 to i32
    %sign3A_2257 = arith.constant 0 : i32
    %sign3A_2258 = arith.cmpi slt, %jit3A_2243, %sign3A_2257 : i32
    %sign3A_2259 = arith.extui %sign3A_2258 : i1 to i32
    %sign3A_2260 = arith.subi %sign3A_2256, %sign3A_2259 : i32
    %ne3A = vector.broadcast %sign3A_2260 : i32 to vector<8x80xi32>
    %ne3A_2261 = arith.cmpi ne, %sign3A_2253, %ne3A : vector<8x80xi32>
    %rem3A = vector.broadcast %jit3A_2243 : i32 to vector<8x80xi32>
    %rem3A_2262 = arith.remsi %iota3A_2242, %rem3A : vector<8x80xi32>
    %ne3A_2263 = arith.constant 0 : i32
    %ne3A_2264 = vector.broadcast %ne3A_2263 : i32 to vector<8x80xi32>
    %ne3A_2265 = arith.cmpi ne, %rem3A_2262, %ne3A_2264 : vector<8x80xi32>
    %and3A = arith.andi %ne3A_2261, %ne3A_2265 : vector<8x80xi1>
    %sub3A_2266 = arith.constant 1 : i32
    %sub3A_2267 = vector.broadcast %sub3A_2266 : i32 to vector<8x80xi32>
    %sub3A_2268 = arith.subi %div3A_2245, %sub3A_2267 : vector<8x80xi32>
    %select_n3A_2269 = arith.select %and3A, %sub3A_2268, %div3A_2245 : vector<8x80xi1>, vector<8x80xi32>
    %eq3A = arith.cmpi eq, %select_n3A_2269, %iota3A_2241 : vector<8x80xi32>
    %jit3A_2270 = arith.constant 1.000000e+00 : f32
    %jit3A_2271 = arith.constant 0.000000e+00 : f32
    %broadcast_in_dim3A_2272 = vector.broadcast %jit3A_2270 : f32 to vector<8x80xf32>
    %broadcast_in_dim3A_2273 = vector.broadcast %jit3A_2271 : f32 to vector<8x80xf32>
    %select_n3A_2274 = arith.select %eq3A, %broadcast_in_dim3A_2272, %broadcast_in_dim3A_2273 : vector<8x80xi1>, vector<8x80xf32>
    %dot_general3A = arith.constant dense<0.000000e+00> : vector<8x256xf32>
    %dot_general3A_2275 = tpu.matmul %select_n3A_2274, %concatenate3A, %dot_general3A {dimension_numbers = #tpu.dot_dimension_numbers<[1], [0], [0], [1], [0, 0, 1, 1], [], []>, transpose_lhs_hint = false} : vector<8x80xf32>, vector<80x256xf32>, vector<8x256xf32> -> vector<8x256xf32>
    %slice3A_2276 = vector.extract_strided_slice %dot_general3A_2275 {offsets = [0, 0], sizes = [1, 256], strides = [1, 1]} : vector<8x256xf32> to vector<1x256xf32>
    %slice3A_2277 = vector.extract_strided_slice %dot_general3A_2275 {offsets = [1, 0], sizes = [1, 256], strides = [1, 1]} : vector<8x256xf32> to vector<1x256xf32>
    %slice3A_2278 = vector.extract_strided_slice %dot_general3A_2275 {offsets = [2, 0], sizes = [1, 256], strides = [1, 1]} : vector<8x256xf32> to vector<1x256xf32>
    %slice3A_2279 = vector.extract_strided_slice %dot_general3A_2275 {offsets = [3, 0], sizes = [1, 256], strides = [1, 1]} : vector<8x256xf32> to vector<1x256xf32>
    %slice3A_2280 = vector.extract_strided_slice %dot_general3A_2275 {offsets = [4, 0], sizes = [1, 256], strides = [1, 1]} : vector<8x256xf32> to vector<1x256xf32>
    %max3A_2281 = arith.constant 1.000000e+00 : f32
    %max3A_2282 = vector.broadcast %max3A_2281 : f32 to vector<1x256xf32>
    %max3A_2283 = arith.maximumf %slice3A_2277, %max3A_2282 : vector<1x256xf32>
    %div3A_2284 = arith.divf %slice3A_2278, %max3A_2283 : vector<1x256xf32>
    %max3A_2285 = arith.constant 1.000000e+00 : f32
    %max3A_2286 = vector.broadcast %max3A_2285 : f32 to vector<1x256xf32>
    %max3A_2287 = arith.maximumf %slice3A_2276, %max3A_2286 : vector<1x256xf32>
    %max3A_2288 = arith.constant 9.99999996E-13 : f32
    %max3A_2289 = vector.broadcast %max3A_2288 : f32 to vector<1x256xf32>
    %max3A_2290 = arith.maximumf %slice3A_2279, %max3A_2289 : vector<1x256xf32>
    %sqrt3A_2291 = math.sqrt %max3A_2290 : vector<1x256xf32>
    %div3A_2292 = arith.divf %sqrt3A_2291, %max3A_2287 : vector<1x256xf32>
    %max3A_2293 = arith.constant 9.99999996E-13 : f32
    %max3A_2294 = vector.broadcast %max3A_2293 : f32 to vector<1x256xf32>
    %max3A_2295 = arith.maximumf %slice3A_2280, %max3A_2294 : vector<1x256xf32>
    %sqrt3A_2296 = math.sqrt %max3A_2295 : vector<1x256xf32>
    %div3A_2297 = arith.divf %sqrt3A_2296, %max3A_2287 : vector<1x256xf32>
    %swap3A = arith.constant 0 : index
    %swap3A_2298 = arith.constant 0 : index
    %swap3A_2299 = vector.load %arg4[%swap3A, %swap3A_2298] : memref<8x256xf32, #tpu.memory_space<vmem>>, vector<1x256xf32>
    tpu.vector_store %arg4[%swap3A, %swap3A_2298], %slice3A_2276 {strides = array<i32>} : memref<8x256xf32, #tpu.memory_space<vmem>>, vector<1x256xf32>,
    %swap3A_2300 = arith.constant 1 : index
    %swap3A_2301 = arith.constant 0 : index
    %swap3A_2302 = vector.load %arg4[%swap3A_2300, %swap3A_2301] : memref<8x256xf32, #tpu.memory_space<vmem>>, vector<1x256xf32>
    tpu.vector_store %arg4[%swap3A_2300, %swap3A_2301], %div3A_2284 {strides = array<i32>} : memref<8x256xf32, #tpu.memory_space<vmem>>, vector<1x256xf32>,
    %swap3A_2303 = arith.constant 2 : index
    %swap3A_2304 = arith.constant 0 : index
    %swap3A_2305 = vector.load %arg4[%swap3A_2303, %swap3A_2304] : memref<8x256xf32, #tpu.memory_space<vmem>>, vector<1x256xf32>
    tpu.vector_store %arg4[%swap3A_2303, %swap3A_2304], %div3A_2292 {strides = array<i32>} : memref<8x256xf32, #tpu.memory_space<vmem>>, vector<1x256xf32>,
    %swap3A_2306 = arith.constant 3 : index
    %swap3A_2307 = arith.constant 0 : index
    %swap3A_2308 = vector.load %arg4[%swap3A_2306, %swap3A_2307] : memref<8x256xf32, #tpu.memory_space<vmem>>, vector<1x256xf32>
    tpu.vector_store %arg4[%swap3A_2306, %swap3A_2307], %div3A_2297 {strides = array<i32>} : memref<8x256xf32, #tpu.memory_space<vmem>>, vector<1x256xf32>,
    %broadcast_in_dim3A_2309 = arith.constant 0.000000e+00 : f32
    %broadcast_in_dim3A_2310 = vector.broadcast %broadcast_in_dim3A_2309 : f32 to vector<4x256xf32>
    %swap3A_2311 = arith.constant 4 : index
    %swap3A_2312 = arith.constant 0 : index
    %swap3A_2313 = vector.load %arg4[%swap3A_2311, %swap3A_2312] : memref<8x256xf32, #tpu.memory_space<vmem>>, vector<4x256xf32>
    tpu.vector_store %arg4[%swap3A_2311, %swap3A_2312], %broadcast_in_dim3A_2310 {strides = array<i32>} : memref<8x256xf32, #tpu.memory_space<vmem>>, vector<4x256xf32>,
    return
  }
  func.func @transform_0(%arg0: i32) -> (i32, i32) {
    %c0_i32 = arith.constant 0 : i32
    %c0_i32_0 = arith.constant 0 : i32
    return %c0_i32, %arg0 : i32, i32
  }
  func.func @transform_1(%arg0: i32) -> (i32, i32) {
    %c0_i32 = arith.constant 0 : i32
    %c0_i32_0 = arith.constant 0 : i32
    return %c0_i32, %arg0 : i32, i32
  }
  func.func @transform_2(%arg0: i32) -> (i32, i32) {
    %c0_i32 = arith.constant 0 : i32
    %c0_i32_0 = arith.constant 0 : i32
    return %c0_i32, %arg0 : i32, i32
  }
  func.func @transform_3(%arg0: i32) -> (i32, i32) {
    %c0_i32 = arith.constant 0 : i32
    %c0_i32_0 = arith.constant 0 : i32
    return %c0_i32, %arg0 : i32, i32
  }
}

</mosaic_0001>

<sc_bundles>
// kernel: kernel.4.cloned.1.call-start
scs
__scs_entry_jumppad:
0x0: {  	(pc) =	sbr.rel $0x88, $3  }
0x1: {  	(tag) =	ssettag $0x0;
	lr =	simm.s32 $0x1  }
0x2: {  	[smem:$0x3F9F] =	sst lr;
	_ =	strace $0xD0000000  }
0x3: {  	_ = 	snop  }
0x4: {  	_ = 	snop  }
0x5: {  	_ = 	snop  }
0x6: {  	_ = 	snop  }
0x7: {  	_ = 	snop  }
__scs_overlays_trampoline_lowered:
0x8: {  	[smem:$0x3FAE] =	sst s0  }
0x9: {  	[smem:$0x3FAF] =	sst s1  }
0xa: {  	[smem:$0x3FB0] =	sst s2  }
0xb: {  	[smem:$0x3FB1] =	sst s3  }
0xc: {  	[smem:$0x3FB2] =	sst s4  }
0xd: {  	[smem:$0x3FB3] =	sst s5  }
0xe: {  	[smem:$0x3FB4] =	sst s6  }
0xf: {  	[smem:$0x3FB5] =	sst s7  }
0x10: {  	[smem:$0x3FB6] =	sst s8  }
0x11: {  	[smem:$0x3FB7] =	sst s9;
	s0 =	simm.s32 @!p0 $0x0  }
0x12: {  	s1 =	sld [smem:$0x3F9D];
	s0 =	simm.s32 @p0 $0x1  }
0x13: {  	[smem:$0x3FB8] =	sst s0;
	s0 =	simm.s32 @!p1 $0x0  }
0x14: {  	s2 =	sld [smem:$0x3F9C];
	s0 =	simm.s32 @p1 $0x1  }
0x15: {  	[smem:$0x3FB9] =	sst s0;
	s0 =	simm.s32 @!p2 $0x0  }
0x16: {  	s3 =	sld [smem:$0x3FDB];
	s0 =	simm.s32 @p2 $0x1  }
0x17: {  	s4 =	simm.s32 $0x1BF5;
	[smem:$0x3FBB] =	sst s0  }
0x18: {  	s0 =	sld [smem:$0x3F9E];
	_ =	swait.ge [sflag:s4], $0x0  }
0x19: {  	s7 =	sld [smem:$0x3F9F]  }
0x1a: {  	s8 =	sadd.s32 $0xFFFFE003, lr  }
0x1b: {  	s9 =	sadd.s32 $0xFFFFFEF7, lr;
	s5 =	simm.s32 $0xFFFFFFFF;
	p2 =	slt.u32 s8, $0xFFFFF086  }
0x1c: {  	p1 =	slt.u32 s9, $0xF7A;
	s5 =	simm.s32 @!p2 $0x0  }
0x1d: {  	s5 =	simm.s32 @p1 $0x1;
	p0 =	seq.s32 s7, s2  }
0x1e: {  	s7 =	smul.u32 @!p0 $0xF7A, s2;
	p2 =	seq.s32 @!p0 s5, $0x0  }
0x1f: {  	s9 =	smul.u32 $0xF7A, s1;
	s8 =	simm.s32 @!p0 $0x1BF5;
	p2 =	por !p2, p0  }
0x20: {  	[sflag:s8] =	ssyncset.s32 @!p0 $0xFFFFF086;
	s6 =	sadd.s32 @!p0 s3, s7;
	s7 =	simm.s32 @!p0 $0x108  }
0x21: {  	s3 =	sadd.s32 s3, s9;
	s6 =	sadd.s32 @!p0 $0x88, s6;
	s7 =	simm.s32 @p2 $0x1082  }
0x22: {  	[simem:s7], [sflag:s8] =	dma.local @!p0 [hbm:s6], $0xF7A  }
0x23: {  	s9 =	sor.u32 $0xD0000000, s2;
	s6 =	simm.s32 $0x108;
	_ =	swait.ge @!p0 [sflag:s8], $0x0  }
0x24: {  	s3 =	sadd.s32 $0x88, s3;
	s6 =	simm.s32 @!p1 $0x1082;
	[sflag:s4] =	ssyncset.s32 $0xFFFFF086  }
0x25: {  	[simem:s6], [sflag:s4] =	dma.local [hbm:s3], $0xF7A  }
0x26: {  	[smem:$0x3F9F] =	sst s1;
	(tag) =	ssettag s2;
	_ =	strace s9  }
0x27: {  	s1 =	sld [smem:$0x3FAF]  }
0x28: {  	s2 =	sld [smem:$0x3FB0]  }
0x29: {  	s4 =	sld [smem:$0x3FB2]  }
0x2a: {  	p0 =	seq.s32 s5, $0x0;
	s5 =	sld [smem:$0x3FB3]  }
0x2b: {  	s6 =	sld [smem:$0x3FB4]  }
0x2c: {  	s7 =	sld [smem:$0x3FB5]  }
0x2d: {  	s3 =	simm.s32 $0x108;
	s8 =	sld [smem:$0x3FB6]  }
0x2e: {  	s3 =	simm.s32 @!p0 $0x1082;
	s9 =	sld [smem:$0x3FB7]  }
0x2f: {  	lr =	sadd.s32 s0, s3;
	s0 =	sld [smem:$0x3FAE]  }
0x30: {  	s3 =	sld [smem:$0x3FB1]  }
0x31: {  	[smem:$0x3FBA] =	sst s10  }
0x32: {  	s10 =	sld [smem:$0x3FB8];
	_ =	sdelay $0x3  }
0x33: {  	p0 =	seq.s32 s10, $0x1;
	s10 =	sld [smem:$0x3FBA];
	_ =	sdelay $0x3  }
0x34: {  	[smem:$0x3FBA] =	sst s10  }
0x35: {  	s10 =	sld [smem:$0x3FB9];
	_ =	sdelay $0x3  }
0x36: {  	p1 =	seq.s32 s10, $0x1;
	s10 =	sld [smem:$0x3FBA];
	_ =	sdelay $0x3  }
0x37: {  	[smem:$0x3FBA] =	sst s10  }
0x38: {  	s10 =	sld [smem:$0x3FBB]  }
0x39: {  	_ = 	snop;
	(pc) =	sbr.ind lr, $3  }
0x3a: {  	_ = 	snop  }
0x3b: {  	_ = 	snop  }
0x3c: {  	p2 =	seq.s32 s10, $0x1;
	s10 =	sld [smem:$0x3FBA]  }
0x3d: {  	_ =	shalt  }
0x3e: {  	_ =	shalt  }
0x3f: {  	_ =	shalt  }
0x40: {  	_ =	shalt  }
0x41: {  	_ =	shalt  }
0x42: {  	_ =	shalt  }
0x43: {  	_ =	shalt  }
0x44: {  	_ =	shalt  }
0x45: {  	_ =	shalt  }
0x46: {  	_ =	shalt  }
0x47: {  	_ =	shalt  }
0x48: {  	_ =	shalt  }
0x49: {  	_ =	shalt  }
0x4a: {  	_ =	shalt  }
0x4b: {  	_ =	shalt  }
0x4c: {  	_ =	shalt  }
0x4d: {  	_ =	shalt  }
0x4e: {  	_ =	shalt  }
0x4f: {  	_ =	shalt  }
0x50: {  	_ =	shalt  }
0x51: {  	_ =	shalt  }
0x52: {  	_ =	shalt  }
0x53: {  	_ =	shalt  }
0x54: {  	_ =	shalt  }
0x55: {  	_ =	shalt  }
0x56: {  	_ =	shalt  }
0x57: {  	_ =	shalt  }
0x58: {  	_ =	shalt  }
0x59: {  	_ =	shalt  }
0x5a: {  	_ =	shalt  }
0x5b: {  	_ =	shalt  }
0x5c: {  	_ =	shalt  }
0x5d: {  	_ =	shalt  }
0x5e: {  	_ =	shalt  }
0x5f: {  	_ =	shalt  }
0x60: {  	_ =	shalt  }
0x61: {  	_ =	shalt  }
0x62: {  	_ =	shalt  }
0x63: {  	_ =	shalt  }
0x64: {  	_ =	shalt  }
0x65: {  	_ =	shalt  }
0x66: {  	_ =	shalt  }
0x67: {  	_ =	shalt  }
0x68: {  	_ =	shalt  }
0x69: {  	_ =	shalt  }
0x6a: {  	_ =	shalt  }
0x6b: {  	_ =	shalt  }
0x6c: {  	_ =	shalt  }
0x6d: {  	_ =	shalt  }
0x6e: {  	_ =	shalt  }
0x6f: {  	_ =	shalt  }
0x70: {  	_ =	shalt  }
0x71: {  	_ =	shalt  }
0x72: {  	_ =	shalt  }
0x73: {  	_ =	shalt  }
0x74: {  	_ =	shalt  }
0x75: {  	_ =	shalt  }
0x76: {  	_ =	shalt  }
0x77: {  	_ =	shalt  }
0x78: {  	_ =	shalt  }
0x79: {  	_ =	shalt  }
0x7a: {  	_ =	shalt  }
0x7b: {  	_ =	shalt  }
0x7c: {  	_ =	shalt  }
0x7d: {  	_ =	shalt  }
0x7e: {  	_ =	shalt  }
0x7f: {  	_ =	shalt  }
0x80: {  	_ =	shalt  }
0x81: {  	_ =	shalt  }
0x82: {  	_ =	shalt  }
0x83: {  	_ =	shalt  }
0x84: {  	_ =	shalt  }
0x85: {  	_ =	shalt  }
0x86: {  	_ =	shalt  }
0x87: {  	_ =	shalt  }
.Lfunc_end0:
.L_simem_size_0:
called_computation_lowered:
.L_overlay_start_0:
0x88: {  	s2 =	sld [smem:$0x3FD9]  }
0x89: {  	s3 =	sld [smem:$0x3FFE];
	_ =	sdelay $0x1  }
0x8a: {  	s1 =	srdreg.scid  }
0x8b: {  	s0 =	sand.u32 $0x1, s1  }
0x8c: {  	s17 =	sshll.u32 s0, $0xA;
	s2 =	sadd.s32 s3, s2  }
0x8d: {  	s2 =	sadd.s32 s2, s17  }
0x8e: {  	[smem:$0x3FC6] =	sst s2  }
0x8f: {  	_ = 	snop  }
0x90: {  	s2 =	sld [smem:$0x3FC8];
	(tm) =	ssettm $0x1  }
0x91: {  	s18 =	sld [smem:$0x3FFB];
	_ =	sdelay $0x3  }
0x92: {  	_ =	strace s18  }
0x93: {  	s3 =	sld [smem:$0x3FFC];
	_ =	sdelay $0x3  }
0x94: {  	_ =	strace s3  }
0x95: {  	s3 =	sld [smem:$0x3FFD];
	_ =	sdelay $0x3  }
0x96: {  	_ =	strace s3  }
0x97: {  	_ =	strace $0x8FFFFFFF  }
0x98: {  	s19 =	sld [smem:$0x3FDB];
	_ =	sdelay $0x1  }
0x99: {  	s4 =	simm.s32 $_scs_section_size  }
0x9a: {  	s5 =	simm.s32 $_size__tile_overlayer_lowered;
	s6 =	simm.s32 $_tile_overlayer_lowered  }
0x9b: {  	s22 =	simm.s32 $0x1BFF;
	s21 =	sshll.u32 s6, $0x1;
	s3 =	sadd.s32 s4, s19  }
0x9c: {  	s7 =	simm.s32 $0x0;
	s20 =	sshll.u32 s5, $0x1;
	s5 =	sadd.s32 s21, s3  }
0x9d: {  	[timem:s7], [sflag:s22] =	dma.local [hbm:s5], s20  }
0x9e: {  	_ =	swait.ge [sflag:s22], s20  }
0x9f: {  	s4 =	ssub.s32 $0x0, s20;
	[sflag:s22] =	ssyncset.done $0x0  }
0xa0: {  	[sflag:s22] =	ssyncadd.s32 s4;
	_ =	sdelay $0x1  }
0xa1: {  	s23 =	simm.s32 $0x1B8B  }
0xa2: {  	_ =	swait.ge [sflag:s23], $0x1  }
0xa3: {  	[sflag:s23] =	ssyncset.done $0x0  }
0xa4: {  	s25 =	simm.s32 $0x1B8E;
	s24 =	sld [smem:$0x3FFE];
	[sflag:s23] =	ssyncadd.s32 $0xFFFFFFFF  }
0xa5: {  	s26 =	simm.s32 $execute0_lowered;
	[smem:$0x3FD2] =	sst s25  }
0xa6: {  	s5 =	sshll.u32 s26, $0x1;
	_ =	strace $0x80000046;
	[dreg:$0x1] =	wrdreg $0xFFFFFFFF  }
0xa7: {  	s28 =	simm.s32 $_size_execute0_lowered;
	s3 =	sadd.s32 s3, s5;
	[dreg:$0x0] =	wrdreg $0x0  }
0xa8: {  	s5 =	sshll.u32 s28, $0x1;
	[dreg:$0x2] =	wrdreg s3  }
0xa9: {  	[dreg:$0x3] =	wrdreg s5  }
0xaa: {  	[dreg:$0x4] =	wrdreg $0xC0  }
0xab: {  	_ =	task [dreg:s7], $0x5FFFF  }
0xac: {  	[dreg:$0x1] =	wrdreg $0xFFFFFFFF  }
0xad: {  	[dreg:$0x0] =	wrdreg $0x60  }
0xae: {  	[dreg:$0x2] =	wrdreg s24  }
0xaf: {  	[dreg:$0x3] =	wrdreg s2  }
0xb0: {  	[dreg:$0x4] =	wrdreg $0x9  }
0xb1: {  	_ =	task.clear_ibuf [dreg:s7], $0x5FFFF;
	_ =	strace $0x90000046  }
0xb2: {  	s29 =	simm.s32 $0x9;
	_ =	strace $0x80000048  }
0xb3: {  	_ =	swait.ge [sflag:s29], $0x1  }
0xb4: {  	[sflag:s29] =	ssyncadd.s32 $0xFFFFFFFF  }
0xb5: {  	_ =	strace $0x90000048  }
0xb6: {  	_ =	sfence  }
0xb7: {  	s30 =	sld [smem:$0x0];
	_ =	sdelay $0x2  }
0xb8: {  	s31 =	sshll.u32 s1, $0xD;
	s1 =	sshrl.u32 s1, $0x2  }
0xb9: {  	s3 =	sand.u32 $0x4000, s31;
	s1 =	sadd.s32 s1, s30  }
0xba: {  	s0 =	sor.u32 s3, s0;
	s1 =	sshll.u32 s1, $0x11  }
0xbb: {  	s0 =	sor.u32 s1, s0  }
0xbc: {  	s0 =	sadd.s32 $0x8F2B, s0  }
0xbd: {  	[sflag:s0] =	ssyncadd.remote.s32 $0x1  }
0xbe: {  	_ =	sfence.sel $0xFFFF  }
0xbf: {  	[dreg:$0x0] =	wrdreg $0xFFFFFFFF;
	(pc) =	sbr.abs _section_cstart, $3  }
0xc0: {  	[dreg:$0x1] =	wrdreg $0xFFFFFFFF  }
0xc1: {  	_ =	task.clear_ibuf [dreg:s7], $0x2FFFF;
	_ =	strace $0x9FFFFFFF  }
0xc2: {  	(tm) =	ssettm $0x7FFFFFFF  }
0xc3: {  	_ =	shalt  }
tec
execute0_lowered:
.L_overlay_start_1:
0x0: {  	(tag) =	ssettag $0x1  }
0x1: {  	s1 =	rddreg [dreg:$0x0]  }
0x2: {  	s6 =	rddreg [dreg:$0x1]  }
0x3: {  	s0 =	rddreg [dreg:$0x2]  }
0x4: {  	s3 =	simm.s32 $0x0;
	s4 =	srdreg.scid;
	s2 =	stileid.u32  }
0x5: {  	s11 =	simm.s32 $0x1;
	s12 =	simm.s32 $0x4E80;
	s13 =	simm.s32 $0x9D00  }
0x6: {  	s14 =	simm.s32 $0x13A00;
	s15 =	simm.s32 $0xEB80;
	s16 =	simm.s32 $0x14480  }
0x7: {  	s17 =	simm.s32 $0x14C80;
	s18 =	simm.s32 $0x15480;
	s19 =	simm.s32 $0x0  }
0x8: {  	[smem:$0x7FF] =	sst s3;
	s7 =	sand.u32 $0x1, s4;
	s5 =	sshll.u32 s2, $0x1  }
0x9: {  	s4 =	sadd.s32 $0x1400, s1;
	_ =	strace $0x80000047;
	s8 =	sor.u32 s7, s5  }
0xa: {  	s5 =	sadd.s32 $0xA00, s1;
	s7 =	ssub.s32 $0x2, s7;
	s9 =	sshll.u32 s8, $0x8  }
0xb: {  	s10 =	sshrl.u32 s7, $0x1;
	s8 =	sshll.u32 s8, $0x4;
	s9 =	sadd.s32 s9, s1  }
0xc: {  	v0 =	vlaneseq.u32;
	s10 =	ssub.s32 s7, s10;
	s6 =	sadd.s32 s6, s8;
	s7 =	sadd.s32 $0x1E00, s9  }
0xd: {  	v1 =	vimm.f32 $0.0e+00;
	v2 =	vimm.f32 $1.000000020e+30;
	v3 =	vimm.s32 $0x0;
	s8 =	sadd.s32 $0x3E00, s9;
	s9 =	sadd.s32 $0x5E00, s9;
	s10 =	smax.u32 s10, $0x1  }
.LBB2_1:
0xe: {  	[tilespmem:s3], [sflag:$0x1] =	stream.linear.gather [hbm4b:s4+s3], $0x4E80, $0x38;
	[tilespmem:$0x15C80] =	vst v63  }
0xf: {  	_ =	swait.ge [sflag:s11], $0x4E80  }
0x10: {  	[sflag:s11] =	ssyncset.done $0x0  }
0x11: {  	[sflag:s11] =	ssyncadd.s32 $0xFFFFB180  }
0x12: {  	[tilespmem:s12], [sflag:$0x1] =	stream.linear.gather [hbm4b:s5+s3], $0x4E80, $0x38;
	[tilespmem:$0x15C80] =	vst v63  }
0x13: {  	_ =	swait.ge [sflag:s11], $0x4E80  }
0x14: {  	[sflag:s11] =	ssyncset.done $0x0  }
0x15: {  	[sflag:s11] =	ssyncadd.s32 $0xFFFFB180  }
0x16: {  	[tilespmem:s13], [sflag:$0x1] =	stream.linear.gather [hbm4b:s1+s3], $0x4E80, $0x38;
	[tilespmem:$0x15C80] =	vst v63  }
0x17: {  	_ =	swait.ge [sflag:s11], $0x4E80  }
0x18: {  	[sflag:s11] =	ssyncset.done $0x0  }
0x19: {  	[sflag:s11] =	ssyncadd.s32 $0xFFFFB180  }
0x1a: {  	[tilespmem:s14], [sflag:$0x1] =	stream.linear.gather [hbm4b:s6+s3], $0x80, $0x38;
	[tilespmem:$0x15C80] =	vst v63  }
0x1b: {  	_ =	swait.ge [sflag:s11], $0x80  }
0x1c: {  	[sflag:s11] =	ssyncset.done $0x0  }
0x1d: {  	s20 =	simm.s32 $0x0;
	[sflag:s11] =	ssyncadd.s32 $0xFFFFFF80  }
0x1e: {  	v4 =	vld [tilespmem:s20+$0x0]  }
0x1f: {  	v5 =	vld [tilespmem:s20+$0x4E80]  }
0x20: {  	v6 =	vld [tilespmem:s20+$0x9D00];
	_ =	sdelay $0x3  }
0x21: {  	v7 =	vshrl.u32 v4, $0x10;
	v8 =	vmul.f32 v4, v4  }
0x22: {  	v9 =	vshrl.u32 v5, $0x10;
	v63 =	vshrl.u32 v6, $0x10;
	v7 =	vand.u32 $0x1, v7  }
0x23: {  	v4 =	vadd.s32 v7, v4;
	v7 =	vand.u32 $0x1, v9;
	v9 =	vand.u32 $0x1, v63  }
0x24: {  	v4 =	vadd.s32 $0x7FFF, v4;
	v7 =	vadd.s32 v7, v5;
	v5 =	vmul.f32 v5, v5  }
0x25: {  	v9 =	vadd.s32 v9, v6;
	v4 =	vand.u32 $0xFFFF0000, v4;
	v7 =	vadd.s32 $0x7FFF, v7  }
0x26: {  	s21 =	simm.s32 $0x10;
	v9 =	vadd.s32 $0x7FFF, v9;
	[tilespmem:s20+$0x0] =	vst v4;
	v7 =	vand.u32 $0xFFFF0000, v7  }
0x27: {  	s22 =	simm.s32 $0x80;
	v6 =	vmul.f32 v6, v6;
	v5 =	vadd.f32 v5, v8;
	v4 =	vld [tilespmem:s21+$0x0];
	[tilespmem:s20+$0x4E80] =	vst v7;
	v7 =	vand.u32 $0xFFFF0000, v9  }
.LBB2_2:
0x28: {  	p0 =	sne.s32 s22, $0x13840;
	v8 =	vld [tilespmem:s21+$0x4E80];
	[tilespmem:s20+$0x9D00] =	vst v7  }
0x29: {  	v7 =	vld [tilespmem:s21+$0x9D00];
	v5 =	vadd.f32 v6, v5;
	_ =	sdelay $0x1  }
0x2a: {  	[tilespmem:s20+$0xEB80] =	vst v5;
	s20 =	smov.u32 s21  }
0x2b: {  	v5 =	vmul.f32 v4, v4;
	v6 =	vshrl.u32 v4, $0x10  }
0x2c: {  	v9 =	vmul.f32 v8, v8;
	v6 =	vand.u32 $0x1, v6;
	v10 =	vshrl.u32 v8, $0x10  }
.Ltmp0:
0x2d: {  	v4 =	vadd.s32 v6, v4;
	v6 =	vand.u32 $0x1, v10;
	v10 =	vshrl.u32 v7, $0x10;
	(pc) =	sbr.rel @p0 .LBB2_2-.Ltmp0, $4  }
0x2e: {  	v4 =	vadd.s32 $0x7FFF, v4;
	v6 =	vadd.s32 v6, v8;
	v8 =	vand.u32 $0x1, v10  }
0x2f: {  	v4 =	vand.u32 $0xFFFF0000, v4;
	v6 =	vadd.s32 $0x7FFF, v6;
	v8 =	vadd.s32 v8, v7  }
0x30: {  	s21 =	sshra.s32 s22, $0x2;
	v5 =	vadd.f32 v9, v5;
	[tilespmem:s20+$0x0] =	vst v4;
	v9 =	vand.u32 $0xFFFF0000, v6;
	v8 =	vadd.s32 $0x7FFF, v8  }
0x31: {  	s22 =	sadd.s32 $0x40, s22;
	v6 =	vmul.f32 v7, v7;
	v4 =	vld [tilespmem:s21+$0x0];
	[tilespmem:s20+$0x4E80] =	vst v9;
	v7 =	vand.u32 $0xFFFF0000, v8  }
0x32: {  	v8 =	vld [tilespmem:s21+$0x4E80]  }
0x33: {  	[tilespmem:s20+$0x9D00] =	vst v7  }
0x34: {  	v7 =	vld [tilespmem:s21+$0x9D00];
	_ =	sdelay $0x1  }
0x35: {  	v5 =	vadd.f32 v6, v5;
	v61 =	vshrl.u32 v4, $0x10  }
0x36: {  	v9 =	vmul.f32 v4, v4;
	v6 =	vand.u32 $0x1, v61;
	v10 =	vshrl.u32 v8, $0x10  }
0x37: {  	v62 =	vmul.f32 v8, v8;
	v4 =	vadd.s32 v6, v4;
	v10 =	vand.u32 $0x1, v10  }
0x38: {  	v63 =	vshrl.u32 v7, $0x10;
	v8 =	vadd.s32 v10, v8;
	v4 =	vadd.s32 $0x7FFF, v4  }
0x39: {  	v10 =	vand.u32 $0x1, v63;
	v6 =	vadd.f32 v62, v9;
	v4 =	vand.u32 $0xFFFF0000, v4  }
.Ltmp1:
0x3a: {  	[tilespmem:s20+$0xEB80] =	vst v5;
	v8 =	vadd.s32 $0x7FFF, v8;
	v5 =	vadd.s32 v10, v7;
	v7 =	vmul.f32 v7, v7;
	(pc) =	sbr.rel .LBB2_4-.Ltmp1, $4  }
0x3b: {  	[tilespmem:s21+$0x0] =	vst v4;
	v4 =	vand.u32 $0xFFFF0000, v8;
	v5 =	vadd.s32 $0x7FFF, v5  }
0x3c: {  	[tilespmem:s21+$0x4E80] =	vst v4;
	v4 =	vand.u32 $0xFFFF0000, v5;
	v5 =	vadd.f32 v7, v6  }
0x3d: {  	[tilespmem:s21+$0x9D00] =	vst v4  }
0x3e: {  	s20 =	simm.s32 $0x0;
	[tilespmem:s21+$0xEB80] =	vst v5;
	s21 =	simm.s32 $0x0  }
.LBB2_9:
0x3f: {  	v4 =	vxor.u32 $0x80000000, v9  }
0x40: {  	(xrf0) =	vmax.scan.msk.u32 $0xffff, v4;
	_ =	sdelay $0x5  }
0x41: {  	v4, _, _ =	vpop (xrf0)  }
0x42: {  	(v2sf) =	vpush v4, $0xF;
	_ =	sdelay $0xd  }
0x43: {  	v4 =	vld [tilespmem:$0x13A80]  }
0x44: {  	v6 =	vld [tilespmem:$0x13B80];
	s22 =	spop (v2sf)  }
0x45: {  	s22 =	sxor.u32 $0x80000000, s22  }
0x46: {  	v5 =	vmov s22  }
0x47: {  	vm0 =	vgt.s32 v5, v0  }
0x48: {  	v4 =	vnsel vm0, $0x7149F2CA, v4  }
0x49: {  	(xrf1) =	vsort.ascd.msk.f32 $0xffff, v4, v6;
	_ =	sdelay $0x9  }
0x4a: {  	v4 =	vmul.u32 $0xFFFFFFFF, v0;
	_ =	sdelay $0x1  }
0x4b: {  	v4 =	vadd.s32 $0xF, v4  }
0x4c: {  	v7 =	vld [tilespmem:$0x13A90];
	v12 =	vperm.xlane v2, v4  }
0x4d: {  	v11 =	vld [tilespmem:$0x13B90];
	v10 =	vperm.xlane v3, v4;
	v8, v13, _ =	vpop (xrf1)  }
0x4e: {  	vm9 =	vle.f32 v8, v12  }
0x4f: {  	v15 =	vor.u32 $0x10, v0;
	v6 =	vsel vm9, v8, v12;
	v14 =	vsel vm9, v13, v10  }
0x50: {  	vm10 =	vgt.s32 v5, v15;
	(xrf1) =	vsort.ascd.msk.f32 $0xffff, v6, v14  }
0x51: {  	v16 =	vnsel vm10, $0x7149F2CA, v7  }
0x52: {  	(xrf1) =	vsort.ascd.msk.f32 $0xffff, v16, v11;
	_ =	sdelay $0xb  }
0x53: {  	v17, v7, _ =	vpop (xrf1)  }
0x54: {  	v18 =	vld [tilespmem:$0x13AA0];
	v6 =	vperm.xlane v17, v4  }
0x55: {  	v21 =	vld [tilespmem:$0x13BA0];
	v20, v19, _ =	vpop (xrf1);
	v7 =	vperm.xlane v7, v4  }
0x56: {  	vm11 =	vle.f32 v20, v6  }
0x57: {  	v22 =	vor.u32 $0x20, v0;
	v6 =	vsel vm11, v20, v6;
	v7 =	vsel vm11, v19, v7  }
0x58: {  	vm12 =	vgt.s32 v5, v22;
	(xrf1) =	vsort.ascd.msk.f32 $0xffff, v6, v7  }
0x59: {  	v23 =	vnsel vm12, $0x7149F2CA, v18  }
0x5a: {  	(xrf1) =	vsort.ascd.msk.f32 $0xffff, v23, v21;
	_ =	sdelay $0xb  }
0x5b: {  	v24, v7, _ =	vpop (xrf1)  }
0x5c: {  	v25 =	vld [tilespmem:$0x13AB0];
	v6 =	vperm.xlane v24, v4  }
0x5d: {  	v28 =	vld [tilespmem:$0x13BB0];
	v27, v26, _ =	vpop (xrf1);
	v7 =	vperm.xlane v7, v4  }
0x5e: {  	vm13 =	vle.f32 v27, v6  }
0x5f: {  	v29 =	vor.u32 $0x30, v0;
	v6 =	vsel vm13, v27, v6;
	v7 =	vsel vm13, v26, v7  }
0x60: {  	vm14 =	vgt.s32 v5, v29;
	(xrf1) =	vsort.ascd.msk.f32 $0xffff, v6, v7  }
0x61: {  	v30 =	vnsel vm14, $0x7149F2CA, v25  }
0x62: {  	(xrf1) =	vsort.ascd.msk.f32 $0xffff, v30, v28;
	_ =	sdelay $0xb  }
0x63: {  	v31, v7, _ =	vpop (xrf1)  }
0x64: {  	v32 =	vld [tilespmem:$0x13AC0];
	v6 =	vperm.xlane v31, v4  }
0x65: {  	v35 =	vld [tilespmem:$0x13BC0];
	v34, v33, _ =	vpop (xrf1);
	v7 =	vperm.xlane v7, v4  }
0x66: {  	vm15 =	vle.f32 v34, v6  }
0x67: {  	v36 =	vor.u32 $0x40, v0;
	v6 =	vsel vm15, v34, v6;
	v7 =	vsel vm15, v33, v7  }
0x68: {  	vm4 =	vgt.s32 v5, v36;
	(xrf1) =	vsort.ascd.msk.f32 $0xffff, v6, v7  }
0x69: {  	v37 =	vnsel vm4, $0x7149F2CA, v32  }
0x6a: {  	(xrf1) =	vsort.ascd.msk.f32 $0xffff, v37, v35;
	_ =	sdelay $0xb  }
0x6b: {  	v38, v7, _ =	vpop (xrf1)  }
0x6c: {  	v39 =	vld [tilespmem:$0x13AD0];
	v6 =	vperm.xlane v38, v4  }
0x6d: {  	v42 =	vld [tilespmem:$0x13BD0];
	v41, v40, _ =	vpop (xrf1);
	v7 =	vperm.xlane v7, v4  }
0x6e: {  	vm5 =	vle.f32 v41, v6  }
0x6f: {  	v43 =	vor.u32 $0x50, v0;
	v6 =	vsel vm5, v41, v6;
	v7 =	vsel vm5, v40, v7  }
0x70: {  	vm6 =	vgt.s32 v5, v43;
	(xrf1) =	vsort.ascd.msk.f32 $0xffff, v6, v7  }
0x71: {  	v44 =	vnsel vm6, $0x7149F2CA, v39  }
0x72: {  	(xrf1) =	vsort.ascd.msk.f32 $0xffff, v44, v42;
	_ =	sdelay $0xb  }
0x73: {  	v45, v7, _ =	vpop (xrf1)  }
0x74: {  	v46 =	vld [tilespmem:$0x13AE0];
	v6 =	vperm.xlane v45, v4  }
0x75: {  	v49 =	vld [tilespmem:$0x13BE0];
	v48, v47, _ =	vpop (xrf1);
	v7 =	vperm.xlane v7, v4  }
0x76: {  	vm7 =	vle.f32 v48, v6  }
0x77: {  	v50 =	vor.u32 $0x60, v0;
	v6 =	vsel vm7, v48, v6;
	v7 =	vsel vm7, v47, v7  }
0x78: {  	vm8 =	vgt.s32 v5, v50;
	(xrf1) =	vsort.ascd.msk.f32 $0xffff, v6, v7  }
0x79: {  	v51 =	vnsel vm8, $0x7149F2CA, v46  }
0x7a: {  	(xrf1) =	vsort.ascd.msk.f32 $0xffff, v51, v49;
	_ =	sdelay $0xb  }
0x7b: {  	v52, v7, _ =	vpop (xrf1)  }
0x7c: {  	v53 =	vld [tilespmem:$0x13AF0];
	v6 =	vperm.xlane v52, v4  }
0x7d: {  	v56 =	vld [tilespmem:$0x13BF0];
	v55, v54, _ =	vpop (xrf1);
	v7 =	vperm.xlane v7, v4  }
0x7e: {  	vm9 =	vle.f32 v55, v6  }
0x7f: {  	v57 =	vor.u32 $0x70, v0;
	v6 =	vsel vm9, v55, v6;
	v7 =	vsel vm9, v54, v7  }
0x80: {  	vm10 =	vgt.s32 v5, v57;
	(xrf1) =	vsort.ascd.msk.f32 $0xffff, v6, v7  }
0x81: {  	v58 =	vnsel vm10, $0x7149F2CA, v53  }
0x82: {  	(xrf1) =	vsort.ascd.msk.f32 $0xffff, v58, v56;
	_ =	sdelay $0xb  }
0x83: {  	v59, v7, _ =	vpop (xrf1)  }
0x84: {  	v60 =	vld [tilespmem:$0x13B00];
	v6 =	vperm.xlane v59, v4  }
0x85: {  	v63 =	vld [tilespmem:$0x13C00];
	v62, v61, _ =	vpop (xrf1);
	v7 =	vperm.xlane v7, v4  }
0x86: {  	vm11 =	vle.f32 v62, v6  }
0x87: {  	v12 =	vor.u32 $0x80, v0;
	v6 =	vsel vm11, v62, v6;
	v7 =	vsel vm11, v61, v7  }
0x88: {  	vm12 =	vgt.s32 v5, v12;
	(xrf1) =	vsort.ascd.msk.f32 $0xffff, v6, v7  }
0x89: {  	v13 =	vnsel vm12, $0x7149F2CA, v60  }
0x8a: {  	(xrf1) =	vsort.ascd.msk.f32 $0xffff, v13, v63;
	_ =	sdelay $0xb  }
0x8b: {  	v14, v7, _ =	vpop (xrf1)  }
0x8c: {  	v15 =	vld [tilespmem:$0x13B10];
	v6 =	vperm.xlane v14, v4  }
0x8d: {  	v18 =	vld [tilespmem:$0x13C10];
	v17, v16, _ =	vpop (xrf1);
	v7 =	vperm.xlane v7, v4  }
0x8e: {  	vm13 =	vle.f32 v17, v6  }
0x8f: {  	v19 =	vor.u32 $0x90, v0;
	v6 =	vsel vm13, v17, v6;
	v7 =	vsel vm13, v16, v7  }
0x90: {  	vm14 =	vgt.s32 v5, v19;
	(xrf1) =	vsort.ascd.msk.f32 $0xffff, v6, v7  }
0x91: {  	v20 =	vnsel vm14, $0x7149F2CA, v15  }
0x92: {  	(xrf1) =	vsort.ascd.msk.f32 $0xffff, v20, v18;
	_ =	sdelay $0xb  }
0x93: {  	v21, v7, _ =	vpop (xrf1)  }
0x94: {  	v22 =	vld [tilespmem:$0x13B20];
	v6 =	vperm.xlane v21, v4  }
0x95: {  	v25 =	vld [tilespmem:$0x13C20];
	v24, v23, _ =	vpop (xrf1);
	v7 =	vperm.xlane v7, v4  }
0x96: {  	vm15 =	vle.f32 v24, v6  }
0x97: {  	v26 =	vor.u32 $0xA0, v0;
	v6 =	vsel vm15, v24, v6;
	v7 =	vsel vm15, v23, v7  }
0x98: {  	vm4 =	vgt.s32 v5, v26;
	(xrf1) =	vsort.ascd.msk.f32 $0xffff, v6, v7  }
0x99: {  	v27 =	vnsel vm4, $0x7149F2CA, v22  }
0x9a: {  	(xrf1) =	vsort.ascd.msk.f32 $0xffff, v27, v25;
	_ =	sdelay $0xb  }
0x9b: {  	v28, v7, _ =	vpop (xrf1)  }
0x9c: {  	v29 =	vld [tilespmem:$0x13B30];
	v6 =	vperm.xlane v28, v4  }
0x9d: {  	v32 =	vld [tilespmem:$0x13C30];
	v31, v30, _ =	vpop (xrf1);
	v7 =	vperm.xlane v7, v4  }
0x9e: {  	vm5 =	vle.f32 v31, v6  }
0x9f: {  	v33 =	vor.u32 $0xB0, v0;
	v6 =	vsel vm5, v31, v6;
	v7 =	vsel vm5, v30, v7  }
0xa0: {  	vm6 =	vgt.s32 v5, v33;
	(xrf1) =	vsort.ascd.msk.f32 $0xffff, v6, v7  }
0xa1: {  	v34 =	vnsel vm6, $0x7149F2CA, v29  }
0xa2: {  	(xrf1) =	vsort.ascd.msk.f32 $0xffff, v34, v32;
	_ =	sdelay $0xb  }
0xa3: {  	v35, v7, _ =	vpop (xrf1)  }
0xa4: {  	v36 =	vld [tilespmem:$0x13B40];
	v6 =	vperm.xlane v35, v4  }
0xa5: {  	v39 =	vld [tilespmem:$0x13C40];
	v38, v37, _ =	vpop (xrf1);
	v7 =	vperm.xlane v7, v4  }
0xa6: {  	vm7 =	vle.f32 v38, v6  }
0xa7: {  	v40 =	vor.u32 $0xC0, v0;
	v6 =	vsel vm7, v38, v6;
	v7 =	vsel vm7, v37, v7  }
0xa8: {  	vm8 =	vgt.s32 v5, v40;
	(xrf1) =	vsort.ascd.msk.f32 $0xffff, v6, v7  }
0xa9: {  	v41 =	vnsel vm8, $0x7149F2CA, v36  }
0xaa: {  	(xrf1) =	vsort.ascd.msk.f32 $0xffff, v41, v39;
	_ =	sdelay $0xb  }
0xab: {  	v42, v7, _ =	vpop (xrf1)  }
0xac: {  	v43 =	vld [tilespmem:$0x13B50];
	v6 =	vperm.xlane v42, v4  }
0xad: {  	v46 =	vld [tilespmem:$0x13C50];
	v45, v44, _ =	vpop (xrf1);
	v7 =	vperm.xlane v7, v4  }
0xae: {  	vm9 =	vle.f32 v45, v6  }
0xaf: {  	v47 =	vor.u32 $0xD0, v0;
	v6 =	vsel vm9, v45, v6;
	v7 =	vsel vm9, v44, v7  }
0xb0: {  	vm10 =	vgt.s32 v5, v47;
	(xrf1) =	vsort.ascd.msk.f32 $0xffff, v6, v7  }
0xb1: {  	v48 =	vnsel vm10, $0x7149F2CA, v43  }
0xb2: {  	(xrf1) =	vsort.ascd.msk.f32 $0xffff, v48, v46;
	_ =	sdelay $0xb  }
0xb3: {  	v49, v7, _ =	vpop (xrf1)  }
0xb4: {  	v50 =	vld [tilespmem:$0x13B60];
	v6 =	vperm.xlane v49, v4  }
0xb5: {  	v53 =	vld [tilespmem:$0x13C60];
	v52, v51, _ =	vpop (xrf1);
	v7 =	vperm.xlane v7, v4  }
0xb6: {  	vm11 =	vle.f32 v52, v6  }
0xb7: {  	v54 =	vor.u32 $0xE0, v0;
	v6 =	vsel vm11, v52, v6;
	v7 =	vsel vm11, v51, v7  }
0xb8: {  	vm12 =	vgt.s32 v5, v54;
	(xrf1) =	vsort.ascd.msk.f32 $0xffff, v6, v7  }
0xb9: {  	v55 =	vnsel vm12, $0x7149F2CA, v50  }
0xba: {  	(xrf1) =	vsort.ascd.msk.f32 $0xffff, v55, v53;
	_ =	sdelay $0xb  }
0xbb: {  	v56, v7, _ =	vpop (xrf1)  }
0xbc: {  	v57 =	vld [tilespmem:$0x13B70];
	v6 =	vperm.xlane v56, v4  }
0xbd: {  	v60 =	vld [tilespmem:$0x13C70];
	v59, v58, _ =	vpop (xrf1);
	v7 =	vperm.xlane v7, v4  }
0xbe: {  	vm13 =	vle.f32 v59, v6  }
0xbf: {  	v61 =	vor.u32 $0xF0, v0;
	v6 =	vsel vm13, v59, v6;
	v7 =	vsel vm13, v58, v7  }
0xc0: {  	vm14 =	vgt.s32 v5, v61;
	(xrf1) =	vsort.ascd.msk.f32 $0xffff, v6, v7  }
0xc1: {  	v5 =	vnsel vm14, $0x7149F2CA, v57  }
0xc2: {  	(xrf1) =	vsort.ascd.msk.f32 $0xffff, v5, v60;
	_ =	sdelay $0xb  }
0xc3: {  	v5, v6, _ =	vpop (xrf1)  }
0xc4: {  	v5 =	vperm.xlane v5, v4  }
0xc5: {  	v62, v63, _ =	vpop (xrf1);
	v4 =	vperm.xlane v6, v4  }
0xc6: {  	vm15 =	vle.f32 v62, v5  }
0xc7: {  	v5 =	vsel vm15, v62, v5;
	v4 =	vsel vm15, v63, v4  }
0xc8: {  	(xrf1) =	vsort.ascd.msk.f32 $0xffff, v5, v4;
	_ =	sdelay $0x8  }
0xc9: {  	s31 =	sshll.u32 s21, $0x4;
	s21 =	sadd.s32 $0x1, s21  }
0xca: {  	p0 =	sne.s32 s21, $0x80  }
.Ltmp2:
0xcb: {  	_ = 	snop;
	(pc) =	sbr.rel @!p0 .LBB2_10-.Ltmp2, $3  }
0xcc: {  	_ =	sdelay $0x1  }
0xcd: {  	s22 =	sand.u32 $0x3FFFFFF0, s31;
	_, v4, _ =	vpop (xrf1)  }
0xce: {  	[tilespmem:s22+$0x13C80] =	vst v4  }
.LBB2_4:
0xcf: {  	v4 =	vmov s21;
	_ =	sdelay $0x4  }
0xd0: {  	v4 =	vld.idx.msk [tilespmem:v4+s14+$0x0], $0xffff;
	_ =	sdelay $0x6  }
.Ltmp3:
0xd1: {  	_ = 	snop;
	(pc) =	sbr.rel .LBB2_5-.Ltmp3, $4  }
0xd2: {  	v5 =	vld.idx.msk [tilespmem:v4+s20+$0x0], $0xffff  }
0xd3: {  	v6 =	vld.idx.msk [tilespmem:v4+s12+$0x0], $0xffff  }
0xd4: {  	s28 =	simm.f32 $1.000000020e+30;
	s22 =	simm.s32 $0x50;
	s23 =	simm.s32 $0x4ED0;
	v7 =	vld.idx.msk [tilespmem:v4+s13+$0x0], $0xffff  }
0xd5: {  	v9 =	vimm.s32 $0x0;
	s24 =	simm.s32 $0x9D50;
	s25 =	simm.s32 $0xEBD0;
	s26 =	simm.s32 $0x0;
	v8 =	vld.idx.msk [tilespmem:v4+s15+$0x0], $0xffff  }
.LBB2_7:
0xd6: {  	v9 =	vld [tilespmem:$0x13A80]  }
0xd7: {  	v11 =	vld [tilespmem:$0x13B80];
	_ =	sdelay $0x1  }
0xd8: {  	v10 =	vmov s29  }
0xd9: {  	vm0 =	vgt.s32 v10, v0  }
0xda: {  	v9 =	vnsel vm0, $0x7149F2CA, v9  }
0xdb: {  	(xrf1) =	vsort.ascd.msk.f32 $0xffff, v9, v11;
	_ =	sdelay $0x9  }
0xdc: {  	v9 =	vmul.u32 $0xFFFFFFFF, v0;
	_ =	sdelay $0x1  }
0xdd: {  	v9 =	vadd.s32 $0xF, v9  }
0xde: {  	v12 =	vld [tilespmem:$0x13A90];
	v11 =	vperm.xlane v2, v9  }
0xdf: {  	v16 =	vld [tilespmem:$0x13B90];
	v15 =	vperm.xlane v3, v9;
	v13, v14, _ =	vpop (xrf1)  }
0xe0: {  	vm9 =	vle.f32 v13, v11  }
0xe1: {  	v35 =	vor.u32 $0x10, v0;
	v11 =	vsel vm9, v13, v11;
	v34 =	vsel vm9, v14, v15  }
0xe2: {  	vm10 =	vgt.s32 v10, v35;
	(xrf1) =	vsort.ascd.msk.f32 $0xffff, v11, v34  }
0xe3: {  	v11 =	vnsel vm10, $0x7149F2CA, v12  }
0xe4: {  	(xrf1) =	vsort.ascd.msk.f32 $0xffff, v11, v16;
	_ =	sdelay $0xb  }
0xe5: {  	v11, v12, _ =	vpop (xrf1)  }
0xe6: {  	v36 =	vld [tilespmem:$0x13AA0];
	v11 =	vperm.xlane v11, v9  }
0xe7: {  	v39 =	vld [tilespmem:$0x13BA0];
	v38, v37, _ =	vpop (xrf1);
	v12 =	vperm.xlane v12, v9  }
0xe8: {  	vm11 =	vle.f32 v38, v11  }
0xe9: {  	v40 =	vor.u32 $0x20, v0;
	v11 =	vsel vm11, v38, v11;
	v12 =	vsel vm11, v37, v12  }
0xea: {  	vm12 =	vgt.s32 v10, v40;
	(xrf1) =	vsort.ascd.msk.f32 $0xffff, v11, v12  }
0xeb: {  	v11 =	vnsel vm12, $0x7149F2CA, v36  }
0xec: {  	(xrf1) =	vsort.ascd.msk.f32 $0xffff, v11, v39;
	_ =	sdelay $0xb  }
0xed: {  	v11, v12, _ =	vpop (xrf1)  }
0xee: {  	v41 =	vld [tilespmem:$0x13AB0];
	v11 =	vperm.xlane v11, v9  }
0xef: {  	v44 =	vld [tilespmem:$0x13BB0];
	v43, v42, _ =	vpop (xrf1);
	v12 =	vperm.xlane v12, v9  }
0xf0: {  	vm13 =	vle.f32 v43, v11  }
0xf1: {  	v45 =	vor.u32 $0x30, v0;
	v11 =	vsel vm13, v43, v11;
	v12 =	vsel vm13, v42, v12  }
0xf2: {  	vm14 =	vgt.s32 v10, v45;
	(xrf1) =	vsort.ascd.msk.f32 $0xffff, v11, v12  }
0xf3: {  	v11 =	vnsel vm14, $0x7149F2CA, v41  }
0xf4: {  	(xrf1) =	vsort.ascd.msk.f32 $0xffff, v11, v44;
	_ =	sdelay $0xb  }
0xf5: {  	v11, v12, _ =	vpop (xrf1)  }
0xf6: {  	v46 =	vld [tilespmem:$0x13AC0];
	v11 =	vperm.xlane v11, v9  }
0xf7: {  	v49 =	vld [tilespmem:$0x13BC0];
	v48, v47, _ =	vpop (xrf1);
	v12 =	vperm.xlane v12, v9  }
0xf8: {  	vm15 =	vle.f32 v48, v11  }
0xf9: {  	v50 =	vor.u32 $0x40, v0;
	v11 =	vsel vm15, v48, v11;
	v12 =	vsel vm15, v47, v12  }
0xfa: {  	vm4 =	vgt.s32 v10, v50;
	(xrf1) =	vsort.ascd.msk.f32 $0xffff, v11, v12  }
0xfb: {  	v11 =	vnsel vm4, $0x7149F2CA, v46  }
0xfc: {  	(xrf1) =	vsort.ascd.msk.f32 $0xffff, v11, v49;
	_ =	sdelay $0xb  }
0xfd: {  	v11, v12, _ =	vpop (xrf1)  }
0xfe: {  	v51 =	vld [tilespmem:$0x13AD0];
	v11 =	vperm.xlane v11, v9  }
0xff: {  	v54 =	vld [tilespmem:$0x13BD0];
	v53, v52, _ =	vpop (xrf1);
	v12 =	vperm.xlane v12, v9  }
0x100: {  	vm5 =	vle.f32 v53, v11  }
0x101: {  	v55 =	vor.u32 $0x50, v0;
	v11 =	vsel vm5, v53, v11;
	v12 =	vsel vm5, v52, v12  }
0x102: {  	vm6 =	vgt.s32 v10, v55;
	(xrf1) =	vsort.ascd.msk.f32 $0xffff, v11, v12  }
0x103: {  	v11 =	vnsel vm6, $0x7149F2CA, v51  }
0x104: {  	(xrf1) =	vsort.ascd.msk.f32 $0xffff, v11, v54;
	_ =	sdelay $0xb  }
0x105: {  	v11, v12, _ =	vpop (xrf1)  }
0x106: {  	v56 =	vld [tilespmem:$0x13AE0];
	v11 =	vperm.xlane v11, v9  }
0x107: {  	v59 =	vld [tilespmem:$0x13BE0];
	v58, v57, _ =	vpop (xrf1);
	v12 =	vperm.xlane v12, v9  }
0x108: {  	vm7 =	vle.f32 v58, v11  }
0x109: {  	v60 =	vor.u32 $0x60, v0;
	v11 =	vsel vm7, v58, v11;
	v12 =	vsel vm7, v57, v12  }
0x10a: {  	vm8 =	vgt.s32 v10, v60;
	(xrf1) =	vsort.ascd.msk.f32 $0xffff, v11, v12  }
0x10b: {  	v11 =	vnsel vm8, $0x7149F2CA, v56  }
0x10c: {  	(xrf1) =	vsort.ascd.msk.f32 $0xffff, v11, v59;
	_ =	sdelay $0xb  }
0x10d: {  	v11, v12, _ =	vpop (xrf1)  }
0x10e: {  	v61 =	vld [tilespmem:$0x13AF0];
	v11 =	vperm.xlane v11, v9  }
0x10f: {  	v20 =	vld [tilespmem:$0x13BF0];
	v63, v62, _ =	vpop (xrf1);
	v12 =	vperm.xlane v12, v9  }
0x110: {  	vm9 =	vle.f32 v63, v11  }
0x111: {  	v21 =	vor.u32 $0x70, v0;
	v11 =	vsel vm9, v63, v11;
	v12 =	vsel vm9, v62, v12  }
0x112: {  	vm10 =	vgt.s32 v10, v21;
	(xrf1) =	vsort.ascd.msk.f32 $0xffff, v11, v12  }
0x113: {  	v11 =	vnsel vm10, $0x7149F2CA, v61  }
0x114: {  	(xrf1) =	vsort.ascd.msk.f32 $0xffff, v11, v20;
	_ =	sdelay $0xb  }
0x115: {  	v11, v12, _ =	vpop (xrf1)  }
0x116: {  	v22 =	vld [tilespmem:$0x13B00];
	v11 =	vperm.xlane v11, v9  }
0x117: {  	v25 =	vld [tilespmem:$0x13C00];
	v24, v23, _ =	vpop (xrf1);
	v12 =	vperm.xlane v12, v9  }
0x118: {  	vm11 =	vle.f32 v24, v11  }
0x119: {  	v26 =	vor.u32 $0x80, v0;
	v11 =	vsel vm11, v24, v11;
	v12 =	vsel vm11, v23, v12  }
0x11a: {  	vm12 =	vgt.s32 v10, v26;
	(xrf1) =	vsort.ascd.msk.f32 $0xffff, v11, v12  }
0x11b: {  	v11 =	vnsel vm12, $0x7149F2CA, v22  }
0x11c: {  	(xrf1) =	vsort.ascd.msk.f32 $0xffff, v11, v25;
	_ =	sdelay $0xb  }
0x11d: {  	v11, v12, _ =	vpop (xrf1)  }
0x11e: {  	v27 =	vld [tilespmem:$0x13B10];
	v11 =	vperm.xlane v11, v9  }
0x11f: {  	v30 =	vld [tilespmem:$0x13C10];
	v29, v28, _ =	vpop (xrf1);
	v12 =	vperm.xlane v12, v9  }
0x120: {  	vm13 =	vle.f32 v29, v11  }
0x121: {  	v31 =	vor.u32 $0x90, v0;
	v11 =	vsel vm13, v29, v11;
	v12 =	vsel vm13, v28, v12  }
0x122: {  	vm14 =	vgt.s32 v10, v31;
	(xrf1) =	vsort.ascd.msk.f32 $0xffff, v11, v12  }
0x123: {  	v11 =	vnsel vm14, $0x7149F2CA, v27  }
0x124: {  	(xrf1) =	vsort.ascd.msk.f32 $0xffff, v11, v30;
	_ =	sdelay $0xb  }
0x125: {  	v11, v12, _ =	vpop (xrf1)  }
0x126: {  	v32 =	vld [tilespmem:$0x13B20];
	v11 =	vperm.xlane v11, v9  }
0x127: {  	v35 =	vld [tilespmem:$0x13C20];
	v34, v33, _ =	vpop (xrf1);
	v12 =	vperm.xlane v12, v9  }
0x128: {  	vm15 =	vle.f32 v34, v11  }
0x129: {  	v36 =	vor.u32 $0xA0, v0;
	v11 =	vsel vm15, v34, v11;
	v12 =	vsel vm15, v33, v12  }
0x12a: {  	vm4 =	vgt.s32 v10, v36;
	(xrf1) =	vsort.ascd.msk.f32 $0xffff, v11, v12  }
0x12b: {  	v11 =	vnsel vm4, $0x7149F2CA, v32  }
0x12c: {  	(xrf1) =	vsort.ascd.msk.f32 $0xffff, v11, v35;
	_ =	sdelay $0xb  }
0x12d: {  	v11, v12, _ =	vpop (xrf1)  }
0x12e: {  	v37 =	vld [tilespmem:$0x13B30];
	v11 =	vperm.xlane v11, v9  }
0x12f: {  	v40 =	vld [tilespmem:$0x13C30];
	v39, v38, _ =	vpop (xrf1);
	v12 =	vperm.xlane v12, v9  }
0x130: {  	vm5 =	vle.f32 v39, v11  }
0x131: {  	v41 =	vor.u32 $0xB0, v0;
	v11 =	vsel vm5, v39, v11;
	v12 =	vsel vm5, v38, v12  }
0x132: {  	vm6 =	vgt.s32 v10, v41;
	(xrf1) =	vsort.ascd.msk.f32 $0xffff, v11, v12  }
0x133: {  	v11 =	vnsel vm6, $0x7149F2CA, v37  }
0x134: {  	(xrf1) =	vsort.ascd.msk.f32 $0xffff, v11, v40;
	_ =	sdelay $0xb  }
0x135: {  	v11, v12, _ =	vpop (xrf1)  }
0x136: {  	v42 =	vld [tilespmem:$0x13B40];
	v11 =	vperm.xlane v11, v9  }
0x137: {  	v45 =	vld [tilespmem:$0x13C40];
	v44, v43, _ =	vpop (xrf1);
	v12 =	vperm.xlane v12, v9  }
0x138: {  	vm7 =	vle.f32 v44, v11  }
0x139: {  	v46 =	vor.u32 $0xC0, v0;
	v11 =	vsel vm7, v44, v11;
	v12 =	vsel vm7, v43, v12  }
0x13a: {  	vm8 =	vgt.s32 v10, v46;
	(xrf1) =	vsort.ascd.msk.f32 $0xffff, v11, v12  }
0x13b: {  	v11 =	vnsel vm8, $0x7149F2CA, v42  }
0x13c: {  	(xrf1) =	vsort.ascd.msk.f32 $0xffff, v11, v45;
	_ =	sdelay $0xb  }
0x13d: {  	v11, v12, _ =	vpop (xrf1)  }
0x13e: {  	v47 =	vld [tilespmem:$0x13B50];
	v11 =	vperm.xlane v11, v9  }
0x13f: {  	v50 =	vld [tilespmem:$0x13C50];
	v49, v48, _ =	vpop (xrf1);
	v12 =	vperm.xlane v12, v9  }
0x140: {  	vm9 =	vle.f32 v49, v11  }
0x141: {  	v51 =	vor.u32 $0xD0, v0;
	v11 =	vsel vm9, v49, v11;
	v12 =	vsel vm9, v48, v12  }
0x142: {  	vm10 =	vgt.s32 v10, v51;
	(xrf1) =	vsort.ascd.msk.f32 $0xffff, v11, v12  }
0x143: {  	v11 =	vnsel vm10, $0x7149F2CA, v47  }
0x144: {  	(xrf1) =	vsort.ascd.msk.f32 $0xffff, v11, v50;
	_ =	sdelay $0xb  }
0x145: {  	v11, v12, _ =	vpop (xrf1)  }
0x146: {  	v52 =	vld [tilespmem:$0x13B60];
	v11 =	vperm.xlane v11, v9  }
0x147: {  	v55 =	vld [tilespmem:$0x13C60];
	v54, v53, _ =	vpop (xrf1);
	v12 =	vperm.xlane v12, v9  }
0x148: {  	vm11 =	vle.f32 v54, v11  }
0x149: {  	v56 =	vor.u32 $0xE0, v0;
	v11 =	vsel vm11, v54, v11;
	v12 =	vsel vm11, v53, v12  }
0x14a: {  	vm12 =	vgt.s32 v10, v56;
	(xrf1) =	vsort.ascd.msk.f32 $0xffff, v11, v12  }
0x14b: {  	v11 =	vnsel vm12, $0x7149F2CA, v52  }
0x14c: {  	(xrf1) =	vsort.ascd.msk.f32 $0xffff, v11, v55;
	_ =	sdelay $0xb  }
0x14d: {  	v11, v12, _ =	vpop (xrf1)  }
0x14e: {  	v57 =	vld [tilespmem:$0x13B70];
	v11 =	vperm.xlane v11, v9  }
0x14f: {  	v60 =	vld [tilespmem:$0x13C70];
	v59, v58, _ =	vpop (xrf1);
	v12 =	vperm.xlane v12, v9  }
0x150: {  	vm13 =	vle.f32 v59, v11  }
0x151: {  	v61 =	vor.u32 $0xF0, v0;
	v11 =	vsel vm13, v59, v11;
	v12 =	vsel vm13, v58, v12  }
0x152: {  	vm14 =	vgt.s32 v10, v61;
	(xrf1) =	vsort.ascd.msk.f32 $0xffff, v11, v12  }
0x153: {  	v10 =	vnsel vm14, $0x7149F2CA, v57  }
0x154: {  	(xrf1) =	vsort.ascd.msk.f32 $0xffff, v10, v60;
	_ =	sdelay $0xb  }
0x155: {  	v10, v11, _ =	vpop (xrf1)  }
0x156: {  	v10 =	vperm.xlane v10, v9  }
0x157: {  	v62, v63, _ =	vpop (xrf1);
	v9 =	vperm.xlane v11, v9  }
0x158: {  	vm15 =	vle.f32 v62, v10  }
0x159: {  	v10 =	vsel vm15, v62, v10;
	v9 =	vsel vm15, v63, v9  }
0x15a: {  	(xrf1) =	vsort.ascd.msk.f32 $0xffff, v10, v9;
	_ =	sdelay $0xd  }
0x15b: {  	v9, v10, _ =	vpop (xrf1)  }
0x15c: {  	(xrf0) =	vmax.scan.msk.f32 $0xffff, v9;
	_ =	sdelay $0x5  }
0x15d: {  	v11, _, _ =	vpop (xrf0)  }
0x15e: {  	(v2sf) =	vpush v11, $0xF;
	_ =	sdelay $0xd  }
0x15f: {  	[tilespmem:$0x13A80] =	vst v9  }
0x160: {  	[tilespmem:$0x13B80] =	vst v10;
	v9 =	vimm.s32 $0x10;
	s28 =	spop (v2sf)  }
.LBB2_8:
0x161: {  	s26 =	sadd.s32 $0xA0, s26  }
0x162: {  	p0 =	sne.s32 s26, $0x4E20  }
.Ltmp4:
0x163: {  	_ = 	snop;
	(pc) =	sbr.rel @!p0 .LBB2_9-.Ltmp4, $3  }
0x164: {  	_ =	sdelay $0x1  }
0x165: {  	s22 =	sadd.s32 $0xA0, s22  }
0x166: {  	s23 =	sadd.s32 $0xA0, s23;
	s24 =	sadd.s32 $0xA0, s24;
	s25 =	sadd.s32 $0xA0, s25  }
.LBB2_5:
0x167: {  	v10 =	vld [tilespmem:s22+$0xFFFFFFB0]  }
0x168: {  	v11 =	vld [tilespmem:s23+$0xFFFFFFB0]  }
0x169: {  	v12 =	vld [tilespmem:s24+$0xFFFFFFB0]  }
0x16a: {  	v13 =	vld [tilespmem:s22+$0xFFFFFFC0]  }
0x16b: {  	v14 =	vld [tilespmem:s23+$0xFFFFFFC0]  }
0x16c: {  	v15 =	vld [tilespmem:s25+$0xFFFFFFB0]  }
0x16d: {  	v16 =	vld [tilespmem:s24+$0xFFFFFFC0]  }
0x16e: {  	v17 =	vld [tilespmem:s22+$0xFFFFFFD0]  }
0x16f: {  	v18 =	vld [tilespmem:s25+$0xFFFFFFC0]  }
0x170: {  	v37 =	vld [tilespmem:s25+$0xFFFFFFD0]  }
0x171: {  	v19 =	vld [tilespmem:s22+$0xFFFFFFE0]  }
0x172: {  	v39 =	vld [tilespmem:s23+$0xFFFFFFE0]  }
0x173: {  	v41 =	vld [tilespmem:s24+$0xFFFFFFE0]  }
0x174: {  	v20 =	vld [tilespmem:s25+$0xFFFFFFE0]  }
0x175: {  	v21 =	vld [tilespmem:s22+$0xFFFFFFF0]  }
0x176: {  	v43 =	vld [tilespmem:s23+$0xFFFFFFF0]  }
0x177: {  	v22 =	vld [tilespmem:s24+$0xFFFFFFF0]  }
0x178: {  	v23 =	vld [tilespmem:s22+$0x0]  }
0x179: {  	v24 =	vld [tilespmem:s25+$0xFFFFFFF0]  }
0x17a: {  	v25 =	vld [tilespmem:s22+$0x10]  }
0x17b: {  	v26 =	vld [tilespmem:s23+$0x10];
	v10 =	vmul.f32 v10, v5;
	v11 =	vmul.f32 v11, v6  }
0x17c: {  	v27 =	vld [tilespmem:s25+$0x0];
	v13 =	vmul.f32 v13, v5;
	v14 =	vmul.f32 v14, v6  }
0x17d: {  	v52 =	vld [tilespmem:s22+$0x20];
	v36 =	vmul.f32 v16, v7;
	v15 =	vadd.f32 v15, v8;
	v38 =	vmul.f32 v17, v5  }
0x17e: {  	v29 =	vld [tilespmem:s25+$0x20];
	v40 =	vadd.f32 v18, v8;
	v19 =	vmul.f32 v19, v5;
	v17 =	vmul.f32 v39, v6  }
0x17f: {  	v55 =	vld [tilespmem:s23+$0x20];
	v16 =	vadd.f32 v37, v8;
	v18 =	vmul.f32 v41, v7;
	v46 =	vmul.f32 v21, v5  }
0x180: {  	v35 =	vld [tilespmem:s23+$0xFFFFFFD0];
	v47 =	vmul.f32 v43, v6;
	v20 =	vadd.f32 v20, v8;
	v22 =	vmul.f32 v22, v7  }
0x181: {  	v44 =	vld [tilespmem:s23+$0x0];
	v23 =	vmul.f32 v23, v5;
	v51 =	vadd.f32 v24, v8;
	v53 =	vmul.f32 v25, v5  }
0x182: {  	v57 =	vld [tilespmem:s24+$0x20];
	v54 =	vmul.f32 v26, v6;
	v10 =	vadd.f32 v11, v10;
	v11 =	vmul.f32 v12, v7  }
0x183: {  	v48 =	vld [tilespmem:s24+$0x0];
	v56 =	vadd.f32 v27, v8;
	v24 =	vmul.f32 v52, v5;
	v29 =	vadd.f32 v29, v8  }
0x184: {  	v26 =	vmul.f32 v55, v6;
	v13 =	vadd.f32 v14, v13;
	v10 =	vadd.f32 v11, v10;
	v11 =	vld [tilespmem:s24+$0xFFFFFFD0]  }
0x185: {  	v12 =	vmul.f32 v35, v6;
	v17 =	vadd.f32 v17, v19;
	v25 =	vadd.f32 v54, v53  }
0x186: {  	v19 =	vmul.f32 v44, v6;
	v24 =	vadd.f32 v26, v24;
	v13 =	vadd.f32 v36, v13  }
0x187: {  	v50 =	vld [tilespmem:s25+$0x10];
	v60 =	vmul.f32 v57, v7;
	v12 =	vadd.f32 v12, v38;
	v45 =	vadd.f32 v18, v17  }
0x188: {  	v21 =	vmul.f32 v48, v7;
	v18 =	vadd.f32 v47, v46;
	v19 =	vadd.f32 v19, v23  }
0x189: {  	v61 =	vld [tilespmem:s23+$0x40];
	v24 =	vadd.f32 v60, v24;
	v10 =	vadd.f32 v10, v10;
	v42 =	vmul.f32 v11, v7  }
0x18a: {  	v13 =	vadd.f32 v13, v13;
	v18 =	vadd.f32 v22, v18  }
0x18b: {  	v19 =	vadd.f32 v21, v19;
	v14 =	vadd.f32 v42, v12  }
0x18c: {  	v22 =	vadd.f32 v50, v8;
	v24 =	vadd.f32 v24, v24  }
0x18d: {  	v10 =	vsub.f32 v15, v10;
	v14 =	vadd.f32 v14, v14  }
0x18e: {  	s29 =	sadd.s32 $0x10, s26;
	v27 =	vmul.f32 v61, v6;
	v13 =	vsub.f32 v40, v13;
	v18 =	vadd.f32 v18, v18  }
0x18f: {  	v12 =	vor.u32 s29, v0;
	s29 =	sadd.s32 $0x20, s26;
	v14 =	vsub.f32 v16, v14;
	v16 =	vadd.f32 v45, v45  }
0x190: {  	v49 =	vld [tilespmem:s24+$0x10];
	v28 =	vadd.f32 v19, v19;
	v24 =	vsub.f32 v29, v24;
	v15 =	vor.u32 s29, v0;
	s29 =	sadd.s32 $0x30, s26  }
0x191: {  	v11 =	vor.u32 s26, v0;
	v17 =	vsub.f32 v20, v16;
	v16 =	vor.u32 s29, v0;
	s29 =	sadd.s32 $0x80, s26  }
0x192: {  	s31 =	sand.u32 $0x60, s26;
	vm0 =	vle.f32 v10, s28;
	vm1 =	vne.s32 v11, v4;
	v18 =	vsub.f32 v51, v18;
	s30 =	sand.u32 $0xFF80, s29  }
0x193: {  	vm2 =	vle.f32 v13, s28;
	v21 =	vsub.f32 v56, v28;
	vm15 =	vle.f32 v24, s28;
	s30 =	sor.u32 s31, s30  }
0x194: {  	vm1 =	vmand vm1, vm0;
	vm3 =	vne.s32 v12, v4;
	vm12 =	vle.f32 v18, s28;
	v30 =	vld [tilespmem:s30+$0x0]  }
0x195: {  	vm10 =	vne.s32 v15, v4;
	vm9 =	vle.f32 v14, s28;
	v20 =	vmul.f32 v49, v7;
	v59 =	vld [tilespmem:s30+$0x4E80]  }
0x196: {  	v31 =	vld [tilespmem:s22+$0x40];
	vm6 =	vle.f32 v21, s28;
	vm0 =	vmand vm3, vm2;
	vm2 =	vmand vm10, vm9  }
0x197: {  	vm4 =	vne.s32 v16, v4;
	vm11 =	vle.f32 v17, s28;
	s31 =	sadd.s32 $0x40, s26;
	v58 =	vadd.f32 v20, v25;
	v28 =	vld [tilespmem:s30+$0x9D00]  }
0x198: {  	vm9 =	vmor vm1, vm0;
	vm3 =	vmand vm4, vm11;
	v19 =	vor.u32 s31, v0;
	s31 =	sadd.s32 $0x50, s26  }
0x199: {  	v20 =	vor.u32 s31, v0;
	v23 =	vadd.f32 v58, v58;
	v62 =	vmul.f32 v30, v5;
	v30 =	vld [tilespmem:s24+$0x40]  }
0x19a: {  	v32 =	vld [tilespmem:s30+$0xEB80];
	vm5 =	vne.s32 v19, v4;
	s31 =	sadd.s32 $0x60, s26;
	vm7 =	vne.s32 v20, v4;
	v25 =	vmul.f32 v59, v6  }
0x19b: {  	vm5 =	vmand vm5, vm12;
	v22 =	vsub.f32 v22, v23;
	v23 =	vor.u32 s31, v0  }
0x19c: {  	v29 =	vld [tilespmem:s25+$0x40];
	v63 =	vmul.f32 v28, v7;
	v28 =	vmul.f32 v31, v5;
	v25 =	vadd.f32 v25, v62  }
0x19d: {  	vm12 =	vmor vm9, vm2;
	vm4 =	vmand vm7, vm6;
	vm14 =	vne.s32 v23, v4  }
0x19e: {  	s31 =	sadd.s32 $0x70, s26;
	v27 =	vadd.f32 v27, v28;
	v26 =	vadd.f32 v63, v25;
	v28 =	vmul.f32 v30, v7  }
0x19f: {  	vm13 =	vle.f32 v22, s28;
	v25 =	vor.u32 s31, v0;
	v30 =	vadd.f32 v32, v8  }
0x1a0: {  	vm8 =	vne.s32 v25, v4;
	v26 =	vadd.f32 v26, v26;
	v27 =	vadd.f32 v28, v27  }
0x1a1: {  	vm7 =	vmand vm8, vm15;
	vm8 =	vmor vm12, vm3;
	v28 =	vadd.f32 v29, v8  }
0x1a2: {  	vm8 =	vmor vm8, vm5;
	v26 =	vsub.f32 v30, v26;
	v29 =	vadd.f32 v27, v27  }
0x1a3: {  	vm6 =	vmand vm14, vm13;
	vm11 =	vmor vm8, vm4;
	v27 =	vor.u32 s29, v0  }
0x1a4: {  	s29 =	sadd.s32 $0x90, s26;
	vm14 =	vmor vm11, vm6;
	vm13 =	vle.f32 v26, s28;
	v28 =	vsub.f32 v28, v29  }
0x1a5: {  	vm10 =	vne.s32 v27, v4;
	vm12 =	vmor vm14, vm7;
	v29 =	vor.u32 s29, v0  }
0x1a6: {  	vm8 =	vmand vm10, vm13;
	vm11 =	vne.s32 v29, v4;
	vm10 =	vle.f32 v28, s28  }
0x1a7: {  	vm15 =	vmor vm12, vm8;
	vm9 =	vmand vm11, vm10  }
0x1a8: {  	vm10 =	vmor vm15, vm9  }
0x1a9: {  	v30 =	vsel vm10, $0x3F800000, v1  }
0x1aa: {  	(xrf0) =	vmax.scan.msk.f32 $0xffff, v30;
	_ =	sdelay $0x5  }
0x1ab: {  	v30, _, _ =	vpop (xrf0)  }
0x1ac: {  	(v2sf) =	vpush v30, $0xF;
	_ =	sdelay $0xe  }
0x1ad: {  	s29 =	spop (v2sf)  }
0x1ae: {  	p0 =	sgt.f32 s29, $0.0e+00;
	_ =	sdelay $0x1  }
0x1af: {  	v30 =	vmpcnt.ones.xlane @p0 vm1  }
0x1b0: {  	v31 =	vimm.s32 @p0 $0x0;
	v32 =	vmpcnt.ones.xlane @p0 vm0  }
0x1b1: {  	v33 =	vsel @p0 vm1, $0x1, v31;
	v34 =	vadd.s32 @p0 v9, v30;
	v30 =	vmpcnt.ones.xlane @p0 vm2  }
0x1b2: {  	v35 =	vmpcnt.ones.xlane @p0 vm3;
	(xrf0) =	vadd.scan.msk.s32 @p0 $0xffff, v33;
	v33 =	vsel @p0 vm0, $0x1, v31;
	v32 =	vadd.s32 @p0 v34, v32  }
0x1b3: {  	(xrf0) =	vadd.scan.msk.s32 @p0 $0xffff, v33;
	v33 =	vsel @p0 vm2, $0x1, v31;
	v36 =	vadd.s32 @p0 v32, v30;
	v30 =	vmpcnt.ones.xlane @p0 vm5  }
0x1b4: {  	v37 =	vmpcnt.ones.xlane @p0 vm4;
	(xrf0) =	vadd.scan.msk.s32 @p0 $0xffff, v33;
	v33 =	vsel @p0 vm3, $0x1, v31;
	v35 =	vadd.s32 @p0 v36, v35  }
0x1b5: {  	(xrf0) =	vadd.scan.msk.s32 @p0 $0xffff, v33;
	v33 =	vsel @p0 vm5, $0x1, v31;
	v38 =	vadd.s32 @p0 v35, v30;
	v30 =	vmpcnt.ones.xlane @p0 vm6  }
0x1b6: {  	v39 =	vmpcnt.ones.xlane @p0 vm7;
	(xrf0) =	vadd.scan.msk.s32 @p0 $0xffff, v33;
	v33 =	vsel @p0 vm4, $0x1, v31;
	v37 =	vadd.s32 @p0 v38, v37  }
0x1b7: {  	(xrf0) =	vadd.scan.msk.s32 @p0 $0xffff, v33;
	v33 =	vsel @p0 vm6, $0x1, v31;
	v40 =	vadd.s32 @p0 v37, v30;
	v30 =	vmpcnt.ones.xlane @p0 vm8  }
0x1b8: {  	v42 =	vmpcnt.ones.xlane @p0 vm9;
	v41, _, _ =	vpop @p0 (xrf0);
	(xrf0) =	vadd.scan.msk.s32 @p0 $0xffff, v33;
	v33 =	vsel @p0 vm7, $0x1, v31;
	v39 =	vadd.s32 @p0 v40, v39  }
0x1b9: {  	v43, _, _ =	vpop @p0 (xrf0);
	(xrf0) =	vadd.scan.msk.s32 @p0 $0xffff, v33;
	v33 =	vsel @p0 vm8, $0x1, v31;
	v44 =	vadd.s32 @p0 v39, v30  }
0x1ba: {  	v31 =	vsel @p0 vm9, $0x1, v31;
	v45, _, _ =	vpop @p0 (xrf0);
	(xrf0) =	vadd.scan.msk.s32 @p0 $0xffff, v33;
	v30 =	vadd.s32 @p0 v44, v42  }
0x1bb: {  	v33 =	vadd.s32 @p0 v41, v9;
	v41, _, _ =	vpop @p0 (xrf0);
	(xrf0) =	vadd.scan.msk.s32 @p0 $0xffff, v31;
	v31 =	vxor.u32 @p0 $0x80000000, v30;
	_ =	sdelay $0x1  }
0x1bc: {  	v42, _, _ =	vpop @p0 (xrf0);
	(xrf0) =	vmax.scan.msk.u32 @p0 $0xffff, v31  }
0x1bd: {  	v31, _, _ =	vpop @p0 (xrf0)  }
0x1be: {  	v34 =	vadd.s32 @p0 v34, v43;
	v43, _, _ =	vpop @p0 (xrf0)  }
0x1bf: {  	v46, _, _ =	vpop @p0 (xrf0)  }
0x1c0: {  	v33 =	vadd.s32 @p0 $0xFFFFFFFF, v33;
	v32 =	vadd.s32 @p0 v32, v45;
	v45, _, _ =	vpop @p0 (xrf0)  }
0x1c1: {  	vm10 =	vlt.s32 @p0 v33, $0xFF;
	v47, _, _ =	vpop @p0 (xrf0)  }
0x1c2: {  	v34 =	vadd.s32 @p0 $0xFFFFFFFF, v34;
	v36 =	vadd.s32 @p0 v36, v41;
	v33 =	vnsel @p0 vm10, $0xFF, v33;
	v41, _, _ =	vpop @p0 (xrf0)  }
0x1c3: {  	vm10 =	vlt.s32 @p0 v34, $0xFF;
	(v2sf) =	vpush @p0 v41, $0xF  }
0x1c4: {  	v32 =	vadd.s32 @p0 $0xFFFFFFFF, v32;
	v34 =	vnsel @p0 vm10, $0xFF, v34  }
0x1c5: {  	vm10 =	vlt.s32 @p0 v32, $0xFF  }
0x1c6: {  	s30 =	simm.s32 @p0 $0x13A80;
	v36 =	vadd.s32 @p0 $0xFFFFFFFF, v36;
	v32 =	vnsel @p0 vm10, $0xFF, v32  }
0x1c7: {  	s31 =	simm.s32 @p0 $0x13B80;
	vm10 =	vlt.s32 @p0 v36, $0xFF;
	[tilespmem:v33+s30+$0x0] =	vst.idx.msk @p0 vm1, v10;
	v10 =	vadd.s32 @p0 v35, v42  }
0x1c8: {  	[tilespmem:v33+s31+$0x0] =	vst.idx.msk @p0 vm1, v11;
	v11 =	vnsel @p0 vm10, $0xFF, v36;
	v10 =	vadd.s32 @p0 $0xFFFFFFFF, v10  }
0x1c9: {  	[tilespmem:v34+s30+$0x0] =	vst.idx.msk @p0 vm0, v13;
	v13 =	vadd.s32 @p0 v38, v31;
	vm1 =	vlt.s32 @p0 v10, $0xFF  }
0x1ca: {  	[tilespmem:v34+s31+$0x0] =	vst.idx.msk @p0 vm0, v12;
	v10 =	vnsel @p0 vm1, $0xFF, v10;
	v12 =	vadd.s32 @p0 $0xFFFFFFFF, v13  }
0x1cb: {  	v13 =	vadd.s32 @p0 v37, v43;
	[tilespmem:v32+s30+$0x0] =	vst.idx.msk @p0 vm2, v14;
	vm0 =	vlt.s32 @p0 v12, $0xFF  }
0x1cc: {  	v13 =	vadd.s32 @p0 $0xFFFFFFFF, v13;
	[tilespmem:v32+s31+$0x0] =	vst.idx.msk @p0 vm2, v15;
	v12 =	vnsel @p0 vm0, $0xFF, v12  }
0x1cd: {  	v14 =	vadd.s32 @p0 v40, v46;
	vm0 =	vlt.s32 @p0 v13, $0xFF;
	[tilespmem:v11+s30+$0x0] =	vst.idx.msk @p0 vm3, v17  }
0x1ce: {  	[tilespmem:v11+s31+$0x0] =	vst.idx.msk @p0 vm3, v16;
	v11 =	vnsel @p0 vm0, $0xFF, v13;
	v13 =	vadd.s32 @p0 $0xFFFFFFFF, v14  }
0x1cf: {  	v14 =	vadd.s32 @p0 v39, v45;
	[tilespmem:v10+s30+$0x0] =	vst.idx.msk @p0 vm5, v18;
	vm0 =	vlt.s32 @p0 v13, $0xFF  }
0x1d0: {  	[tilespmem:v10+s31+$0x0] =	vst.idx.msk @p0 vm5, v19;
	v10 =	vnsel @p0 vm0, $0xFF, v13;
	v13 =	vadd.s32 @p0 $0xFFFFFFFF, v14  }
0x1d1: {  	v14 =	vadd.s32 @p0 v44, v47;
	[tilespmem:v12+s30+$0x0] =	vst.idx.msk @p0 vm4, v21;
	vm0 =	vlt.s32 @p0 v13, $0xFF  }
0x1d2: {  	[tilespmem:v12+s31+$0x0] =	vst.idx.msk @p0 vm4, v20;
	v12 =	vnsel @p0 vm0, $0xFF, v13;
	v13 =	vadd.s32 @p0 $0xFFFFFFFF, v14;
	s29 =	spop @p0 (v2sf)  }
0x1d3: {  	[tilespmem:v11+s30+$0x0] =	vst.idx.msk @p0 vm6, v22;
	vm0 =	vlt.s32 @p0 v13, $0xFF;
	s29 =	sxor.u32 @p0 $0x80000000, s29  }
0x1d4: {  	[tilespmem:v11+s31+$0x0] =	vst.idx.msk @p0 vm6, v23;
	v11 =	vnsel @p0 vm0, $0xFF, v13;
	p1 =	slt.s32 @p0 s29, $0x61  }
0x1d5: {  	[tilespmem:v10+s30+$0x0] =	vst.idx.msk @p0 vm7, v24;
	p1 =	por !p0, p1  }
.Ltmp5:
0x1d6: {  	[tilespmem:v10+s31+$0x0] =	vst.idx.msk @p0 vm7, v25;
	(pc) =	sbr.rel @!p1 .LBB2_7-.Ltmp5, $4  }
0x1d7: {  	[tilespmem:v12+s30+$0x0] =	vst.idx.msk @p0 vm8, v26  }
0x1d8: {  	[tilespmem:v12+s31+$0x0] =	vst.idx.msk @p0 vm8, v27  }
0x1d9: {  	[tilespmem:v11+s30+$0x0] =	vst.idx.msk @p0 vm9, v28  }
0x1da: {  	[tilespmem:v11+s31+$0x0] =	vst.idx.msk @p0 vm9, v29  }
.Ltmp6:
0x1db: {  	(pc) =	sbr.rel .LBB2_8-.Ltmp6, $2  }
0x1dc: {  	_ =	sdelay $0x2  }
0x1dd: {  	v9 =	vpsel p0, v30, v9;
	s28 =	smov.u32 @p0 s28  }
.LBB2_10:
0x1de: {  	s20 =	simm.s32 $0x0  }
0x1df: {  	[tilespmem:s20], [sflag:$0x1] =	stream.linear.gather [hbm4b:s4+s20], $0x4E80, $0x38;
	[tilespmem:$0x15C80] =	vst v63  }
0x1e0: {  	_ =	swait.ge [sflag:s11], $0x4E80  }
0x1e1: {  	[sflag:s11] =	ssyncset.done $0x0  }
0x1e2: {  	[sflag:s11] =	ssyncadd.s32 $0xFFFFB180  }
0x1e3: {  	[tilespmem:s12], [sflag:$0x1] =	stream.linear.gather [hbm4b:s5+s20], $0x4E80, $0x38;
	[tilespmem:$0x15C80] =	vst v63  }
0x1e4: {  	_ =	swait.ge [sflag:s11], $0x4E80  }
0x1e5: {  	[sflag:s11] =	ssyncset.done $0x0  }
0x1e6: {  	[sflag:s11] =	ssyncadd.s32 $0xFFFFB180  }
0x1e7: {  	v4 =	vmov s20;
	[tilespmem:s13], [sflag:$0x1] =	stream.linear.gather [hbm4b:s1+s20], $0x4E80, $0x38;
	[tilespmem:$0x15C80] =	vst v63  }
0x1e8: {  	_ =	swait.ge [sflag:s11], $0x4E80  }
0x1e9: {  	[sflag:s11] =	ssyncset.done $0x0  }
0x1ea: {  	s20 =	simm.s32 $0x13C80;
	[sflag:s11] =	ssyncadd.s32 $0xFFFFB180  }
0x1eb: {  	v5 =	vld [tilespmem:s20+$0x0]  }
0x1ec: {  	v4 =	vld.idx.msk [tilespmem:v4+s14+$0x0], $0xffff;
	_ =	sdelay $0x6  }
0x1ed: {  	v6 =	vld.idx.msk [tilespmem:v5+s3+$0x0], $0xffff  }
0x1ee: {  	v7 =	vld.idx.msk [tilespmem:v4+s3+$0x0], $0xffff;
	_ =	sdelay $0x4  }
0x1ef: {  	v6 =	vsub.f32 v6, v7  }
0x1f0: {  	s21 =	simm.s32 $0x14480;
	v8 =	vld.idx.msk [tilespmem:v4+s13+$0x0], $0xffff  }
0x1f1: {  	v4 =	vld.idx.msk [tilespmem:v4+s12+$0x0], $0xffff;
	[tilespmem:s21+$0x0] =	vst v6  }
0x1f2: {  	v6 =	vld.idx.msk [tilespmem:v5+s12+$0x0], $0xffff;
	_ =	sdelay $0x4  }
0x1f3: {  	v4 =	vsub.f32 v6, v4  }
0x1f4: {  	s22 =	simm.s32 $0x14C80  }
0x1f5: {  	[tilespmem:s22+$0x0] =	vst v4  }
0x1f6: {  	v5 =	vld.idx.msk [tilespmem:v5+s13+$0x0], $0xffff;
	_ =	sdelay $0x2  }
0x1f7: {  	s31 =	simm.s32 $0x1  }
0x1f8: {  	s24 =	simm.s32 $0x15480;
	v4 =	vmov s31  }
0x1f9: {  	s25 =	simm.s32 $0x2;
	s23 =	simm.s32 $0x14C90;
	s22 =	simm.s32 $0x15490;
	v5 =	vsub.f32 v5, v8  }
.LBB2_11:
0x1fa: {  	s20 =	sadd.s32 $0x10, s20;
	s21 =	sadd.s32 $0x10, s21  }
0x1fb: {  	[tilespmem:s24+$0x0] =	vst v5;
	s26 =	smov.u32 s25;
	s28 =	sadd.s32 $0x1, s25;
	s24 =	smov.u32 s22  }
0x1fc: {  	p0 =	sne.s32 s25, $0x7F;
	v5 =	vld [tilespmem:s20+$0x0]  }
0x1fd: {  	v4 =	vld.idx.msk [tilespmem:v4+s14+$0x0], $0xffff;
	_ =	sdelay $0x6  }
0x1fe: {  	v6 =	vld.idx.msk [tilespmem:v5+s3+$0x0], $0xffff  }
0x1ff: {  	v7 =	vld.idx.msk [tilespmem:v4+s3+$0x0], $0xffff;
	_ =	sdelay $0x5  }
0x200: {  	v6 =	vsub.f32 v6, v7;
	v8 =	vld.idx.msk [tilespmem:v4+s13+$0x0], $0xffff  }
0x201: {  	v4 =	vld.idx.msk [tilespmem:v4+s12+$0x0], $0xffff  }
0x202: {  	[tilespmem:s21+$0x0] =	vst v6  }
0x203: {  	v6 =	vld.idx.msk [tilespmem:v5+s12+$0x0], $0xffff;
	_ =	sdelay $0x5  }
0x204: {  	v4 =	vsub.f32 v6, v4;
	_ =	sdelay $0x1  }
0x205: {  	[tilespmem:s23+$0x0] =	vst v4  }
0x206: {  	v5 =	vld.idx.msk [tilespmem:v5+s13+$0x0], $0xffff;
	_ =	sdelay $0x2  }
.Ltmp7:
0x207: {  	(pc) =	sbr.rel @p0 .LBB2_11-.Ltmp7, $4  }
0x208: {  	_ = 	snop  }
0x209: {  	v4 =	vmov s26  }
0x20a: {  	v5 =	vsub.f32 v5, v8  }
0x20b: {  	s22 =	sadd.s32 $0x10, s22;
	s25 =	smov.u32 s28;
	s23 =	sadd.s32 $0x10, s23  }
0x20c: {  	_ =	sdelay $0x1  }
0x20d: {  	[tilespmem:s24+$0x0] =	vst v5;
	s20 =	sadd.s32 $0x10, s20  }
0x20e: {  	v5 =	vld [tilespmem:s20+$0x0]  }
0x20f: {  	v4 =	vld.idx.msk [tilespmem:v4+s14+$0x0], $0xffff;
	_ =	sdelay $0x6  }
0x210: {  	v6 =	vld.idx.msk [tilespmem:v5+s3+$0x0], $0xffff  }
0x211: {  	v7 =	vld.idx.msk [tilespmem:v4+s3+$0x0], $0xffff;
	_ =	sdelay $0x4  }
0x212: {  	v6 =	vsub.f32 v6, v7  }
0x213: {  	s31 =	sadd.s32 $0x10, s21;
	v8 =	vld.idx.msk [tilespmem:v4+s13+$0x0], $0xffff  }
0x214: {  	v4 =	vld.idx.msk [tilespmem:v4+s12+$0x0], $0xffff;
	[tilespmem:s31+$0x0] =	vst v6  }
0x215: {  	v6 =	vld.idx.msk [tilespmem:v5+s12+$0x0], $0xffff;
	_ =	sdelay $0x4  }
0x216: {  	v4 =	vsub.f32 v6, v4;
	_ =	sdelay $0x1  }
0x217: {  	[tilespmem:s23+$0x0] =	vst v4  }
0x218: {  	v4 =	vld.idx.msk [tilespmem:v5+s13+$0x0], $0xffff;
	_ =	sdelay $0x4  }
0x219: {  	v4 =	vsub.f32 v4, v8;
	_ =	sdelay $0x1  }
0x21a: {  	[tilespmem:s22+$0x0] =	vst v4  }
0x21b: {  	[hbm4b:s7+s3] =	stream.linear.scatter [tilespmem:s16], [sflag:$0x1], $0x800, $0x38;
	[tilespmem:$0x15C80] =	vst v63  }
0x21c: {  	_ =	swait.ge [sflag:s11], $0x800  }
0x21d: {  	[sflag:s11] =	ssyncset.done $0x0  }
0x21e: {  	[sflag:s11] =	ssyncadd.s32 $0xFFFFF800  }
0x21f: {  	[hbm4b:s8+s3] =	stream.linear.scatter [tilespmem:s17], [sflag:$0x1], $0x800, $0x38;
	[tilespmem:$0x15C80] =	vst v63  }
0x220: {  	s19 =	sadd.s32 $0x1, s19;
	_ =	swait.ge [sflag:s11], $0x800  }
0x221: {  	p0 =	sne.s32 s19, s10;
	[sflag:s11] =	ssyncset.done $0x0  }
.Ltmp8:
0x222: {  	[sflag:s11] =	ssyncadd.s32 $0xFFFFF800;
	(pc) =	sbr.rel @p0 .LBB2_1-.Ltmp8, $4  }
0x223: {  	[hbm4b:s9+s3] =	stream.linear.scatter [tilespmem:s18], [sflag:$0x1], $0x800, $0x38;
	[tilespmem:$0x15C80] =	vst v63  }
0x224: {  	_ =	swait.ge [sflag:s11], $0x800  }
0x225: {  	[sflag:s11] =	ssyncset.done $0x0  }
0x226: {  	[sflag:s11] =	ssyncadd.s32 $0xFFFFF800  }
0x227: {  	_ =	sfence.sel $0x180000  }
0x228: {  	[bflag:$0x0] =	sbarrier.arrive $0xFFFF  }
0x229: {  	p0 =	sne.s32 s2, $0x0;
	_ =	strace $0x90000047  }
0x22a: {  	s0 =	sadd.s32 @!p0 $0x100000, s0;
	[bflag:$0x2] =	sbarrier.arrive $0xFFFF  }
0x22b: {  	[sflag:s0] =	ssyncadd.tile.s32 @!p0 $0x1;
	_ =	shalt  }
.Lfunc_end2:
_tile_overlayer_lowered:
.L_overlay_start_2:
0x22c: {  	(tag) =	ssettag $0x2  }
0x22d: {  	s0 =	rddreg [dreg:$0x0];
	s2 =	stileid.u32  }
0x22e: {  	s1 =	rddreg [dreg:$0x1];
	p0 =	sne.s32 s2, $0x0  }
0x22f: {  	s3 =	rddreg [dreg:$0x2];
	[bflag:$0x3] =	sbarrier.arrive $0xFFFF;
	s2 =	simm.s32 @!p0 $0x1C01  }
0x230: {  	[timem:s3], [sflag:s2] =	dma.local @!p0 [hbm:s0], s1  }
0x231: {  	s0 =	simm.s32 @!p0 $0x1  }
0x232: {  	_ =	swait.ge @!p0 [sflag:s0], s1  }
0x233: {  	s1 =	ssub.s32 @!p0 $0x0, s1;
	[sflag:s0] =	ssyncset.done @!p0 $0x0  }
0x234: {  	[sflag:s0] =	ssyncadd.s32 @!p0 s1  }
0x235: {  	[bflag:$0x3] =	sbarrier.arrive $0xFFFF  }
0x236: {  	_ =	shalt  }

</sc_bundles>
